<compile_context>
chip_gen: v7x
topology: tpu7x:2x2x1
jax: 0.10.2.dev20260603
libtpu: 0.0.44.dev20260713+nightly
codegen_flags: <defaults>
</compile_context>

<pallas_src>
import functools

import numpy as np
import jax
import jax.numpy as jnp
from jax import lax
from jax.experimental import pallas as pl
from jax.experimental.pallas import tpu as pltpu
from jax.experimental.pallas import tpu_sc as plsc

N = 8192
B = 64
K = 164
TD = float(K) / float(N)
L = 16
NV = N // L
NC = 2
NS = 16
NW = NC * NS
RPW = B // NW
NB = 512
NG = NB // L
LO = 1.7
BMIN = 1.5
BSCALE = 200.0

_SIGN = np.int32(-0x80000000)
_MANT = np.int32(0x7FFFFFFF)


def _keyify(pv):
    kb = lax.bitcast_convert_type(pv, jnp.int32)
    return jnp.where(kb < 0, kb ^ _MANT, kb)


def _suffix_incl(v):
    r = lax.rev(v, (0,))
    return lax.rev(plsc.cumsum(r), (0,))


def _binof(pv):
    bv = lax.convert_element_type((pv - BMIN) * BSCALE, jnp.int32)
    return jnp.minimum(jnp.maximum(bv, 0), NB - 1)


def _tile_body(x_hbm, dc_hbm, out_hbm, xrow, boost, pbuf, hist, cnts,
               offs, cand, cand2, dsem, osem):
    wid = lax.axis_index("s") * NC + lax.axis_index("c")
    base = wid * RPW
    cp = pltpu.make_async_copy(x_hbm.at[pl.ds(base, RPW)], xrow, dsem)
    cp.start()
    pltpu.sync_copy(dc_hbm, boost)

    iota = lax.iota(jnp.int32, L)
    lane0 = iota == 0
    kk = jnp.int32(K)

    U = 4

    def boost_body(ib, _):
        for u in range(U):
            s = ib * (U * L) + u * L
            boost[pl.ds(s, L)] = jnp.exp(TD - boost[pl.ds(s, L)])
        return 0

    lax.fori_loop(0, NV // U, boost_body, 0)
    cp.wait()

    ocps = []
    for r in range(RPW):
        @plsc.parallel_loop(0, NV, unroll=U)
        def _(i):
            pv = xrow[r, pl.ds(i * L, L)] * boost[pl.ds(i * L, L)]
            pbuf[pl.ds(i * L, L)] = pv
            pc = plsc.all_reduce_population_count(pv >= LO)
            plsc.store_compressed(cnts.at[pl.ds(i, L)], pc, mask=lane0)

        def pfx_body(g, carryoff):
            v = cnts[pl.ds(g * L, L)]
            incl = plsc.cumsum(v)
            offs[pl.ds(g * L, L)] = incl - v + carryoff
            return carryoff + incl[L - 1]

        cnt_tot = lax.fori_loop(0, NG, pfx_body, jnp.int32(0))
        fb = cnt_tot < kk

        @pl.when(fb)
        def _():
            def fbo_body(g, _):
                offs[pl.ds(g * L, L)] = (iota + g * L) * L
                return 0

            lax.fori_loop(0, NG, fbo_body, 0)

        nc = jnp.where(fb, jnp.int32(N), cnt_tot)
        lo_eff = jnp.where(fb, jnp.float32(-3.0e38), jnp.float32(LO))

        @plsc.parallel_loop(0, NV, unroll=4)
        def _(i):
            off = offs[pl.ds(i, L)][0]
            pv = pbuf[pl.ds(i * L, L)]
            plsc.store_compressed(cand.at[pl.ds(off, L)], pv,
                                  mask=pv >= lo_eff)

        nvr_c = jnp.right_shift(nc + (L - 1), 4)

        def hz_body(ib, _):
            for u in range(4):
                hist[pl.ds(ib * (4 * L) + u * L, L)] = jnp.zeros((L,), jnp.int32)
            return 0

        lax.fori_loop(0, NG // 4, hz_body, 0)

        ones = jnp.ones((L,), jnp.int32)

        @plsc.parallel_loop(0, nvr_c, unroll=4)
        def _(i):
            pv = cand[pl.ds(i * L, L)]
            valid = iota < (nc - i * L)
            plsc.addupdate_scatter(hist, [_binof(pv)], ones, mask=valid)

        @plsc.parallel_loop(0, NG, unroll=4)
        def _(g):
            v = hist[pl.ds(g * L, L)]
            sg = jnp.sum(v)
            plsc.store_compressed(cnts.at[pl.ds(g, L)], jnp.full((L,), sg),
                                  mask=lane0)

        sg1 = cnts[pl.ds(L, L)]
        sg0 = cnts[pl.ds(0, L)]
        suf1 = _suffix_incl(sg1)
        tot1 = suf1[0]
        suf0 = _suffix_incl(sg0) + tot1
        ng1 = plsc.all_reduce_population_count(suf1 >= kk)[0]
        ng0 = plsc.all_reduce_population_count(suf0 >= kk)[0]
        gstar = ng0 + ng1 - 1
        a_grp = (jnp.sum(jnp.where(iota > gstar, sg0, 0))
                 + jnp.sum(jnp.where(iota + L > gstar, sg1, 0)))
        hv = hist[pl.ds(gstar * L, L)]
        sufl = _suffix_incl(hv) + a_grp
        jstar = plsc.all_reduce_population_count(sufl >= kk)[0] - 1
        bstar = gstar * L + jstar
        count_above = a_grp + jnp.sum(jnp.where(iota > jstar, hv, 0))
        need = kk - count_above

        @plsc.parallel_loop(0, nvr_c, unroll=4)
        def _(i):
            pv = cand[pl.ds(i * L, L)]
            valid = iota < (nc - i * L)
            m = (_binof(pv) == bstar) & valid
            pc = plsc.all_reduce_population_count(m)
            plsc.store_compressed(cnts.at[pl.ds(i, L)], pc, mask=lane0)

        nvg = jnp.right_shift(nvr_c + (L - 1), 4)

        def c2b_body(g, carryoff):
            v = cnts[pl.ds(g * L, L)]
            v = jnp.where((iota + g * L) < nvr_c, v, 0)
            incl = plsc.cumsum(v)
            offs[pl.ds(g * L, L)] = incl - v + carryoff
            return carryoff + incl[L - 1]

        nc2 = lax.fori_loop(0, nvg, c2b_body, jnp.int32(0))

        @plsc.parallel_loop(0, nvr_c, unroll=4)
        def _(i):
            off = offs[pl.ds(i, L)][0]
            pv = cand[pl.ds(i * L, L)]
            valid = iota < (nc - i * L)
            m = (_binof(pv) == bstar) & valid
            plsc.store_compressed(cand2.at[pl.ds(off, L)], pv, mask=m)

        nvr_c2 = jnp.right_shift(nc2 + (L - 1), 4)

        def small_sel(_):
            pv = cand2[pl.ds(0, L)]
            kvb = jnp.where(iota < nc2, _keyify(pv) ^ _SIGN, 0)
            srt = jnp.sort(kvb)
            offs[pl.ds(0, L)] = srt
            return offs[pl.ds(L - need, L)][0] ^ _SIGN

        def descent_sel(_):
            def bit_body(bi, up):
                tbit = lax.shift_left(jnp.int32(1), jnp.int32(31) - bi)
                candt = up | tbit
                ts = candt ^ _SIGN

                def cnt_body(i, acc):
                    kv = _keyify(cand2[pl.ds(i * L, L)])
                    valid = iota < (nc2 - i * L)
                    m = (kv >= ts) & valid
                    return acc + jnp.where(m, 1, 0).astype(jnp.int32)

                acc = lax.fori_loop(0, nvr_c2, cnt_body,
                                    jnp.zeros((L,), jnp.int32))
                cnt = jnp.sum(acc)
                return jnp.where(cnt >= need, candt, up)

            up = lax.fori_loop(0, 32, bit_body, jnp.int32(0))
            return up ^ _SIGN

        tkey = lax.cond(nc2 <= L, small_sel, descent_sel, 0)

        tkv = jnp.full((L,), tkey)
        tfv = lax.bitcast_convert_type(
            jnp.where(tkv < 0, tkv ^ _MANT, tkv), jnp.float32)

        def geq_body(i, carry):
            ag, ae = carry
            pv = cand2[pl.ds(i * L, L)]
            valid = iota < (nc2 - i * L)
            ag = ag + jnp.where((pv > tfv) & valid, 1, 0).astype(jnp.int32)
            ae = ae + jnp.where((pv == tfv) & valid, 1, 0).astype(jnp.int32)
            return ag, ae

        zz = jnp.zeros((L,), jnp.int32)
        agv, aev = lax.fori_loop(0, nvr_c2, geq_body, (zz, zz))
        cnt_gt = jnp.sum(agv)
        cnt_eq = jnp.sum(aev)
        e_take = need - cnt_gt
        no_tie = cnt_gt + cnt_eq == need

        @pl.when(no_tie)
        def _():
            @plsc.parallel_loop(0, NV, unroll=U)
            def _(i):
                pv = pbuf[pl.ds(i * L, L)]
                xv = xrow[r, pl.ds(i * L, L)]
                xrow[r, pl.ds(i * L, L)] = jnp.where(pv >= tfv, xv, 0.0)

        @pl.when(jnp.logical_not(no_tie))
        def _():
            def p4t_body(i, seen):
                s = i * L
                pv = pbuf[pl.ds(s, L)]
                xv = xrow[r, pl.ds(s, L)]
                eq = pv == tfv
                ei = jnp.where(eq, 1, 0).astype(jnp.int32)
                incl = plsc.cumsum(ei)
                take = eq & ((incl - ei + seen) < e_take)
                win = (pv > tfv) | take
                xrow[r, pl.ds(s, L)] = jnp.where(win, xv, 0.0)
                return seen + incl[L - 1]

            lax.fori_loop(0, NV, p4t_body, jnp.int32(0))

        ocp = pltpu.make_async_copy(
            xrow.at[pl.ds(r, 1)], out_hbm.at[pl.ds(base + r, 1)], osem)
        ocp.start()
        ocps.append(ocp)

    for ocp in ocps:
        ocp.wait()


@jax.jit
def kernel(x, duty_cycle):
    mesh = plsc.VectorSubcoreMesh(core_axis_name="c", subcore_axis_name="s")
    f = pl.kernel(
        _tile_body,
        out_type=jax.ShapeDtypeStruct((B, N), jnp.float32),
        mesh=mesh,
        scratch_types=[
            pltpu.VMEM((RPW, N), jnp.float32),
            pltpu.VMEM((N,), jnp.float32),
            pltpu.VMEM((N,), jnp.float32),
            pltpu.VMEM((NB,), jnp.int32),
            pltpu.VMEM((NV + L,), jnp.int32),
            pltpu.VMEM((NV + L,), jnp.int32),
            pltpu.VMEM((N + L,), jnp.float32),
            pltpu.VMEM((N + L,), jnp.float32),
            pltpu.SemaphoreType.DMA,
            pltpu.SemaphoreType.DMA,
        ],
        compiler_params=pltpu.CompilerParams(needs_layout_passes=False),
    )
    return f(x, duty_cycle)

# --- scband reference (transcript-rebuilt; emitter-appended) ---
"""Pipeline reference for scband-spatial-pooler-14894946583478 (READ-ONLY COPY).

The authoritative reference and input builder live on the scoring server;
editing this copy changes nothing except your own understanding.
"""

import jax, jax.numpy as jnp
import numpy as np

N = 8192
K = 164  # int(round(8192 * 0.02))
BOOST_STRENGTH = 1.0

def setup_inputs(seed: int = 0) -> dict:
    key = jax.random.key(seed)
    k1, k2 = jax.random.split(key)
    x = jax.random.normal(k1, (64, N), dtype=jnp.float32)
    # duty cycle buffer: values near target density (2%)
    duty_cycle = jax.random.uniform(k2, (N,), dtype=jnp.float32) * 0.04
    return {"x": x, "duty_cycle": duty_cycle}

def reference(x, duty_cycle):
    # nupic.torch kwinners: boost inputs by duty-cycle deviation, pick top-k
    # boosted units per row, output original x values at winner positions.
    target_density = float(K) / float(N)
    boost_factors = jnp.exp((target_density - duty_cycle) * BOOST_STRENGTH)
    # torch uses x.detach() for the boosted competition signal
    boosted = jax.lax.stop_gradient(x) * boost_factors
    _, idx = jax.lax.top_k(boosted, K)  # [B, K]
    vals = jnp.take_along_axis(x, idx, axis=1)  # original x values at winners
    rows = jnp.arange(x.shape[0])[:, None]
    res = jnp.zeros_like(x)
    res = res.at[rows, idx].set(vals)
    return res

if __name__ == "__main__":
    import jax
    _d = setup_inputs()
    print(jax.jit(kernel)(*tuple(_d.values())))

</pallas_src>

<mosaic_0001>
#map = affine_map<(d0, d1) -> (0, 0)>
#map1 = affine_map<(d0, d1) -> (0)>
module attributes {stable_mosaic.version = 14 : i64} {
  func.func @_tile_body(%arg0: i32, %arg1: i32, %arg2: memref<64x8192xf32, #tpu.memory_space<hbm>>, %arg3: memref<8192xf32, #tpu.memory_space<hbm>>, %arg4: memref<64x8192xf32, #tpu.memory_space<hbm>>, %arg5: memref<2x8192xf32, #tpu.memory_space<vmem>>, %arg6: memref<8192xf32, #tpu.memory_space<vmem>>, %arg7: memref<8192xf32, #tpu.memory_space<vmem>>, %arg8: memref<512xi32, #tpu.memory_space<vmem>>, %arg9: memref<528xi32, #tpu.memory_space<vmem>>, %arg10: memref<528xi32, #tpu.memory_space<vmem>>, %arg11: memref<8208xf32, #tpu.memory_space<vmem>>, %arg12: memref<8208xf32, #tpu.memory_space<vmem>>, %arg13: memref<!tpu.dma_semaphore, #tpu.memory_space<semaphore_mem>>, %arg14: memref<!tpu.dma_semaphore, #tpu.memory_space<semaphore_mem>>) attributes {dimension_semantics = [#tpu.dimension_semantics<core_parallel>, #tpu.dimension_semantics<subcore_parallel>], iteration_bounds = array<i64: 2, 16>, scalar_prefetch = 0 : i64, scratch_operands = 10 : i64, tpu.core_type = #tpu.core_type<sc_vector_subcore>, window_params = [{transform_indices = #map}, {transform_indices = #map1}, {transform_indices = #map}]} {
    %mul3A = arith.constant 2 : i32
    %mul3A_0 = arith.muli %arg1, %mul3A : i32
    %add3A = arith.addi %mul3A_0, %arg0 : i32
    %mul3A_1 = arith.constant 2 : i32
    %mul3A_2 = arith.muli %add3A, %mul3A_1 : i32
    %dma_start3A = arith.constant 0 : i32
    %dma_start3A_3 = tpu.memref_slice %arg2[%mul3A_2, %dma_start3A] : memref<64x8192xf32, #tpu.memory_space<hbm>> -> memref<2x8192xf32, #tpu.memory_space<hbm>>
    %dma_start3A_4 = arith.constant 0 : i32
    %dma_start3A_5 = tpu.memref_slice %arg2[%mul3A_2, %dma_start3A_4] : memref<64x8192xf32, #tpu.memory_space<hbm>> -> memref<2x8192xf32, #tpu.memory_space<hbm>>
    tpu.enqueue_dma source(%dma_start3A_5 : memref<2x8192xf32, #tpu.memory_space<hbm>>) target(%arg5 : memref<2x8192xf32, #tpu.memory_space<vmem>>) target_semaphore(%arg13 : memref<!tpu.dma_semaphore, #tpu.memory_space<semaphore_mem>>)
    "tpu.region"() ({
      %run_scoped3A = tpu.sem_alloc : memref<!tpu.dma_semaphore, #tpu.memory_space<semaphore_mem>>
      tpu.enqueue_dma source(%arg3 : memref<8192xf32, #tpu.memory_space<hbm>>) target(%arg6 : memref<8192xf32, #tpu.memory_space<vmem>>) target_semaphore(%run_scoped3A : memref<!tpu.dma_semaphore, #tpu.memory_space<semaphore_mem>>)
      tpu.wait_dma2 semaphore(%run_scoped3A : memref<!tpu.dma_semaphore, #tpu.memory_space<semaphore_mem>>) src(%arg3 : memref<8192xf32, #tpu.memory_space<hbm>>) dst(%arg6 : memref<8192xf32, #tpu.memory_space<vmem>>)
      tpu.yield
    }) : () -> ()
    %iota3A = tpu.iota {dimensions = array<i32: 0>} : vector<16xi32>
    %eq3A = arith.constant 0 : i32
    %eq3A_6 = vector.broadcast %eq3A : i32 to vector<16xi32>
    %eq3A_7 = arith.cmpi eq, %iota3A, %eq3A_6 : vector<16xi32>
    %scan3A = arith.constant 0 : i32
    %scan3A_8 = arith.constant 0 : i32
    %scan3A_9 = arith.constant 128 : i32
    %scan3A_10 = arith.addi %scan3A_8, %scan3A_9 : i32
    %scan3A_11 = arith.constant 1 : i32
    %scan3A_12 = scf.for %scan3A_490 = %scan3A_8 to %scan3A_10 step %scan3A_11 iter_args(%scan3A_491 = %scan3A) -> (i32)  : i32 {
      %mul3A_492 = arith.constant 64 : i32
      %mul3A_493 = arith.muli %scan3A_490, %mul3A_492 : i32
      %add3A_494 = arith.constant 0 : i32
      %add3A_495 = arith.addi %mul3A_493, %add3A_494 : i32
      %get3A_496 = arith.index_cast %add3A_495 : i32 to index
      %get3A_497 = tpu.vector_load %arg6[%get3A_496] {strides = array<i32>} : memref<8192xf32, #tpu.memory_space<vmem>>, vector<16xf32>,
      %sub3A_498 = arith.constant 0.0200195313 : f32
      %sub3A_499 = vector.broadcast %sub3A_498 : f32 to vector<16xf32>
      %sub3A_500 = arith.subf %sub3A_499, %get3A_497 : vector<16xf32>
      %exp3A = math.exp %sub3A_500 : vector<16xf32>
      %swap3A = arith.index_cast %add3A_495 : i32 to index
      %swap3A_501 = tpu.vector_load %arg6[%swap3A] {strides = array<i32>} : memref<8192xf32, #tpu.memory_space<vmem>>, vector<16xf32>,
      tpu.vector_store %arg6[%swap3A], %exp3A {strides = array<i32>} : memref<8192xf32, #tpu.memory_space<vmem>>, vector<16xf32>,
      %mul3A_502 = arith.constant 64 : i32
      %mul3A_503 = arith.muli %scan3A_490, %mul3A_502 : i32
      %add3A_504 = arith.constant 16 : i32
      %add3A_505 = arith.addi %mul3A_503, %add3A_504 : i32
      %get3A_506 = arith.index_cast %add3A_505 : i32 to index
      %get3A_507 = tpu.vector_load %arg6[%get3A_506] {strides = array<i32>} : memref<8192xf32, #tpu.memory_space<vmem>>, vector<16xf32>,
      %sub3A_508 = arith.constant 0.0200195313 : f32
      %sub3A_509 = vector.broadcast %sub3A_508 : f32 to vector<16xf32>
      %sub3A_510 = arith.subf %sub3A_509, %get3A_507 : vector<16xf32>
      %exp3A_511 = math.exp %sub3A_510 : vector<16xf32>
      %swap3A_512 = arith.index_cast %add3A_505 : i32 to index
      %swap3A_513 = tpu.vector_load %arg6[%swap3A_512] {strides = array<i32>} : memref<8192xf32, #tpu.memory_space<vmem>>, vector<16xf32>,
      tpu.vector_store %arg6[%swap3A_512], %exp3A_511 {strides = array<i32>} : memref<8192xf32, #tpu.memory_space<vmem>>, vector<16xf32>,
      %mul3A_514 = arith.constant 64 : i32
      %mul3A_515 = arith.muli %scan3A_490, %mul3A_514 : i32
      %add3A_516 = arith.constant 32 : i32
      %add3A_517 = arith.addi %mul3A_515, %add3A_516 : i32
      %get3A_518 = arith.index_cast %add3A_517 : i32 to index
      %get3A_519 = tpu.vector_load %arg6[%get3A_518] {strides = array<i32>} : memref<8192xf32, #tpu.memory_space<vmem>>, vector<16xf32>,
      %sub3A_520 = arith.constant 0.0200195313 : f32
      %sub3A_521 = vector.broadcast %sub3A_520 : f32 to vector<16xf32>
      %sub3A_522 = arith.subf %sub3A_521, %get3A_519 : vector<16xf32>
      %exp3A_523 = math.exp %sub3A_522 : vector<16xf32>
      %swap3A_524 = arith.index_cast %add3A_517 : i32 to index
      %swap3A_525 = tpu.vector_load %arg6[%swap3A_524] {strides = array<i32>} : memref<8192xf32, #tpu.memory_space<vmem>>, vector<16xf32>,
      tpu.vector_store %arg6[%swap3A_524], %exp3A_523 {strides = array<i32>} : memref<8192xf32, #tpu.memory_space<vmem>>, vector<16xf32>,
      %mul3A_526 = arith.constant 64 : i32
      %mul3A_527 = arith.muli %scan3A_490, %mul3A_526 : i32
      %add3A_528 = arith.constant 48 : i32
      %add3A_529 = arith.addi %mul3A_527, %add3A_528 : i32
      %get3A_530 = arith.index_cast %add3A_529 : i32 to index
      %get3A_531 = tpu.vector_load %arg6[%get3A_530] {strides = array<i32>} : memref<8192xf32, #tpu.memory_space<vmem>>, vector<16xf32>,
      %sub3A_532 = arith.constant 0.0200195313 : f32
      %sub3A_533 = vector.broadcast %sub3A_532 : f32 to vector<16xf32>
      %sub3A_534 = arith.subf %sub3A_533, %get3A_531 : vector<16xf32>
      %exp3A_535 = math.exp %sub3A_534 : vector<16xf32>
      %swap3A_536 = arith.index_cast %add3A_529 : i32 to index
      %swap3A_537 = tpu.vector_load %arg6[%swap3A_536] {strides = array<i32>} : memref<8192xf32, #tpu.memory_space<vmem>>, vector<16xf32>,
      tpu.vector_store %arg6[%swap3A_536], %exp3A_535 {strides = array<i32>} : memref<8192xf32, #tpu.memory_space<vmem>>, vector<16xf32>,
      %scan3A_538 = arith.constant 0 : i32
      scf.yield %scan3A_538 : i32
    }
    %scan3A_13 = arith.constant 128 : i32
    %dma_wait3A = arith.constant 0 : i32
    %dma_wait3A_14 = tpu.memref_slice %arg2[%mul3A_2, %dma_wait3A] : memref<64x8192xf32, #tpu.memory_space<hbm>> -> memref<2x8192xf32, #tpu.memory_space<hbm>>
    %dma_wait3A_15 = arith.constant 0 : i32
    %dma_wait3A_16 = tpu.memref_slice %arg2[%mul3A_2, %dma_wait3A_15] : memref<64x8192xf32, #tpu.memory_space<hbm>> -> memref<2x8192xf32, #tpu.memory_space<hbm>>
    tpu.wait_dma2 semaphore(%arg13 : memref<!tpu.dma_semaphore, #tpu.memory_space<semaphore_mem>>) src(%dma_wait3A_16 : memref<2x8192xf32, #tpu.memory_space<hbm>>) dst(%arg5 : memref<2x8192xf32, #tpu.memory_space<vmem>>)
    %parallel_loop3A = arith.constant 0 : i32
    %parallel_loop3A_17 = arith.constant 512 : i32
    %parallel_loop3A_18 = arith.constant 1 : i32
    scf.for %parallel_loop3A_490 = %parallel_loop3A to %parallel_loop3A_17 step %parallel_loop3A_18  : i32 {
      %parallel_loop3A_491 = arith.constant 16 : i32
      %parallel_loop3A_492 = arith.muli %parallel_loop3A_490, %parallel_loop3A_491 : i32
      %parallel_loop3A_493 = arith.constant 0 : i32
      %parallel_loop3A_494 = arith.index_cast %parallel_loop3A_493 : i32 to index
      %parallel_loop3A_495 = arith.index_cast %parallel_loop3A_492 : i32 to index
      %parallel_loop3A_496 = tpu.vector_load %arg5[%parallel_loop3A_494, %parallel_loop3A_495] {strides = array<i32>} : memref<2x8192xf32, #tpu.memory_space<vmem>>, vector<16xf32>,
      %parallel_loop3A_497 = arith.constant 16 : i32
      %parallel_loop3A_498 = arith.muli %parallel_loop3A_490, %parallel_loop3A_497 : i32
      %parallel_loop3A_499 = arith.index_cast %parallel_loop3A_498 : i32 to index
      %parallel_loop3A_500 = tpu.vector_load %arg6[%parallel_loop3A_499] {strides = array<i32>} : memref<8192xf32, #tpu.memory_space<vmem>>, vector<16xf32>,
      %parallel_loop3A_501 = arith.mulf %parallel_loop3A_496, %parallel_loop3A_500 : vector<16xf32>
      %parallel_loop3A_502 = arith.constant 16 : i32
      %parallel_loop3A_503 = arith.muli %parallel_loop3A_490, %parallel_loop3A_502 : i32
      %parallel_loop3A_504 = arith.index_cast %parallel_loop3A_503 : i32 to index
      %parallel_loop3A_505 = tpu.vector_load %arg7[%parallel_loop3A_504] {strides = array<i32>} : memref<8192xf32, #tpu.memory_space<vmem>>, vector<16xf32>,
      tpu.vector_store %arg7[%parallel_loop3A_504], %parallel_loop3A_501 {strides = array<i32>} : memref<8192xf32, #tpu.memory_space<vmem>>, vector<16xf32>,
      %parallel_loop3A_506 = arith.constant 1.700000e+00 : f32
      %parallel_loop3A_507 = vector.broadcast %parallel_loop3A_506 : f32 to vector<16xf32>
      %parallel_loop3A_508 = arith.cmpf oge, %parallel_loop3A_501, %parallel_loop3A_507 : vector<16xf32>
      %parallel_loop3A_509 = tpu.all_reduce %parallel_loop3A_508 {dim = 0 : i64, kind = #tpu.reduction_kind<sum>} : vector<16xi1> -> vector<16xi32>
      %parallel_loop3A_510 = arith.index_cast %parallel_loop3A_490 : i32 to index
      %parallel_loop3A_511 = tpu.vector_load %arg9[%parallel_loop3A_510] masked %eq3A_7 {strides = array<i32>} : memref<528xi32, #tpu.memory_space<vmem>>, vector<16xi32>, vector<16xi1>
      tpu.vector_store %arg9[%parallel_loop3A_510], %parallel_loop3A_509 masked %eq3A_7 {strides = array<i32>} : memref<528xi32, #tpu.memory_space<vmem>>, vector<16xi32>, vector<16xi1>
    } {sc.loop_unroll_factor = 4 : i64, sc.parallel_access}
    %scan3A_19 = arith.constant 0 : i32
    %scan3A_20 = arith.constant 0 : i32
    %scan3A_21 = arith.constant 32 : i32
    %scan3A_22 = arith.addi %scan3A_20, %scan3A_21 : i32
    %scan3A_23 = arith.constant 1 : i32
    %scan3A_24 = scf.for %scan3A_490 = %scan3A_20 to %scan3A_22 step %scan3A_23 iter_args(%scan3A_491 = %scan3A_19) -> (i32)  : i32 {
      %mul3A_492 = arith.constant 16 : i32
      %mul3A_493 = arith.muli %scan3A_490, %mul3A_492 : i32
      %get3A_494 = arith.index_cast %mul3A_493 : i32 to index
      %get3A_495 = tpu.vector_load %arg9[%get3A_494] {strides = array<i32>} : memref<528xi32, #tpu.memory_space<vmem>>, vector<16xi32>,
      %broadcast_in_dim3A_496 = arith.constant true
      %broadcast_in_dim3A_497 = vector.broadcast %broadcast_in_dim3A_496 : i1 to vector<16xi1>
      %masked_cumsum3A_498 = tpu.scan <sum>, %get3A_495 masked %broadcast_in_dim3A_497 : vector<16xi32>, vector<16xi1> -> vector<16xi32>
      %sub3A_499 = arith.subi %masked_cumsum3A_498, %get3A_495 : vector<16xi32>
      %add3A_500 = vector.broadcast %scan3A_491 : i32 to vector<16xi32>
      %add3A_501 = arith.addi %sub3A_499, %add3A_500 : vector<16xi32>
      %mul3A_502 = arith.constant 16 : i32
      %mul3A_503 = arith.muli %scan3A_490, %mul3A_502 : i32
      %swap3A = arith.index_cast %mul3A_503 : i32 to index
      %swap3A_504 = tpu.vector_load %arg10[%swap3A] {strides = array<i32>} : memref<528xi32, #tpu.memory_space<vmem>>, vector<16xi32>,
      tpu.vector_store %arg10[%swap3A], %add3A_501 {strides = array<i32>} : memref<528xi32, #tpu.memory_space<vmem>>, vector<16xi32>,
      %slice3A_505 = vector.extract_strided_slice %masked_cumsum3A_498 {offsets = [15], sizes = [1], strides = [1]} : vector<16xi32> to vector<1xi32>
      %squeeze3A_506 = vector.extract %slice3A_505[0] : i32 from vector<1xi32>
      %add3A_507 = arith.addi %scan3A_491, %squeeze3A_506 : i32
      scf.yield %add3A_507 : i32
    }
    %scan3A_25 = arith.constant 32 : i32
    %lt3A = arith.constant 164 : i32
    %lt3A_26 = arith.cmpi slt, %scan3A_24, %lt3A : i32
    %convert_element_type3A = arith.extui %lt3A_26 : i1 to i32
    %cond3A = arith.constant 0 : i32
    %cond3A_27 = arith.cmpi ne, %convert_element_type3A, %cond3A : i32
    scf.if %cond3A_27 {
      %scan3A_490 = arith.constant 0 : i32
      %scan3A_491 = arith.constant 0 : i32
      %scan3A_492 = arith.constant 32 : i32
      %scan3A_493 = arith.addi %scan3A_491, %scan3A_492 : i32
      %scan3A_494 = arith.constant 1 : i32
      %scan3A_495 = scf.for %scan3A_497 = %scan3A_491 to %scan3A_493 step %scan3A_494 iter_args(%scan3A_498 = %scan3A_490) -> (i32)  : i32 {
        %mul3A_499 = arith.constant 16 : i32
        %mul3A_500 = arith.muli %scan3A_497, %mul3A_499 : i32
        %add3A_501 = vector.broadcast %mul3A_500 : i32 to vector<16xi32>
        %add3A_502 = arith.addi %iota3A, %add3A_501 : vector<16xi32>
        %mul3A_503 = arith.constant 16 : i32
        %mul3A_504 = vector.broadcast %mul3A_503 : i32 to vector<16xi32>
        %mul3A_505 = arith.muli %add3A_502, %mul3A_504 : vector<16xi32>
        %mul3A_506 = arith.constant 16 : i32
        %mul3A_507 = arith.muli %scan3A_497, %mul3A_506 : i32
        %swap3A = arith.index_cast %mul3A_507 : i32 to index
        %swap3A_508 = tpu.vector_load %arg10[%swap3A] {strides = array<i32>} : memref<528xi32, #tpu.memory_space<vmem>>, vector<16xi32>,
        tpu.vector_store %arg10[%swap3A], %mul3A_505 {strides = array<i32>} : memref<528xi32, #tpu.memory_space<vmem>>, vector<16xi32>,
        %scan3A_509 = arith.constant 0 : i32
        scf.yield %scan3A_509 : i32
      }
      %scan3A_496 = arith.constant 32 : i32
    } else {
    }
    %jit3A = arith.constant 8192 : i32
    %select_n3A = arith.select %lt3A_26, %jit3A, %scan3A_24 : i32
    %jit3A_28 = arith.constant -3.000000e+38 : f32
    %jit3A_29 = arith.constant 1.700000e+00 : f32
    %select_n3A_30 = arith.select %lt3A_26, %jit3A_28, %jit3A_29 : f32
    %parallel_loop3A_31 = arith.constant 0 : i32
    %parallel_loop3A_32 = arith.constant 512 : i32
    %parallel_loop3A_33 = arith.constant 1 : i32
    scf.for %parallel_loop3A_490 = %parallel_loop3A_31 to %parallel_loop3A_32 step %parallel_loop3A_33  : i32 {
      %parallel_loop3A_491 = arith.index_cast %parallel_loop3A_490 : i32 to index
      %parallel_loop3A_492 = tpu.vector_load %arg10[%parallel_loop3A_491] {strides = array<i32>} : memref<528xi32, #tpu.memory_space<vmem>>, vector<16xi32>,
      %parallel_loop3A_493 = vector.extract_strided_slice %parallel_loop3A_492 {offsets = [0], sizes = [1], strides = [1]} : vector<16xi32> to vector<1xi32>
      %parallel_loop3A_494 = vector.extract %parallel_loop3A_493[0] : i32 from vector<1xi32>
      %parallel_loop3A_495 = arith.constant 16 : i32
      %parallel_loop3A_496 = arith.muli %parallel_loop3A_490, %parallel_loop3A_495 : i32
      %parallel_loop3A_497 = arith.index_cast %parallel_loop3A_496 : i32 to index
      %parallel_loop3A_498 = tpu.vector_load %arg7[%parallel_loop3A_497] {strides = array<i32>} : memref<8192xf32, #tpu.memory_space<vmem>>, vector<16xf32>,
      %parallel_loop3A_499 = vector.broadcast %select_n3A_30 : f32 to vector<16xf32>
      %parallel_loop3A_500 = arith.cmpf oge, %parallel_loop3A_498, %parallel_loop3A_499 : vector<16xf32>
      %parallel_loop3A_501 = arith.index_cast %parallel_loop3A_494 : i32 to index
      %parallel_loop3A_502 = tpu.vector_load %arg11[%parallel_loop3A_501] masked %parallel_loop3A_500 {strides = array<i32>} : memref<8208xf32, #tpu.memory_space<vmem>>, vector<16xf32>, vector<16xi1>
      tpu.vector_store %arg11[%parallel_loop3A_501], %parallel_loop3A_498 masked %parallel_loop3A_500 {strides = array<i32>} : memref<8208xf32, #tpu.memory_space<vmem>>, vector<16xf32>, vector<16xi1>
    } {sc.loop_unroll_factor = 4 : i64, sc.parallel_access}
    %add3A_34 = arith.constant 15 : i32
    %add3A_35 = arith.addi %select_n3A, %add3A_34 : i32
    %shift_right_arithmetic3A = arith.constant 4 : i32
    %shift_right_arithmetic3A_36 = arith.shrsi %add3A_35, %shift_right_arithmetic3A : i32
    %scan3A_37 = arith.constant 0 : i32
    %scan3A_38 = arith.constant 0 : i32
    %scan3A_39 = arith.constant 8 : i32
    %scan3A_40 = arith.addi %scan3A_38, %scan3A_39 : i32
    %scan3A_41 = arith.constant 1 : i32
    %scan3A_42 = scf.for %scan3A_490 = %scan3A_38 to %scan3A_40 step %scan3A_41 iter_args(%scan3A_491 = %scan3A_37) -> (i32)  : i32 {
      %broadcast_in_dim3A_492 = arith.constant 0 : i32
      %broadcast_in_dim3A_493 = vector.broadcast %broadcast_in_dim3A_492 : i32 to vector<16xi32>
      %mul3A_494 = arith.constant 64 : i32
      %mul3A_495 = arith.muli %scan3A_490, %mul3A_494 : i32
      %add3A_496 = arith.constant 0 : i32
      %add3A_497 = arith.addi %mul3A_495, %add3A_496 : i32
      %swap3A = arith.index_cast %add3A_497 : i32 to index
      %swap3A_498 = tpu.vector_load %arg8[%swap3A] {strides = array<i32>} : memref<512xi32, #tpu.memory_space<vmem>>, vector<16xi32>,
      tpu.vector_store %arg8[%swap3A], %broadcast_in_dim3A_493 {strides = array<i32>} : memref<512xi32, #tpu.memory_space<vmem>>, vector<16xi32>,
      %broadcast_in_dim3A_499 = arith.constant 0 : i32
      %broadcast_in_dim3A_500 = vector.broadcast %broadcast_in_dim3A_499 : i32 to vector<16xi32>
      %mul3A_501 = arith.constant 64 : i32
      %mul3A_502 = arith.muli %scan3A_490, %mul3A_501 : i32
      %add3A_503 = arith.constant 16 : i32
      %add3A_504 = arith.addi %mul3A_502, %add3A_503 : i32
      %swap3A_505 = arith.index_cast %add3A_504 : i32 to index
      %swap3A_506 = tpu.vector_load %arg8[%swap3A_505] {strides = array<i32>} : memref<512xi32, #tpu.memory_space<vmem>>, vector<16xi32>,
      tpu.vector_store %arg8[%swap3A_505], %broadcast_in_dim3A_500 {strides = array<i32>} : memref<512xi32, #tpu.memory_space<vmem>>, vector<16xi32>,
      %broadcast_in_dim3A_507 = arith.constant 0 : i32
      %broadcast_in_dim3A_508 = vector.broadcast %broadcast_in_dim3A_507 : i32 to vector<16xi32>
      %mul3A_509 = arith.constant 64 : i32
      %mul3A_510 = arith.muli %scan3A_490, %mul3A_509 : i32
      %add3A_511 = arith.constant 32 : i32
      %add3A_512 = arith.addi %mul3A_510, %add3A_511 : i32
      %swap3A_513 = arith.index_cast %add3A_512 : i32 to index
      %swap3A_514 = tpu.vector_load %arg8[%swap3A_513] {strides = array<i32>} : memref<512xi32, #tpu.memory_space<vmem>>, vector<16xi32>,
      tpu.vector_store %arg8[%swap3A_513], %broadcast_in_dim3A_508 {strides = array<i32>} : memref<512xi32, #tpu.memory_space<vmem>>, vector<16xi32>,
      %broadcast_in_dim3A_515 = arith.constant 0 : i32
      %broadcast_in_dim3A_516 = vector.broadcast %broadcast_in_dim3A_515 : i32 to vector<16xi32>
      %mul3A_517 = arith.constant 64 : i32
      %mul3A_518 = arith.muli %scan3A_490, %mul3A_517 : i32
      %add3A_519 = arith.constant 48 : i32
      %add3A_520 = arith.addi %mul3A_518, %add3A_519 : i32
      %swap3A_521 = arith.index_cast %add3A_520 : i32 to index
      %swap3A_522 = tpu.vector_load %arg8[%swap3A_521] {strides = array<i32>} : memref<512xi32, #tpu.memory_space<vmem>>, vector<16xi32>,
      tpu.vector_store %arg8[%swap3A_521], %broadcast_in_dim3A_516 {strides = array<i32>} : memref<512xi32, #tpu.memory_space<vmem>>, vector<16xi32>,
      %scan3A_523 = arith.constant 0 : i32
      scf.yield %scan3A_523 : i32
    }
    %scan3A_43 = arith.constant 8 : i32
    %broadcast_in_dim3A = arith.constant 1 : i32
    %broadcast_in_dim3A_44 = vector.broadcast %broadcast_in_dim3A : i32 to vector<16xi32>
    %parallel_loop3A_45 = arith.constant 0 : i32
    %parallel_loop3A_46 = arith.constant 1 : i32
    scf.for %parallel_loop3A_490 = %parallel_loop3A_45 to %shift_right_arithmetic3A_36 step %parallel_loop3A_46  : i32 {
      %parallel_loop3A_491 = arith.constant 16 : i32
      %parallel_loop3A_492 = arith.muli %parallel_loop3A_490, %parallel_loop3A_491 : i32
      %parallel_loop3A_493 = arith.index_cast %parallel_loop3A_492 : i32 to index
      %parallel_loop3A_494 = tpu.vector_load %arg11[%parallel_loop3A_493] {strides = array<i32>} : memref<8208xf32, #tpu.memory_space<vmem>>, vector<16xf32>,
      %parallel_loop3A_495 = arith.constant 16 : i32
      %parallel_loop3A_496 = arith.muli %parallel_loop3A_490, %parallel_loop3A_495 : i32
      %parallel_loop3A_497 = arith.subi %select_n3A, %parallel_loop3A_496 : i32
      %parallel_loop3A_498 = vector.broadcast %parallel_loop3A_497 : i32 to vector<16xi32>
      %parallel_loop3A_499 = arith.cmpi slt, %iota3A, %parallel_loop3A_498 : vector<16xi32>
      %parallel_loop3A_500 = arith.constant 1.500000e+00 : f32
      %parallel_loop3A_501 = vector.broadcast %parallel_loop3A_500 : f32 to vector<16xf32>
      %parallel_loop3A_502 = arith.subf %parallel_loop3A_494, %parallel_loop3A_501 : vector<16xf32>
      %parallel_loop3A_503 = arith.constant 2.000000e+02 : f32
      %parallel_loop3A_504 = vector.broadcast %parallel_loop3A_503 : f32 to vector<16xf32>
      %parallel_loop3A_505 = arith.mulf %parallel_loop3A_502, %parallel_loop3A_504 : vector<16xf32>
      %parallel_loop3A_506 = arith.fptosi %parallel_loop3A_505 : vector<16xf32> to vector<16xi32>
      %parallel_loop3A_507 = arith.constant 0 : i32
      %parallel_loop3A_508 = vector.broadcast %parallel_loop3A_507 : i32 to vector<16xi32>
      %parallel_loop3A_509 = arith.maxsi %parallel_loop3A_506, %parallel_loop3A_508 : vector<16xi32>
      %parallel_loop3A_510 = arith.constant 511 : i32
      %parallel_loop3A_511 = vector.broadcast %parallel_loop3A_510 : i32 to vector<16xi32>
      %parallel_loop3A_512 = arith.minsi %parallel_loop3A_509, %parallel_loop3A_511 : vector<16xi32>
      tpu.vector_store_idx %arg8[%parallel_loop3A_512], %broadcast_in_dim3A_44 masked %parallel_loop3A_499 {add = true} : memref<512xi32, #tpu.memory_space<vmem>>[vector<16xi32>], vector<16xi32>, vector<16xi1>
    } {sc.loop_unroll_factor = 4 : i64, sc.parallel_access}
    %parallel_loop3A_47 = arith.constant 0 : i32
    %parallel_loop3A_48 = arith.constant 32 : i32
    %parallel_loop3A_49 = arith.constant 1 : i32
    scf.for %parallel_loop3A_490 = %parallel_loop3A_47 to %parallel_loop3A_48 step %parallel_loop3A_49  : i32 {
      %parallel_loop3A_491 = arith.constant 16 : i32
      %parallel_loop3A_492 = arith.muli %parallel_loop3A_490, %parallel_loop3A_491 : i32
      %parallel_loop3A_493 = arith.index_cast %parallel_loop3A_492 : i32 to index
      %parallel_loop3A_494 = tpu.vector_load %arg8[%parallel_loop3A_493] {strides = array<i32>} : memref<512xi32, #tpu.memory_space<vmem>>, vector<16xi32>,
      %parallel_loop3A_495 = arith.constant true
      %parallel_loop3A_496 = vector.broadcast %parallel_loop3A_495 : i1 to vector<16xi1>
      %parallel_loop3A_497 = tpu.scan <sum>, %parallel_loop3A_494 masked %parallel_loop3A_496 : vector<16xi32>, vector<16xi1> -> vector<16xi32>
      %parallel_loop3A_498 = vector.extract %parallel_loop3A_497[15] : i32 from vector<16xi32>
      %parallel_loop3A_499 = vector.broadcast %parallel_loop3A_498 : i32 to vector<16xi32>
      %parallel_loop3A_500 = arith.index_cast %parallel_loop3A_490 : i32 to index
      %parallel_loop3A_501 = tpu.vector_load %arg9[%parallel_loop3A_500] masked %eq3A_7 {strides = array<i32>} : memref<528xi32, #tpu.memory_space<vmem>>, vector<16xi32>, vector<16xi1>
      tpu.vector_store %arg9[%parallel_loop3A_500], %parallel_loop3A_499 masked %eq3A_7 {strides = array<i32>} : memref<528xi32, #tpu.memory_space<vmem>>, vector<16xi32>, vector<16xi1>
    } {sc.loop_unroll_factor = 4 : i64, sc.parallel_access}
    %get3A = arith.constant 16 : index
    %get3A_50 = tpu.vector_load %arg9[%get3A] {strides = array<i32>} : memref<528xi32, #tpu.memory_space<vmem>>, vector<16xi32>,
    %get3A_51 = arith.constant 0 : index
    %get3A_52 = tpu.vector_load %arg9[%get3A_51] {strides = array<i32>} : memref<528xi32, #tpu.memory_space<vmem>>, vector<16xi32>,
    %rev3A = arith.constant 15 : i32
    %rev3A_53 = vector.broadcast %rev3A : i32 to vector<16xi32>
    %rev3A_54 = tpu.iota {dimensions = array<i32: 0>} : vector<16xi32>
    %rev3A_55 = arith.subi %rev3A_53, %rev3A_54 : vector<16xi32>
    %rev3A_56 = tpu.dynamic_gather %get3A_50[%rev3A_55] in [0] : vector<16xi32>, vector<16xi32> -> vector<16xi32>
    %broadcast_in_dim3A_57 = arith.constant true
    %broadcast_in_dim3A_58 = vector.broadcast %broadcast_in_dim3A_57 : i1 to vector<16xi1>
    %masked_cumsum3A = tpu.scan <sum>, %rev3A_56 masked %broadcast_in_dim3A_58 : vector<16xi32>, vector<16xi1> -> vector<16xi32>
    %rev3A_59 = arith.constant 15 : i32
    %rev3A_60 = vector.broadcast %rev3A_59 : i32 to vector<16xi32>
    %rev3A_61 = tpu.iota {dimensions = array<i32: 0>} : vector<16xi32>
    %rev3A_62 = arith.subi %rev3A_60, %rev3A_61 : vector<16xi32>
    %rev3A_63 = tpu.dynamic_gather %masked_cumsum3A[%rev3A_62] in [0] : vector<16xi32>, vector<16xi32> -> vector<16xi32>
    %slice3A = vector.extract_strided_slice %rev3A_63 {offsets = [0], sizes = [1], strides = [1]} : vector<16xi32> to vector<1xi32>
    %squeeze3A = vector.extract %slice3A[0] : i32 from vector<1xi32>
    %rev3A_64 = arith.constant 15 : i32
    %rev3A_65 = vector.broadcast %rev3A_64 : i32 to vector<16xi32>
    %rev3A_66 = tpu.iota {dimensions = array<i32: 0>} : vector<16xi32>
    %rev3A_67 = arith.subi %rev3A_65, %rev3A_66 : vector<16xi32>
    %rev3A_68 = tpu.dynamic_gather %get3A_52[%rev3A_67] in [0] : vector<16xi32>, vector<16xi32> -> vector<16xi32>
    %broadcast_in_dim3A_69 = arith.constant true
    %broadcast_in_dim3A_70 = vector.broadcast %broadcast_in_dim3A_69 : i1 to vector<16xi1>
    %masked_cumsum3A_71 = tpu.scan <sum>, %rev3A_68 masked %broadcast_in_dim3A_70 : vector<16xi32>, vector<16xi1> -> vector<16xi32>
    %rev3A_72 = arith.constant 15 : i32
    %rev3A_73 = vector.broadcast %rev3A_72 : i32 to vector<16xi32>
    %rev3A_74 = tpu.iota {dimensions = array<i32: 0>} : vector<16xi32>
    %rev3A_75 = arith.subi %rev3A_73, %rev3A_74 : vector<16xi32>
    %rev3A_76 = tpu.dynamic_gather %masked_cumsum3A_71[%rev3A_75] in [0] : vector<16xi32>, vector<16xi32> -> vector<16xi32>
    %add3A_77 = vector.broadcast %squeeze3A : i32 to vector<16xi32>
    %add3A_78 = arith.addi %rev3A_76, %add3A_77 : vector<16xi32>
    %ge3A = arith.constant 164 : i32
    %ge3A_79 = vector.broadcast %ge3A : i32 to vector<16xi32>
    %ge3A_80 = arith.cmpi sge, %rev3A_63, %ge3A_79 : vector<16xi32>
    %all_reduce_population_count3A = tpu.all_reduce %ge3A_80 {dim = 0 : i64, kind = #tpu.reduction_kind<sum>} : vector<16xi1> -> vector<16xi32>
    %slice3A_81 = vector.extract_strided_slice %all_reduce_population_count3A {offsets = [0], sizes = [1], strides = [1]} : vector<16xi32> to vector<1xi32>
    %squeeze3A_82 = vector.extract %slice3A_81[0] : i32 from vector<1xi32>
    %ge3A_83 = arith.constant 164 : i32
    %ge3A_84 = vector.broadcast %ge3A_83 : i32 to vector<16xi32>
    %ge3A_85 = arith.cmpi sge, %add3A_78, %ge3A_84 : vector<16xi32>
    %all_reduce_population_count3A_86 = tpu.all_reduce %ge3A_85 {dim = 0 : i64, kind = #tpu.reduction_kind<sum>} : vector<16xi1> -> vector<16xi32>
    %slice3A_87 = vector.extract_strided_slice %all_reduce_population_count3A_86 {offsets = [0], sizes = [1], strides = [1]} : vector<16xi32> to vector<1xi32>
    %squeeze3A_88 = vector.extract %slice3A_87[0] : i32 from vector<1xi32>
    %add3A_89 = arith.addi %squeeze3A_88, %squeeze3A_82 : i32
    %sub3A = arith.constant 1 : i32
    %sub3A_90 = arith.subi %add3A_89, %sub3A : i32
    %gt3A = vector.broadcast %sub3A_90 : i32 to vector<16xi32>
    %gt3A_91 = arith.cmpi sgt, %iota3A, %gt3A : vector<16xi32>
    %jit3A_92 = arith.constant 0 : i32
    %broadcast_in_dim3A_93 = vector.broadcast %jit3A_92 : i32 to vector<16xi32>
    %select_n3A_94 = arith.select %gt3A_91, %get3A_52, %broadcast_in_dim3A_93 : vector<16xi1>, vector<16xi32>
    %reduce_sum3A = arith.constant true
    %reduce_sum3A_95 = vector.broadcast %reduce_sum3A : i1 to vector<16xi1>
    %reduce_sum3A_96 = tpu.scan <sum>, %select_n3A_94 masked %reduce_sum3A_95 : vector<16xi32>, vector<16xi1> -> vector<16xi32>
    %reduce_sum3A_97 = vector.extract %reduce_sum3A_96[15] : i32 from vector<16xi32>
    %add3A_98 = arith.constant 16 : i32
    %add3A_99 = vector.broadcast %add3A_98 : i32 to vector<16xi32>
    %add3A_100 = arith.addi %iota3A, %add3A_99 : vector<16xi32>
    %gt3A_101 = vector.broadcast %sub3A_90 : i32 to vector<16xi32>
    %gt3A_102 = arith.cmpi sgt, %add3A_100, %gt3A_101 : vector<16xi32>
    %jit3A_103 = arith.constant 0 : i32
    %broadcast_in_dim3A_104 = vector.broadcast %jit3A_103 : i32 to vector<16xi32>
    %select_n3A_105 = arith.select %gt3A_102, %get3A_50, %broadcast_in_dim3A_104 : vector<16xi1>, vector<16xi32>
    %reduce_sum3A_106 = arith.constant true
    %reduce_sum3A_107 = vector.broadcast %reduce_sum3A_106 : i1 to vector<16xi1>
    %reduce_sum3A_108 = tpu.scan <sum>, %select_n3A_105 masked %reduce_sum3A_107 : vector<16xi32>, vector<16xi1> -> vector<16xi32>
    %reduce_sum3A_109 = vector.extract %reduce_sum3A_108[15] : i32 from vector<16xi32>
    %add3A_110 = arith.addi %reduce_sum3A_97, %reduce_sum3A_109 : i32
    %mul3A_111 = arith.constant 16 : i32
    %mul3A_112 = arith.muli %sub3A_90, %mul3A_111 : i32
    %get3A_113 = arith.index_cast %mul3A_112 : i32 to index
    %get3A_114 = tpu.vector_load %arg8[%get3A_113] {strides = array<i32>} : memref<512xi32, #tpu.memory_space<vmem>>, vector<16xi32>,
    %rev3A_115 = arith.constant 15 : i32
    %rev3A_116 = vector.broadcast %rev3A_115 : i32 to vector<16xi32>
    %rev3A_117 = tpu.iota {dimensions = array<i32: 0>} : vector<16xi32>
    %rev3A_118 = arith.subi %rev3A_116, %rev3A_117 : vector<16xi32>
    %rev3A_119 = tpu.dynamic_gather %get3A_114[%rev3A_118] in [0] : vector<16xi32>, vector<16xi32> -> vector<16xi32>
    %broadcast_in_dim3A_120 = arith.constant true
    %broadcast_in_dim3A_121 = vector.broadcast %broadcast_in_dim3A_120 : i1 to vector<16xi1>
    %masked_cumsum3A_122 = tpu.scan <sum>, %rev3A_119 masked %broadcast_in_dim3A_121 : vector<16xi32>, vector<16xi1> -> vector<16xi32>
    %rev3A_123 = arith.constant 15 : i32
    %rev3A_124 = vector.broadcast %rev3A_123 : i32 to vector<16xi32>
    %rev3A_125 = tpu.iota {dimensions = array<i32: 0>} : vector<16xi32>
    %rev3A_126 = arith.subi %rev3A_124, %rev3A_125 : vector<16xi32>
    %rev3A_127 = tpu.dynamic_gather %masked_cumsum3A_122[%rev3A_126] in [0] : vector<16xi32>, vector<16xi32> -> vector<16xi32>
    %add3A_128 = vector.broadcast %add3A_110 : i32 to vector<16xi32>
    %add3A_129 = arith.addi %rev3A_127, %add3A_128 : vector<16xi32>
    %ge3A_130 = arith.constant 164 : i32
    %ge3A_131 = vector.broadcast %ge3A_130 : i32 to vector<16xi32>
    %ge3A_132 = arith.cmpi sge, %add3A_129, %ge3A_131 : vector<16xi32>
    %all_reduce_population_count3A_133 = tpu.all_reduce %ge3A_132 {dim = 0 : i64, kind = #tpu.reduction_kind<sum>} : vector<16xi1> -> vector<16xi32>
    %slice3A_134 = vector.extract_strided_slice %all_reduce_population_count3A_133 {offsets = [0], sizes = [1], strides = [1]} : vector<16xi32> to vector<1xi32>
    %squeeze3A_135 = vector.extract %slice3A_134[0] : i32 from vector<1xi32>
    %sub3A_136 = arith.constant 1 : i32
    %sub3A_137 = arith.subi %squeeze3A_135, %sub3A_136 : i32
    %mul3A_138 = arith.constant 16 : i32
    %mul3A_139 = arith.muli %sub3A_90, %mul3A_138 : i32
    %add3A_140 = arith.addi %mul3A_139, %sub3A_137 : i32
    %gt3A_141 = vector.broadcast %sub3A_137 : i32 to vector<16xi32>
    %gt3A_142 = arith.cmpi sgt, %iota3A, %gt3A_141 : vector<16xi32>
    %jit3A_143 = arith.constant 0 : i32
    %broadcast_in_dim3A_144 = vector.broadcast %jit3A_143 : i32 to vector<16xi32>
    %select_n3A_145 = arith.select %gt3A_142, %get3A_114, %broadcast_in_dim3A_144 : vector<16xi1>, vector<16xi32>
    %reduce_sum3A_146 = arith.constant true
    %reduce_sum3A_147 = vector.broadcast %reduce_sum3A_146 : i1 to vector<16xi1>
    %reduce_sum3A_148 = tpu.scan <sum>, %select_n3A_145 masked %reduce_sum3A_147 : vector<16xi32>, vector<16xi1> -> vector<16xi32>
    %reduce_sum3A_149 = vector.extract %reduce_sum3A_148[15] : i32 from vector<16xi32>
    %add3A_150 = arith.addi %add3A_110, %reduce_sum3A_149 : i32
    %sub3A_151 = arith.constant 164 : i32
    %sub3A_152 = arith.subi %sub3A_151, %add3A_150 : i32
    %parallel_loop3A_153 = arith.constant 0 : i32
    %parallel_loop3A_154 = arith.constant 1 : i32
    scf.for %parallel_loop3A_490 = %parallel_loop3A_153 to %shift_right_arithmetic3A_36 step %parallel_loop3A_154  : i32 {
      %parallel_loop3A_491 = arith.constant 16 : i32
      %parallel_loop3A_492 = arith.muli %parallel_loop3A_490, %parallel_loop3A_491 : i32
      %parallel_loop3A_493 = arith.index_cast %parallel_loop3A_492 : i32 to index
      %parallel_loop3A_494 = tpu.vector_load %arg11[%parallel_loop3A_493] {strides = array<i32>} : memref<8208xf32, #tpu.memory_space<vmem>>, vector<16xf32>,
      %parallel_loop3A_495 = arith.constant 16 : i32
      %parallel_loop3A_496 = arith.muli %parallel_loop3A_490, %parallel_loop3A_495 : i32
      %parallel_loop3A_497 = arith.subi %select_n3A, %parallel_loop3A_496 : i32
      %parallel_loop3A_498 = vector.broadcast %parallel_loop3A_497 : i32 to vector<16xi32>
      %parallel_loop3A_499 = arith.cmpi slt, %iota3A, %parallel_loop3A_498 : vector<16xi32>
      %parallel_loop3A_500 = arith.constant 1.500000e+00 : f32
      %parallel_loop3A_501 = vector.broadcast %parallel_loop3A_500 : f32 to vector<16xf32>
      %parallel_loop3A_502 = arith.subf %parallel_loop3A_494, %parallel_loop3A_501 : vector<16xf32>
      %parallel_loop3A_503 = arith.constant 2.000000e+02 : f32
      %parallel_loop3A_504 = vector.broadcast %parallel_loop3A_503 : f32 to vector<16xf32>
      %parallel_loop3A_505 = arith.mulf %parallel_loop3A_502, %parallel_loop3A_504 : vector<16xf32>
      %parallel_loop3A_506 = arith.fptosi %parallel_loop3A_505 : vector<16xf32> to vector<16xi32>
      %parallel_loop3A_507 = arith.constant 0 : i32
      %parallel_loop3A_508 = vector.broadcast %parallel_loop3A_507 : i32 to vector<16xi32>
      %parallel_loop3A_509 = arith.maxsi %parallel_loop3A_506, %parallel_loop3A_508 : vector<16xi32>
      %parallel_loop3A_510 = arith.constant 511 : i32
      %parallel_loop3A_511 = vector.broadcast %parallel_loop3A_510 : i32 to vector<16xi32>
      %parallel_loop3A_512 = arith.minsi %parallel_loop3A_509, %parallel_loop3A_511 : vector<16xi32>
      %parallel_loop3A_513 = vector.broadcast %add3A_140 : i32 to vector<16xi32>
      %parallel_loop3A_514 = arith.cmpi eq, %parallel_loop3A_512, %parallel_loop3A_513 : vector<16xi32>
      %parallel_loop3A_515 = arith.andi %parallel_loop3A_514, %parallel_loop3A_499 : vector<16xi1>
      %parallel_loop3A_516 = tpu.all_reduce %parallel_loop3A_515 {dim = 0 : i64, kind = #tpu.reduction_kind<sum>} : vector<16xi1> -> vector<16xi32>
      %parallel_loop3A_517 = arith.index_cast %parallel_loop3A_490 : i32 to index
      %parallel_loop3A_518 = tpu.vector_load %arg9[%parallel_loop3A_517] masked %eq3A_7 {strides = array<i32>} : memref<528xi32, #tpu.memory_space<vmem>>, vector<16xi32>, vector<16xi1>
      tpu.vector_store %arg9[%parallel_loop3A_517], %parallel_loop3A_516 masked %eq3A_7 {strides = array<i32>} : memref<528xi32, #tpu.memory_space<vmem>>, vector<16xi32>, vector<16xi1>
    } {sc.loop_unroll_factor = 4 : i64, sc.parallel_access}
    %add3A_155 = arith.constant 15 : i32
    %add3A_156 = arith.addi %shift_right_arithmetic3A_36, %add3A_155 : i32
    %shift_right_arithmetic3A_157 = arith.constant 4 : i32
    %shift_right_arithmetic3A_158 = arith.shrsi %add3A_156, %shift_right_arithmetic3A_157 : i32
    %while3A = arith.constant 0 : i32
    %while3A_159 = arith.constant 0 : i32
    %while3A_160 = arith.subi %shift_right_arithmetic3A_158, %while3A : i32
    %while3A_161 = arith.addi %while3A, %while3A_160 : i32
    %while3A_162 = arith.constant 1 : i32
    %while3A_163 = arith.divsi %while3A_160, %while3A_162 : i32
    %while3A_164 = arith.muli %while3A_163, %while3A_162 : i32
    %while3A_165 = arith.addi %while3A, %while3A_164 : i32
    %while3A_166 = arith.constant 1 : i32
    %while3A_167 = scf.for %while3A_490 = %while3A to %while3A_165 step %while3A_166 iter_args(%while3A_491 = %while3A_159) -> (i32)  : i32 {
      %mul3A_492 = arith.constant 16 : i32
      %mul3A_493 = arith.muli %while3A_490, %mul3A_492 : i32
      %get3A_494 = arith.index_cast %mul3A_493 : i32 to index
      %get3A_495 = tpu.vector_load %arg9[%get3A_494] {strides = array<i32>} : memref<528xi32, #tpu.memory_space<vmem>>, vector<16xi32>,
      %mul3A_496 = arith.constant 16 : i32
      %mul3A_497 = arith.muli %while3A_490, %mul3A_496 : i32
      %add3A_498 = vector.broadcast %mul3A_497 : i32 to vector<16xi32>
      %add3A_499 = arith.addi %iota3A, %add3A_498 : vector<16xi32>
      %lt3A_500 = vector.broadcast %shift_right_arithmetic3A_36 : i32 to vector<16xi32>
      %lt3A_501 = arith.cmpi slt, %add3A_499, %lt3A_500 : vector<16xi32>
      %jit3A_502 = arith.constant 0 : i32
      %broadcast_in_dim3A_503 = vector.broadcast %jit3A_502 : i32 to vector<16xi32>
      %select_n3A_504 = arith.select %lt3A_501, %get3A_495, %broadcast_in_dim3A_503 : vector<16xi1>, vector<16xi32>
      %broadcast_in_dim3A_505 = arith.constant true
      %broadcast_in_dim3A_506 = vector.broadcast %broadcast_in_dim3A_505 : i1 to vector<16xi1>
      %masked_cumsum3A_507 = tpu.scan <sum>, %select_n3A_504 masked %broadcast_in_dim3A_506 : vector<16xi32>, vector<16xi1> -> vector<16xi32>
      %sub3A_508 = arith.subi %masked_cumsum3A_507, %select_n3A_504 : vector<16xi32>
      %add3A_509 = vector.broadcast %while3A_491 : i32 to vector<16xi32>
      %add3A_510 = arith.addi %sub3A_508, %add3A_509 : vector<16xi32>
      %mul3A_511 = arith.constant 16 : i32
      %mul3A_512 = arith.muli %while3A_490, %mul3A_511 : i32
      %swap3A = arith.index_cast %mul3A_512 : i32 to index
      %swap3A_513 = tpu.vector_load %arg10[%swap3A] {strides = array<i32>} : memref<528xi32, #tpu.memory_space<vmem>>, vector<16xi32>,
      tpu.vector_store %arg10[%swap3A], %add3A_510 {strides = array<i32>} : memref<528xi32, #tpu.memory_space<vmem>>, vector<16xi32>,
      %slice3A_514 = vector.extract_strided_slice %masked_cumsum3A_507 {offsets = [15], sizes = [1], strides = [1]} : vector<16xi32> to vector<1xi32>
      %squeeze3A_515 = vector.extract %slice3A_514[0] : i32 from vector<1xi32>
      %add3A_516 = arith.addi %while3A_491, %squeeze3A_515 : i32
      scf.yield %add3A_516 : i32
    }
    %while3A_168 = arith.constant 1 : i32
    %while3A_169 = scf.for %while3A_490 = %while3A_165 to %while3A_161 step %while3A_168 iter_args(%while3A_491 = %while3A_167) -> (i32)  : i32 {
      %mul3A_492 = arith.constant 16 : i32
      %mul3A_493 = arith.muli %while3A_490, %mul3A_492 : i32
      %get3A_494 = arith.index_cast %mul3A_493 : i32 to index
      %get3A_495 = tpu.vector_load %arg9[%get3A_494] {strides = array<i32>} : memref<528xi32, #tpu.memory_space<vmem>>, vector<16xi32>,
      %mul3A_496 = arith.constant 16 : i32
      %mul3A_497 = arith.muli %while3A_490, %mul3A_496 : i32
      %add3A_498 = vector.broadcast %mul3A_497 : i32 to vector<16xi32>
      %add3A_499 = arith.addi %iota3A, %add3A_498 : vector<16xi32>
      %lt3A_500 = vector.broadcast %shift_right_arithmetic3A_36 : i32 to vector<16xi32>
      %lt3A_501 = arith.cmpi slt, %add3A_499, %lt3A_500 : vector<16xi32>
      %jit3A_502 = arith.constant 0 : i32
      %broadcast_in_dim3A_503 = vector.broadcast %jit3A_502 : i32 to vector<16xi32>
      %select_n3A_504 = arith.select %lt3A_501, %get3A_495, %broadcast_in_dim3A_503 : vector<16xi1>, vector<16xi32>
      %broadcast_in_dim3A_505 = arith.constant true
      %broadcast_in_dim3A_506 = vector.broadcast %broadcast_in_dim3A_505 : i1 to vector<16xi1>
      %masked_cumsum3A_507 = tpu.scan <sum>, %select_n3A_504 masked %broadcast_in_dim3A_506 : vector<16xi32>, vector<16xi1> -> vector<16xi32>
      %sub3A_508 = arith.subi %masked_cumsum3A_507, %select_n3A_504 : vector<16xi32>
      %add3A_509 = vector.broadcast %while3A_491 : i32 to vector<16xi32>
      %add3A_510 = arith.addi %sub3A_508, %add3A_509 : vector<16xi32>
      %mul3A_511 = arith.constant 16 : i32
      %mul3A_512 = arith.muli %while3A_490, %mul3A_511 : i32
      %swap3A = arith.index_cast %mul3A_512 : i32 to index
      %swap3A_513 = tpu.vector_load %arg10[%swap3A] {strides = array<i32>} : memref<528xi32, #tpu.memory_space<vmem>>, vector<16xi32>,
      tpu.vector_store %arg10[%swap3A], %add3A_510 {strides = array<i32>} : memref<528xi32, #tpu.memory_space<vmem>>, vector<16xi32>,
      %slice3A_514 = vector.extract_strided_slice %masked_cumsum3A_507 {offsets = [15], sizes = [1], strides = [1]} : vector<16xi32> to vector<1xi32>
      %squeeze3A_515 = vector.extract %slice3A_514[0] : i32 from vector<1xi32>
      %add3A_516 = arith.addi %while3A_491, %squeeze3A_515 : i32
      scf.yield %add3A_516 : i32
    }
    %parallel_loop3A_170 = arith.constant 0 : i32
    %parallel_loop3A_171 = arith.constant 1 : i32
    scf.for %parallel_loop3A_490 = %parallel_loop3A_170 to %shift_right_arithmetic3A_36 step %parallel_loop3A_171  : i32 {
      %parallel_loop3A_491 = arith.index_cast %parallel_loop3A_490 : i32 to index
      %parallel_loop3A_492 = tpu.vector_load %arg10[%parallel_loop3A_491] {strides = array<i32>} : memref<528xi32, #tpu.memory_space<vmem>>, vector<16xi32>,
      %parallel_loop3A_493 = vector.extract_strided_slice %parallel_loop3A_492 {offsets = [0], sizes = [1], strides = [1]} : vector<16xi32> to vector<1xi32>
      %parallel_loop3A_494 = vector.extract %parallel_loop3A_493[0] : i32 from vector<1xi32>
      %parallel_loop3A_495 = arith.constant 16 : i32
      %parallel_loop3A_496 = arith.muli %parallel_loop3A_490, %parallel_loop3A_495 : i32
      %parallel_loop3A_497 = arith.index_cast %parallel_loop3A_496 : i32 to index
      %parallel_loop3A_498 = tpu.vector_load %arg11[%parallel_loop3A_497] {strides = array<i32>} : memref<8208xf32, #tpu.memory_space<vmem>>, vector<16xf32>,
      %parallel_loop3A_499 = arith.constant 16 : i32
      %parallel_loop3A_500 = arith.muli %parallel_loop3A_490, %parallel_loop3A_499 : i32
      %parallel_loop3A_501 = arith.subi %select_n3A, %parallel_loop3A_500 : i32
      %parallel_loop3A_502 = vector.broadcast %parallel_loop3A_501 : i32 to vector<16xi32>
      %parallel_loop3A_503 = arith.cmpi slt, %iota3A, %parallel_loop3A_502 : vector<16xi32>
      %parallel_loop3A_504 = arith.constant 1.500000e+00 : f32
      %parallel_loop3A_505 = vector.broadcast %parallel_loop3A_504 : f32 to vector<16xf32>
      %parallel_loop3A_506 = arith.subf %parallel_loop3A_498, %parallel_loop3A_505 : vector<16xf32>
      %parallel_loop3A_507 = arith.constant 2.000000e+02 : f32
      %parallel_loop3A_508 = vector.broadcast %parallel_loop3A_507 : f32 to vector<16xf32>
      %parallel_loop3A_509 = arith.mulf %parallel_loop3A_506, %parallel_loop3A_508 : vector<16xf32>
      %parallel_loop3A_510 = arith.fptosi %parallel_loop3A_509 : vector<16xf32> to vector<16xi32>
      %parallel_loop3A_511 = arith.constant 0 : i32
      %parallel_loop3A_512 = vector.broadcast %parallel_loop3A_511 : i32 to vector<16xi32>
      %parallel_loop3A_513 = arith.maxsi %parallel_loop3A_510, %parallel_loop3A_512 : vector<16xi32>
      %parallel_loop3A_514 = arith.constant 511 : i32
      %parallel_loop3A_515 = vector.broadcast %parallel_loop3A_514 : i32 to vector<16xi32>
      %parallel_loop3A_516 = arith.minsi %parallel_loop3A_513, %parallel_loop3A_515 : vector<16xi32>
      %parallel_loop3A_517 = vector.broadcast %add3A_140 : i32 to vector<16xi32>
      %parallel_loop3A_518 = arith.cmpi eq, %parallel_loop3A_516, %parallel_loop3A_517 : vector<16xi32>
      %parallel_loop3A_519 = arith.andi %parallel_loop3A_518, %parallel_loop3A_503 : vector<16xi1>
      %parallel_loop3A_520 = arith.index_cast %parallel_loop3A_494 : i32 to index
      %parallel_loop3A_521 = tpu.vector_load %arg12[%parallel_loop3A_520] masked %parallel_loop3A_519 {strides = array<i32>} : memref<8208xf32, #tpu.memory_space<vmem>>, vector<16xf32>, vector<16xi1>
      tpu.vector_store %arg12[%parallel_loop3A_520], %parallel_loop3A_498 masked %parallel_loop3A_519 {strides = array<i32>} : memref<8208xf32, #tpu.memory_space<vmem>>, vector<16xf32>, vector<16xi1>
    } {sc.loop_unroll_factor = 4 : i64, sc.parallel_access}
    %add3A_172 = arith.constant 15 : i32
    %add3A_173 = arith.addi %while3A_169, %add3A_172 : i32
    %shift_right_arithmetic3A_174 = arith.constant 4 : i32
    %shift_right_arithmetic3A_175 = arith.shrsi %add3A_173, %shift_right_arithmetic3A_174 : i32
    %le3A = arith.constant 16 : i32
    %le3A_176 = arith.cmpi sle, %while3A_169, %le3A : i32
    %convert_element_type3A_177 = arith.extui %le3A_176 : i1 to i32
    %cond3A_178 = arith.constant 0 : i32
    %cond3A_179 = arith.constant 0 : i32
    %cond3A_180 = arith.cmpi ne, %convert_element_type3A_177, %cond3A_179 : i32
    %cond3A_181 = scf.if %cond3A_180 -> (i32) {
      %get3A_490 = arith.constant 0 : index
      %get3A_491 = tpu.vector_load %arg12[%get3A_490] {strides = array<i32>} : memref<8208xf32, #tpu.memory_space<vmem>>, vector<16xf32>,
      %lt3A_492 = vector.broadcast %while3A_169 : i32 to vector<16xi32>
      %lt3A_493 = arith.cmpi slt, %iota3A, %lt3A_492 : vector<16xi32>
      %bitcast_convert_type3A_494 = tpu.bitcast %get3A_491 : vector<16xf32> -> vector<16xi32>
      %lt3A_495 = arith.constant 0 : i32
      %lt3A_496 = vector.broadcast %lt3A_495 : i32 to vector<16xi32>
      %lt3A_497 = arith.cmpi slt, %bitcast_convert_type3A_494, %lt3A_496 : vector<16xi32>
      %xor3A_498 = arith.constant 2147483647 : i32
      %xor3A_499 = vector.broadcast %xor3A_498 : i32 to vector<16xi32>
      %xor3A_500 = arith.xori %bitcast_convert_type3A_494, %xor3A_499 : vector<16xi32>
      %select_n3A_501 = arith.select %lt3A_497, %xor3A_500, %bitcast_convert_type3A_494 : vector<16xi1>, vector<16xi32>
      %xor3A_502 = arith.constant -2147483648 : i32
      %xor3A_503 = vector.broadcast %xor3A_502 : i32 to vector<16xi32>
      %xor3A_504 = arith.xori %select_n3A_501, %xor3A_503 : vector<16xi32>
      %jit3A_505 = arith.constant 0 : i32
      %broadcast_in_dim3A_506 = vector.broadcast %jit3A_505 : i32 to vector<16xi32>
      %select_n3A_507 = arith.select %lt3A_493, %xor3A_504, %broadcast_in_dim3A_506 : vector<16xi1>, vector<16xi32>
      %sort3A = arith.constant dense<true> : vector<16xi1>
      %sort3A_508, %sort3A_509, %sort3A_510 = tpu.sort %select_n3A_507, %select_n3A_507 masked %sort3A : (vector<16xi32>, vector<16xi32>, vector<16xi1>) -> (vector<16xi1>, vector<16xi32>, vector<16xi32>)
      %swap3A = arith.constant 0 : index
      %swap3A_511 = tpu.vector_load %arg10[%swap3A] {strides = array<i32>} : memref<528xi32, #tpu.memory_space<vmem>>, vector<16xi32>,
      tpu.vector_store %arg10[%swap3A], %sort3A_509 {strides = array<i32>} : memref<528xi32, #tpu.memory_space<vmem>>, vector<16xi32>,
      %sub3A_512 = arith.constant 16 : i32
      %sub3A_513 = arith.subi %sub3A_512, %sub3A_152 : i32
      %get3A_514 = arith.index_cast %sub3A_513 : i32 to index
      %get3A_515 = tpu.vector_load %arg10[%get3A_514] {strides = array<i32>} : memref<528xi32, #tpu.memory_space<vmem>>, vector<16xi32>,
      %slice3A_516 = vector.extract_strided_slice %get3A_515 {offsets = [0], sizes = [1], strides = [1]} : vector<16xi32> to vector<1xi32>
      %squeeze3A_517 = vector.extract %slice3A_516[0] : i32 from vector<1xi32>
      %xor3A_518 = arith.constant -2147483648 : i32
      %xor3A_519 = arith.xori %squeeze3A_517, %xor3A_518 : i32
      scf.yield %xor3A_519 : i32
    } else {
      %scan3A_490 = arith.constant 0 : i32
      %scan3A_491 = arith.constant 0 : i32
      %scan3A_492 = arith.constant 32 : i32
      %scan3A_493 = arith.addi %scan3A_491, %scan3A_492 : i32
      %scan3A_494 = arith.constant 1 : i32
      %scan3A_495 = scf.for %scan3A_499 = %scan3A_491 to %scan3A_493 step %scan3A_494 iter_args(%scan3A_500 = %scan3A_490) -> (i32)  : i32 {
        %sub3A_501 = arith.constant 31 : i32
        %sub3A_502 = arith.subi %sub3A_501, %scan3A_499 : i32
        %shift_left3A = arith.constant 1 : i32
        %shift_left3A_503 = arith.shli %shift_left3A, %sub3A_502 : i32
        %or3A = arith.ori %scan3A_500, %shift_left3A_503 : i32
        %xor3A_504 = arith.constant -2147483648 : i32
        %xor3A_505 = arith.xori %or3A, %xor3A_504 : i32
        %broadcast_in_dim3A_506 = arith.constant 0 : i32
        %broadcast_in_dim3A_507 = vector.broadcast %broadcast_in_dim3A_506 : i32 to vector<16xi32>
        %while3A_508 = arith.constant 0 : i32
        %while3A_509 = arith.subi %shift_right_arithmetic3A_175, %while3A_508 : i32
        %while3A_510 = arith.addi %while3A_508, %while3A_509 : i32
        %while3A_511 = arith.constant 1 : i32
        %while3A_512 = arith.divsi %while3A_509, %while3A_511 : i32
        %while3A_513 = arith.muli %while3A_512, %while3A_511 : i32
        %while3A_514 = arith.addi %while3A_508, %while3A_513 : i32
        %while3A_515 = arith.constant 1 : i32
        %while3A_516 = scf.for %while3A_525 = %while3A_508 to %while3A_514 step %while3A_515 iter_args(%while3A_526 = %broadcast_in_dim3A_507) -> (vector<16xi32>)  : i32 {
          %mul3A_527 = arith.constant 16 : i32
          %mul3A_528 = arith.muli %while3A_525, %mul3A_527 : i32
          %get3A_529 = arith.index_cast %mul3A_528 : i32 to index
          %get3A_530 = tpu.vector_load %arg12[%get3A_529] {strides = array<i32>} : memref<8208xf32, #tpu.memory_space<vmem>>, vector<16xf32>,
          %bitcast_convert_type3A_531 = tpu.bitcast %get3A_530 : vector<16xf32> -> vector<16xi32>
          %lt3A_532 = arith.constant 0 : i32
          %lt3A_533 = vector.broadcast %lt3A_532 : i32 to vector<16xi32>
          %lt3A_534 = arith.cmpi slt, %bitcast_convert_type3A_531, %lt3A_533 : vector<16xi32>
          %xor3A_535 = arith.constant 2147483647 : i32
          %xor3A_536 = vector.broadcast %xor3A_535 : i32 to vector<16xi32>
          %xor3A_537 = arith.xori %bitcast_convert_type3A_531, %xor3A_536 : vector<16xi32>
          %select_n3A_538 = arith.select %lt3A_534, %xor3A_537, %bitcast_convert_type3A_531 : vector<16xi1>, vector<16xi32>
          %mul3A_539 = arith.constant 16 : i32
          %mul3A_540 = arith.muli %while3A_525, %mul3A_539 : i32
          %sub3A_541 = arith.subi %while3A_169, %mul3A_540 : i32
          %lt3A_542 = vector.broadcast %sub3A_541 : i32 to vector<16xi32>
          %lt3A_543 = arith.cmpi slt, %iota3A, %lt3A_542 : vector<16xi32>
          %ge3A_544 = vector.broadcast %xor3A_505 : i32 to vector<16xi32>
          %ge3A_545 = arith.cmpi sge, %select_n3A_538, %ge3A_544 : vector<16xi32>
          %and3A = arith.andi %ge3A_545, %lt3A_543 : vector<16xi1>
          %jit3A_546 = arith.constant 1 : i32
          %jit3A_547 = arith.constant 0 : i32
          %broadcast_in_dim3A_548 = vector.broadcast %jit3A_546 : i32 to vector<16xi32>
          %broadcast_in_dim3A_549 = vector.broadcast %jit3A_547 : i32 to vector<16xi32>
          %select_n3A_550 = arith.select %and3A, %broadcast_in_dim3A_548, %broadcast_in_dim3A_549 : vector<16xi1>, vector<16xi32>
          %add3A_551 = arith.addi %while3A_526, %select_n3A_550 : vector<16xi32>
          scf.yield %add3A_551 : vector<16xi32>
        }
        %while3A_517 = arith.constant 1 : i32
        %while3A_518 = scf.for %while3A_525 = %while3A_514 to %while3A_510 step %while3A_517 iter_args(%while3A_526 = %while3A_516) -> (vector<16xi32>)  : i32 {
          %mul3A_527 = arith.constant 16 : i32
          %mul3A_528 = arith.muli %while3A_525, %mul3A_527 : i32
          %get3A_529 = arith.index_cast %mul3A_528 : i32 to index
          %get3A_530 = tpu.vector_load %arg12[%get3A_529] {strides = array<i32>} : memref<8208xf32, #tpu.memory_space<vmem>>, vector<16xf32>,
          %bitcast_convert_type3A_531 = tpu.bitcast %get3A_530 : vector<16xf32> -> vector<16xi32>
          %lt3A_532 = arith.constant 0 : i32
          %lt3A_533 = vector.broadcast %lt3A_532 : i32 to vector<16xi32>
          %lt3A_534 = arith.cmpi slt, %bitcast_convert_type3A_531, %lt3A_533 : vector<16xi32>
          %xor3A_535 = arith.constant 2147483647 : i32
          %xor3A_536 = vector.broadcast %xor3A_535 : i32 to vector<16xi32>
          %xor3A_537 = arith.xori %bitcast_convert_type3A_531, %xor3A_536 : vector<16xi32>
          %select_n3A_538 = arith.select %lt3A_534, %xor3A_537, %bitcast_convert_type3A_531 : vector<16xi1>, vector<16xi32>
          %mul3A_539 = arith.constant 16 : i32
          %mul3A_540 = arith.muli %while3A_525, %mul3A_539 : i32
          %sub3A_541 = arith.subi %while3A_169, %mul3A_540 : i32
          %lt3A_542 = vector.broadcast %sub3A_541 : i32 to vector<16xi32>
          %lt3A_543 = arith.cmpi slt, %iota3A, %lt3A_542 : vector<16xi32>
          %ge3A_544 = vector.broadcast %xor3A_505 : i32 to vector<16xi32>
          %ge3A_545 = arith.cmpi sge, %select_n3A_538, %ge3A_544 : vector<16xi32>
          %and3A = arith.andi %ge3A_545, %lt3A_543 : vector<16xi1>
          %jit3A_546 = arith.constant 1 : i32
          %jit3A_547 = arith.constant 0 : i32
          %broadcast_in_dim3A_548 = vector.broadcast %jit3A_546 : i32 to vector<16xi32>
          %broadcast_in_dim3A_549 = vector.broadcast %jit3A_547 : i32 to vector<16xi32>
          %select_n3A_550 = arith.select %and3A, %broadcast_in_dim3A_548, %broadcast_in_dim3A_549 : vector<16xi1>, vector<16xi32>
          %add3A_551 = arith.addi %while3A_526, %select_n3A_550 : vector<16xi32>
          scf.yield %add3A_551 : vector<16xi32>
        }
        %reduce_sum3A_519 = arith.constant true
        %reduce_sum3A_520 = vector.broadcast %reduce_sum3A_519 : i1 to vector<16xi1>
        %reduce_sum3A_521 = tpu.scan <sum>, %while3A_518 masked %reduce_sum3A_520 : vector<16xi32>, vector<16xi1> -> vector<16xi32>
        %reduce_sum3A_522 = vector.extract %reduce_sum3A_521[15] : i32 from vector<16xi32>
        %ge3A_523 = arith.cmpi sge, %reduce_sum3A_522, %sub3A_152 : i32
        %select_n3A_524 = arith.select %ge3A_523, %or3A, %scan3A_500 : i32
        scf.yield %select_n3A_524 : i32
      }
      %scan3A_496 = arith.constant 32 : i32
      %xor3A_497 = arith.constant -2147483648 : i32
      %xor3A_498 = arith.xori %scan3A_495, %xor3A_497 : i32
      scf.yield %xor3A_498 : i32
    }
    %broadcast_in_dim3A_182 = vector.broadcast %cond3A_181 : i32 to vector<16xi32>
    %lt3A_183 = arith.constant 0 : i32
    %lt3A_184 = vector.broadcast %lt3A_183 : i32 to vector<16xi32>
    %lt3A_185 = arith.cmpi slt, %broadcast_in_dim3A_182, %lt3A_184 : vector<16xi32>
    %xor3A = arith.constant 2147483647 : i32
    %xor3A_186 = vector.broadcast %xor3A : i32 to vector<16xi32>
    %xor3A_187 = arith.xori %broadcast_in_dim3A_182, %xor3A_186 : vector<16xi32>
    %select_n3A_188 = arith.select %lt3A_185, %xor3A_187, %broadcast_in_dim3A_182 : vector<16xi1>, vector<16xi32>
    %bitcast_convert_type3A = tpu.bitcast %select_n3A_188 : vector<16xi32> -> vector<16xf32>
    %broadcast_in_dim3A_189 = arith.constant 0 : i32
    %broadcast_in_dim3A_190 = vector.broadcast %broadcast_in_dim3A_189 : i32 to vector<16xi32>
    %while3A_191 = arith.constant 0 : i32
    %while3A_192 = arith.subi %shift_right_arithmetic3A_175, %while3A_191 : i32
    %while3A_193 = arith.addi %while3A_191, %while3A_192 : i32
    %while3A_194 = arith.constant 1 : i32
    %while3A_195 = arith.divsi %while3A_192, %while3A_194 : i32
    %while3A_196 = arith.muli %while3A_195, %while3A_194 : i32
    %while3A_197 = arith.addi %while3A_191, %while3A_196 : i32
    %while3A_198 = arith.constant 1 : i32
    %while3A_199:2 = scf.for %while3A_490 = %while3A_191 to %while3A_197 step %while3A_198 iter_args(%while3A_491 = %broadcast_in_dim3A_190, %while3A_492 = %broadcast_in_dim3A_190) -> (vector<16xi32>, vector<16xi32>)  : i32 {
      %mul3A_493 = arith.constant 16 : i32
      %mul3A_494 = arith.muli %while3A_490, %mul3A_493 : i32
      %get3A_495 = arith.index_cast %mul3A_494 : i32 to index
      %get3A_496 = tpu.vector_load %arg12[%get3A_495] {strides = array<i32>} : memref<8208xf32, #tpu.memory_space<vmem>>, vector<16xf32>,
      %mul3A_497 = arith.constant 16 : i32
      %mul3A_498 = arith.muli %while3A_490, %mul3A_497 : i32
      %sub3A_499 = arith.subi %while3A_169, %mul3A_498 : i32
      %lt3A_500 = vector.broadcast %sub3A_499 : i32 to vector<16xi32>
      %lt3A_501 = arith.cmpi slt, %iota3A, %lt3A_500 : vector<16xi32>
      %gt3A_502 = arith.cmpf ogt, %get3A_496, %bitcast_convert_type3A : vector<16xf32>
      %and3A = arith.andi %gt3A_502, %lt3A_501 : vector<16xi1>
      %jit3A_503 = arith.constant 1 : i32
      %jit3A_504 = arith.constant 0 : i32
      %broadcast_in_dim3A_505 = vector.broadcast %jit3A_503 : i32 to vector<16xi32>
      %broadcast_in_dim3A_506 = vector.broadcast %jit3A_504 : i32 to vector<16xi32>
      %select_n3A_507 = arith.select %and3A, %broadcast_in_dim3A_505, %broadcast_in_dim3A_506 : vector<16xi1>, vector<16xi32>
      %add3A_508 = arith.addi %while3A_491, %select_n3A_507 : vector<16xi32>
      %eq3A_509 = arith.cmpf oeq, %get3A_496, %bitcast_convert_type3A : vector<16xf32>
      %and3A_510 = arith.andi %eq3A_509, %lt3A_501 : vector<16xi1>
      %jit3A_511 = arith.constant 1 : i32
      %jit3A_512 = arith.constant 0 : i32
      %broadcast_in_dim3A_513 = vector.broadcast %jit3A_511 : i32 to vector<16xi32>
      %broadcast_in_dim3A_514 = vector.broadcast %jit3A_512 : i32 to vector<16xi32>
      %select_n3A_515 = arith.select %and3A_510, %broadcast_in_dim3A_513, %broadcast_in_dim3A_514 : vector<16xi1>, vector<16xi32>
      %add3A_516 = arith.addi %while3A_492, %select_n3A_515 : vector<16xi32>
      scf.yield %add3A_508, %add3A_516 : vector<16xi32>, vector<16xi32>
    }
    %while3A_200 = arith.constant 1 : i32
    %while3A_201:2 = scf.for %while3A_490 = %while3A_197 to %while3A_193 step %while3A_200 iter_args(%while3A_491 = %while3A_199#0, %while3A_492 = %while3A_199#1) -> (vector<16xi32>, vector<16xi32>)  : i32 {
      %mul3A_493 = arith.constant 16 : i32
      %mul3A_494 = arith.muli %while3A_490, %mul3A_493 : i32
      %get3A_495 = arith.index_cast %mul3A_494 : i32 to index
      %get3A_496 = tpu.vector_load %arg12[%get3A_495] {strides = array<i32>} : memref<8208xf32, #tpu.memory_space<vmem>>, vector<16xf32>,
      %mul3A_497 = arith.constant 16 : i32
      %mul3A_498 = arith.muli %while3A_490, %mul3A_497 : i32
      %sub3A_499 = arith.subi %while3A_169, %mul3A_498 : i32
      %lt3A_500 = vector.broadcast %sub3A_499 : i32 to vector<16xi32>
      %lt3A_501 = arith.cmpi slt, %iota3A, %lt3A_500 : vector<16xi32>
      %gt3A_502 = arith.cmpf ogt, %get3A_496, %bitcast_convert_type3A : vector<16xf32>
      %and3A = arith.andi %gt3A_502, %lt3A_501 : vector<16xi1>
      %jit3A_503 = arith.constant 1 : i32
      %jit3A_504 = arith.constant 0 : i32
      %broadcast_in_dim3A_505 = vector.broadcast %jit3A_503 : i32 to vector<16xi32>
      %broadcast_in_dim3A_506 = vector.broadcast %jit3A_504 : i32 to vector<16xi32>
      %select_n3A_507 = arith.select %and3A, %broadcast_in_dim3A_505, %broadcast_in_dim3A_506 : vector<16xi1>, vector<16xi32>
      %add3A_508 = arith.addi %while3A_491, %select_n3A_507 : vector<16xi32>
      %eq3A_509 = arith.cmpf oeq, %get3A_496, %bitcast_convert_type3A : vector<16xf32>
      %and3A_510 = arith.andi %eq3A_509, %lt3A_501 : vector<16xi1>
      %jit3A_511 = arith.constant 1 : i32
      %jit3A_512 = arith.constant 0 : i32
      %broadcast_in_dim3A_513 = vector.broadcast %jit3A_511 : i32 to vector<16xi32>
      %broadcast_in_dim3A_514 = vector.broadcast %jit3A_512 : i32 to vector<16xi32>
      %select_n3A_515 = arith.select %and3A_510, %broadcast_in_dim3A_513, %broadcast_in_dim3A_514 : vector<16xi1>, vector<16xi32>
      %add3A_516 = arith.addi %while3A_492, %select_n3A_515 : vector<16xi32>
      scf.yield %add3A_508, %add3A_516 : vector<16xi32>, vector<16xi32>
    }
    %reduce_sum3A_202 = arith.constant true
    %reduce_sum3A_203 = vector.broadcast %reduce_sum3A_202 : i1 to vector<16xi1>
    %reduce_sum3A_204 = tpu.scan <sum>, %while3A_201#0 masked %reduce_sum3A_203 : vector<16xi32>, vector<16xi1> -> vector<16xi32>
    %reduce_sum3A_205 = vector.extract %reduce_sum3A_204[15] : i32 from vector<16xi32>
    %reduce_sum3A_206 = arith.constant true
    %reduce_sum3A_207 = vector.broadcast %reduce_sum3A_206 : i1 to vector<16xi1>
    %reduce_sum3A_208 = tpu.scan <sum>, %while3A_201#1 masked %reduce_sum3A_207 : vector<16xi32>, vector<16xi1> -> vector<16xi32>
    %reduce_sum3A_209 = vector.extract %reduce_sum3A_208[15] : i32 from vector<16xi32>
    %sub3A_210 = arith.subi %sub3A_152, %reduce_sum3A_205 : i32
    %add3A_211 = arith.addi %reduce_sum3A_205, %reduce_sum3A_209 : i32
    %eq3A_212 = arith.cmpi eq, %add3A_211, %sub3A_152 : i32
    %convert_element_type3A_213 = arith.extui %eq3A_212 : i1 to i32
    %cond3A_214 = arith.constant 0 : i32
    %cond3A_215 = arith.cmpi ne, %convert_element_type3A_213, %cond3A_214 : i32
    scf.if %cond3A_215 {
      %parallel_loop3A_490 = arith.constant 0 : i32
      %parallel_loop3A_491 = arith.constant 512 : i32
      %parallel_loop3A_492 = arith.constant 1 : i32
      scf.for %parallel_loop3A_493 = %parallel_loop3A_490 to %parallel_loop3A_491 step %parallel_loop3A_492  : i32 {
        %parallel_loop3A_494 = arith.constant 16 : i32
        %parallel_loop3A_495 = arith.muli %parallel_loop3A_493, %parallel_loop3A_494 : i32
        %parallel_loop3A_496 = arith.index_cast %parallel_loop3A_495 : i32 to index
        %parallel_loop3A_497 = tpu.vector_load %arg7[%parallel_loop3A_496] {strides = array<i32>} : memref<8192xf32, #tpu.memory_space<vmem>>, vector<16xf32>,
        %parallel_loop3A_498 = arith.constant 16 : i32
        %parallel_loop3A_499 = arith.muli %parallel_loop3A_493, %parallel_loop3A_498 : i32
        %parallel_loop3A_500 = arith.constant 0 : i32
        %parallel_loop3A_501 = arith.index_cast %parallel_loop3A_500 : i32 to index
        %parallel_loop3A_502 = arith.index_cast %parallel_loop3A_499 : i32 to index
        %parallel_loop3A_503 = tpu.vector_load %arg5[%parallel_loop3A_501, %parallel_loop3A_502] {strides = array<i32>} : memref<2x8192xf32, #tpu.memory_space<vmem>>, vector<16xf32>,
        %parallel_loop3A_504 = arith.cmpf oge, %parallel_loop3A_497, %bitcast_convert_type3A : vector<16xf32>
        %parallel_loop3A_505 = arith.constant 0.000000e+00 : f32
        %parallel_loop3A_506 = vector.broadcast %parallel_loop3A_505 : f32 to vector<16xf32>
        %parallel_loop3A_507 = arith.select %parallel_loop3A_504, %parallel_loop3A_503, %parallel_loop3A_506 : vector<16xi1>, vector<16xf32>
        %parallel_loop3A_508 = arith.constant 16 : i32
        %parallel_loop3A_509 = arith.muli %parallel_loop3A_493, %parallel_loop3A_508 : i32
        %parallel_loop3A_510 = arith.constant 0 : i32
        %parallel_loop3A_511 = arith.index_cast %parallel_loop3A_510 : i32 to index
        %parallel_loop3A_512 = arith.index_cast %parallel_loop3A_509 : i32 to index
        %parallel_loop3A_513 = tpu.vector_load %arg5[%parallel_loop3A_511, %parallel_loop3A_512] {strides = array<i32>} : memref<2x8192xf32, #tpu.memory_space<vmem>>, vector<16xf32>,
        tpu.vector_store %arg5[%parallel_loop3A_511, %parallel_loop3A_512], %parallel_loop3A_507 {strides = array<i32>} : memref<2x8192xf32, #tpu.memory_space<vmem>>, vector<16xf32>,
      } {sc.loop_unroll_factor = 4 : i64, sc.parallel_access}
    } else {
    }
    %not3A = arith.constant true
    %not3A_216 = arith.xori %eq3A_212, %not3A : i1
    %convert_element_type3A_217 = arith.extui %not3A_216 : i1 to i32
    %cond3A_218 = arith.constant 0 : i32
    %cond3A_219 = arith.cmpi ne, %convert_element_type3A_217, %cond3A_218 : i32
    scf.if %cond3A_219 {
      %scan3A_490 = arith.constant 0 : i32
      %scan3A_491 = arith.constant 0 : i32
      %scan3A_492 = arith.constant 512 : i32
      %scan3A_493 = arith.addi %scan3A_491, %scan3A_492 : i32
      %scan3A_494 = arith.constant 1 : i32
      %scan3A_495 = scf.for %scan3A_497 = %scan3A_491 to %scan3A_493 step %scan3A_494 iter_args(%scan3A_498 = %scan3A_490) -> (i32)  : i32 {
        %mul3A_499 = arith.constant 16 : i32
        %mul3A_500 = arith.muli %scan3A_497, %mul3A_499 : i32
        %get3A_501 = arith.index_cast %mul3A_500 : i32 to index
        %get3A_502 = tpu.vector_load %arg7[%get3A_501] {strides = array<i32>} : memref<8192xf32, #tpu.memory_space<vmem>>, vector<16xf32>,
        %get3A_503 = arith.constant 0 : i32
        %get3A_504 = arith.index_cast %get3A_503 : i32 to index
        %get3A_505 = arith.index_cast %mul3A_500 : i32 to index
        %get3A_506 = tpu.vector_load %arg5[%get3A_504, %get3A_505] {strides = array<i32>} : memref<2x8192xf32, #tpu.memory_space<vmem>>, vector<16xf32>,
        %eq3A_507 = arith.cmpf oeq, %get3A_502, %bitcast_convert_type3A : vector<16xf32>
        %jit3A_508 = arith.constant 1 : i32
        %jit3A_509 = arith.constant 0 : i32
        %broadcast_in_dim3A_510 = vector.broadcast %jit3A_508 : i32 to vector<16xi32>
        %broadcast_in_dim3A_511 = vector.broadcast %jit3A_509 : i32 to vector<16xi32>
        %select_n3A_512 = arith.select %eq3A_507, %broadcast_in_dim3A_510, %broadcast_in_dim3A_511 : vector<16xi1>, vector<16xi32>
        %broadcast_in_dim3A_513 = arith.constant true
        %broadcast_in_dim3A_514 = vector.broadcast %broadcast_in_dim3A_513 : i1 to vector<16xi1>
        %masked_cumsum3A_515 = tpu.scan <sum>, %select_n3A_512 masked %broadcast_in_dim3A_514 : vector<16xi32>, vector<16xi1> -> vector<16xi32>
        %sub3A_516 = arith.subi %masked_cumsum3A_515, %select_n3A_512 : vector<16xi32>
        %add3A_517 = vector.broadcast %scan3A_498 : i32 to vector<16xi32>
        %add3A_518 = arith.addi %sub3A_516, %add3A_517 : vector<16xi32>
        %lt3A_519 = vector.broadcast %sub3A_210 : i32 to vector<16xi32>
        %lt3A_520 = arith.cmpi slt, %add3A_518, %lt3A_519 : vector<16xi32>
        %and3A = arith.andi %eq3A_507, %lt3A_520 : vector<16xi1>
        %gt3A_521 = arith.cmpf ogt, %get3A_502, %bitcast_convert_type3A : vector<16xf32>
        %or3A = arith.ori %gt3A_521, %and3A : vector<16xi1>
        %jit3A_522 = arith.constant 0.000000e+00 : f32
        %broadcast_in_dim3A_523 = vector.broadcast %jit3A_522 : f32 to vector<16xf32>
        %select_n3A_524 = arith.select %or3A, %get3A_506, %broadcast_in_dim3A_523 : vector<16xi1>, vector<16xf32>
        %swap3A = arith.constant 0 : i32
        %swap3A_525 = arith.index_cast %swap3A : i32 to index
        %swap3A_526 = arith.index_cast %mul3A_500 : i32 to index
        %swap3A_527 = tpu.vector_load %arg5[%swap3A_525, %swap3A_526] {strides = array<i32>} : memref<2x8192xf32, #tpu.memory_space<vmem>>, vector<16xf32>,
        tpu.vector_store %arg5[%swap3A_525, %swap3A_526], %select_n3A_524 {strides = array<i32>} : memref<2x8192xf32, #tpu.memory_space<vmem>>, vector<16xf32>,
        %slice3A_528 = vector.extract_strided_slice %masked_cumsum3A_515 {offsets = [15], sizes = [1], strides = [1]} : vector<16xi32> to vector<1xi32>
        %squeeze3A_529 = vector.extract %slice3A_528[0] : i32 from vector<1xi32>
        %add3A_530 = arith.addi %scan3A_498, %squeeze3A_529 : i32
        scf.yield %add3A_530 : i32
      }
      %scan3A_496 = arith.constant 512 : i32
    } else {
    }
    %add3A_220 = arith.constant 0 : i32
    %add3A_221 = arith.addi %mul3A_2, %add3A_220 : i32
    %dma_start3A_222 = arith.constant 0 : i32
    %dma_start3A_223 = arith.constant 0 : i32
    %dma_start3A_224 = tpu.memref_slice %arg5[%dma_start3A_222, %dma_start3A_223] : memref<2x8192xf32, #tpu.memory_space<vmem>> -> memref<1x8192xf32, #tpu.memory_space<vmem>>
    %dma_start3A_225 = arith.constant 0 : i32
    %dma_start3A_226 = tpu.memref_slice %arg4[%add3A_221, %dma_start3A_225] : memref<64x8192xf32, #tpu.memory_space<hbm>> -> memref<1x8192xf32, #tpu.memory_space<hbm>>
    %dma_start3A_227 = arith.constant 0 : i32
    %dma_start3A_228 = tpu.memref_slice %arg4[%add3A_221, %dma_start3A_227] : memref<64x8192xf32, #tpu.memory_space<hbm>> -> memref<1x8192xf32, #tpu.memory_space<hbm>>
    %dma_start3A_229 = arith.constant 0 : i32
    %dma_start3A_230 = arith.constant 0 : i32
    %dma_start3A_231 = tpu.memref_slice %arg5[%dma_start3A_229, %dma_start3A_230] : memref<2x8192xf32, #tpu.memory_space<vmem>> -> memref<1x8192xf32, #tpu.memory_space<vmem>>
    tpu.enqueue_dma source(%dma_start3A_231 : memref<1x8192xf32, #tpu.memory_space<vmem>>) target(%dma_start3A_228 : memref<1x8192xf32, #tpu.memory_space<hbm>>) target_semaphore(%arg14 : memref<!tpu.dma_semaphore, #tpu.memory_space<semaphore_mem>>)
    %parallel_loop3A_232 = arith.constant 0 : i32
    %parallel_loop3A_233 = arith.constant 512 : i32
    %parallel_loop3A_234 = arith.constant 1 : i32
    scf.for %parallel_loop3A_490 = %parallel_loop3A_232 to %parallel_loop3A_233 step %parallel_loop3A_234  : i32 {
      %parallel_loop3A_491 = arith.constant 16 : i32
      %parallel_loop3A_492 = arith.muli %parallel_loop3A_490, %parallel_loop3A_491 : i32
      %parallel_loop3A_493 = arith.constant 1 : i32
      %parallel_loop3A_494 = arith.index_cast %parallel_loop3A_493 : i32 to index
      %parallel_loop3A_495 = arith.index_cast %parallel_loop3A_492 : i32 to index
      %parallel_loop3A_496 = tpu.vector_load %arg5[%parallel_loop3A_494, %parallel_loop3A_495] {strides = array<i32>} : memref<2x8192xf32, #tpu.memory_space<vmem>>, vector<16xf32>,
      %parallel_loop3A_497 = arith.constant 16 : i32
      %parallel_loop3A_498 = arith.muli %parallel_loop3A_490, %parallel_loop3A_497 : i32
      %parallel_loop3A_499 = arith.index_cast %parallel_loop3A_498 : i32 to index
      %parallel_loop3A_500 = tpu.vector_load %arg6[%parallel_loop3A_499] {strides = array<i32>} : memref<8192xf32, #tpu.memory_space<vmem>>, vector<16xf32>,
      %parallel_loop3A_501 = arith.mulf %parallel_loop3A_496, %parallel_loop3A_500 : vector<16xf32>
      %parallel_loop3A_502 = arith.constant 16 : i32
      %parallel_loop3A_503 = arith.muli %parallel_loop3A_490, %parallel_loop3A_502 : i32
      %parallel_loop3A_504 = arith.index_cast %parallel_loop3A_503 : i32 to index
      %parallel_loop3A_505 = tpu.vector_load %arg7[%parallel_loop3A_504] {strides = array<i32>} : memref<8192xf32, #tpu.memory_space<vmem>>, vector<16xf32>,
      tpu.vector_store %arg7[%parallel_loop3A_504], %parallel_loop3A_501 {strides = array<i32>} : memref<8192xf32, #tpu.memory_space<vmem>>, vector<16xf32>,
      %parallel_loop3A_506 = arith.constant 1.700000e+00 : f32
      %parallel_loop3A_507 = vector.broadcast %parallel_loop3A_506 : f32 to vector<16xf32>
      %parallel_loop3A_508 = arith.cmpf oge, %parallel_loop3A_501, %parallel_loop3A_507 : vector<16xf32>
      %parallel_loop3A_509 = tpu.all_reduce %parallel_loop3A_508 {dim = 0 : i64, kind = #tpu.reduction_kind<sum>} : vector<16xi1> -> vector<16xi32>
      %parallel_loop3A_510 = arith.index_cast %parallel_loop3A_490 : i32 to index
      %parallel_loop3A_511 = tpu.vector_load %arg9[%parallel_loop3A_510] masked %eq3A_7 {strides = array<i32>} : memref<528xi32, #tpu.memory_space<vmem>>, vector<16xi32>, vector<16xi1>
      tpu.vector_store %arg9[%parallel_loop3A_510], %parallel_loop3A_509 masked %eq3A_7 {strides = array<i32>} : memref<528xi32, #tpu.memory_space<vmem>>, vector<16xi32>, vector<16xi1>
    } {sc.loop_unroll_factor = 4 : i64, sc.parallel_access}
    %scan3A_235 = arith.constant 0 : i32
    %scan3A_236 = arith.constant 0 : i32
    %scan3A_237 = arith.constant 32 : i32
    %scan3A_238 = arith.addi %scan3A_236, %scan3A_237 : i32
    %scan3A_239 = arith.constant 1 : i32
    %scan3A_240 = scf.for %scan3A_490 = %scan3A_236 to %scan3A_238 step %scan3A_239 iter_args(%scan3A_491 = %scan3A_235) -> (i32)  : i32 {
      %mul3A_492 = arith.constant 16 : i32
      %mul3A_493 = arith.muli %scan3A_490, %mul3A_492 : i32
      %get3A_494 = arith.index_cast %mul3A_493 : i32 to index
      %get3A_495 = tpu.vector_load %arg9[%get3A_494] {strides = array<i32>} : memref<528xi32, #tpu.memory_space<vmem>>, vector<16xi32>,
      %broadcast_in_dim3A_496 = arith.constant true
      %broadcast_in_dim3A_497 = vector.broadcast %broadcast_in_dim3A_496 : i1 to vector<16xi1>
      %masked_cumsum3A_498 = tpu.scan <sum>, %get3A_495 masked %broadcast_in_dim3A_497 : vector<16xi32>, vector<16xi1> -> vector<16xi32>
      %sub3A_499 = arith.subi %masked_cumsum3A_498, %get3A_495 : vector<16xi32>
      %add3A_500 = vector.broadcast %scan3A_491 : i32 to vector<16xi32>
      %add3A_501 = arith.addi %sub3A_499, %add3A_500 : vector<16xi32>
      %mul3A_502 = arith.constant 16 : i32
      %mul3A_503 = arith.muli %scan3A_490, %mul3A_502 : i32
      %swap3A = arith.index_cast %mul3A_503 : i32 to index
      %swap3A_504 = tpu.vector_load %arg10[%swap3A] {strides = array<i32>} : memref<528xi32, #tpu.memory_space<vmem>>, vector<16xi32>,
      tpu.vector_store %arg10[%swap3A], %add3A_501 {strides = array<i32>} : memref<528xi32, #tpu.memory_space<vmem>>, vector<16xi32>,
      %slice3A_505 = vector.extract_strided_slice %masked_cumsum3A_498 {offsets = [15], sizes = [1], strides = [1]} : vector<16xi32> to vector<1xi32>
      %squeeze3A_506 = vector.extract %slice3A_505[0] : i32 from vector<1xi32>
      %add3A_507 = arith.addi %scan3A_491, %squeeze3A_506 : i32
      scf.yield %add3A_507 : i32
    }
    %scan3A_241 = arith.constant 32 : i32
    %lt3A_242 = arith.constant 164 : i32
    %lt3A_243 = arith.cmpi slt, %scan3A_240, %lt3A_242 : i32
    %convert_element_type3A_244 = arith.extui %lt3A_243 : i1 to i32
    %cond3A_245 = arith.constant 0 : i32
    %cond3A_246 = arith.cmpi ne, %convert_element_type3A_244, %cond3A_245 : i32
    scf.if %cond3A_246 {
      %scan3A_490 = arith.constant 0 : i32
      %scan3A_491 = arith.constant 0 : i32
      %scan3A_492 = arith.constant 32 : i32
      %scan3A_493 = arith.addi %scan3A_491, %scan3A_492 : i32
      %scan3A_494 = arith.constant 1 : i32
      %scan3A_495 = scf.for %scan3A_497 = %scan3A_491 to %scan3A_493 step %scan3A_494 iter_args(%scan3A_498 = %scan3A_490) -> (i32)  : i32 {
        %mul3A_499 = arith.constant 16 : i32
        %mul3A_500 = arith.muli %scan3A_497, %mul3A_499 : i32
        %add3A_501 = vector.broadcast %mul3A_500 : i32 to vector<16xi32>
        %add3A_502 = arith.addi %iota3A, %add3A_501 : vector<16xi32>
        %mul3A_503 = arith.constant 16 : i32
        %mul3A_504 = vector.broadcast %mul3A_503 : i32 to vector<16xi32>
        %mul3A_505 = arith.muli %add3A_502, %mul3A_504 : vector<16xi32>
        %mul3A_506 = arith.constant 16 : i32
        %mul3A_507 = arith.muli %scan3A_497, %mul3A_506 : i32
        %swap3A = arith.index_cast %mul3A_507 : i32 to index
        %swap3A_508 = tpu.vector_load %arg10[%swap3A] {strides = array<i32>} : memref<528xi32, #tpu.memory_space<vmem>>, vector<16xi32>,
        tpu.vector_store %arg10[%swap3A], %mul3A_505 {strides = array<i32>} : memref<528xi32, #tpu.memory_space<vmem>>, vector<16xi32>,
        %scan3A_509 = arith.constant 0 : i32
        scf.yield %scan3A_509 : i32
      }
      %scan3A_496 = arith.constant 32 : i32
    } else {
    }
    %jit3A_247 = arith.constant 8192 : i32
    %select_n3A_248 = arith.select %lt3A_243, %jit3A_247, %scan3A_240 : i32
    %jit3A_249 = arith.constant -3.000000e+38 : f32
    %jit3A_250 = arith.constant 1.700000e+00 : f32
    %select_n3A_251 = arith.select %lt3A_243, %jit3A_249, %jit3A_250 : f32
    %parallel_loop3A_252 = arith.constant 0 : i32
    %parallel_loop3A_253 = arith.constant 512 : i32
    %parallel_loop3A_254 = arith.constant 1 : i32
    scf.for %parallel_loop3A_490 = %parallel_loop3A_252 to %parallel_loop3A_253 step %parallel_loop3A_254  : i32 {
      %parallel_loop3A_491 = arith.index_cast %parallel_loop3A_490 : i32 to index
      %parallel_loop3A_492 = tpu.vector_load %arg10[%parallel_loop3A_491] {strides = array<i32>} : memref<528xi32, #tpu.memory_space<vmem>>, vector<16xi32>,
      %parallel_loop3A_493 = vector.extract_strided_slice %parallel_loop3A_492 {offsets = [0], sizes = [1], strides = [1]} : vector<16xi32> to vector<1xi32>
      %parallel_loop3A_494 = vector.extract %parallel_loop3A_493[0] : i32 from vector<1xi32>
      %parallel_loop3A_495 = arith.constant 16 : i32
      %parallel_loop3A_496 = arith.muli %parallel_loop3A_490, %parallel_loop3A_495 : i32
      %parallel_loop3A_497 = arith.index_cast %parallel_loop3A_496 : i32 to index
      %parallel_loop3A_498 = tpu.vector_load %arg7[%parallel_loop3A_497] {strides = array<i32>} : memref<8192xf32, #tpu.memory_space<vmem>>, vector<16xf32>,
      %parallel_loop3A_499 = vector.broadcast %select_n3A_251 : f32 to vector<16xf32>
      %parallel_loop3A_500 = arith.cmpf oge, %parallel_loop3A_498, %parallel_loop3A_499 : vector<16xf32>
      %parallel_loop3A_501 = arith.index_cast %parallel_loop3A_494 : i32 to index
      %parallel_loop3A_502 = tpu.vector_load %arg11[%parallel_loop3A_501] masked %parallel_loop3A_500 {strides = array<i32>} : memref<8208xf32, #tpu.memory_space<vmem>>, vector<16xf32>, vector<16xi1>
      tpu.vector_store %arg11[%parallel_loop3A_501], %parallel_loop3A_498 masked %parallel_loop3A_500 {strides = array<i32>} : memref<8208xf32, #tpu.memory_space<vmem>>, vector<16xf32>, vector<16xi1>
    } {sc.loop_unroll_factor = 4 : i64, sc.parallel_access}
    %add3A_255 = arith.constant 15 : i32
    %add3A_256 = arith.addi %select_n3A_248, %add3A_255 : i32
    %shift_right_arithmetic3A_257 = arith.constant 4 : i32
    %shift_right_arithmetic3A_258 = arith.shrsi %add3A_256, %shift_right_arithmetic3A_257 : i32
    %scan3A_259 = arith.constant 0 : i32
    %scan3A_260 = arith.constant 0 : i32
    %scan3A_261 = arith.constant 8 : i32
    %scan3A_262 = arith.addi %scan3A_260, %scan3A_261 : i32
    %scan3A_263 = arith.constant 1 : i32
    %scan3A_264 = scf.for %scan3A_490 = %scan3A_260 to %scan3A_262 step %scan3A_263 iter_args(%scan3A_491 = %scan3A_259) -> (i32)  : i32 {
      %broadcast_in_dim3A_492 = arith.constant 0 : i32
      %broadcast_in_dim3A_493 = vector.broadcast %broadcast_in_dim3A_492 : i32 to vector<16xi32>
      %mul3A_494 = arith.constant 64 : i32
      %mul3A_495 = arith.muli %scan3A_490, %mul3A_494 : i32
      %add3A_496 = arith.constant 0 : i32
      %add3A_497 = arith.addi %mul3A_495, %add3A_496 : i32
      %swap3A = arith.index_cast %add3A_497 : i32 to index
      %swap3A_498 = tpu.vector_load %arg8[%swap3A] {strides = array<i32>} : memref<512xi32, #tpu.memory_space<vmem>>, vector<16xi32>,
      tpu.vector_store %arg8[%swap3A], %broadcast_in_dim3A_493 {strides = array<i32>} : memref<512xi32, #tpu.memory_space<vmem>>, vector<16xi32>,
      %broadcast_in_dim3A_499 = arith.constant 0 : i32
      %broadcast_in_dim3A_500 = vector.broadcast %broadcast_in_dim3A_499 : i32 to vector<16xi32>
      %mul3A_501 = arith.constant 64 : i32
      %mul3A_502 = arith.muli %scan3A_490, %mul3A_501 : i32
      %add3A_503 = arith.constant 16 : i32
      %add3A_504 = arith.addi %mul3A_502, %add3A_503 : i32
      %swap3A_505 = arith.index_cast %add3A_504 : i32 to index
      %swap3A_506 = tpu.vector_load %arg8[%swap3A_505] {strides = array<i32>} : memref<512xi32, #tpu.memory_space<vmem>>, vector<16xi32>,
      tpu.vector_store %arg8[%swap3A_505], %broadcast_in_dim3A_500 {strides = array<i32>} : memref<512xi32, #tpu.memory_space<vmem>>, vector<16xi32>,
      %broadcast_in_dim3A_507 = arith.constant 0 : i32
      %broadcast_in_dim3A_508 = vector.broadcast %broadcast_in_dim3A_507 : i32 to vector<16xi32>
      %mul3A_509 = arith.constant 64 : i32
      %mul3A_510 = arith.muli %scan3A_490, %mul3A_509 : i32
      %add3A_511 = arith.constant 32 : i32
      %add3A_512 = arith.addi %mul3A_510, %add3A_511 : i32
      %swap3A_513 = arith.index_cast %add3A_512 : i32 to index
      %swap3A_514 = tpu.vector_load %arg8[%swap3A_513] {strides = array<i32>} : memref<512xi32, #tpu.memory_space<vmem>>, vector<16xi32>,
      tpu.vector_store %arg8[%swap3A_513], %broadcast_in_dim3A_508 {strides = array<i32>} : memref<512xi32, #tpu.memory_space<vmem>>, vector<16xi32>,
      %broadcast_in_dim3A_515 = arith.constant 0 : i32
      %broadcast_in_dim3A_516 = vector.broadcast %broadcast_in_dim3A_515 : i32 to vector<16xi32>
      %mul3A_517 = arith.constant 64 : i32
      %mul3A_518 = arith.muli %scan3A_490, %mul3A_517 : i32
      %add3A_519 = arith.constant 48 : i32
      %add3A_520 = arith.addi %mul3A_518, %add3A_519 : i32
      %swap3A_521 = arith.index_cast %add3A_520 : i32 to index
      %swap3A_522 = tpu.vector_load %arg8[%swap3A_521] {strides = array<i32>} : memref<512xi32, #tpu.memory_space<vmem>>, vector<16xi32>,
      tpu.vector_store %arg8[%swap3A_521], %broadcast_in_dim3A_516 {strides = array<i32>} : memref<512xi32, #tpu.memory_space<vmem>>, vector<16xi32>,
      %scan3A_523 = arith.constant 0 : i32
      scf.yield %scan3A_523 : i32
    }
    %scan3A_265 = arith.constant 8 : i32
    %broadcast_in_dim3A_266 = arith.constant 1 : i32
    %broadcast_in_dim3A_267 = vector.broadcast %broadcast_in_dim3A_266 : i32 to vector<16xi32>
    %parallel_loop3A_268 = arith.constant 0 : i32
    %parallel_loop3A_269 = arith.constant 1 : i32
    scf.for %parallel_loop3A_490 = %parallel_loop3A_268 to %shift_right_arithmetic3A_258 step %parallel_loop3A_269  : i32 {
      %parallel_loop3A_491 = arith.constant 16 : i32
      %parallel_loop3A_492 = arith.muli %parallel_loop3A_490, %parallel_loop3A_491 : i32
      %parallel_loop3A_493 = arith.index_cast %parallel_loop3A_492 : i32 to index
      %parallel_loop3A_494 = tpu.vector_load %arg11[%parallel_loop3A_493] {strides = array<i32>} : memref<8208xf32, #tpu.memory_space<vmem>>, vector<16xf32>,
      %parallel_loop3A_495 = arith.constant 16 : i32
      %parallel_loop3A_496 = arith.muli %parallel_loop3A_490, %parallel_loop3A_495 : i32
      %parallel_loop3A_497 = arith.subi %select_n3A_248, %parallel_loop3A_496 : i32
      %parallel_loop3A_498 = vector.broadcast %parallel_loop3A_497 : i32 to vector<16xi32>
      %parallel_loop3A_499 = arith.cmpi slt, %iota3A, %parallel_loop3A_498 : vector<16xi32>
      %parallel_loop3A_500 = arith.constant 1.500000e+00 : f32
      %parallel_loop3A_501 = vector.broadcast %parallel_loop3A_500 : f32 to vector<16xf32>
      %parallel_loop3A_502 = arith.subf %parallel_loop3A_494, %parallel_loop3A_501 : vector<16xf32>
      %parallel_loop3A_503 = arith.constant 2.000000e+02 : f32
      %parallel_loop3A_504 = vector.broadcast %parallel_loop3A_503 : f32 to vector<16xf32>
      %parallel_loop3A_505 = arith.mulf %parallel_loop3A_502, %parallel_loop3A_504 : vector<16xf32>
      %parallel_loop3A_506 = arith.fptosi %parallel_loop3A_505 : vector<16xf32> to vector<16xi32>
      %parallel_loop3A_507 = arith.constant 0 : i32
      %parallel_loop3A_508 = vector.broadcast %parallel_loop3A_507 : i32 to vector<16xi32>
      %parallel_loop3A_509 = arith.maxsi %parallel_loop3A_506, %parallel_loop3A_508 : vector<16xi32>
      %parallel_loop3A_510 = arith.constant 511 : i32
      %parallel_loop3A_511 = vector.broadcast %parallel_loop3A_510 : i32 to vector<16xi32>
      %parallel_loop3A_512 = arith.minsi %parallel_loop3A_509, %parallel_loop3A_511 : vector<16xi32>
      tpu.vector_store_idx %arg8[%parallel_loop3A_512], %broadcast_in_dim3A_267 masked %parallel_loop3A_499 {add = true} : memref<512xi32, #tpu.memory_space<vmem>>[vector<16xi32>], vector<16xi32>, vector<16xi1>
    } {sc.loop_unroll_factor = 4 : i64, sc.parallel_access}
    %parallel_loop3A_270 = arith.constant 0 : i32
    %parallel_loop3A_271 = arith.constant 32 : i32
    %parallel_loop3A_272 = arith.constant 1 : i32
    scf.for %parallel_loop3A_490 = %parallel_loop3A_270 to %parallel_loop3A_271 step %parallel_loop3A_272  : i32 {
      %parallel_loop3A_491 = arith.constant 16 : i32
      %parallel_loop3A_492 = arith.muli %parallel_loop3A_490, %parallel_loop3A_491 : i32
      %parallel_loop3A_493 = arith.index_cast %parallel_loop3A_492 : i32 to index
      %parallel_loop3A_494 = tpu.vector_load %arg8[%parallel_loop3A_493] {strides = array<i32>} : memref<512xi32, #tpu.memory_space<vmem>>, vector<16xi32>,
      %parallel_loop3A_495 = arith.constant true
      %parallel_loop3A_496 = vector.broadcast %parallel_loop3A_495 : i1 to vector<16xi1>
      %parallel_loop3A_497 = tpu.scan <sum>, %parallel_loop3A_494 masked %parallel_loop3A_496 : vector<16xi32>, vector<16xi1> -> vector<16xi32>
      %parallel_loop3A_498 = vector.extract %parallel_loop3A_497[15] : i32 from vector<16xi32>
      %parallel_loop3A_499 = vector.broadcast %parallel_loop3A_498 : i32 to vector<16xi32>
      %parallel_loop3A_500 = arith.index_cast %parallel_loop3A_490 : i32 to index
      %parallel_loop3A_501 = tpu.vector_load %arg9[%parallel_loop3A_500] masked %eq3A_7 {strides = array<i32>} : memref<528xi32, #tpu.memory_space<vmem>>, vector<16xi32>, vector<16xi1>
      tpu.vector_store %arg9[%parallel_loop3A_500], %parallel_loop3A_499 masked %eq3A_7 {strides = array<i32>} : memref<528xi32, #tpu.memory_space<vmem>>, vector<16xi32>, vector<16xi1>
    } {sc.loop_unroll_factor = 4 : i64, sc.parallel_access}
    %get3A_273 = arith.constant 16 : index
    %get3A_274 = tpu.vector_load %arg9[%get3A_273] {strides = array<i32>} : memref<528xi32, #tpu.memory_space<vmem>>, vector<16xi32>,
    %get3A_275 = arith.constant 0 : index
    %get3A_276 = tpu.vector_load %arg9[%get3A_275] {strides = array<i32>} : memref<528xi32, #tpu.memory_space<vmem>>, vector<16xi32>,
    %rev3A_277 = arith.constant 15 : i32
    %rev3A_278 = vector.broadcast %rev3A_277 : i32 to vector<16xi32>
    %rev3A_279 = tpu.iota {dimensions = array<i32: 0>} : vector<16xi32>
    %rev3A_280 = arith.subi %rev3A_278, %rev3A_279 : vector<16xi32>
    %rev3A_281 = tpu.dynamic_gather %get3A_274[%rev3A_280] in [0] : vector<16xi32>, vector<16xi32> -> vector<16xi32>
    %broadcast_in_dim3A_282 = arith.constant true
    %broadcast_in_dim3A_283 = vector.broadcast %broadcast_in_dim3A_282 : i1 to vector<16xi1>
    %masked_cumsum3A_284 = tpu.scan <sum>, %rev3A_281 masked %broadcast_in_dim3A_283 : vector<16xi32>, vector<16xi1> -> vector<16xi32>
    %rev3A_285 = arith.constant 15 : i32
    %rev3A_286 = vector.broadcast %rev3A_285 : i32 to vector<16xi32>
    %rev3A_287 = tpu.iota {dimensions = array<i32: 0>} : vector<16xi32>
    %rev3A_288 = arith.subi %rev3A_286, %rev3A_287 : vector<16xi32>
    %rev3A_289 = tpu.dynamic_gather %masked_cumsum3A_284[%rev3A_288] in [0] : vector<16xi32>, vector<16xi32> -> vector<16xi32>
    %slice3A_290 = vector.extract_strided_slice %rev3A_289 {offsets = [0], sizes = [1], strides = [1]} : vector<16xi32> to vector<1xi32>
    %squeeze3A_291 = vector.extract %slice3A_290[0] : i32 from vector<1xi32>
    %rev3A_292 = arith.constant 15 : i32
    %rev3A_293 = vector.broadcast %rev3A_292 : i32 to vector<16xi32>
    %rev3A_294 = tpu.iota {dimensions = array<i32: 0>} : vector<16xi32>
    %rev3A_295 = arith.subi %rev3A_293, %rev3A_294 : vector<16xi32>
    %rev3A_296 = tpu.dynamic_gather %get3A_276[%rev3A_295] in [0] : vector<16xi32>, vector<16xi32> -> vector<16xi32>
    %broadcast_in_dim3A_297 = arith.constant true
    %broadcast_in_dim3A_298 = vector.broadcast %broadcast_in_dim3A_297 : i1 to vector<16xi1>
    %masked_cumsum3A_299 = tpu.scan <sum>, %rev3A_296 masked %broadcast_in_dim3A_298 : vector<16xi32>, vector<16xi1> -> vector<16xi32>
    %rev3A_300 = arith.constant 15 : i32
    %rev3A_301 = vector.broadcast %rev3A_300 : i32 to vector<16xi32>
    %rev3A_302 = tpu.iota {dimensions = array<i32: 0>} : vector<16xi32>
    %rev3A_303 = arith.subi %rev3A_301, %rev3A_302 : vector<16xi32>
    %rev3A_304 = tpu.dynamic_gather %masked_cumsum3A_299[%rev3A_303] in [0] : vector<16xi32>, vector<16xi32> -> vector<16xi32>
    %add3A_305 = vector.broadcast %squeeze3A_291 : i32 to vector<16xi32>
    %add3A_306 = arith.addi %rev3A_304, %add3A_305 : vector<16xi32>
    %ge3A_307 = arith.constant 164 : i32
    %ge3A_308 = vector.broadcast %ge3A_307 : i32 to vector<16xi32>
    %ge3A_309 = arith.cmpi sge, %rev3A_289, %ge3A_308 : vector<16xi32>
    %all_reduce_population_count3A_310 = tpu.all_reduce %ge3A_309 {dim = 0 : i64, kind = #tpu.reduction_kind<sum>} : vector<16xi1> -> vector<16xi32>
    %slice3A_311 = vector.extract_strided_slice %all_reduce_population_count3A_310 {offsets = [0], sizes = [1], strides = [1]} : vector<16xi32> to vector<1xi32>
    %squeeze3A_312 = vector.extract %slice3A_311[0] : i32 from vector<1xi32>
    %ge3A_313 = arith.constant 164 : i32
    %ge3A_314 = vector.broadcast %ge3A_313 : i32 to vector<16xi32>
    %ge3A_315 = arith.cmpi sge, %add3A_306, %ge3A_314 : vector<16xi32>
    %all_reduce_population_count3A_316 = tpu.all_reduce %ge3A_315 {dim = 0 : i64, kind = #tpu.reduction_kind<sum>} : vector<16xi1> -> vector<16xi32>
    %slice3A_317 = vector.extract_strided_slice %all_reduce_population_count3A_316 {offsets = [0], sizes = [1], strides = [1]} : vector<16xi32> to vector<1xi32>
    %squeeze3A_318 = vector.extract %slice3A_317[0] : i32 from vector<1xi32>
    %add3A_319 = arith.addi %squeeze3A_318, %squeeze3A_312 : i32
    %sub3A_320 = arith.constant 1 : i32
    %sub3A_321 = arith.subi %add3A_319, %sub3A_320 : i32
    %gt3A_322 = vector.broadcast %sub3A_321 : i32 to vector<16xi32>
    %gt3A_323 = arith.cmpi sgt, %iota3A, %gt3A_322 : vector<16xi32>
    %jit3A_324 = arith.constant 0 : i32
    %broadcast_in_dim3A_325 = vector.broadcast %jit3A_324 : i32 to vector<16xi32>
    %select_n3A_326 = arith.select %gt3A_323, %get3A_276, %broadcast_in_dim3A_325 : vector<16xi1>, vector<16xi32>
    %reduce_sum3A_327 = arith.constant true
    %reduce_sum3A_328 = vector.broadcast %reduce_sum3A_327 : i1 to vector<16xi1>
    %reduce_sum3A_329 = tpu.scan <sum>, %select_n3A_326 masked %reduce_sum3A_328 : vector<16xi32>, vector<16xi1> -> vector<16xi32>
    %reduce_sum3A_330 = vector.extract %reduce_sum3A_329[15] : i32 from vector<16xi32>
    %add3A_331 = arith.constant 16 : i32
    %add3A_332 = vector.broadcast %add3A_331 : i32 to vector<16xi32>
    %add3A_333 = arith.addi %iota3A, %add3A_332 : vector<16xi32>
    %gt3A_334 = vector.broadcast %sub3A_321 : i32 to vector<16xi32>
    %gt3A_335 = arith.cmpi sgt, %add3A_333, %gt3A_334 : vector<16xi32>
    %jit3A_336 = arith.constant 0 : i32
    %broadcast_in_dim3A_337 = vector.broadcast %jit3A_336 : i32 to vector<16xi32>
    %select_n3A_338 = arith.select %gt3A_335, %get3A_274, %broadcast_in_dim3A_337 : vector<16xi1>, vector<16xi32>
    %reduce_sum3A_339 = arith.constant true
    %reduce_sum3A_340 = vector.broadcast %reduce_sum3A_339 : i1 to vector<16xi1>
    %reduce_sum3A_341 = tpu.scan <sum>, %select_n3A_338 masked %reduce_sum3A_340 : vector<16xi32>, vector<16xi1> -> vector<16xi32>
    %reduce_sum3A_342 = vector.extract %reduce_sum3A_341[15] : i32 from vector<16xi32>
    %add3A_343 = arith.addi %reduce_sum3A_330, %reduce_sum3A_342 : i32
    %mul3A_344 = arith.constant 16 : i32
    %mul3A_345 = arith.muli %sub3A_321, %mul3A_344 : i32
    %get3A_346 = arith.index_cast %mul3A_345 : i32 to index
    %get3A_347 = tpu.vector_load %arg8[%get3A_346] {strides = array<i32>} : memref<512xi32, #tpu.memory_space<vmem>>, vector<16xi32>,
    %rev3A_348 = arith.constant 15 : i32
    %rev3A_349 = vector.broadcast %rev3A_348 : i32 to vector<16xi32>
    %rev3A_350 = tpu.iota {dimensions = array<i32: 0>} : vector<16xi32>
    %rev3A_351 = arith.subi %rev3A_349, %rev3A_350 : vector<16xi32>
    %rev3A_352 = tpu.dynamic_gather %get3A_347[%rev3A_351] in [0] : vector<16xi32>, vector<16xi32> -> vector<16xi32>
    %broadcast_in_dim3A_353 = arith.constant true
    %broadcast_in_dim3A_354 = vector.broadcast %broadcast_in_dim3A_353 : i1 to vector<16xi1>
    %masked_cumsum3A_355 = tpu.scan <sum>, %rev3A_352 masked %broadcast_in_dim3A_354 : vector<16xi32>, vector<16xi1> -> vector<16xi32>
    %rev3A_356 = arith.constant 15 : i32
    %rev3A_357 = vector.broadcast %rev3A_356 : i32 to vector<16xi32>
    %rev3A_358 = tpu.iota {dimensions = array<i32: 0>} : vector<16xi32>
    %rev3A_359 = arith.subi %rev3A_357, %rev3A_358 : vector<16xi32>
    %rev3A_360 = tpu.dynamic_gather %masked_cumsum3A_355[%rev3A_359] in [0] : vector<16xi32>, vector<16xi32> -> vector<16xi32>
    %add3A_361 = vector.broadcast %add3A_343 : i32 to vector<16xi32>
    %add3A_362 = arith.addi %rev3A_360, %add3A_361 : vector<16xi32>
    %ge3A_363 = arith.constant 164 : i32
    %ge3A_364 = vector.broadcast %ge3A_363 : i32 to vector<16xi32>
    %ge3A_365 = arith.cmpi sge, %add3A_362, %ge3A_364 : vector<16xi32>
    %all_reduce_population_count3A_366 = tpu.all_reduce %ge3A_365 {dim = 0 : i64, kind = #tpu.reduction_kind<sum>} : vector<16xi1> -> vector<16xi32>
    %slice3A_367 = vector.extract_strided_slice %all_reduce_population_count3A_366 {offsets = [0], sizes = [1], strides = [1]} : vector<16xi32> to vector<1xi32>
    %squeeze3A_368 = vector.extract %slice3A_367[0] : i32 from vector<1xi32>
    %sub3A_369 = arith.constant 1 : i32
    %sub3A_370 = arith.subi %squeeze3A_368, %sub3A_369 : i32
    %mul3A_371 = arith.constant 16 : i32
    %mul3A_372 = arith.muli %sub3A_321, %mul3A_371 : i32
    %add3A_373 = arith.addi %mul3A_372, %sub3A_370 : i32
    %gt3A_374 = vector.broadcast %sub3A_370 : i32 to vector<16xi32>
    %gt3A_375 = arith.cmpi sgt, %iota3A, %gt3A_374 : vector<16xi32>
    %jit3A_376 = arith.constant 0 : i32
    %broadcast_in_dim3A_377 = vector.broadcast %jit3A_376 : i32 to vector<16xi32>
    %select_n3A_378 = arith.select %gt3A_375, %get3A_347, %broadcast_in_dim3A_377 : vector<16xi1>, vector<16xi32>
    %reduce_sum3A_379 = arith.constant true
    %reduce_sum3A_380 = vector.broadcast %reduce_sum3A_379 : i1 to vector<16xi1>
    %reduce_sum3A_381 = tpu.scan <sum>, %select_n3A_378 masked %reduce_sum3A_380 : vector<16xi32>, vector<16xi1> -> vector<16xi32>
    %reduce_sum3A_382 = vector.extract %reduce_sum3A_381[15] : i32 from vector<16xi32>
    %add3A_383 = arith.addi %add3A_343, %reduce_sum3A_382 : i32
    %sub3A_384 = arith.constant 164 : i32
    %sub3A_385 = arith.subi %sub3A_384, %add3A_383 : i32
    %parallel_loop3A_386 = arith.constant 0 : i32
    %parallel_loop3A_387 = arith.constant 1 : i32
    scf.for %parallel_loop3A_490 = %parallel_loop3A_386 to %shift_right_arithmetic3A_258 step %parallel_loop3A_387  : i32 {
      %parallel_loop3A_491 = arith.constant 16 : i32
      %parallel_loop3A_492 = arith.muli %parallel_loop3A_490, %parallel_loop3A_491 : i32
      %parallel_loop3A_493 = arith.index_cast %parallel_loop3A_492 : i32 to index
      %parallel_loop3A_494 = tpu.vector_load %arg11[%parallel_loop3A_493] {strides = array<i32>} : memref<8208xf32, #tpu.memory_space<vmem>>, vector<16xf32>,
      %parallel_loop3A_495 = arith.constant 16 : i32
      %parallel_loop3A_496 = arith.muli %parallel_loop3A_490, %parallel_loop3A_495 : i32
      %parallel_loop3A_497 = arith.subi %select_n3A_248, %parallel_loop3A_496 : i32
      %parallel_loop3A_498 = vector.broadcast %parallel_loop3A_497 : i32 to vector<16xi32>
      %parallel_loop3A_499 = arith.cmpi slt, %iota3A, %parallel_loop3A_498 : vector<16xi32>
      %parallel_loop3A_500 = arith.constant 1.500000e+00 : f32
      %parallel_loop3A_501 = vector.broadcast %parallel_loop3A_500 : f32 to vector<16xf32>
      %parallel_loop3A_502 = arith.subf %parallel_loop3A_494, %parallel_loop3A_501 : vector<16xf32>
      %parallel_loop3A_503 = arith.constant 2.000000e+02 : f32
      %parallel_loop3A_504 = vector.broadcast %parallel_loop3A_503 : f32 to vector<16xf32>
      %parallel_loop3A_505 = arith.mulf %parallel_loop3A_502, %parallel_loop3A_504 : vector<16xf32>
      %parallel_loop3A_506 = arith.fptosi %parallel_loop3A_505 : vector<16xf32> to vector<16xi32>
      %parallel_loop3A_507 = arith.constant 0 : i32
      %parallel_loop3A_508 = vector.broadcast %parallel_loop3A_507 : i32 to vector<16xi32>
      %parallel_loop3A_509 = arith.maxsi %parallel_loop3A_506, %parallel_loop3A_508 : vector<16xi32>
      %parallel_loop3A_510 = arith.constant 511 : i32
      %parallel_loop3A_511 = vector.broadcast %parallel_loop3A_510 : i32 to vector<16xi32>
      %parallel_loop3A_512 = arith.minsi %parallel_loop3A_509, %parallel_loop3A_511 : vector<16xi32>
      %parallel_loop3A_513 = vector.broadcast %add3A_373 : i32 to vector<16xi32>
      %parallel_loop3A_514 = arith.cmpi eq, %parallel_loop3A_512, %parallel_loop3A_513 : vector<16xi32>
      %parallel_loop3A_515 = arith.andi %parallel_loop3A_514, %parallel_loop3A_499 : vector<16xi1>
      %parallel_loop3A_516 = tpu.all_reduce %parallel_loop3A_515 {dim = 0 : i64, kind = #tpu.reduction_kind<sum>} : vector<16xi1> -> vector<16xi32>
      %parallel_loop3A_517 = arith.index_cast %parallel_loop3A_490 : i32 to index
      %parallel_loop3A_518 = tpu.vector_load %arg9[%parallel_loop3A_517] masked %eq3A_7 {strides = array<i32>} : memref<528xi32, #tpu.memory_space<vmem>>, vector<16xi32>, vector<16xi1>
      tpu.vector_store %arg9[%parallel_loop3A_517], %parallel_loop3A_516 masked %eq3A_7 {strides = array<i32>} : memref<528xi32, #tpu.memory_space<vmem>>, vector<16xi32>, vector<16xi1>
    } {sc.loop_unroll_factor = 4 : i64, sc.parallel_access}
    %add3A_388 = arith.constant 15 : i32
    %add3A_389 = arith.addi %shift_right_arithmetic3A_258, %add3A_388 : i32
    %shift_right_arithmetic3A_390 = arith.constant 4 : i32
    %shift_right_arithmetic3A_391 = arith.shrsi %add3A_389, %shift_right_arithmetic3A_390 : i32
    %while3A_392 = arith.constant 0 : i32
    %while3A_393 = arith.constant 0 : i32
    %while3A_394 = arith.subi %shift_right_arithmetic3A_391, %while3A_392 : i32
    %while3A_395 = arith.addi %while3A_392, %while3A_394 : i32
    %while3A_396 = arith.constant 1 : i32
    %while3A_397 = arith.divsi %while3A_394, %while3A_396 : i32
    %while3A_398 = arith.muli %while3A_397, %while3A_396 : i32
    %while3A_399 = arith.addi %while3A_392, %while3A_398 : i32
    %while3A_400 = arith.constant 1 : i32
    %while3A_401 = scf.for %while3A_490 = %while3A_392 to %while3A_399 step %while3A_400 iter_args(%while3A_491 = %while3A_393) -> (i32)  : i32 {
      %mul3A_492 = arith.constant 16 : i32
      %mul3A_493 = arith.muli %while3A_490, %mul3A_492 : i32
      %get3A_494 = arith.index_cast %mul3A_493 : i32 to index
      %get3A_495 = tpu.vector_load %arg9[%get3A_494] {strides = array<i32>} : memref<528xi32, #tpu.memory_space<vmem>>, vector<16xi32>,
      %mul3A_496 = arith.constant 16 : i32
      %mul3A_497 = arith.muli %while3A_490, %mul3A_496 : i32
      %add3A_498 = vector.broadcast %mul3A_497 : i32 to vector<16xi32>
      %add3A_499 = arith.addi %iota3A, %add3A_498 : vector<16xi32>
      %lt3A_500 = vector.broadcast %shift_right_arithmetic3A_258 : i32 to vector<16xi32>
      %lt3A_501 = arith.cmpi slt, %add3A_499, %lt3A_500 : vector<16xi32>
      %jit3A_502 = arith.constant 0 : i32
      %broadcast_in_dim3A_503 = vector.broadcast %jit3A_502 : i32 to vector<16xi32>
      %select_n3A_504 = arith.select %lt3A_501, %get3A_495, %broadcast_in_dim3A_503 : vector<16xi1>, vector<16xi32>
      %broadcast_in_dim3A_505 = arith.constant true
      %broadcast_in_dim3A_506 = vector.broadcast %broadcast_in_dim3A_505 : i1 to vector<16xi1>
      %masked_cumsum3A_507 = tpu.scan <sum>, %select_n3A_504 masked %broadcast_in_dim3A_506 : vector<16xi32>, vector<16xi1> -> vector<16xi32>
      %sub3A_508 = arith.subi %masked_cumsum3A_507, %select_n3A_504 : vector<16xi32>
      %add3A_509 = vector.broadcast %while3A_491 : i32 to vector<16xi32>
      %add3A_510 = arith.addi %sub3A_508, %add3A_509 : vector<16xi32>
      %mul3A_511 = arith.constant 16 : i32
      %mul3A_512 = arith.muli %while3A_490, %mul3A_511 : i32
      %swap3A = arith.index_cast %mul3A_512 : i32 to index
      %swap3A_513 = tpu.vector_load %arg10[%swap3A] {strides = array<i32>} : memref<528xi32, #tpu.memory_space<vmem>>, vector<16xi32>,
      tpu.vector_store %arg10[%swap3A], %add3A_510 {strides = array<i32>} : memref<528xi32, #tpu.memory_space<vmem>>, vector<16xi32>,
      %slice3A_514 = vector.extract_strided_slice %masked_cumsum3A_507 {offsets = [15], sizes = [1], strides = [1]} : vector<16xi32> to vector<1xi32>
      %squeeze3A_515 = vector.extract %slice3A_514[0] : i32 from vector<1xi32>
      %add3A_516 = arith.addi %while3A_491, %squeeze3A_515 : i32
      scf.yield %add3A_516 : i32
    }
    %while3A_402 = arith.constant 1 : i32
    %while3A_403 = scf.for %while3A_490 = %while3A_399 to %while3A_395 step %while3A_402 iter_args(%while3A_491 = %while3A_401) -> (i32)  : i32 {
      %mul3A_492 = arith.constant 16 : i32
      %mul3A_493 = arith.muli %while3A_490, %mul3A_492 : i32
      %get3A_494 = arith.index_cast %mul3A_493 : i32 to index
      %get3A_495 = tpu.vector_load %arg9[%get3A_494] {strides = array<i32>} : memref<528xi32, #tpu.memory_space<vmem>>, vector<16xi32>,
      %mul3A_496 = arith.constant 16 : i32
      %mul3A_497 = arith.muli %while3A_490, %mul3A_496 : i32
      %add3A_498 = vector.broadcast %mul3A_497 : i32 to vector<16xi32>
      %add3A_499 = arith.addi %iota3A, %add3A_498 : vector<16xi32>
      %lt3A_500 = vector.broadcast %shift_right_arithmetic3A_258 : i32 to vector<16xi32>
      %lt3A_501 = arith.cmpi slt, %add3A_499, %lt3A_500 : vector<16xi32>
      %jit3A_502 = arith.constant 0 : i32
      %broadcast_in_dim3A_503 = vector.broadcast %jit3A_502 : i32 to vector<16xi32>
      %select_n3A_504 = arith.select %lt3A_501, %get3A_495, %broadcast_in_dim3A_503 : vector<16xi1>, vector<16xi32>
      %broadcast_in_dim3A_505 = arith.constant true
      %broadcast_in_dim3A_506 = vector.broadcast %broadcast_in_dim3A_505 : i1 to vector<16xi1>
      %masked_cumsum3A_507 = tpu.scan <sum>, %select_n3A_504 masked %broadcast_in_dim3A_506 : vector<16xi32>, vector<16xi1> -> vector<16xi32>
      %sub3A_508 = arith.subi %masked_cumsum3A_507, %select_n3A_504 : vector<16xi32>
      %add3A_509 = vector.broadcast %while3A_491 : i32 to vector<16xi32>
      %add3A_510 = arith.addi %sub3A_508, %add3A_509 : vector<16xi32>
      %mul3A_511 = arith.constant 16 : i32
      %mul3A_512 = arith.muli %while3A_490, %mul3A_511 : i32
      %swap3A = arith.index_cast %mul3A_512 : i32 to index
      %swap3A_513 = tpu.vector_load %arg10[%swap3A] {strides = array<i32>} : memref<528xi32, #tpu.memory_space<vmem>>, vector<16xi32>,
      tpu.vector_store %arg10[%swap3A], %add3A_510 {strides = array<i32>} : memref<528xi32, #tpu.memory_space<vmem>>, vector<16xi32>,
      %slice3A_514 = vector.extract_strided_slice %masked_cumsum3A_507 {offsets = [15], sizes = [1], strides = [1]} : vector<16xi32> to vector<1xi32>
      %squeeze3A_515 = vector.extract %slice3A_514[0] : i32 from vector<1xi32>
      %add3A_516 = arith.addi %while3A_491, %squeeze3A_515 : i32
      scf.yield %add3A_516 : i32
    }
    %parallel_loop3A_404 = arith.constant 0 : i32
    %parallel_loop3A_405 = arith.constant 1 : i32
    scf.for %parallel_loop3A_490 = %parallel_loop3A_404 to %shift_right_arithmetic3A_258 step %parallel_loop3A_405  : i32 {
      %parallel_loop3A_491 = arith.index_cast %parallel_loop3A_490 : i32 to index
      %parallel_loop3A_492 = tpu.vector_load %arg10[%parallel_loop3A_491] {strides = array<i32>} : memref<528xi32, #tpu.memory_space<vmem>>, vector<16xi32>,
      %parallel_loop3A_493 = vector.extract_strided_slice %parallel_loop3A_492 {offsets = [0], sizes = [1], strides = [1]} : vector<16xi32> to vector<1xi32>
      %parallel_loop3A_494 = vector.extract %parallel_loop3A_493[0] : i32 from vector<1xi32>
      %parallel_loop3A_495 = arith.constant 16 : i32
      %parallel_loop3A_496 = arith.muli %parallel_loop3A_490, %parallel_loop3A_495 : i32
      %parallel_loop3A_497 = arith.index_cast %parallel_loop3A_496 : i32 to index
      %parallel_loop3A_498 = tpu.vector_load %arg11[%parallel_loop3A_497] {strides = array<i32>} : memref<8208xf32, #tpu.memory_space<vmem>>, vector<16xf32>,
      %parallel_loop3A_499 = arith.constant 16 : i32
      %parallel_loop3A_500 = arith.muli %parallel_loop3A_490, %parallel_loop3A_499 : i32
      %parallel_loop3A_501 = arith.subi %select_n3A_248, %parallel_loop3A_500 : i32
      %parallel_loop3A_502 = vector.broadcast %parallel_loop3A_501 : i32 to vector<16xi32>
      %parallel_loop3A_503 = arith.cmpi slt, %iota3A, %parallel_loop3A_502 : vector<16xi32>
      %parallel_loop3A_504 = arith.constant 1.500000e+00 : f32
      %parallel_loop3A_505 = vector.broadcast %parallel_loop3A_504 : f32 to vector<16xf32>
      %parallel_loop3A_506 = arith.subf %parallel_loop3A_498, %parallel_loop3A_505 : vector<16xf32>
      %parallel_loop3A_507 = arith.constant 2.000000e+02 : f32
      %parallel_loop3A_508 = vector.broadcast %parallel_loop3A_507 : f32 to vector<16xf32>
      %parallel_loop3A_509 = arith.mulf %parallel_loop3A_506, %parallel_loop3A_508 : vector<16xf32>
      %parallel_loop3A_510 = arith.fptosi %parallel_loop3A_509 : vector<16xf32> to vector<16xi32>
      %parallel_loop3A_511 = arith.constant 0 : i32
      %parallel_loop3A_512 = vector.broadcast %parallel_loop3A_511 : i32 to vector<16xi32>
      %parallel_loop3A_513 = arith.maxsi %parallel_loop3A_510, %parallel_loop3A_512 : vector<16xi32>
      %parallel_loop3A_514 = arith.constant 511 : i32
      %parallel_loop3A_515 = vector.broadcast %parallel_loop3A_514 : i32 to vector<16xi32>
      %parallel_loop3A_516 = arith.minsi %parallel_loop3A_513, %parallel_loop3A_515 : vector<16xi32>
      %parallel_loop3A_517 = vector.broadcast %add3A_373 : i32 to vector<16xi32>
      %parallel_loop3A_518 = arith.cmpi eq, %parallel_loop3A_516, %parallel_loop3A_517 : vector<16xi32>
      %parallel_loop3A_519 = arith.andi %parallel_loop3A_518, %parallel_loop3A_503 : vector<16xi1>
      %parallel_loop3A_520 = arith.index_cast %parallel_loop3A_494 : i32 to index
      %parallel_loop3A_521 = tpu.vector_load %arg12[%parallel_loop3A_520] masked %parallel_loop3A_519 {strides = array<i32>} : memref<8208xf32, #tpu.memory_space<vmem>>, vector<16xf32>, vector<16xi1>
      tpu.vector_store %arg12[%parallel_loop3A_520], %parallel_loop3A_498 masked %parallel_loop3A_519 {strides = array<i32>} : memref<8208xf32, #tpu.memory_space<vmem>>, vector<16xf32>, vector<16xi1>
    } {sc.loop_unroll_factor = 4 : i64, sc.parallel_access}
    %add3A_406 = arith.constant 15 : i32
    %add3A_407 = arith.addi %while3A_403, %add3A_406 : i32
    %shift_right_arithmetic3A_408 = arith.constant 4 : i32
    %shift_right_arithmetic3A_409 = arith.shrsi %add3A_407, %shift_right_arithmetic3A_408 : i32
    %le3A_410 = arith.constant 16 : i32
    %le3A_411 = arith.cmpi sle, %while3A_403, %le3A_410 : i32
    %convert_element_type3A_412 = arith.extui %le3A_411 : i1 to i32
    %cond3A_413 = arith.constant 0 : i32
    %cond3A_414 = arith.constant 0 : i32
    %cond3A_415 = arith.cmpi ne, %convert_element_type3A_412, %cond3A_414 : i32
    %cond3A_416 = scf.if %cond3A_415 -> (i32) {
      %get3A_490 = arith.constant 0 : index
      %get3A_491 = tpu.vector_load %arg12[%get3A_490] {strides = array<i32>} : memref<8208xf32, #tpu.memory_space<vmem>>, vector<16xf32>,
      %lt3A_492 = vector.broadcast %while3A_403 : i32 to vector<16xi32>
      %lt3A_493 = arith.cmpi slt, %iota3A, %lt3A_492 : vector<16xi32>
      %bitcast_convert_type3A_494 = tpu.bitcast %get3A_491 : vector<16xf32> -> vector<16xi32>
      %lt3A_495 = arith.constant 0 : i32
      %lt3A_496 = vector.broadcast %lt3A_495 : i32 to vector<16xi32>
      %lt3A_497 = arith.cmpi slt, %bitcast_convert_type3A_494, %lt3A_496 : vector<16xi32>
      %xor3A_498 = arith.constant 2147483647 : i32
      %xor3A_499 = vector.broadcast %xor3A_498 : i32 to vector<16xi32>
      %xor3A_500 = arith.xori %bitcast_convert_type3A_494, %xor3A_499 : vector<16xi32>
      %select_n3A_501 = arith.select %lt3A_497, %xor3A_500, %bitcast_convert_type3A_494 : vector<16xi1>, vector<16xi32>
      %xor3A_502 = arith.constant -2147483648 : i32
      %xor3A_503 = vector.broadcast %xor3A_502 : i32 to vector<16xi32>
      %xor3A_504 = arith.xori %select_n3A_501, %xor3A_503 : vector<16xi32>
      %jit3A_505 = arith.constant 0 : i32
      %broadcast_in_dim3A_506 = vector.broadcast %jit3A_505 : i32 to vector<16xi32>
      %select_n3A_507 = arith.select %lt3A_493, %xor3A_504, %broadcast_in_dim3A_506 : vector<16xi1>, vector<16xi32>
      %sort3A = arith.constant dense<true> : vector<16xi1>
      %sort3A_508, %sort3A_509, %sort3A_510 = tpu.sort %select_n3A_507, %select_n3A_507 masked %sort3A : (vector<16xi32>, vector<16xi32>, vector<16xi1>) -> (vector<16xi1>, vector<16xi32>, vector<16xi32>)
      %swap3A = arith.constant 0 : index
      %swap3A_511 = tpu.vector_load %arg10[%swap3A] {strides = array<i32>} : memref<528xi32, #tpu.memory_space<vmem>>, vector<16xi32>,
      tpu.vector_store %arg10[%swap3A], %sort3A_509 {strides = array<i32>} : memref<528xi32, #tpu.memory_space<vmem>>, vector<16xi32>,
      %sub3A_512 = arith.constant 16 : i32
      %sub3A_513 = arith.subi %sub3A_512, %sub3A_385 : i32
      %get3A_514 = arith.index_cast %sub3A_513 : i32 to index
      %get3A_515 = tpu.vector_load %arg10[%get3A_514] {strides = array<i32>} : memref<528xi32, #tpu.memory_space<vmem>>, vector<16xi32>,
      %slice3A_516 = vector.extract_strided_slice %get3A_515 {offsets = [0], sizes = [1], strides = [1]} : vector<16xi32> to vector<1xi32>
      %squeeze3A_517 = vector.extract %slice3A_516[0] : i32 from vector<1xi32>
      %xor3A_518 = arith.constant -2147483648 : i32
      %xor3A_519 = arith.xori %squeeze3A_517, %xor3A_518 : i32
      scf.yield %xor3A_519 : i32
    } else {
      %scan3A_490 = arith.constant 0 : i32
      %scan3A_491 = arith.constant 0 : i32
      %scan3A_492 = arith.constant 32 : i32
      %scan3A_493 = arith.addi %scan3A_491, %scan3A_492 : i32
      %scan3A_494 = arith.constant 1 : i32
      %scan3A_495 = scf.for %scan3A_499 = %scan3A_491 to %scan3A_493 step %scan3A_494 iter_args(%scan3A_500 = %scan3A_490) -> (i32)  : i32 {
        %sub3A_501 = arith.constant 31 : i32
        %sub3A_502 = arith.subi %sub3A_501, %scan3A_499 : i32
        %shift_left3A = arith.constant 1 : i32
        %shift_left3A_503 = arith.shli %shift_left3A, %sub3A_502 : i32
        %or3A = arith.ori %scan3A_500, %shift_left3A_503 : i32
        %xor3A_504 = arith.constant -2147483648 : i32
        %xor3A_505 = arith.xori %or3A, %xor3A_504 : i32
        %broadcast_in_dim3A_506 = arith.constant 0 : i32
        %broadcast_in_dim3A_507 = vector.broadcast %broadcast_in_dim3A_506 : i32 to vector<16xi32>
        %while3A_508 = arith.constant 0 : i32
        %while3A_509 = arith.subi %shift_right_arithmetic3A_409, %while3A_508 : i32
        %while3A_510 = arith.addi %while3A_508, %while3A_509 : i32
        %while3A_511 = arith.constant 1 : i32
        %while3A_512 = arith.divsi %while3A_509, %while3A_511 : i32
        %while3A_513 = arith.muli %while3A_512, %while3A_511 : i32
        %while3A_514 = arith.addi %while3A_508, %while3A_513 : i32
        %while3A_515 = arith.constant 1 : i32
        %while3A_516 = scf.for %while3A_525 = %while3A_508 to %while3A_514 step %while3A_515 iter_args(%while3A_526 = %broadcast_in_dim3A_507) -> (vector<16xi32>)  : i32 {
          %mul3A_527 = arith.constant 16 : i32
          %mul3A_528 = arith.muli %while3A_525, %mul3A_527 : i32
          %get3A_529 = arith.index_cast %mul3A_528 : i32 to index
          %get3A_530 = tpu.vector_load %arg12[%get3A_529] {strides = array<i32>} : memref<8208xf32, #tpu.memory_space<vmem>>, vector<16xf32>,
          %bitcast_convert_type3A_531 = tpu.bitcast %get3A_530 : vector<16xf32> -> vector<16xi32>
          %lt3A_532 = arith.constant 0 : i32
          %lt3A_533 = vector.broadcast %lt3A_532 : i32 to vector<16xi32>
          %lt3A_534 = arith.cmpi slt, %bitcast_convert_type3A_531, %lt3A_533 : vector<16xi32>
          %xor3A_535 = arith.constant 2147483647 : i32
          %xor3A_536 = vector.broadcast %xor3A_535 : i32 to vector<16xi32>
          %xor3A_537 = arith.xori %bitcast_convert_type3A_531, %xor3A_536 : vector<16xi32>
          %select_n3A_538 = arith.select %lt3A_534, %xor3A_537, %bitcast_convert_type3A_531 : vector<16xi1>, vector<16xi32>
          %mul3A_539 = arith.constant 16 : i32
          %mul3A_540 = arith.muli %while3A_525, %mul3A_539 : i32
          %sub3A_541 = arith.subi %while3A_403, %mul3A_540 : i32
          %lt3A_542 = vector.broadcast %sub3A_541 : i32 to vector<16xi32>
          %lt3A_543 = arith.cmpi slt, %iota3A, %lt3A_542 : vector<16xi32>
          %ge3A_544 = vector.broadcast %xor3A_505 : i32 to vector<16xi32>
          %ge3A_545 = arith.cmpi sge, %select_n3A_538, %ge3A_544 : vector<16xi32>
          %and3A = arith.andi %ge3A_545, %lt3A_543 : vector<16xi1>
          %jit3A_546 = arith.constant 1 : i32
          %jit3A_547 = arith.constant 0 : i32
          %broadcast_in_dim3A_548 = vector.broadcast %jit3A_546 : i32 to vector<16xi32>
          %broadcast_in_dim3A_549 = vector.broadcast %jit3A_547 : i32 to vector<16xi32>
          %select_n3A_550 = arith.select %and3A, %broadcast_in_dim3A_548, %broadcast_in_dim3A_549 : vector<16xi1>, vector<16xi32>
          %add3A_551 = arith.addi %while3A_526, %select_n3A_550 : vector<16xi32>
          scf.yield %add3A_551 : vector<16xi32>
        }
        %while3A_517 = arith.constant 1 : i32
        %while3A_518 = scf.for %while3A_525 = %while3A_514 to %while3A_510 step %while3A_517 iter_args(%while3A_526 = %while3A_516) -> (vector<16xi32>)  : i32 {
          %mul3A_527 = arith.constant 16 : i32
          %mul3A_528 = arith.muli %while3A_525, %mul3A_527 : i32
          %get3A_529 = arith.index_cast %mul3A_528 : i32 to index
          %get3A_530 = tpu.vector_load %arg12[%get3A_529] {strides = array<i32>} : memref<8208xf32, #tpu.memory_space<vmem>>, vector<16xf32>,
          %bitcast_convert_type3A_531 = tpu.bitcast %get3A_530 : vector<16xf32> -> vector<16xi32>
          %lt3A_532 = arith.constant 0 : i32
          %lt3A_533 = vector.broadcast %lt3A_532 : i32 to vector<16xi32>
          %lt3A_534 = arith.cmpi slt, %bitcast_convert_type3A_531, %lt3A_533 : vector<16xi32>
          %xor3A_535 = arith.constant 2147483647 : i32
          %xor3A_536 = vector.broadcast %xor3A_535 : i32 to vector<16xi32>
          %xor3A_537 = arith.xori %bitcast_convert_type3A_531, %xor3A_536 : vector<16xi32>
          %select_n3A_538 = arith.select %lt3A_534, %xor3A_537, %bitcast_convert_type3A_531 : vector<16xi1>, vector<16xi32>
          %mul3A_539 = arith.constant 16 : i32
          %mul3A_540 = arith.muli %while3A_525, %mul3A_539 : i32
          %sub3A_541 = arith.subi %while3A_403, %mul3A_540 : i32
          %lt3A_542 = vector.broadcast %sub3A_541 : i32 to vector<16xi32>
          %lt3A_543 = arith.cmpi slt, %iota3A, %lt3A_542 : vector<16xi32>
          %ge3A_544 = vector.broadcast %xor3A_505 : i32 to vector<16xi32>
          %ge3A_545 = arith.cmpi sge, %select_n3A_538, %ge3A_544 : vector<16xi32>
          %and3A = arith.andi %ge3A_545, %lt3A_543 : vector<16xi1>
          %jit3A_546 = arith.constant 1 : i32
          %jit3A_547 = arith.constant 0 : i32
          %broadcast_in_dim3A_548 = vector.broadcast %jit3A_546 : i32 to vector<16xi32>
          %broadcast_in_dim3A_549 = vector.broadcast %jit3A_547 : i32 to vector<16xi32>
          %select_n3A_550 = arith.select %and3A, %broadcast_in_dim3A_548, %broadcast_in_dim3A_549 : vector<16xi1>, vector<16xi32>
          %add3A_551 = arith.addi %while3A_526, %select_n3A_550 : vector<16xi32>
          scf.yield %add3A_551 : vector<16xi32>
        }
        %reduce_sum3A_519 = arith.constant true
        %reduce_sum3A_520 = vector.broadcast %reduce_sum3A_519 : i1 to vector<16xi1>
        %reduce_sum3A_521 = tpu.scan <sum>, %while3A_518 masked %reduce_sum3A_520 : vector<16xi32>, vector<16xi1> -> vector<16xi32>
        %reduce_sum3A_522 = vector.extract %reduce_sum3A_521[15] : i32 from vector<16xi32>
        %ge3A_523 = arith.cmpi sge, %reduce_sum3A_522, %sub3A_385 : i32
        %select_n3A_524 = arith.select %ge3A_523, %or3A, %scan3A_500 : i32
        scf.yield %select_n3A_524 : i32
      }
      %scan3A_496 = arith.constant 32 : i32
      %xor3A_497 = arith.constant -2147483648 : i32
      %xor3A_498 = arith.xori %scan3A_495, %xor3A_497 : i32
      scf.yield %xor3A_498 : i32
    }
    %broadcast_in_dim3A_417 = vector.broadcast %cond3A_416 : i32 to vector<16xi32>
    %lt3A_418 = arith.constant 0 : i32
    %lt3A_419 = vector.broadcast %lt3A_418 : i32 to vector<16xi32>
    %lt3A_420 = arith.cmpi slt, %broadcast_in_dim3A_417, %lt3A_419 : vector<16xi32>
    %xor3A_421 = arith.constant 2147483647 : i32
    %xor3A_422 = vector.broadcast %xor3A_421 : i32 to vector<16xi32>
    %xor3A_423 = arith.xori %broadcast_in_dim3A_417, %xor3A_422 : vector<16xi32>
    %select_n3A_424 = arith.select %lt3A_420, %xor3A_423, %broadcast_in_dim3A_417 : vector<16xi1>, vector<16xi32>
    %bitcast_convert_type3A_425 = tpu.bitcast %select_n3A_424 : vector<16xi32> -> vector<16xf32>
    %broadcast_in_dim3A_426 = arith.constant 0 : i32
    %broadcast_in_dim3A_427 = vector.broadcast %broadcast_in_dim3A_426 : i32 to vector<16xi32>
    %while3A_428 = arith.constant 0 : i32
    %while3A_429 = arith.subi %shift_right_arithmetic3A_409, %while3A_428 : i32
    %while3A_430 = arith.addi %while3A_428, %while3A_429 : i32
    %while3A_431 = arith.constant 1 : i32
    %while3A_432 = arith.divsi %while3A_429, %while3A_431 : i32
    %while3A_433 = arith.muli %while3A_432, %while3A_431 : i32
    %while3A_434 = arith.addi %while3A_428, %while3A_433 : i32
    %while3A_435 = arith.constant 1 : i32
    %while3A_436:2 = scf.for %while3A_490 = %while3A_428 to %while3A_434 step %while3A_435 iter_args(%while3A_491 = %broadcast_in_dim3A_427, %while3A_492 = %broadcast_in_dim3A_427) -> (vector<16xi32>, vector<16xi32>)  : i32 {
      %mul3A_493 = arith.constant 16 : i32
      %mul3A_494 = arith.muli %while3A_490, %mul3A_493 : i32
      %get3A_495 = arith.index_cast %mul3A_494 : i32 to index
      %get3A_496 = tpu.vector_load %arg12[%get3A_495] {strides = array<i32>} : memref<8208xf32, #tpu.memory_space<vmem>>, vector<16xf32>,
      %mul3A_497 = arith.constant 16 : i32
      %mul3A_498 = arith.muli %while3A_490, %mul3A_497 : i32
      %sub3A_499 = arith.subi %while3A_403, %mul3A_498 : i32
      %lt3A_500 = vector.broadcast %sub3A_499 : i32 to vector<16xi32>
      %lt3A_501 = arith.cmpi slt, %iota3A, %lt3A_500 : vector<16xi32>
      %gt3A_502 = arith.cmpf ogt, %get3A_496, %bitcast_convert_type3A_425 : vector<16xf32>
      %and3A = arith.andi %gt3A_502, %lt3A_501 : vector<16xi1>
      %jit3A_503 = arith.constant 1 : i32
      %jit3A_504 = arith.constant 0 : i32
      %broadcast_in_dim3A_505 = vector.broadcast %jit3A_503 : i32 to vector<16xi32>
      %broadcast_in_dim3A_506 = vector.broadcast %jit3A_504 : i32 to vector<16xi32>
      %select_n3A_507 = arith.select %and3A, %broadcast_in_dim3A_505, %broadcast_in_dim3A_506 : vector<16xi1>, vector<16xi32>
      %add3A_508 = arith.addi %while3A_491, %select_n3A_507 : vector<16xi32>
      %eq3A_509 = arith.cmpf oeq, %get3A_496, %bitcast_convert_type3A_425 : vector<16xf32>
      %and3A_510 = arith.andi %eq3A_509, %lt3A_501 : vector<16xi1>
      %jit3A_511 = arith.constant 1 : i32
      %jit3A_512 = arith.constant 0 : i32
      %broadcast_in_dim3A_513 = vector.broadcast %jit3A_511 : i32 to vector<16xi32>
      %broadcast_in_dim3A_514 = vector.broadcast %jit3A_512 : i32 to vector<16xi32>
      %select_n3A_515 = arith.select %and3A_510, %broadcast_in_dim3A_513, %broadcast_in_dim3A_514 : vector<16xi1>, vector<16xi32>
      %add3A_516 = arith.addi %while3A_492, %select_n3A_515 : vector<16xi32>
      scf.yield %add3A_508, %add3A_516 : vector<16xi32>, vector<16xi32>
    }
    %while3A_437 = arith.constant 1 : i32
    %while3A_438:2 = scf.for %while3A_490 = %while3A_434 to %while3A_430 step %while3A_437 iter_args(%while3A_491 = %while3A_436#0, %while3A_492 = %while3A_436#1) -> (vector<16xi32>, vector<16xi32>)  : i32 {
      %mul3A_493 = arith.constant 16 : i32
      %mul3A_494 = arith.muli %while3A_490, %mul3A_493 : i32
      %get3A_495 = arith.index_cast %mul3A_494 : i32 to index
      %get3A_496 = tpu.vector_load %arg12[%get3A_495] {strides = array<i32>} : memref<8208xf32, #tpu.memory_space<vmem>>, vector<16xf32>,
      %mul3A_497 = arith.constant 16 : i32
      %mul3A_498 = arith.muli %while3A_490, %mul3A_497 : i32
      %sub3A_499 = arith.subi %while3A_403, %mul3A_498 : i32
      %lt3A_500 = vector.broadcast %sub3A_499 : i32 to vector<16xi32>
      %lt3A_501 = arith.cmpi slt, %iota3A, %lt3A_500 : vector<16xi32>
      %gt3A_502 = arith.cmpf ogt, %get3A_496, %bitcast_convert_type3A_425 : vector<16xf32>
      %and3A = arith.andi %gt3A_502, %lt3A_501 : vector<16xi1>
      %jit3A_503 = arith.constant 1 : i32
      %jit3A_504 = arith.constant 0 : i32
      %broadcast_in_dim3A_505 = vector.broadcast %jit3A_503 : i32 to vector<16xi32>
      %broadcast_in_dim3A_506 = vector.broadcast %jit3A_504 : i32 to vector<16xi32>
      %select_n3A_507 = arith.select %and3A, %broadcast_in_dim3A_505, %broadcast_in_dim3A_506 : vector<16xi1>, vector<16xi32>
      %add3A_508 = arith.addi %while3A_491, %select_n3A_507 : vector<16xi32>
      %eq3A_509 = arith.cmpf oeq, %get3A_496, %bitcast_convert_type3A_425 : vector<16xf32>
      %and3A_510 = arith.andi %eq3A_509, %lt3A_501 : vector<16xi1>
      %jit3A_511 = arith.constant 1 : i32
      %jit3A_512 = arith.constant 0 : i32
      %broadcast_in_dim3A_513 = vector.broadcast %jit3A_511 : i32 to vector<16xi32>
      %broadcast_in_dim3A_514 = vector.broadcast %jit3A_512 : i32 to vector<16xi32>
      %select_n3A_515 = arith.select %and3A_510, %broadcast_in_dim3A_513, %broadcast_in_dim3A_514 : vector<16xi1>, vector<16xi32>
      %add3A_516 = arith.addi %while3A_492, %select_n3A_515 : vector<16xi32>
      scf.yield %add3A_508, %add3A_516 : vector<16xi32>, vector<16xi32>
    }
    %reduce_sum3A_439 = arith.constant true
    %reduce_sum3A_440 = vector.broadcast %reduce_sum3A_439 : i1 to vector<16xi1>
    %reduce_sum3A_441 = tpu.scan <sum>, %while3A_438#0 masked %reduce_sum3A_440 : vector<16xi32>, vector<16xi1> -> vector<16xi32>
    %reduce_sum3A_442 = vector.extract %reduce_sum3A_441[15] : i32 from vector<16xi32>
    %reduce_sum3A_443 = arith.constant true
    %reduce_sum3A_444 = vector.broadcast %reduce_sum3A_443 : i1 to vector<16xi1>
    %reduce_sum3A_445 = tpu.scan <sum>, %while3A_438#1 masked %reduce_sum3A_444 : vector<16xi32>, vector<16xi1> -> vector<16xi32>
    %reduce_sum3A_446 = vector.extract %reduce_sum3A_445[15] : i32 from vector<16xi32>
    %sub3A_447 = arith.subi %sub3A_385, %reduce_sum3A_442 : i32
    %add3A_448 = arith.addi %reduce_sum3A_442, %reduce_sum3A_446 : i32
    %eq3A_449 = arith.cmpi eq, %add3A_448, %sub3A_385 : i32
    %convert_element_type3A_450 = arith.extui %eq3A_449 : i1 to i32
    %cond3A_451 = arith.constant 0 : i32
    %cond3A_452 = arith.cmpi ne, %convert_element_type3A_450, %cond3A_451 : i32
    scf.if %cond3A_452 {
      %parallel_loop3A_490 = arith.constant 0 : i32
      %parallel_loop3A_491 = arith.constant 512 : i32
      %parallel_loop3A_492 = arith.constant 1 : i32
      scf.for %parallel_loop3A_493 = %parallel_loop3A_490 to %parallel_loop3A_491 step %parallel_loop3A_492  : i32 {
        %parallel_loop3A_494 = arith.constant 16 : i32
        %parallel_loop3A_495 = arith.muli %parallel_loop3A_493, %parallel_loop3A_494 : i32
        %parallel_loop3A_496 = arith.index_cast %parallel_loop3A_495 : i32 to index
        %parallel_loop3A_497 = tpu.vector_load %arg7[%parallel_loop3A_496] {strides = array<i32>} : memref<8192xf32, #tpu.memory_space<vmem>>, vector<16xf32>,
        %parallel_loop3A_498 = arith.constant 16 : i32
        %parallel_loop3A_499 = arith.muli %parallel_loop3A_493, %parallel_loop3A_498 : i32
        %parallel_loop3A_500 = arith.constant 1 : i32
        %parallel_loop3A_501 = arith.index_cast %parallel_loop3A_500 : i32 to index
        %parallel_loop3A_502 = arith.index_cast %parallel_loop3A_499 : i32 to index
        %parallel_loop3A_503 = tpu.vector_load %arg5[%parallel_loop3A_501, %parallel_loop3A_502] {strides = array<i32>} : memref<2x8192xf32, #tpu.memory_space<vmem>>, vector<16xf32>,
        %parallel_loop3A_504 = arith.cmpf oge, %parallel_loop3A_497, %bitcast_convert_type3A_425 : vector<16xf32>
        %parallel_loop3A_505 = arith.constant 0.000000e+00 : f32
        %parallel_loop3A_506 = vector.broadcast %parallel_loop3A_505 : f32 to vector<16xf32>
        %parallel_loop3A_507 = arith.select %parallel_loop3A_504, %parallel_loop3A_503, %parallel_loop3A_506 : vector<16xi1>, vector<16xf32>
        %parallel_loop3A_508 = arith.constant 16 : i32
        %parallel_loop3A_509 = arith.muli %parallel_loop3A_493, %parallel_loop3A_508 : i32
        %parallel_loop3A_510 = arith.constant 1 : i32
        %parallel_loop3A_511 = arith.index_cast %parallel_loop3A_510 : i32 to index
        %parallel_loop3A_512 = arith.index_cast %parallel_loop3A_509 : i32 to index
        %parallel_loop3A_513 = tpu.vector_load %arg5[%parallel_loop3A_511, %parallel_loop3A_512] {strides = array<i32>} : memref<2x8192xf32, #tpu.memory_space<vmem>>, vector<16xf32>,
        tpu.vector_store %arg5[%parallel_loop3A_511, %parallel_loop3A_512], %parallel_loop3A_507 {strides = array<i32>} : memref<2x8192xf32, #tpu.memory_space<vmem>>, vector<16xf32>,
      } {sc.loop_unroll_factor = 4 : i64, sc.parallel_access}
    } else {
    }
    %not3A_453 = arith.constant true
    %not3A_454 = arith.xori %eq3A_449, %not3A_453 : i1
    %convert_element_type3A_455 = arith.extui %not3A_454 : i1 to i32
    %cond3A_456 = arith.constant 0 : i32
    %cond3A_457 = arith.cmpi ne, %convert_element_type3A_455, %cond3A_456 : i32
    scf.if %cond3A_457 {
      %scan3A_490 = arith.constant 0 : i32
      %scan3A_491 = arith.constant 0 : i32
      %scan3A_492 = arith.constant 512 : i32
      %scan3A_493 = arith.addi %scan3A_491, %scan3A_492 : i32
      %scan3A_494 = arith.constant 1 : i32
      %scan3A_495 = scf.for %scan3A_497 = %scan3A_491 to %scan3A_493 step %scan3A_494 iter_args(%scan3A_498 = %scan3A_490) -> (i32)  : i32 {
        %mul3A_499 = arith.constant 16 : i32
        %mul3A_500 = arith.muli %scan3A_497, %mul3A_499 : i32
        %get3A_501 = arith.index_cast %mul3A_500 : i32 to index
        %get3A_502 = tpu.vector_load %arg7[%get3A_501] {strides = array<i32>} : memref<8192xf32, #tpu.memory_space<vmem>>, vector<16xf32>,
        %get3A_503 = arith.constant 1 : i32
        %get3A_504 = arith.index_cast %get3A_503 : i32 to index
        %get3A_505 = arith.index_cast %mul3A_500 : i32 to index
        %get3A_506 = tpu.vector_load %arg5[%get3A_504, %get3A_505] {strides = array<i32>} : memref<2x8192xf32, #tpu.memory_space<vmem>>, vector<16xf32>,
        %eq3A_507 = arith.cmpf oeq, %get3A_502, %bitcast_convert_type3A_425 : vector<16xf32>
        %jit3A_508 = arith.constant 1 : i32
        %jit3A_509 = arith.constant 0 : i32
        %broadcast_in_dim3A_510 = vector.broadcast %jit3A_508 : i32 to vector<16xi32>
        %broadcast_in_dim3A_511 = vector.broadcast %jit3A_509 : i32 to vector<16xi32>
        %select_n3A_512 = arith.select %eq3A_507, %broadcast_in_dim3A_510, %broadcast_in_dim3A_511 : vector<16xi1>, vector<16xi32>
        %broadcast_in_dim3A_513 = arith.constant true
        %broadcast_in_dim3A_514 = vector.broadcast %broadcast_in_dim3A_513 : i1 to vector<16xi1>
        %masked_cumsum3A_515 = tpu.scan <sum>, %select_n3A_512 masked %broadcast_in_dim3A_514 : vector<16xi32>, vector<16xi1> -> vector<16xi32>
        %sub3A_516 = arith.subi %masked_cumsum3A_515, %select_n3A_512 : vector<16xi32>
        %add3A_517 = vector.broadcast %scan3A_498 : i32 to vector<16xi32>
        %add3A_518 = arith.addi %sub3A_516, %add3A_517 : vector<16xi32>
        %lt3A_519 = vector.broadcast %sub3A_447 : i32 to vector<16xi32>
        %lt3A_520 = arith.cmpi slt, %add3A_518, %lt3A_519 : vector<16xi32>
        %and3A = arith.andi %eq3A_507, %lt3A_520 : vector<16xi1>
        %gt3A_521 = arith.cmpf ogt, %get3A_502, %bitcast_convert_type3A_425 : vector<16xf32>
        %or3A = arith.ori %gt3A_521, %and3A : vector<16xi1>
        %jit3A_522 = arith.constant 0.000000e+00 : f32
        %broadcast_in_dim3A_523 = vector.broadcast %jit3A_522 : f32 to vector<16xf32>
        %select_n3A_524 = arith.select %or3A, %get3A_506, %broadcast_in_dim3A_523 : vector<16xi1>, vector<16xf32>
        %swap3A = arith.constant 1 : i32
        %swap3A_525 = arith.index_cast %swap3A : i32 to index
        %swap3A_526 = arith.index_cast %mul3A_500 : i32 to index
        %swap3A_527 = tpu.vector_load %arg5[%swap3A_525, %swap3A_526] {strides = array<i32>} : memref<2x8192xf32, #tpu.memory_space<vmem>>, vector<16xf32>,
        tpu.vector_store %arg5[%swap3A_525, %swap3A_526], %select_n3A_524 {strides = array<i32>} : memref<2x8192xf32, #tpu.memory_space<vmem>>, vector<16xf32>,
        %slice3A_528 = vector.extract_strided_slice %masked_cumsum3A_515 {offsets = [15], sizes = [1], strides = [1]} : vector<16xi32> to vector<1xi32>
        %squeeze3A_529 = vector.extract %slice3A_528[0] : i32 from vector<1xi32>
        %add3A_530 = arith.addi %scan3A_498, %squeeze3A_529 : i32
        scf.yield %add3A_530 : i32
      }
      %scan3A_496 = arith.constant 512 : i32
    } else {
    }
    %add3A_458 = arith.constant 1 : i32
    %add3A_459 = arith.addi %mul3A_2, %add3A_458 : i32
    %dma_start3A_460 = arith.constant 1 : i32
    %dma_start3A_461 = arith.constant 0 : i32
    %dma_start3A_462 = tpu.memref_slice %arg5[%dma_start3A_460, %dma_start3A_461] : memref<2x8192xf32, #tpu.memory_space<vmem>> -> memref<1x8192xf32, #tpu.memory_space<vmem>>
    %dma_start3A_463 = arith.constant 0 : i32
    %dma_start3A_464 = tpu.memref_slice %arg4[%add3A_459, %dma_start3A_463] : memref<64x8192xf32, #tpu.memory_space<hbm>> -> memref<1x8192xf32, #tpu.memory_space<hbm>>
    %dma_start3A_465 = arith.constant 0 : i32
    %dma_start3A_466 = tpu.memref_slice %arg4[%add3A_459, %dma_start3A_465] : memref<64x8192xf32, #tpu.memory_space<hbm>> -> memref<1x8192xf32, #tpu.memory_space<hbm>>
    %dma_start3A_467 = arith.constant 1 : i32
    %dma_start3A_468 = arith.constant 0 : i32
    %dma_start3A_469 = tpu.memref_slice %arg5[%dma_start3A_467, %dma_start3A_468] : memref<2x8192xf32, #tpu.memory_space<vmem>> -> memref<1x8192xf32, #tpu.memory_space<vmem>>
    tpu.enqueue_dma source(%dma_start3A_469 : memref<1x8192xf32, #tpu.memory_space<vmem>>) target(%dma_start3A_466 : memref<1x8192xf32, #tpu.memory_space<hbm>>) target_semaphore(%arg14 : memref<!tpu.dma_semaphore, #tpu.memory_space<semaphore_mem>>)
    %dma_wait3A_470 = arith.constant 0 : i32
    %dma_wait3A_471 = arith.constant 0 : i32
    %dma_wait3A_472 = tpu.memref_slice %arg5[%dma_wait3A_470, %dma_wait3A_471] : memref<2x8192xf32, #tpu.memory_space<vmem>> -> memref<1x8192xf32, #tpu.memory_space<vmem>>
    %dma_wait3A_473 = arith.constant 0 : i32
    %dma_wait3A_474 = tpu.memref_slice %arg4[%add3A_221, %dma_wait3A_473] : memref<64x8192xf32, #tpu.memory_space<hbm>> -> memref<1x8192xf32, #tpu.memory_space<hbm>>
    %dma_wait3A_475 = arith.constant 0 : i32
    %dma_wait3A_476 = tpu.memref_slice %arg4[%add3A_221, %dma_wait3A_475] : memref<64x8192xf32, #tpu.memory_space<hbm>> -> memref<1x8192xf32, #tpu.memory_space<hbm>>
    %dma_wait3A_477 = arith.constant 0 : i32
    %dma_wait3A_478 = arith.constant 0 : i32
    %dma_wait3A_479 = tpu.memref_slice %arg5[%dma_wait3A_477, %dma_wait3A_478] : memref<2x8192xf32, #tpu.memory_space<vmem>> -> memref<1x8192xf32, #tpu.memory_space<vmem>>
    tpu.wait_dma2 semaphore(%arg14 : memref<!tpu.dma_semaphore, #tpu.memory_space<semaphore_mem>>) src(%dma_wait3A_479 : memref<1x8192xf32, #tpu.memory_space<vmem>>) dst(%dma_wait3A_476 : memref<1x8192xf32, #tpu.memory_space<hbm>>)
    %dma_wait3A_480 = arith.constant 1 : i32
    %dma_wait3A_481 = arith.constant 0 : i32
    %dma_wait3A_482 = tpu.memref_slice %arg5[%dma_wait3A_480, %dma_wait3A_481] : memref<2x8192xf32, #tpu.memory_space<vmem>> -> memref<1x8192xf32, #tpu.memory_space<vmem>>
    %dma_wait3A_483 = arith.constant 0 : i32
    %dma_wait3A_484 = tpu.memref_slice %arg4[%add3A_459, %dma_wait3A_483] : memref<64x8192xf32, #tpu.memory_space<hbm>> -> memref<1x8192xf32, #tpu.memory_space<hbm>>
    %dma_wait3A_485 = arith.constant 0 : i32
    %dma_wait3A_486 = tpu.memref_slice %arg4[%add3A_459, %dma_wait3A_485] : memref<64x8192xf32, #tpu.memory_space<hbm>> -> memref<1x8192xf32, #tpu.memory_space<hbm>>
    %dma_wait3A_487 = arith.constant 1 : i32
    %dma_wait3A_488 = arith.constant 0 : i32
    %dma_wait3A_489 = tpu.memref_slice %arg5[%dma_wait3A_487, %dma_wait3A_488] : memref<2x8192xf32, #tpu.memory_space<vmem>> -> memref<1x8192xf32, #tpu.memory_space<vmem>>
    tpu.wait_dma2 semaphore(%arg14 : memref<!tpu.dma_semaphore, #tpu.memory_space<semaphore_mem>>) src(%dma_wait3A_489 : memref<1x8192xf32, #tpu.memory_space<vmem>>) dst(%dma_wait3A_486 : memref<1x8192xf32, #tpu.memory_space<hbm>>)
    return
  }
}

</mosaic_0001>

<sc_bundles>
// kernel: kernel.3.cloned.1.call-start
scs
__scs_entry_jumppad:
0x0: {  	(pc) =	sbr.rel $0x88, $3  }
0x1: {  	(tag) =	ssettag $0x0;
	lr =	simm.s32 $0x1  }
0x2: {  	[smem:$0x3F9F] =	sst lr;
	_ =	strace $0xD0000000  }
0x3: {  	_ = 	snop  }
0x4: {  	_ = 	snop  }
0x5: {  	_ = 	snop  }
0x6: {  	_ = 	snop  }
0x7: {  	_ = 	snop  }
__scs_overlays_trampoline_lowered:
0x8: {  	[smem:$0x3FAE] =	sst s0  }
0x9: {  	[smem:$0x3FAF] =	sst s1  }
0xa: {  	[smem:$0x3FB0] =	sst s2  }
0xb: {  	[smem:$0x3FB1] =	sst s3  }
0xc: {  	[smem:$0x3FB2] =	sst s4  }
0xd: {  	[smem:$0x3FB3] =	sst s5  }
0xe: {  	[smem:$0x3FB4] =	sst s6  }
0xf: {  	[smem:$0x3FB5] =	sst s7  }
0x10: {  	[smem:$0x3FB6] =	sst s8  }
0x11: {  	[smem:$0x3FB7] =	sst s9;
	s0 =	simm.s32 @!p0 $0x0  }
0x12: {  	s1 =	sld [smem:$0x3F9D];
	s0 =	simm.s32 @p0 $0x1  }
0x13: {  	[smem:$0x3FB8] =	sst s0;
	s0 =	simm.s32 @!p1 $0x0  }
0x14: {  	s2 =	sld [smem:$0x3F9C];
	s0 =	simm.s32 @p1 $0x1  }
0x15: {  	[smem:$0x3FB9] =	sst s0;
	s0 =	simm.s32 @!p2 $0x0  }
0x16: {  	s3 =	sld [smem:$0x3FDB];
	s0 =	simm.s32 @p2 $0x1  }
0x17: {  	s4 =	simm.s32 $0x1BF5;
	[smem:$0x3FBB] =	sst s0  }
0x18: {  	s0 =	sld [smem:$0x3F9E];
	_ =	swait.ge [sflag:s4], $0x0  }
0x19: {  	s7 =	sld [smem:$0x3F9F]  }
0x1a: {  	s8 =	sadd.s32 $0xFFFFE003, lr  }
0x1b: {  	s9 =	sadd.s32 $0xFFFFFEF7, lr;
	s5 =	simm.s32 $0xFFFFFFFF;
	p2 =	slt.u32 s8, $0xFFFFF086  }
0x1c: {  	p1 =	slt.u32 s9, $0xF7A;
	s5 =	simm.s32 @!p2 $0x0  }
0x1d: {  	s5 =	simm.s32 @p1 $0x1;
	p0 =	seq.s32 s7, s2  }
0x1e: {  	s7 =	smul.u32 @!p0 $0xF7A, s2;
	p2 =	seq.s32 @!p0 s5, $0x0  }
0x1f: {  	s9 =	smul.u32 $0xF7A, s1;
	s8 =	simm.s32 @!p0 $0x1BF5;
	p2 =	por !p2, p0  }
0x20: {  	[sflag:s8] =	ssyncset.s32 @!p0 $0xFFFFF086;
	s6 =	sadd.s32 @!p0 s3, s7;
	s7 =	simm.s32 @!p0 $0x108  }
0x21: {  	s3 =	sadd.s32 s3, s9;
	s6 =	sadd.s32 @!p0 $0x88, s6;
	s7 =	simm.s32 @p2 $0x1082  }
0x22: {  	[simem:s7], [sflag:s8] =	dma.local @!p0 [hbm:s6], $0xF7A  }
0x23: {  	s9 =	sor.u32 $0xD0000000, s2;
	s6 =	simm.s32 $0x108;
	_ =	swait.ge @!p0 [sflag:s8], $0x0  }
0x24: {  	s3 =	sadd.s32 $0x88, s3;
	s6 =	simm.s32 @!p1 $0x1082;
	[sflag:s4] =	ssyncset.s32 $0xFFFFF086  }
0x25: {  	[simem:s6], [sflag:s4] =	dma.local [hbm:s3], $0xF7A  }
0x26: {  	[smem:$0x3F9F] =	sst s1;
	(tag) =	ssettag s2;
	_ =	strace s9  }
0x27: {  	s1 =	sld [smem:$0x3FAF]  }
0x28: {  	s2 =	sld [smem:$0x3FB0]  }
0x29: {  	s4 =	sld [smem:$0x3FB2]  }
0x2a: {  	p0 =	seq.s32 s5, $0x0;
	s5 =	sld [smem:$0x3FB3]  }
0x2b: {  	s6 =	sld [smem:$0x3FB4]  }
0x2c: {  	s7 =	sld [smem:$0x3FB5]  }
0x2d: {  	s3 =	simm.s32 $0x108;
	s8 =	sld [smem:$0x3FB6]  }
0x2e: {  	s3 =	simm.s32 @!p0 $0x1082;
	s9 =	sld [smem:$0x3FB7]  }
0x2f: {  	lr =	sadd.s32 s0, s3;
	s0 =	sld [smem:$0x3FAE]  }
0x30: {  	s3 =	sld [smem:$0x3FB1]  }
0x31: {  	[smem:$0x3FBA] =	sst s10  }
0x32: {  	s10 =	sld [smem:$0x3FB8];
	_ =	sdelay $0x3  }
0x33: {  	p0 =	seq.s32 s10, $0x1;
	s10 =	sld [smem:$0x3FBA];
	_ =	sdelay $0x3  }
0x34: {  	[smem:$0x3FBA] =	sst s10  }
0x35: {  	s10 =	sld [smem:$0x3FB9];
	_ =	sdelay $0x3  }
0x36: {  	p1 =	seq.s32 s10, $0x1;
	s10 =	sld [smem:$0x3FBA];
	_ =	sdelay $0x3  }
0x37: {  	[smem:$0x3FBA] =	sst s10  }
0x38: {  	s10 =	sld [smem:$0x3FBB]  }
0x39: {  	_ = 	snop;
	(pc) =	sbr.ind lr, $3  }
0x3a: {  	_ = 	snop  }
0x3b: {  	_ = 	snop  }
0x3c: {  	p2 =	seq.s32 s10, $0x1;
	s10 =	sld [smem:$0x3FBA]  }
0x3d: {  	_ =	shalt  }
0x3e: {  	_ =	shalt  }
0x3f: {  	_ =	shalt  }
0x40: {  	_ =	shalt  }
0x41: {  	_ =	shalt  }
0x42: {  	_ =	shalt  }
0x43: {  	_ =	shalt  }
0x44: {  	_ =	shalt  }
0x45: {  	_ =	shalt  }
0x46: {  	_ =	shalt  }
0x47: {  	_ =	shalt  }
0x48: {  	_ =	shalt  }
0x49: {  	_ =	shalt  }
0x4a: {  	_ =	shalt  }
0x4b: {  	_ =	shalt  }
0x4c: {  	_ =	shalt  }
0x4d: {  	_ =	shalt  }
0x4e: {  	_ =	shalt  }
0x4f: {  	_ =	shalt  }
0x50: {  	_ =	shalt  }
0x51: {  	_ =	shalt  }
0x52: {  	_ =	shalt  }
0x53: {  	_ =	shalt  }
0x54: {  	_ =	shalt  }
0x55: {  	_ =	shalt  }
0x56: {  	_ =	shalt  }
0x57: {  	_ =	shalt  }
0x58: {  	_ =	shalt  }
0x59: {  	_ =	shalt  }
0x5a: {  	_ =	shalt  }
0x5b: {  	_ =	shalt  }
0x5c: {  	_ =	shalt  }
0x5d: {  	_ =	shalt  }
0x5e: {  	_ =	shalt  }
0x5f: {  	_ =	shalt  }
0x60: {  	_ =	shalt  }
0x61: {  	_ =	shalt  }
0x62: {  	_ =	shalt  }
0x63: {  	_ =	shalt  }
0x64: {  	_ =	shalt  }
0x65: {  	_ =	shalt  }
0x66: {  	_ =	shalt  }
0x67: {  	_ =	shalt  }
0x68: {  	_ =	shalt  }
0x69: {  	_ =	shalt  }
0x6a: {  	_ =	shalt  }
0x6b: {  	_ =	shalt  }
0x6c: {  	_ =	shalt  }
0x6d: {  	_ =	shalt  }
0x6e: {  	_ =	shalt  }
0x6f: {  	_ =	shalt  }
0x70: {  	_ =	shalt  }
0x71: {  	_ =	shalt  }
0x72: {  	_ =	shalt  }
0x73: {  	_ =	shalt  }
0x74: {  	_ =	shalt  }
0x75: {  	_ =	shalt  }
0x76: {  	_ =	shalt  }
0x77: {  	_ =	shalt  }
0x78: {  	_ =	shalt  }
0x79: {  	_ =	shalt  }
0x7a: {  	_ =	shalt  }
0x7b: {  	_ =	shalt  }
0x7c: {  	_ =	shalt  }
0x7d: {  	_ =	shalt  }
0x7e: {  	_ =	shalt  }
0x7f: {  	_ =	shalt  }
0x80: {  	_ =	shalt  }
0x81: {  	_ =	shalt  }
0x82: {  	_ =	shalt  }
0x83: {  	_ =	shalt  }
0x84: {  	_ =	shalt  }
0x85: {  	_ =	shalt  }
0x86: {  	_ =	shalt  }
0x87: {  	_ =	shalt  }
.Lfunc_end0:
.L_simem_size_0:
called_computation_lowered:
.L_overlay_start_0:
0x88: {  	s2 =	sld [smem:$0x3FD9]  }
0x89: {  	s3 =	sld [smem:$0x3FFE];
	_ =	sdelay $0x1  }
0x8a: {  	s1 =	srdreg.scid  }
0x8b: {  	s0 =	sand.u32 $0x1, s1  }
0x8c: {  	s18 =	sshll.u32 s0, $0xA;
	s2 =	sadd.s32 s3, s2  }
0x8d: {  	s2 =	sadd.s32 s2, s18  }
0x8e: {  	[smem:$0x3FC6] =	sst s2  }
0x8f: {  	_ = 	snop  }
0x90: {  	s2 =	sld [smem:$0x3FC9]  }
0x91: {  	s19 =	sld [smem:$0x3FC8]  }
0x92: {  	s4 =	sld [smem:$0x3FD0];
	(tm) =	ssettm $0x1  }
0x93: {  	s5 =	sld [smem:$0x3FFB];
	_ =	sdelay $0x3  }
0x94: {  	_ =	strace s5  }
0x95: {  	s5 =	sld [smem:$0x3FFC];
	_ =	sdelay $0x3  }
0x96: {  	_ =	strace s5  }
0x97: {  	s5 =	sld [smem:$0x3FFD];
	_ =	sdelay $0x3  }
0x98: {  	_ =	strace s5  }
0x99: {  	_ =	strace $0x8FFFFFFF  }
0x9a: {  	s20 =	sld [smem:$0x3FDB];
	_ =	sdelay $0x1  }
0x9b: {  	s6 =	simm.s32 $_scs_section_size  }
0x9c: {  	s7 =	simm.s32 $_size__tile_overlayer_lowered;
	s8 =	simm.s32 $_tile_overlayer_lowered  }
0x9d: {  	s23 =	simm.s32 $0x1BFF;
	s22 =	sshll.u32 s8, $0x1;
	s5 =	sadd.s32 s6, s20  }
0x9e: {  	s9 =	simm.s32 $0x0;
	s21 =	sshll.u32 s7, $0x1;
	s7 =	sadd.s32 s22, s5  }
0x9f: {  	[timem:s9], [sflag:s23] =	dma.local [hbm:s7], s21  }
0xa0: {  	_ =	swait.ge [sflag:s23], s21  }
0xa1: {  	s6 =	ssub.s32 $0x0, s21;
	[sflag:s23] =	ssyncset.done $0x0  }
0xa2: {  	[sflag:s23] =	ssyncadd.s32 s6;
	_ =	sdelay $0x1  }
0xa3: {  	s24 =	simm.s32 $0x1B8B  }
0xa4: {  	_ =	swait.ge [sflag:s24], $0x1  }
0xa5: {  	[sflag:s24] =	ssyncset.done $0x0  }
0xa6: {  	s25 =	simm.s32 $0x1B8E;
	[sflag:s24] =	ssyncadd.s32 $0xFFFFFFFF  }
0xa7: {  	s26 =	simm.s32 $execute0_lowered;
	[smem:$0x3FD2] =	sst s25  }
0xa8: {  	s6 =	sshll.u32 s26, $0x1;
	_ =	strace $0x80000046;
	[dreg:$0x1] =	wrdreg $0xFFFFFFFF  }
0xa9: {  	s28 =	simm.s32 $_size_execute0_lowered;
	s5 =	sadd.s32 s5, s6;
	[dreg:$0x0] =	wrdreg $0x0  }
0xaa: {  	s6 =	sshll.u32 s28, $0x1;
	[dreg:$0x2] =	wrdreg s5  }
0xab: {  	[dreg:$0x3] =	wrdreg s6  }
0xac: {  	[dreg:$0x4] =	wrdreg $0xC0  }
0xad: {  	_ =	task [dreg:s9], $0x5FFFF  }
0xae: {  	[dreg:$0x1] =	wrdreg $0xFFFFFFFF  }
0xaf: {  	[dreg:$0x0] =	wrdreg $0x60  }
0xb0: {  	[dreg:$0x2] =	wrdreg s2  }
0xb1: {  	[dreg:$0x3] =	wrdreg s19  }
0xb2: {  	[dreg:$0x4] =	wrdreg s4  }
0xb3: {  	[dreg:$0x5] =	wrdreg $0x9  }
0xb4: {  	_ =	task.clear_ibuf [dreg:s9], $0x6FFFF;
	_ =	strace $0x90000046  }
0xb5: {  	s29 =	simm.s32 $0x9;
	_ =	strace $0x80000048  }
0xb6: {  	_ =	swait.ge [sflag:s29], $0x1  }
0xb7: {  	[sflag:s29] =	ssyncadd.s32 $0xFFFFFFFF  }
0xb8: {  	_ =	strace $0x90000048  }
0xb9: {  	_ =	sfence  }
0xba: {  	s30 =	sld [smem:$0x0];
	_ =	sdelay $0x2  }
0xbb: {  	s31 =	sshll.u32 s1, $0xD;
	s1 =	sshrl.u32 s1, $0x2  }
0xbc: {  	s3 =	sand.u32 $0x4000, s31;
	s1 =	sadd.s32 s1, s30  }
0xbd: {  	s0 =	sor.u32 s3, s0;
	s1 =	sshll.u32 s1, $0x11  }
0xbe: {  	s0 =	sor.u32 s1, s0  }
0xbf: {  	s0 =	sadd.s32 $0x8F2B, s0  }
0xc0: {  	[sflag:s0] =	ssyncadd.remote.s32 $0x1  }
0xc1: {  	_ =	sfence.sel $0xFFFF  }
0xc2: {  	[dreg:$0x0] =	wrdreg $0xFFFFFFFF;
	(pc) =	sbr.abs _section_cstart, $3  }
0xc3: {  	[dreg:$0x1] =	wrdreg $0xFFFFFFFF  }
0xc4: {  	_ =	task.clear_ibuf [dreg:s9], $0x2FFFF;
	_ =	strace $0x9FFFFFFF  }
0xc5: {  	(tm) =	ssettm $0x7FFFFFFF  }
tec
execute0_lowered:
.L_overlay_start_1:
0x0: {  	(tag) =	ssettag $0x1  }
0x1: {  	s0 =	rddreg [dreg:$0x0]  }
0x2: {  	s1 =	rddreg [dreg:$0x2];
	s2 =	srdreg.scid  }
0x3: {  	s6 =	stileid.u32;
	s3 =	simm.s32 $0x0;
	s13 =	simm.s32 $0x8000  }
0x4: {  	s15 =	simm.s32 $0x80000000;
	s2 =	sand.u32 $0x1, s2;
	s4 =	sshll.u32 s6, $0x6  }
0x5: {  	s6 =	sshll.u32 s6, $0xC;
	s5 =	sshll.u32 s2, $0x5;
	s4 =	sand.u32 $0x40, s4  }
0x6: {  	s2 =	ssub.s32 $0x2, s2;
	s6 =	sand.u32 $0xE000, s6;
	s4 =	sor.u32 s5, s4  }
0x7: {  	v0 =	vlaneseq.u32;
	[smem:$0x7FF] =	sst s3;
	s30 =	sshrl.u32 s2, $0x1;
	s6 =	sor.u32 s6, s4  }
0x8: {  	v4 =	vmul.u32 $0xFFFFFFFF, v0;
	_ =	strace $0x80000047;
	s2 =	ssub.s32 s2, s30;
	s0 =	sadd.s32 s0, s6  }
0x9: {  	v2 =	vimm.s32 $0x0;
	v3 =	vimm.s32 $0x1;
	s4 =	sadd.s32 s1, s6;
	s31 =	smax.u32 s2, $0x1;
	[dreg:$0x4] =	wrdreg s0  }
0xa: {  	v1 =	vmul.u32 $0x10, v0;
	v5 =	vor.u32 $0x10, v0;
	v4 =	vadd.s32 $0xF, v4;
	s2 =	simm.s32 $0x0;
	s6 =	sadd.s32 $0x10, s4;
	[dreg:$0x5] =	wrdreg s31  }
.LBB2_1:
0xb: {  	[dreg:$0x6] =	wrdreg s2  }
0xc: {  	s0 =	rddreg [dreg:$0x4];
	s1 =	simm.s32 $0x100;
	s28 =	simm.s32 $0x400  }
0xd: {  	[tilespmem:s3], [sflag:$0x1] =	stream.strided.gather [hbm4b:s0+s1], $0x4000, s28, s1, $0x38;
	[tilespmem:$0xC800] =	vst v63  }
0xe: {  	s29 =	rddreg [dreg:$0x1];
	s30 =	simm.s32 $0x4000;
	s31 =	simm.s32 $0x3  }
0xf: {  	[tilespmem:s30], [sflag:$0x3] =	stream.linear.gather [hbm4b:s29+s3], $0x2000, $0x38;
	[tilespmem:$0xC800] =	vst v63  }
0x10: {  	_ =	swait.ge [sflag:s31], $0x2000  }
0x11: {  	[sflag:s31] =	ssyncset.done $0x0  }
0x12: {  	s0 =	simm.s32 $0x0;
	[sflag:s31] =	ssyncadd.s32 $0xFFFFE000  }
0x13: {  	v6 =	vld [tilespmem:s0+$0x4000]  }
0x14: {  	v7 =	vld [tilespmem:s0+$0x4010]  }
0x15: {  	s1 =	simm.s32 $0x100;
	v8 =	vld [tilespmem:s0+$0x4020]  }
.LBB2_2:
0x16: {  	p0 =	sne.s32 s1, $0x7F00;
	v9 =	vld [tilespmem:s0+$0x4030];
	_ =	sdelay $0x1  }
0x17: {  	v6 =	vsub.f32 $2.001953130e-02, v6  }
0x18: {  	v7 =	vsub.f32 $2.001953130e-02, v7  }
0x19: {  	v6 =	vmul.f32 $1.442695020e+00, v6;
	v8 =	vsub.f32 $2.001953130e-02, v8  }
0x1a: {  	v7 =	vmul.f32 $1.442695020e+00, v7;
	v9 =	vsub.f32 $2.001953130e-02, v9  }
0x1b: {  	v8 =	vmul.f32 $1.442695020e+00, v8;
	(erf) = vpow2.f32 v6  }
0x1c: {  	v6 =	vmul.f32 $1.442695020e+00, v9;
	(erf) = vpow2.f32 v7  }
0x1d: {  	(erf) = vpow2.f32 v8  }
0x1e: {  	(erf) = vpow2.f32 v6;
	_ =	sdelay $0x5  }
.Ltmp0:
0x1f: {  	v6 =	vpop (erf);
	(pc) =	sbr.rel @p0 .LBB2_2-.Ltmp0, $4  }
0x20: {  	s2 =	sshra.s32 s1, $0x2;
	[tilespmem:s0+$0x4000] =	vst v6;
	v7 =	vpop (erf)  }
0x21: {  	v6 =	vld [tilespmem:s2+$0x4000];
	[tilespmem:s0+$0x4010] =	vst v7;
	v8 =	vpop (erf)  }
0x22: {  	v7 =	vld [tilespmem:s2+$0x4010];
	[tilespmem:s0+$0x4020] =	vst v8;
	v9 =	vpop (erf)  }
0x23: {  	s1 =	sadd.s32 $0x100, s1;
	v8 =	vld [tilespmem:s2+$0x4020];
	[tilespmem:s0+$0x4030] =	vst v9;
	s0 =	smov.u32 s2  }
0x24: {  	v9 =	vld [tilespmem:s0+$0x4030];
	_ =	sdelay $0x1  }
0x25: {  	v6 =	vsub.f32 $2.001953130e-02, v6  }
0x26: {  	v7 =	vsub.f32 $2.001953130e-02, v7  }
0x27: {  	v6 =	vmul.f32 $1.442695020e+00, v6;
	v8 =	vsub.f32 $2.001953130e-02, v8  }
0x28: {  	v7 =	vmul.f32 $1.442695020e+00, v7;
	v9 =	vsub.f32 $2.001953130e-02, v9  }
0x29: {  	v8 =	vmul.f32 $1.442695020e+00, v8;
	(erf) = vpow2.f32 v6  }
0x2a: {  	v6 =	vmul.f32 $1.442695020e+00, v9;
	(erf) = vpow2.f32 v7  }
0x2b: {  	(erf) = vpow2.f32 v8  }
0x2c: {  	(erf) = vpow2.f32 v6;
	_ =	sdelay $0x5  }
0x2d: {  	v6 =	vpop (erf)  }
0x2e: {  	[tilespmem:s0+$0x4000] =	vst v6;
	v6 =	vpop (erf)  }
0x2f: {  	[tilespmem:s0+$0x4010] =	vst v6;
	v6 =	vpop (erf)  }
0x30: {  	[tilespmem:s0+$0x4020] =	vst v6;
	v6 =	vpop (erf)  }
0x31: {  	s21 =	simm.s32 $0x1;
	[tilespmem:s0+$0x4030] =	vst v6  }
0x32: {  	s1 =	simm.s32 $0x0;
	_ =	swait.ge [sflag:s21], $0x4000  }
0x33: {  	s7 =	simm.s32 $0x4020;
	s0 =	simm.s32 $0x0;
	[sflag:s21] =	ssyncset.done $0x0  }
0x34: {  	s12 =	sand.u32 $0x3F00, s1;
	s2 =	sand.u32 $0x40, s0;
	[sflag:s21] =	ssyncadd.s32 $0xFFFFC000  }
0x35: {  	s1 =	sor.u32 s2, s12;
	v6 =	vld [tilespmem:s7+$0xFFFFFFE0]  }
0x36: {  	v7 =	vld [tilespmem:s1+$0x0];
	_ =	sdelay $0x4  }
0x37: {  	v6 =	vmul.f32 v6, v7  }
0x38: {  	s9 =	simm.s32 $0x40  }
0x39: {  	s22 =	simm.s32 $0x80;
	s5 =	simm.s32 $0x4060;
	s10 =	simm.s32 $0x10;
	vm0 =	vge.f32 v6, $1.700000050e+00  }
0x3a: {  	s8 =	sand.u32 $0x40, s9;
	s18 =	sand.u32 $0x3F00, s22;
	s1 =	simm.s32 $0x6020;
	v7 =	vmpcnt.ones.xlane vm0  }
0x3b: {  	s10 =	sand.u32 $0x50, s10;
	s8 =	sor.u32 s8, s18;
	s2 =	simm.s32 $0x8202;
	[tilespmem:s1+$0xFFFFFFE0] =	vst v6;
	v6 =	vld [tilespmem:s5+$0xFFFFFFE0]  }
0x3c: {  	s23 =	sor.u32 s10, s12;
	[tilespmem:s2+$0xFFFFFFFE] =	vst.msk $0x1, v7;
	v7 =	vld [tilespmem:s8+$0x0]  }
0x3d: {  	v8 =	vld [tilespmem:s23+$0x0]  }
0x3e: {  	v9 =	vld [tilespmem:s7+$0xFFFFFFF0];
	_ =	sdelay $0x2  }
0x3f: {  	v6 =	vmul.f32 v6, v7  }
0x40: {  	s19 =	simm.s32 $0x80;
	s24 =	simm.s32 $0x100  }
0x41: {  	s11 =	sand.u32 $0x40, s19;
	s20 =	sand.u32 $0x3F00, s24;
	s10 =	simm.s32 $0x40A0;
	v7 =	vmul.f32 v9, v8;
	vm10 =	vge.f32 v6, $1.700000050e+00  }
0x42: {  	s17 =	simm.s32 $0x6060;
	s14 =	simm.s32 $0x50;
	s11 =	sor.u32 s11, s20;
	v9 =	vld [tilespmem:s10+$0xFFFFFFE0];
	v8 =	vmpcnt.ones.xlane vm10  }
0x43: {  	s14 =	sand.u32 $0x50, s14;
	s8 =	simm.s32 $0x8206;
	[tilespmem:s17+$0xFFFFFFE0] =	vst v6;
	v6 =	vld [tilespmem:s11+$0x0];
	vm11 =	vge.f32 v7, $1.700000050e+00  }
0x44: {  	s26 =	simm.s32 $0x20;
	s25 =	sor.u32 s14, s18;
	[tilespmem:s8+$0xFFFFFFFE] =	vst.msk $0x1, v8;
	v8 =	vmpcnt.ones.xlane vm11  }
0x45: {  	s29 =	sand.u32 $0x60, s26;
	[tilespmem:s1+$0xFFFFFFF0] =	vst v7;
	v7 =	vld [tilespmem:s25+$0x0]  }
0x46: {  	s11 =	sor.u32 s29, s12;
	[tilespmem:s2+$0xFFFFFFFF] =	vst.msk $0x1, v8;
	v8 =	vld [tilespmem:s5+$0xFFFFFFF0]  }
0x47: {  	v10 =	vld [tilespmem:s11+$0x0]  }
0x48: {  	v6 =	vmul.f32 v9, v6;
	v11 =	vld [tilespmem:s7+$0x0]  }
0x49: {  	s30 =	simm.s32 $0x180;
	s22 =	simm.s32 $0xC0  }
0x4a: {  	s26 =	simm.s32 $0x40E0;
	s31 =	sand.u32 $0x40, s22;
	s23 =	sand.u32 $0x3F00, s30;
	vm12 =	vge.f32 v6, $1.700000050e+00  }
0x4b: {  	s16 =	simm.s32 $0x90;
	s21 =	simm.s32 $0x60A0;
	s14 =	sor.u32 s31, s23;
	v9 =	vld [tilespmem:s26+$0xFFFFFFE0];
	v7 =	vmul.f32 v8, v7;
	v8 =	vmpcnt.ones.xlane vm12  }
0x4c: {  	s16 =	sand.u32 $0x50, s16;
	s11 =	simm.s32 $0x820A;
	[tilespmem:s21+$0xFFFFFFE0] =	vst v6;
	v6 =	vld [tilespmem:s14+$0x0]  }
0x4d: {  	s24 =	sor.u32 s16, s20;
	v10 =	vmul.f32 v11, v10;
	vm13 =	vge.f32 v7, $1.700000050e+00;
	[tilespmem:s11+$0xFFFFFFFE] =	vst.msk $0x1, v8  }
0x4e: {  	s25 =	simm.s32 $0x60;
	v8 =	vmpcnt.ones.xlane vm13;
	v12 =	vld [tilespmem:s24+$0x0]  }
0x4f: {  	s29 =	sand.u32 $0x60, s25;
	[tilespmem:s17+$0xFFFFFFF0] =	vst v7;
	vm14 =	vge.f32 v10, $1.700000050e+00;
	v13 =	vld [tilespmem:s10+$0xFFFFFFF0]  }
0x50: {  	s30 =	simm.s32 $0x30;
	s14 =	sor.u32 s29, s18;
	v7 =	vmpcnt.ones.xlane vm14;
	[tilespmem:s8+$0xFFFFFFFF] =	vst.msk $0x1, v8  }
0x51: {  	s31 =	sand.u32 $0x70, s30;
	v11 =	vmul.f32 v9, v6;
	[tilespmem:s1+$0x0] =	vst v10;
	v8 =	vld [tilespmem:s14+$0x0]  }
0x52: {  	s12 =	sor.u32 s31, s12;
	[tilespmem:s2+$0x0] =	vst.msk $0x1, v7;
	v9 =	vld [tilespmem:s5+$0x0]  }
0x53: {  	s28 =	simm.s32 $0x800;
	s25 =	simm.s32 $0x40E0;
	s24 =	simm.s32 $0x820A;
	vm15 =	vge.f32 v11, $1.700000050e+00;
	v6 =	vld [tilespmem:s12+$0x0]  }
0x54: {  	s14 =	simm.s32 $0x100;
	s12 =	simm.s32 $0xC;
	v7 =	vld [tilespmem:s7+$0x10];
	s7 =	simm.s32 $0x60E0;
	v10 =	vmul.f32 v13, v12;
	v12 =	vmpcnt.ones.xlane vm15  }
.LBB2_4:
0x55: {  	s29 =	sshrl.u32 s28, $0x2  }
0x56: {  	s26 =	sadd.s32 $0x40, s26;
	s11 =	sadd.s32 $0x4, s11;
	s16 =	smov.u32 s23  }
0x57: {  	[tilespmem:s7+$0xFFFFFFE0] =	vst v11;
	vm0 =	vge.f32 v10, $1.700000050e+00;
	v8 =	vmul.f32 v9, v8;
	s30 =	smov.u32 s1;
	s1 =	smov.u32 s17;
	s17 =	sand.u32 $0x40, s14  }
0x58: {  	s12 =	sadd.s32 $0x4, s12;
	s23 =	sand.u32 $0x3F00, s29;
	[tilespmem:s11+$0xFFFFFFFE] =	vst.msk $0x1, v12;
	s29 =	sadd.s32 $0x10, s22;
	v9 =	vmpcnt.ones.xlane vm0  }
0x59: {  	s31 =	sor.u32 s17, s23;
	v11 =	vld [tilespmem:s26+$0xFFFFFFE0];
	s29 =	sand.u32 $0x50, s29;
	[tilespmem:s21+$0xFFFFFFF0] =	vst v10;
	vm0 =	vge.f32 v8, $1.700000050e+00;
	v6 =	vmul.f32 v7, v6;
	s17 =	smov.u32 s21  }
0x5a: {  	s21 =	smov.u32 s7;
	v7 =	vld [tilespmem:s31+$0x0];
	s29 =	sor.u32 s29, s16;
	[tilespmem:s24+$0xFFFFFFFF] =	vst.msk $0x1, v9;
	s31 =	sadd.s32 $0x20, s19;
	v9 =	vmpcnt.ones.xlane vm0  }
0x5b: {  	p0 =	slt.u32 s12, $0x1FC;
	v10 =	vld [tilespmem:s29+$0x0];
	s29 =	sand.u32 $0x60, s31;
	[tilespmem:s1+$0x0] =	vst v8;
	vm0 =	vge.f32 v6, $1.700000050e+00  }
0x5c: {  	s31 =	sadd.s32 $0x30, s9;
	s9 =	smov.u32 s19;
	v12 =	vld [tilespmem:s25+$0xFFFFFFF0];
	s29 =	sor.u32 s29, s20;
	[tilespmem:s8+$0x0] =	vst.msk $0x1, v9;
	v13 =	vmpcnt.ones.xlane vm0  }
0x5d: {  	s19 =	smov.u32 s22;
	s22 =	smov.u32 s14;
	v8 =	vld [tilespmem:s29+$0x0];
	s29 =	sand.u32 $0x70, s31;
	[tilespmem:s30+$0x10] =	vst v6  }
.Ltmp1:
0x5e: {  	v9 =	vld [tilespmem:s10+$0x0];
	s18 =	sor.u32 s29, s18;
	[tilespmem:s2+$0x1] =	vst.msk $0x1, v13;
	s2 =	smov.u32 s8;
	(pc) =	sbr.rel @p0 .LBB2_4-.Ltmp1, $4  }
0x5f: {  	s8 =	smov.u32 s24;
	s24 =	smov.u32 s11;
	v11 =	vmul.f32 v11, v7;
	v6 =	vld [tilespmem:s18+$0x0];
	s18 =	smov.u32 s20  }
0x60: {  	v7 =	vld [tilespmem:s5+$0x10];
	s5 =	smov.u32 s10;
	s10 =	smov.u32 s25  }
0x61: {  	s20 =	smov.u32 s16;
	s25 =	smov.u32 s26;
	vm0 =	vge.f32 v11, $1.700000050e+00;
	v10 =	vmul.f32 v12, v10  }
0x62: {  	s28 =	sadd.s32 $0x200, s28;
	s7 =	sadd.s32 $0x40, s7;
	s14 =	sadd.s32 $0x40, s14;
	v12 =	vmpcnt.ones.xlane vm0  }
0x63: {  	s12 =	sadd.s32 $0x10, s22;
	[tilespmem:s7+$0xFFFFFFE0] =	vst v11;
	s11 =	sadd.s32 $0x4, s11  }
0x64: {  	s12 =	sand.u32 $0x50, s12;
	[tilespmem:s11+$0xFFFFFFFE] =	vst.msk $0x1, v12  }
0x65: {  	s12 =	sor.u32 s12, s23;
	v12 =	vld [tilespmem:s25+$0xFFFFFFF0]  }
0x66: {  	v11 =	vld [tilespmem:s12+$0x0];
	_ =	sdelay $0x4  }
0x67: {  	vm0 =	vge.f32 v10, $1.700000050e+00;
	v11 =	vmul.f32 v12, v11  }
0x68: {  	s14 =	sadd.s32 $0x20, s19;
	v62 =	vmpcnt.ones.xlane vm0  }
0x69: {  	[tilespmem:s21+$0xFFFFFFF0] =	vst v10;
	s12 =	sand.u32 $0x60, s14;
	vm8 =	vge.f32 v11, $1.700000050e+00  }
0x6a: {  	[tilespmem:s24+$0xFFFFFFFF] =	vst.msk $0x1, v62;
	s14 =	sadd.s32 $0x20, s22;
	s12 =	sor.u32 s12, s20;
	v10 =	vmpcnt.ones.xlane vm8  }
0x6b: {  	s16 =	sand.u32 $0x60, s14;
	v12 =	vld [tilespmem:s12+$0x0];
	[tilespmem:s7+$0xFFFFFFF0] =	vst v11  }
0x6c: {  	s12 =	sor.u32 s16, s23;
	v11 =	vld [tilespmem:s10+$0x0];
	[tilespmem:s11+$0xFFFFFFFF] =	vst.msk $0x1, v10  }
0x6d: {  	v10 =	vld [tilespmem:s12+$0x0]  }
0x6e: {  	v13 =	vld [tilespmem:s25+$0x0]  }
0x6f: {  	v8 =	vmul.f32 v9, v8;
	_ =	sdelay $0x1  }
0x70: {  	vm9 =	vge.f32 v8, $1.700000050e+00;
	v9 =	vmul.f32 v11, v12  }
0x71: {  	s9 =	sadd.s32 $0x30, s9;
	v11 =	vmpcnt.ones.xlane vm9  }
0x72: {  	s9 =	sand.u32 $0x70, s9;
	[tilespmem:s17+$0x0] =	vst v8;
	vm10 =	vge.f32 v9, $1.700000050e+00;
	v8 =	vmul.f32 v13, v10  }
0x73: {  	s26 =	sadd.s32 $0x30, s19;
	s9 =	sor.u32 s9, s18;
	[tilespmem:s8+$0x0] =	vst.msk $0x1, v11;
	v10 =	vmpcnt.ones.xlane vm10  }
0x74: {  	s28 =	sand.u32 $0x70, s26;
	[tilespmem:s21+$0x0] =	vst v9;
	v11 =	vld [tilespmem:s9+$0x0];
	vm11 =	vge.f32 v8, $1.700000050e+00  }
0x75: {  	s30 =	sadd.s32 $0x30, s22;
	s29 =	sor.u32 s28, s20;
	v9 =	vld [tilespmem:s5+$0x10];
	[tilespmem:s24+$0x0] =	vst.msk $0x1, v10;
	v10 =	vmpcnt.ones.xlane vm11  }
0x76: {  	s31 =	sand.u32 $0x70, s30;
	[tilespmem:s7+$0x0] =	vst v8;
	v63 =	vld [tilespmem:s29+$0x0]  }
0x77: {  	s5 =	sor.u32 s31, s23;
	v8 =	vld [tilespmem:s10+$0x10];
	[tilespmem:s11+$0x0] =	vst.msk $0x1, v10  }
0x78: {  	v6 =	vmul.f32 v7, v6;
	v7 =	vld [tilespmem:s5+$0x0]  }
0x79: {  	v10 =	vld [tilespmem:s25+$0x10]  }
0x7a: {  	vm12 =	vge.f32 v6, $1.700000050e+00;
	v9 =	vmul.f32 v9, v11  }
0x7b: {  	v11 =	vmpcnt.ones.xlane vm12  }
0x7c: {  	[tilespmem:s1+$0x10] =	vst v6;
	vm13 =	vge.f32 v9, $1.700000050e+00;
	v6 =	vmul.f32 v8, v63  }
0x7d: {  	[tilespmem:s2+$0x1] =	vst.msk $0x1, v11;
	v8 =	vmpcnt.ones.xlane vm13  }
0x7e: {  	[tilespmem:s17+$0x10] =	vst v9;
	vm14 =	vge.f32 v6, $1.700000050e+00;
	v7 =	vmul.f32 v10, v7  }
0x7f: {  	[tilespmem:s8+$0x1] =	vst.msk $0x1, v8;
	v8 =	vmpcnt.ones.xlane vm14  }
0x80: {  	[tilespmem:s21+$0x10] =	vst v6;
	vm15 =	vge.f32 v7, $1.700000050e+00  }
0x81: {  	[tilespmem:s24+$0x1] =	vst.msk $0x1, v8;
	v6 =	vmpcnt.ones.xlane vm15  }
0x82: {  	[tilespmem:s7+$0x10] =	vst v7  }
0x83: {  	s7 =	simm.s32 $0x0;
	[tilespmem:s11+$0x1] =	vst.msk $0x1, v6  }
0x84: {  	s1 =	simm.s32 $0x10;
	v8 =	vld [tilespmem:s7+$0x8200]  }
0x85: {  	v6 =	vld [tilespmem:s1+$0x8200];
	_ =	sdelay $0x3  }
0x86: {  	(xrf0) =	vadd.scan.msk.s32 $0xffff, v8  }
0x87: {  	(xrf0) =	vadd.scan.msk.s32 $0xffff, v6;
	_ =	sdelay $0x4  }
0x88: {  	s2 =	simm.s32 $0x20;
	v11, _, _ =	vpop (xrf0)  }
0x89: {  	v9 =	vld [tilespmem:s2+$0x8200];
	(v2sf) =	vpush v11, $0xF;
	v10, _, _ =	vpop (xrf0)  }
0x8a: {  	(v2sf) =	vpush v10, $0xF;
	_ =	sdelay $0x3  }
0x8b: {  	s5 =	simm.s32 $0x30;
	(xrf0) =	vadd.scan.msk.s32 $0xffff, v9  }
0x8c: {  	v7 =	vld [tilespmem:s5+$0x8200];
	_ =	sdelay $0x3  }
0x8d: {  	s8 =	simm.s32 $0x100  }
.LBB2_6:
0x8e: {  	s9 =	sshra.s32 s8, $0x2;
	p0 =	sne.s32 s8, $0x7C0;
	s8 =	sadd.s32 $0x40, s8;
	(xrf0) =	vadd.scan.msk.s32 $0xffff, v7;
	v12, _, _ =	vpop (xrf0);
	v13 =	vsub.s32 s0, v8;
	v8 =	vmov v6;
	v6 =	vmov v9  }
.Ltmp2:
0x8f: {  	v9 =	vmovc v7;
	(v2sf) =	vpush v12, $0xF;
	v13 =	vadd.s32 v11, v13;
	v11 =	vmovc v10;
	v10 =	vmov v12;
	v7 =	vld [tilespmem:s9+$0x8200];
	(pc) =	sbr.rel @p0 .LBB2_6-.Ltmp2, $4  }
0x90: {  	[tilespmem:s7+$0x8480] =	vst v13;
	s7 =	smov.u32 s1;
	s1 =	smov.u32 s2;
	s2 =	smov.u32 s5  }
0x91: {  	s5 =	smov.u32 s9  }
0x92: {  	s9 =	spop (v2sf)  }
0x93: {  	s0 =	sadd.s32 s0, s9  }
0x94: {  	(xrf0) =	vadd.scan.msk.s32 $0xffff, v7;
	_ =	sdelay $0x4  }
0x95: {  	v12, _, _ =	vpop (xrf0)  }
0x96: {  	(v2sf) =	vpush v12, $0xF;
	v13, _, _ =	vpop (xrf0)  }
0x97: {  	(v2sf) =	vpush v13, $0xF;
	_ =	sdelay $0xb  }
0x98: {  	s8 =	spop (v2sf)  }
0x99: {  	s28 =	sadd.s32 s0, s8;
	s29 =	spop (v2sf)  }
0x9a: {  	v8 =	vsub.s32 s0, v8;
	s0 =	sadd.s32 s28, s29;
	s30 =	spop (v2sf)  }
0x9b: {  	v63 =	vsub.s32 s0, v9;
	s0 =	sadd.s32 s0, s30;
	s31 =	spop (v2sf)  }
0x9c: {  	s11 =	sadd.s32 s0, s31  }
0x9d: {  	p0 =	sgt.s32 s11, $0xA3  }
.Ltmp3:
0x9e: {  	v8 =	vadd.s32 v11, v8;
	v6 =	vsub.s32 s28, v6;
	(pc) =	sbr.rel @p0 .LBB2_11-.Ltmp3, $4  }
0x9f: {  	[tilespmem:s7+$0x8480] =	vst v8;
	v6 =	vadd.s32 v10, v6  }
0xa0: {  	[tilespmem:s1+$0x8480] =	vst v6;
	v6 =	vadd.s32 v12, v63;
	v7 =	vsub.s32 s0, v7  }
0xa1: {  	[tilespmem:s2+$0x8480] =	vst v6;
	v6 =	vadd.s32 v13, v7  }
0xa2: {  	[tilespmem:s5+$0x8480] =	vst v6;
	s0 =	simm.f32 $1.700000050e+00  }
0xa3: {  	s0 =	simm.s32 $0x0;
	s1 =	simm.s32 $0x8480  }
.LBB2_9:
0xa4: {  	p0 =	sne.s32 s0, $0x1F0  }
.Ltmp4:
0xa5: {  	_ = 	snop;
	(pc) =	sbr.rel @p0 .LBB2_9-.Ltmp4, $4  }
0xa6: {  	v6 =	vmov s0  }
0xa7: {  	v6 =	vshll.u32 v6, $0x4  }
0xa8: {  	v6 =	vor.u32 v1, v6  }
0xa9: {  	s0 =	sadd.s32 $0x10, s0;
	[tilespmem:s1+$0x0] =	vst v6;
	s1 =	sadd.s32 $0x10, s1  }
0xaa: {  	s11 =	simm.s32 $0x2000;
	s0 =	simm.f32 $-3.000000010e+38  }
.LBB2_11:
0xab: {  	s1 =	simm.s32 $0x8482  }
0xac: {  	v6 =	vld [tilespmem:s1+$0x1]  }
0xad: {  	v7 =	vld [tilespmem:s1+$0xFFFFFFFF]  }
0xae: {  	v8 =	vld [tilespmem:s1+$0x0];
	_ =	sdelay $0x2  }
0xaf: {  	(v2sf) =	vpush v6, $0x0  }
0xb0: {  	(v2sf) =	vpush v7, $0x0  }
0xb1: {  	(v2sf) =	vpush v8, $0x0;
	_ =	sdelay $0x1  }
0xb2: {  	v9 =	vld [tilespmem:s1+$0xFFFFFFFE]  }
0xb3: {  	s30 =	simm.s32 $0x8486  }
0xb4: {  	v6 =	vld [tilespmem:s30+$0x1]  }
0xb5: {  	v7 =	vld [tilespmem:s30+$0xFFFFFFFF]  }
0xb6: {  	v8 =	vld [tilespmem:s30+$0x0]  }
0xb7: {  	s31 =	simm.s32 $0x848A;
	(v2sf) =	vpush v9, $0x0;
	v9 =	vld [tilespmem:s30+$0xFFFFFFFE]  }
0xb8: {  	v12 =	vld [tilespmem:s31+$0x1]  }
0xb9: {  	v13 =	vld [tilespmem:s31+$0xFFFFFFFF];
	(v2sf) =	vpush v6, $0x0  }
0xba: {  	v14 =	vld [tilespmem:s31+$0x0];
	(v2sf) =	vpush v7, $0x0  }
0xbb: {  	s2 =	simm.s32 $0x6020;
	(v2sf) =	vpush v8, $0x0  }
0xbc: {  	v11 =	vld [tilespmem:s2+$0x10];
	(v2sf) =	vpush v9, $0x0  }
0xbd: {  	v7 =	vld [tilespmem:s2+$0xFFFFFFE0];
	s7 =	spop (v2sf);
	(v2sf) =	vpush v12, $0x0  }
0xbe: {  	v8 =	vld [tilespmem:s2+$0x0];
	s1 =	spop (v2sf);
	(v2sf) =	vpush v13, $0x0  }
0xbf: {  	v9 =	vld [tilespmem:s2+$0xFFFFFFF0];
	s2 =	spop (v2sf);
	(v2sf) =	vpush v14, $0x0;
	_ =	sdelay $0x2  }
0xc0: {  	v10 =	vld [tilespmem:s31+$0xFFFFFFFE];
	_ =	sdelay $0x1  }
0xc1: {  	v6 =	vmov s0  }
0xc2: {  	s0 =	simm.s32 $0x6060;
	vm0 =	vge.f32 v11, v6  }
0xc3: {  	s5 =	simm.s32 $0x8;
	[tilespmem:s7+$0x8700] =	vst.msk vm0, v11;
	s7 =	simm.s32 $0x848E;
	v11 =	vld [tilespmem:s0+$0x10];
	s8 =	spop (v2sf)  }
.LBB2_12:
0xc4: {  	v12 =	vld [tilespmem:s7+$0x1];
	s5 =	sadd.s32 $0x4, s5;
	(v2sf) =	vpush v10, $0x0  }
0xc5: {  	v13 =	vld [tilespmem:s7+$0xFFFFFFFF];
	p0 =	slt.u32 s5, $0x1FC;
	vm0 =	vge.f32 v7, v6  }
0xc6: {  	v14 =	vld [tilespmem:s7+$0x0];
	[tilespmem:s8+$0x8700] =	vst.msk vm0, v7;
	vm0 =	vge.f32 v9, v6  }
.Ltmp5:
0xc7: {  	v10 =	vld [tilespmem:s7+$0xFFFFFFFE];
	[tilespmem:s1+$0x8700] =	vst.msk vm0, v9;
	vm0 =	vge.f32 v8, v6;
	(pc) =	sbr.rel @p0 .LBB2_12-.Ltmp5, $4  }
0xc8: {  	v7 =	vld [tilespmem:s0+$0xFFFFFFE0];
	vm1 =	vge.f32 v11, v6;
	s1 =	spop (v2sf);
	[tilespmem:s2+$0x8700] =	vst.msk vm0, v8  }
0xc9: {  	(v2sf) =	vpush v12, $0x0;
	v9 =	vld [tilespmem:s0+$0xFFFFFFF0];
	[tilespmem:s1+$0x8700] =	vst.msk vm1, v11;
	s1 =	spop (v2sf)  }
0xca: {  	(v2sf) =	vpush v13, $0x0;
	v8 =	vld [tilespmem:s0+$0x0];
	s0 =	sadd.s32 $0x40, s0;
	s2 =	spop (v2sf)  }
0xcb: {  	s7 =	sadd.s32 $0x4, s7;
	(v2sf) =	vpush v14, $0x0;
	v11 =	vld [tilespmem:s0+$0x10];
	s8 =	spop (v2sf)  }
0xcc: {  	(v2sf) =	vpush v10, $0x0;
	_ =	sdelay $0x3  }
0xcd: {  	v12 =	vld [tilespmem:s0+$0xFFFFFFF0]  }
0xce: {  	v59 =	vld [tilespmem:s0+$0xFFFFFFE0];
	vm0 =	vge.f32 v7, v6  }
0xcf: {  	s22 =	sadd.s32 $0x40, s0;
	[tilespmem:s8+$0x8700] =	vst.msk vm0, v7;
	vm6 =	vge.f32 v9, v6;
	v7 =	vld [tilespmem:s0+$0x0]  }
0xd0: {  	s5 =	spop (v2sf);
	v60 =	vld [tilespmem:s22+$0x10];
	[tilespmem:s1+$0x8700] =	vst.msk vm6, v9;
	vm7 =	vge.f32 v8, v6  }
0xd1: {  	s23 =	spop (v2sf);
	v62 =	vld [tilespmem:s22+$0xFFFFFFF0];
	[tilespmem:s2+$0x8700] =	vst.msk vm7, v8;
	vm8 =	vge.f32 v11, v6  }
0xd2: {  	v63 =	vld [tilespmem:s22+$0x0];
	s24 =	spop (v2sf);
	[tilespmem:s5+$0x8700] =	vst.msk vm8, v11;
	vm10 =	vge.f32 v12, v6  }
0xd3: {  	v61 =	vld [tilespmem:s22+$0xFFFFFFE0];
	vm9 =	vge.f32 v59, v6;
	[tilespmem:s23+$0x8700] =	vst.msk vm10, v12;
	s25 =	spop (v2sf)  }
0xd4: {  	vm11 =	vge.f32 v7, v6;
	[tilespmem:s25+$0x8700] =	vst.msk vm9, v59  }
0xd5: {  	vm12 =	vge.f32 v60, v6;
	[tilespmem:s24+$0x8700] =	vst.msk vm11, v7;
	s26 =	spop (v2sf)  }
0xd6: {  	vm14 =	vge.f32 v62, v6;
	s28 =	spop (v2sf);
	[tilespmem:s26+$0x8700] =	vst.msk vm12, v60  }
0xd7: {  	vm15 =	vge.f32 v63, v6;
	s29 =	spop (v2sf);
	[tilespmem:s28+$0x8700] =	vst.msk vm14, v62  }
0xd8: {  	vm13 =	vge.f32 v61, v6;
	s30 =	spop (v2sf);
	[tilespmem:s29+$0x8700] =	vst.msk vm15, v63  }
0xd9: {  	[tilespmem:s30+$0x8700] =	vst.msk vm13, v61  }
0xda: {  	[tilespmem:$0x8000] =	vst v2  }
0xdb: {  	[tilespmem:$0x8010] =	vst v2  }
0xdc: {  	[tilespmem:$0x8020] =	vst v2  }
0xdd: {  	[tilespmem:$0x8030] =	vst v2  }
0xde: {  	[tilespmem:$0x8040] =	vst v2  }
0xdf: {  	[tilespmem:$0x8050] =	vst v2  }
0xe0: {  	[tilespmem:$0x8060] =	vst v2  }
0xe1: {  	[tilespmem:$0x8070] =	vst v2  }
0xe2: {  	[tilespmem:$0x8080] =	vst v2  }
0xe3: {  	[tilespmem:$0x8090] =	vst v2  }
0xe4: {  	[tilespmem:$0x80A0] =	vst v2  }
0xe5: {  	[tilespmem:$0x80B0] =	vst v2  }
0xe6: {  	[tilespmem:$0x80C0] =	vst v2  }
0xe7: {  	[tilespmem:$0x80D0] =	vst v2  }
0xe8: {  	[tilespmem:$0x80E0] =	vst v2  }
0xe9: {  	[tilespmem:$0x80F0] =	vst v2  }
0xea: {  	[tilespmem:$0x8100] =	vst v2  }
0xeb: {  	[tilespmem:$0x8110] =	vst v2  }
0xec: {  	[tilespmem:$0x8120] =	vst v2  }
0xed: {  	[tilespmem:$0x8130] =	vst v2  }
0xee: {  	[tilespmem:$0x8140] =	vst v2  }
0xef: {  	s31 =	sadd.s32 $0xF, s11;
	[tilespmem:$0x8150] =	vst v2  }
0xf0: {  	s18 =	sshra.s32 s31, $0x4;
	[tilespmem:$0x8160] =	vst v2  }
0xf1: {  	s0 =	sshrl.u32 s18, $0x1E;
	[tilespmem:$0x8170] =	vst v2  }
0xf2: {  	s0 =	sadd.s32 s0, s18;
	[tilespmem:$0x8180] =	vst v2  }
0xf3: {  	s19 =	sand.u32 $0xFFFFFFFC, s0;
	[tilespmem:$0x8190] =	vst v2  }
0xf4: {  	p0 =	slt.s32 s19, $0x1;
	[tilespmem:$0x81A0] =	vst v2  }
.Ltmp6:
0xf5: {  	[tilespmem:$0x81B0] =	vst v2;
	(pc) =	sbr.rel @p0 .LBB2_16-.Ltmp6, $4  }
0xf6: {  	[tilespmem:$0x81C0] =	vst v2  }
0xf7: {  	[tilespmem:$0x81D0] =	vst v2  }
0xf8: {  	[tilespmem:$0x81E0] =	vst v2  }
0xf9: {  	[tilespmem:$0x81F0] =	vst v2  }
0xfa: {  	s0 =	simm.s32 $0x8720  }
0xfb: {  	v6 =	vld [tilespmem:s0+$0x10]  }
0xfc: {  	v7 =	vld [tilespmem:s0+$0xFFFFFFF0]  }
0xfd: {  	v8 =	vld [tilespmem:s0+$0x0]  }
0xfe: {  	v9 =	vld [tilespmem:s0+$0xFFFFFFE0];
	_ =	sdelay $0x3  }
0xff: {  	p2 =	sgt.s32 s19, $0x4;
	v6 =	vadd.f32 $-1.500000000e+00, v6;
	v7 =	vadd.f32 $-1.500000000e+00, v7  }
.Ltmp7:
0x100: {  	v8 =	vadd.f32 $-1.500000000e+00, v8;
	v9 =	vadd.f32 $-1.500000000e+00, v9;
	(pc) =	sbr.rel @!p2 .LBB2_15-.Ltmp7, $4  }
0x101: {  	v6 =	vmul.f32 $2.000000000e+02, v6;
	v7 =	vmul.f32 $2.000000000e+02, v7  }
0x102: {  	v8 =	vmul.f32 $2.000000000e+02, v8;
	v13 =	vmul.f32 $2.000000000e+02, v9  }
0x103: {  	s1 =	sadd.s32 $0xFFFFFFF0, s11;
	v6 =	vtrunc.f32 v6;
	v12 =	vtrunc.f32 v7  }
0x104: {  	s7 =	sadd.s32 $0xFFFFFFD0, s11;
	p1 =	por $0x0, $0x0;
	s0 =	simm.s32 $0x8760;
	v11 =	vtrunc.f32 v8;
	v10 =	vcvt.f32.s32 v6;
	v6 =	vmov s11  }
0x105: {  	v7 =	vld [tilespmem:s0+$0x10];
	v8 =	vtrunc.f32 v13;
	v9 =	vmov s7;
	v12 =	vcvt.f32.s32 v12  }
0x106: {  	v13 =	vld [tilespmem:s0+$0xFFFFFFF0];
	v11 =	vcvt.f32.s32 v11;
	v16 =	vmov s1;
	vm0 =	vgt.s32 v10, $0x0  }
0x107: {  	s2 =	sadd.s32 $0xFFFFFFE0, s11;
	v8 =	vcvt.f32.s32 v8;
	vm3 =	vgt.s32 v9, v0;
	v9 =	vnsel vm0, $0x0, v10;
	v10 =	vld [tilespmem:s0+$0x0]  }
0x108: {  	v15 =	vld [tilespmem:s0+$0xFFFFFFE0];
	vm2 =	vgt.s32 v6, v0;
	v17 =	vmov s2;
	vm1 =	vgt.s32 v11, $0x0  }
0x109: {  	v14 =	vmin.u32 v9, $0x1FF;
	vm0 =	vgt.s32 v8, $0x0;
	v11 =	vnsel vm1, $0x0, v11  }
0x10a: {  	v8 =	vnsel vm0, $0x0, v8;
	vm0 =	vgt.s32 v12, $0x0;
	v18 =	vadd.f32 $-1.500000000e+00, v7  }
0x10b: {  	p2 =	sgt.s32 s19, $0x8;
	vm1 =	vgt.s32 v17, v0;
	v7 =	vnsel vm0, $0x0, v12;
	v12 =	vadd.f32 $-1.500000000e+00, v13  }
.Ltmp8:
0x10c: {  	v9 =	vmin.u32 v8, $0x1FF;
	v10 =	vadd.f32 $-1.500000000e+00, v10;
	v13 =	vmul.f32 $2.000000000e+02, v18;
	(pc) =	sbr.rel @!p2 .LBB2_24-.Ltmp8, $4  }
0x10d: {  	s0 =	sadd.s32 $0xFFFFFFC0, s11;
	v8 =	vmin.u32 v11, $0x1FF;
	v11 =	vadd.f32 $-1.500000000e+00, v15;
	v12 =	vmul.f32 $2.000000000e+02, v12  }
0x10e: {  	v6 =	vmov s0;
	v15 =	vmul.f32 $2.000000000e+02, v10;
	v10 =	vtrunc.f32 v13  }
0x10f: {  	s5 =	simm.s32 $0x87A0;
	p1 =	por $0x1, $0x1;
	vm0 =	vgt.s32 v16, v0;
	v13 =	vmul.f32 $2.000000000e+02, v11;
	v10 =	vcvt.f32.s32 v10  }
0x110: {  	s2 =	simm.s32 $0x8;
	s1 =	sadd.s32 $0xFFFFFFF0, s0;
	s7 =	sadd.s32 $0xFFFFFFD0, s0;
	v7 =	vmin.u32 v7, $0x1FF;
	[tilespmem:v14+s13+$0x0] =	vst.idx.add.s32.msk vm3, v3;
	v12 =	vtrunc.f32 v12;
	v11 =	vtrunc.f32 v15  }
.LBB2_23:
0x111: {  	v14 =	vld [tilespmem:s5+$0x10];
	s2 =	sadd.s32 $0x4, s2;
	v13 =	vtrunc.f32 v13;
	s8 =	sadd.s32 $0xFFFFFFE0, s0;
	v15 =	vmov s7;
	vm3 =	vgt.s32 v10, $0x0  }
0x112: {  	v16 =	vld [tilespmem:s5+$0xFFFFFFF0];
	p2 =	slt.s32 s2, s19;
	v13 =	vcvt.f32.s32 v13;
	vm4 =	vgt.s32 v15, v0;
	v10 =	vnsel vm3, $0x0, v10  }
0x113: {  	v12 =	vcvt.f32.s32 v12;
	v11 =	vcvt.f32.s32 v11;
	v15 =	vld [tilespmem:s5+$0x0];
	v10 =	vmin.u32 v10, $0x1FF  }
0x114: {  	v18 =	vmov s1;
	v19 =	vmov s8;
	v17 =	vld [tilespmem:s5+$0xFFFFFFE0];
	vm3 =	vgt.s32 v13, $0x0  }
0x115: {  	vm5 =	vgt.s32 v11, $0x0;
	v13 =	vnsel vm3, $0x0, v13;
	vm3 =	vgt.s32 v12, $0x0;
	[tilespmem:v9+s13+$0x0] =	vst.idx.add.s32.msk vm2, v3  }
0x116: {  	v11 =	vnsel vm5, $0x0, v11;
	v14 =	vadd.f32 $-1.500000000e+00, v14;
	v12 =	vnsel vm3, $0x0, v12;
	[tilespmem:v7+s13+$0x0] =	vst.idx.add.s32.msk vm0, v3  }
0x117: {  	v9 =	vmin.u32 v13, $0x1FF;
	v16 =	vadd.f32 $-1.500000000e+00, v16;
	v7 =	vmin.u32 v12, $0x1FF;
	[tilespmem:v8+s13+$0x0] =	vst.idx.add.s32.msk vm1, v3  }
.Ltmp9:
0x118: {  	v8 =	vmin.u32 v11, $0x1FF;
	v12 =	vadd.f32 $-1.500000000e+00, v15;
	v13 =	vmul.f32 $2.000000000e+02, v14;
	[tilespmem:v10+s13+$0x0] =	vst.idx.add.s32.msk vm4, v3;
	(pc) =	sbr.rel @p2 .LBB2_23-.Ltmp9, $4  }
0x119: {  	vm0 =	vgt.s32 v18, v0;
	v10 =	vadd.f32 $-1.500000000e+00, v17;
	v11 =	vmul.f32 $2.000000000e+02, v16  }
0x11a: {  	vm1 =	vgt.s32 v19, v0;
	v14 =	vmul.f32 $2.000000000e+02, v12;
	v12 =	vtrunc.f32 v13  }
0x11b: {  	s0 =	sadd.s32 $0xFFFFFFC0, s0;
	vm2 =	vgt.s32 v6, v0;
	v13 =	vmul.f32 $2.000000000e+02, v10;
	v10 =	vcvt.f32.s32 v12  }
0x11c: {  	s1 =	sadd.s32 $0xFFFFFFF0, s0;
	s7 =	sadd.s32 $0xFFFFFFD0, s0;
	s5 =	sadd.s32 $0x40, s5;
	v6 =	vmov s0;
	v12 =	vtrunc.f32 v11;
	v11 =	vtrunc.f32 v14  }
.LBB2_24:
0x11d: {  	v13 =	vtrunc.f32 v13;
	v14 =	vmov s7  }
0x11e: {  	vm3 =	vgt.s32 v10, $0x0;
	v12 =	vcvt.f32.s32 v12;
	v11 =	vcvt.f32.s32 v11  }
0x11f: {  	s0 =	sadd.s32 $0xFFFFFFE0, s0;
	v61 =	vmov s1;
	vm6 =	vgt.s32 v6, v0;
	v13 =	vcvt.f32.s32 v13  }
0x120: {  	vm4 =	vgt.s32 v14, v0;
	v10 =	vnsel vm3, $0x0, v10;
	v15 =	vmov s0  }
0x121: {  	vm14 =	vgt.s32 v61, v0;
	v10 =	vmin.u32 v10, $0x1FF;
	vm13 =	vgt.s32 v12, $0x0  }
0x122: {  	vm5 =	vgt.s32 v11, $0x0;
	vm15 =	vgt.s32 v15, v0;
	v6 =	vnsel vm13, $0x0, v12  }
0x123: {  	vm12 =	vgt.s32 v13, $0x0;
	v63 =	vnsel vm5, $0x0, v11;
	v6 =	vmin.u32 v6, $0x1FF  }
0x124: {  	[tilespmem:v7+s13+$0x0] =	vst.idx.add.s32.msk @p1 vm0, v3;
	v13 =	vnsel vm12, $0x0, v13;
	v7 =	vmin.u32 v63, $0x1FF  }
0x125: {  	[tilespmem:v9+s13+$0x0] =	vst.idx.add.s32.msk @p1 vm2, v3;
	v62 =	vmin.u32 v13, $0x1FF  }
0x126: {  	[tilespmem:v8+s13+$0x0] =	vst.idx.add.s32.msk @p1 vm1, v3  }
0x127: {  	[tilespmem:v10+s13+$0x0] =	vst.idx.add.s32.msk vm4, v3  }
0x128: {  	[tilespmem:v6+s13+$0x0] =	vst.idx.add.s32.msk vm14, v3  }
0x129: {  	[tilespmem:v7+s13+$0x0] =	vst.idx.add.s32.msk vm15, v3  }
0x12a: {  	[tilespmem:v62+s13+$0x0] =	vst.idx.add.s32.msk vm6, v3  }
.LBB2_16:
0x12b: {  	s24 =	ssub.s32 s18, s19  }
0x12c: {  	p1 =	sgt.s32 s24, $0x0  }
.Ltmp10:
0x12d: {  	_ = 	snop;
	(pc) =	sbr.rel @!p1 .LBB2_17-.Ltmp10, $3  }
0x12e: {  	_ =	sdelay $0x1  }
0x12f: {  	s0 =	sshll.u32 s18, $0x6;
	s1 =	sshll.u32 s24, $0x6  }
0x130: {  	s21 =	sshll.u32 s24, $0x4;
	s20 =	ssub.s32 s0, s1  }
0x131: {  	s0 =	sshra.s32 s20, $0x2;
	s1 =	sadd.s32 s21, s11;
	s2 =	sshll.u32 s18, $0x4  }
0x132: {  	s0 =	sadd.s32 $0x8700, s0;
	s1 =	ssub.s32 s1, s2;
	s2 =	smov.u32 s19  }
.LBB2_26:
0x133: {  	v6 =	vld [tilespmem:s0+$0x0];
	_ =	sdelay $0x4  }
0x134: {  	v6 =	vadd.f32 $-1.500000000e+00, v6;
	_ =	sdelay $0x1  }
0x135: {  	v6 =	vmul.f32 $2.000000000e+02, v6;
	_ =	sdelay $0x1  }
0x136: {  	v6 =	vtrunc.f32 v6  }
0x137: {  	v6 =	vcvt.f32.s32 v6;
	_ =	sdelay $0x1  }
0x138: {  	v7 =	vmov s1;
	vm0 =	vgt.s32 v6, $0x0  }
0x139: {  	s2 =	sadd.s32 $0x1, s2;
	vm1 =	vgt.s32 v7, v0;
	v6 =	vnsel vm0, $0x0, v6  }
0x13a: {  	p1 =	slt.s32 s2, s18;
	v6 =	vmin.u32 v6, $0x1FF  }
.Ltmp11:
0x13b: {  	_ = 	snop;
	(pc) =	sbr.rel @p1 .LBB2_26-.Ltmp11, $2  }
0x13c: {  	_ =	sdelay $0x2  }
0x13d: {  	s0 =	sadd.s32 $0x10, s0;
	s1 =	sadd.s32 $0xFFFFFFF0, s1;
	[tilespmem:v6+s13+$0x0] =	vst.idx.add.s32.msk vm1, v3  }
.LBB2_17:
0x13e: {  	s7 =	simm.s32 $0x8020  }
0x13f: {  	v6 =	vld [tilespmem:s7+$0xFFFFFFE0];
	_ =	sdelay $0x4  }
0x140: {  	(xrf0) =	vadd.scan.msk.s32 $0xffff, v6  }
0x141: {  	s12 =	simm.s32 $0x8060  }
0x142: {  	v6 =	vld [tilespmem:s12+$0xFFFFFFE0];
	_ =	sdelay $0x3  }
0x143: {  	v7, _, _ =	vpop (xrf0)  }
0x144: {  	(xrf0) =	vadd.scan.msk.s32 $0xffff, v6;
	v6 =	vbroadcast v7, $0xF  }
0x145: {  	s0 =	simm.s32 $0x8202  }
0x146: {  	[tilespmem:s0+$0xFFFFFFFE] =	vst.msk $0x1, v6  }
0x147: {  	s22 =	simm.s32 $0x80A0;
	v6 =	vld [tilespmem:s7+$0xFFFFFFF0]  }
0x148: {  	v7 =	vld [tilespmem:s22+$0xFFFFFFE0];
	_ =	sdelay $0x1  }
0x149: {  	v8, _, _ =	vpop (xrf0)  }
0x14a: {  	v8 =	vbroadcast v8, $0xF  }
0x14b: {  	s1 =	simm.s32 $0x8206;
	(xrf0) =	vadd.scan.msk.s32 $0xffff, v6  }
0x14c: {  	[tilespmem:s1+$0xFFFFFFFE] =	vst.msk $0x1, v8;
	(xrf0) =	vadd.scan.msk.s32 $0xffff, v7  }
0x14d: {  	s8 =	simm.s32 $0x80E0;
	v6 =	vld [tilespmem:s12+$0xFFFFFFF0]  }
0x14e: {  	v7 =	vld [tilespmem:s8+$0xFFFFFFE0];
	_ =	sdelay $0x2  }
0x14f: {  	v8, _, _ =	vpop (xrf0)  }
0x150: {  	(xrf0) =	vadd.scan.msk.s32 $0xffff, v6;
	v6, _, _ =	vpop (xrf0);
	v8 =	vbroadcast v8, $0xF  }
0x151: {  	(xrf0) =	vadd.scan.msk.s32 $0xffff, v7;
	v6 =	vbroadcast v6, $0xF  }
0x152: {  	s2 =	simm.s32 $0x820A;
	[tilespmem:s0+$0xFFFFFFFF] =	vst.msk $0x1, v8  }
0x153: {  	[tilespmem:s2+$0xFFFFFFFE] =	vst.msk $0x1, v6;
	v6 =	vld [tilespmem:s7+$0x0]  }
0x154: {  	s17 =	simm.s32 $0x8120;
	v7 =	vld [tilespmem:s22+$0xFFFFFFF0]  }
0x155: {  	v8 =	vld [tilespmem:s17+$0xFFFFFFE0]  }
0x156: {  	v9, _, _ =	vpop (xrf0)  }
0x157: {  	v10, _, _ =	vpop (xrf0);
	v9 =	vbroadcast v9, $0xF  }
0x158: {  	v10 =	vbroadcast v10, $0xF;
	(xrf0) =	vadd.scan.msk.s32 $0xffff, v6  }
0x159: {  	s5 =	simm.s32 $0x820E;
	[tilespmem:s1+$0xFFFFFFFF] =	vst.msk $0x1, v9;
	(xrf0) =	vadd.scan.msk.s32 $0xffff, v7  }
0x15a: {  	[tilespmem:s5+$0xFFFFFFFE] =	vst.msk $0x1, v10;
	v6 =	vld [tilespmem:s12+$0x0];
	(xrf0) =	vadd.scan.msk.s32 $0xffff, v8  }
0x15b: {  	v7 =	vld [tilespmem:s8+$0xFFFFFFF0]  }
0x15c: {  	s10 =	simm.s32 $0x8160  }
0x15d: {  	v8 =	vld [tilespmem:s10+$0xFFFFFFE0]  }
0x15e: {  	v9, _, _ =	vpop (xrf0)  }
0x15f: {  	(xrf0) =	vadd.scan.msk.s32 $0xffff, v6;
	v6, _, _ =	vpop (xrf0);
	v9 =	vbroadcast v9, $0xF  }
0x160: {  	(xrf0) =	vadd.scan.msk.s32 $0xffff, v7;
	v7, _, _ =	vpop (xrf0);
	v6 =	vbroadcast v6, $0xF  }
0x161: {  	v7 =	vbroadcast v7, $0xF;
	[tilespmem:s0+$0x0] =	vst.msk $0x1, v9  }
0x162: {  	s9 =	simm.s32 $0x8212;
	(xrf0) =	vadd.scan.msk.s32 $0xffff, v8;
	[tilespmem:s2+$0xFFFFFFFF] =	vst.msk $0x1, v6;
	v6 =	vld [tilespmem:s7+$0x10]  }
0x163: {  	[tilespmem:s9+$0xFFFFFFFE] =	vst.msk $0x1, v7;
	v7 =	vld [tilespmem:s22+$0x0]  }
0x164: {  	s7 =	simm.s32 $0x81A0;
	v8 =	vld [tilespmem:s17+$0xFFFFFFF0]  }
0x165: {  	v10 =	vld [tilespmem:s7+$0xFFFFFFE0]  }
0x166: {  	v9, _, _ =	vpop (xrf0)  }
0x167: {  	v11, _, _ =	vpop (xrf0);
	v9 =	vbroadcast v9, $0xF;
	(xrf0) =	vadd.scan.msk.s32 $0xffff, v6  }
0x168: {  	v12, _, _ =	vpop (xrf0);
	v11 =	vbroadcast v11, $0xF;
	(xrf0) =	vadd.scan.msk.s32 $0xffff, v7  }
0x169: {  	v12 =	vbroadcast v12, $0xF;
	[tilespmem:s1+$0x0] =	vst.msk $0x1, v9;
	(xrf0) =	vadd.scan.msk.s32 $0xffff, v8  }
0x16a: {  	s23 =	simm.s32 $0x8216;
	[tilespmem:s5+$0xFFFFFFFF] =	vst.msk $0x1, v11;
	v6 =	vld [tilespmem:s12+$0x10];
	(xrf0) =	vadd.scan.msk.s32 $0xffff, v10  }
0x16b: {  	[tilespmem:s23+$0xFFFFFFFE] =	vst.msk $0x1, v12;
	v7 =	vld [tilespmem:s8+$0x0]  }
0x16c: {  	s14 =	simm.s32 $0x81E0;
	s12 =	simm.s32 $0x18;
	v8 =	vld [tilespmem:s10+$0xFFFFFFF0]  }
.LBB2_18:
0x16d: {  	v9 =	vld [tilespmem:s14+$0xFFFFFFE0];
	s12 =	sadd.s32 $0x4, s12;
	v10, _, _ =	vpop (xrf0)  }
0x16e: {  	p1 =	slt.u32 s12, $0x1C;
	v11, _, _ =	vpop (xrf0);
	v10 =	vbroadcast v10, $0xF  }
0x16f: {  	v12, _, _ =	vpop (xrf0);
	v11 =	vbroadcast v11, $0xF;
	(xrf0) =	vadd.scan.msk.s32 $0xffff, v6  }
.Ltmp12:
0x170: {  	v6, _, _ =	vpop (xrf0);
	v12 =	vbroadcast v12, $0xF;
	(xrf0) =	vadd.scan.msk.s32 $0xffff, v7;
	[tilespmem:s0+$0x1] =	vst.msk $0x1, v10;
	s0 =	smov.u32 s1;
	s1 =	smov.u32 s2;
	(pc) =	sbr.rel @p1 .LBB2_18-.Ltmp12, $4  }
0x171: {  	s2 =	smov.u32 s5;
	s5 =	smov.u32 s9;
	s9 =	smov.u32 s23;
	v7 =	vbroadcast v6, $0xF;
	(xrf0) =	vadd.scan.msk.s32 $0xffff, v8;
	[tilespmem:s1+$0x0] =	vst.msk $0x1, v11  }
0x172: {  	s23 =	sadd.s32 $0x4, s23;
	(xrf0) =	vadd.scan.msk.s32 $0xffff, v9;
	[tilespmem:s5+$0xFFFFFFFF] =	vst.msk $0x1, v12;
	v6 =	vld [tilespmem:s22+$0x10];
	s22 =	smov.u32 s8;
	s8 =	smov.u32 s17  }
0x173: {  	s17 =	smov.u32 s10;
	s10 =	smov.u32 s7;
	s7 =	smov.u32 s14;
	[tilespmem:s23+$0xFFFFFFFE] =	vst.msk $0x1, v7;
	v7 =	vld [tilespmem:s8+$0x0]  }
0x174: {  	s14 =	sadd.s32 $0x40, s14;
	v8 =	vld [tilespmem:s10+$0xFFFFFFF0]  }
0x175: {  	v9, _, _ =	vpop (xrf0)  }
0x176: {  	v10, _, _ =	vpop (xrf0)  }
0x177: {  	v11, _, _ =	vpop (xrf0);
	v10 =	vbroadcast v10, $0xF  }
0x178: {  	v12, _, _ =	vpop (xrf0);
	v11 =	vbroadcast v11, $0xF  }
0x179: {  	v12 =	vbroadcast v12, $0xF;
	[tilespmem:s2+$0x0] =	vst.msk $0x1, v10  }
0x17a: {  	s12 =	sadd.s32 $0x4, s23;
	v10 =	vld [tilespmem:s22+$0x10];
	[tilespmem:s9+$0xFFFFFFFF] =	vst.msk $0x1, v11  }
0x17b: {  	(xrf0) =	vadd.scan.msk.s32 $0xffff, v6;
	[tilespmem:s12+$0xFFFFFFFE] =	vst.msk $0x1, v12;
	v11 =	vld [tilespmem:s17+$0x0]  }
0x17c: {  	(xrf0) =	vadd.scan.msk.s32 $0xffff, v7;
	v6 =	vld [tilespmem:s7+$0xFFFFFFF0];
	_ =	sdelay $0x1  }
0x17d: {  	(xrf0) =	vadd.scan.msk.s32 $0xffff, v8  }
0x17e: {  	(xrf0) =	vadd.scan.msk.s32 $0xffff, v10  }
0x17f: {  	(xrf0) =	vadd.scan.msk.s32 $0xffff, v11  }
0x180: {  	(xrf0) =	vadd.scan.msk.s32 $0xffff, v6;
	v6, _, _ =	vpop (xrf0)  }
0x181: {  	v7, _, _ =	vpop (xrf0)  }
0x182: {  	v7 =	vbroadcast v7, $0xF  }
0x183: {  	v8, _, _ =	vpop (xrf0)  }
0x184: {  	v10, _, _ =	vpop (xrf0)  }
0x185: {  	v8 =	vbroadcast v8, $0xF;
	v11, _, _ =	vpop (xrf0)  }
0x186: {  	[tilespmem:s5+$0x0] =	vst.msk $0x1, v7;
	v7, _, _ =	vpop (xrf0);
	v11 =	vbroadcast v11, $0xF  }
0x187: {  	[tilespmem:s23+$0xFFFFFFFF] =	vst.msk $0x1, v8;
	v8 =	vld [tilespmem:s8+$0x10];
	v7 =	vbroadcast v7, $0xF  }
0x188: {  	v58 =	vld [tilespmem:s10+$0x0];
	[tilespmem:s9+$0x0] =	vst.msk $0x1, v11  }
0x189: {  	[tilespmem:s12+$0xFFFFFFFF] =	vst.msk $0x1, v7;
	v7 =	vld [tilespmem:s17+$0x10]  }
0x18a: {  	v59 =	vld [tilespmem:s7+$0x0];
	_ =	sdelay $0x1  }
0x18b: {  	(xrf0) =	vadd.scan.msk.s32 $0xffff, v8  }
0x18c: {  	(xrf0) =	vadd.scan.msk.s32 $0xffff, v58  }
0x18d: {  	(xrf0) =	vadd.scan.msk.s32 $0xffff, v7  }
0x18e: {  	(xrf0) =	vadd.scan.msk.s32 $0xffff, v59;
	_ =	sdelay $0x2  }
0x18f: {  	v7, _, _ =	vpop (xrf0)  }
0x190: {  	v8, _, _ =	vpop (xrf0)  }
0x191: {  	v60, _, _ =	vpop (xrf0)  }
0x192: {  	v8 =	vbroadcast v8, $0xF;
	v61, _, _ =	vpop (xrf0)  }
0x193: {  	v12 =	vbroadcast v61, $0xF  }
0x194: {  	[tilespmem:s23+$0x0] =	vst.msk $0x1, v8  }
0x195: {  	v8 =	vld [tilespmem:s10+$0x10];
	[tilespmem:s12+$0x0] =	vst.msk $0x1, v12  }
0x196: {  	v12 =	vld [tilespmem:s7+$0x10];
	_ =	sdelay $0x3  }
0x197: {  	(xrf0) =	vadd.scan.msk.s32 $0xffff, v8;
	v8 =	vbroadcast v9, $0xF  }
0x198: {  	(xrf0) =	vadd.scan.msk.s32 $0xffff, v12  }
0x199: {  	[tilespmem:s0+$0x1] =	vst.msk $0x1, v8;
	v8 =	vbroadcast v10, $0xF  }
0x19a: {  	v6 =	vbroadcast v6, $0xF;
	_ =	sdelay $0x1  }
0x19b: {  	[tilespmem:s1+$0x1] =	vst.msk $0x1, v6;
	v6 =	vbroadcast v7, $0xF  }
0x19c: {  	v7 =	vbroadcast v60, $0xF;
	[tilespmem:s2+$0x1] =	vst.msk $0x1, v8;
	v8, _, _ =	vpop (xrf0)  }
0x19d: {  	[tilespmem:s5+$0x1] =	vst.msk $0x1, v6;
	v6 =	vbroadcast v8, $0xF;
	v8, _, _ =	vpop (xrf0)  }
0x19e: {  	[tilespmem:s9+$0x1] =	vst.msk $0x1, v7;
	v7 =	vbroadcast v8, $0xF  }
0x19f: {  	[tilespmem:s23+$0x1] =	vst.msk $0x1, v6  }
0x1a0: {  	[tilespmem:s12+$0x1] =	vst.msk $0x1, v7  }
0x1a1: {  	v6 =	vld [tilespmem:$0x8210];
	_ =	sdelay $0x1  }
0x1a2: {  	v7 =	vld [tilespmem:$0x8200];
	_ =	sdelay $0x2  }
0x1a3: {  	v8 =	vperm.xlane v6, v4;
	_ =	sdelay $0x1  }
0x1a4: {  	(xrf0) =	vadd.scan.msk.s32 $0xffff, v8;
	v8 =	vperm.xlane v7, v4;
	_ =	sdelay $0x1  }
0x1a5: {  	(xrf0) =	vadd.scan.msk.s32 $0xffff, v8;
	_ =	sdelay $0x3  }
0x1a6: {  	v8, _, _ =	vpop (xrf0)  }
0x1a7: {  	v8 =	vperm.xlane v8, v4  }
0x1a8: {  	v62, _, _ =	vpop (xrf0)  }
0x1a9: {  	v9 =	vperm.xlane v62, v4;
	v63 =	vbroadcast v8, $0x0;
	_ =	sdelay $0x1  }
0x1aa: {  	vm0 =	vgt.s32 v8, $0xA3;
	v9 =	vadd.s32 v63, v9  }
0x1ab: {  	v8 =	vmpcnt.ones.xlane vm0;
	vm11 =	vgt.s32 v9, $0xA3  }
0x1ac: {  	v9 =	vmpcnt.ones.xlane vm11  }
0x1ad: {  	(v2sf) =	vpush v8, $0x0  }
0x1ae: {  	(v2sf) =	vpush v9, $0x0;
	_ =	sdelay $0xd  }
0x1af: {  	s26 =	spop (v2sf)  }
0x1b0: {  	s28 =	spop (v2sf)  }
0x1b1: {  	s0 =	sadd.s32 s28, s26  }
0x1b2: {  	s0 =	sadd.s32 $0xFFFFFFFF, s0  }
0x1b3: {  	v8 =	vmov s0  }
0x1b4: {  	vm12 =	vlt.s32 v8, v0  }
0x1b5: {  	vm13 =	vlt.s32 v8, v5;
	v7 =	vnsel vm12, $0x0, v7  }
0x1b6: {  	v6 =	vnsel vm13, $0x0, v6;
	(xrf0) =	vadd.scan.msk.s32 $0xffff, v7  }
0x1b7: {  	(xrf0) =	vadd.scan.msk.s32 $0xffff, v6;
	_ =	sdelay $0x4  }
0x1b8: {  	v6, _, _ =	vpop (xrf0)  }
0x1b9: {  	(v2sf) =	vpush v6, $0xF;
	v6, _, _ =	vpop (xrf0)  }
0x1ba: {  	s0 =	sshll.u32 s0, $0x4;
	(v2sf) =	vpush v6, $0xF  }
0x1bb: {  	v6 =	vld [tilespmem:s0+$0x8000];
	_ =	sdelay $0x4  }
0x1bc: {  	v7 =	vperm.xlane v6, v4;
	_ =	sdelay $0x1  }
0x1bd: {  	(xrf0) =	vadd.scan.msk.s32 $0xffff, v7;
	_ =	sdelay $0x5  }
0x1be: {  	v7, _, _ =	vpop (xrf0);
	s29 =	spop (v2sf)  }
0x1bf: {  	v7 =	vperm.xlane v7, v4;
	s30 =	spop (v2sf)  }
0x1c0: {  	s22 =	sadd.s32 s30, s29  }
0x1c1: {  	v7 =	vadd.s32 s22, v7  }
0x1c2: {  	vm14 =	vgt.s32 v7, $0xA3  }
0x1c3: {  	v7 =	vmpcnt.ones.xlane vm14;
	_ =	sdelay $0x1  }
0x1c4: {  	(v2sf) =	vpush v7, $0x0;
	_ =	sdelay $0xe  }
0x1c5: {  	s31 =	spop (v2sf)  }
0x1c6: {  	s1 =	sadd.s32 $0xFFFFFFFF, s31  }
0x1c7: {  	v7 =	vmov s1  }
0x1c8: {  	vm15 =	vlt.s32 v7, v0  }
0x1c9: {  	v6 =	vnsel vm15, $0x0, v6  }
0x1ca: {  	(xrf0) =	vadd.scan.msk.s32 $0xffff, v6;
	_ =	sdelay $0x5  }
0x1cb: {  	v6, _, _ =	vpop (xrf0)  }
0x1cc: {  	(v2sf) =	vpush v6, $0xF;
	_ =	sdelay $0xa  }
.Ltmp13:
0x1cd: {  	_ = 	snop;
	(pc) =	sbr.rel @p0 .LBB2_27-.Ltmp13, $3  }
0x1ce: {  	_ =	sdelay $0x1  }
0x1cf: {  	s0 =	sadd.s32 s0, s1  }
0x1d0: {  	v6 =	vmov s0;
	s26 =	spop (v2sf)  }
0x1d1: {  	s5 =	simm.s32 $0x8720  }
0x1d2: {  	v7 =	vld [tilespmem:s5+$0xFFFFFFE0];
	_ =	sdelay $0x4  }
0x1d3: {  	v7 =	vadd.f32 $-1.500000000e+00, v7;
	_ =	sdelay $0x1  }
0x1d4: {  	v7 =	vmul.f32 $2.000000000e+02, v7;
	_ =	sdelay $0x1  }
0x1d5: {  	p5 =	sgt.s32 s19, $0x4;
	v7 =	vtrunc.f32 v7  }
.Ltmp14:
0x1d6: {  	v7 =	vcvt.f32.s32 v7;
	(pc) =	sbr.rel @!p5 .LBB2_21-.Ltmp14, $4  }
0x1d7: {  	_ = 	snop  }
0x1d8: {  	vm0 =	vgt.s32 v7, $0x0  }
0x1d9: {  	s25 =	simm.s32 $0x8202;
	s28 =	simm.s32 $0x8760;
	p1 =	por $0x0, $0x0;
	v7 =	vnsel vm0, $0x0, v7  }
0x1da: {  	v12 =	vmov s11;
	p2 =	por $0x0, $0x0;
	p3 =	por $0x0, $0x0;
	p4 =	por $0x0, $0x0;
	v13 =	vmin.u32 v7, $0x1FF  }
0x1db: {  	v7 =	vld [tilespmem:s28+$0xFFFFFFE0];
	_ =	sdelay $0x1  }
0x1dc: {  	vm0 =	vgt.s32 v12, v0;
	vm1 =	veq.s32 v13, v6  }
0x1dd: {  	vm0 =	vmand vm0, vm1  }
0x1de: {  	v8 =	vmpcnt.ones.xlane vm0  }
0x1df: {  	v7 =	vadd.f32 $-1.500000000e+00, v7  }
0x1e0: {  	[tilespmem:s25+$0xFFFFFFFE] =	vst.msk $0x1, v8  }
0x1e1: {  	v8 =	vld [tilespmem:s5+$0xFFFFFFF0];
	v7 =	vmul.f32 $2.000000000e+02, v7;
	_ =	sdelay $0x1  }
0x1e2: {  	p5 =	sgt.s32 s19, $0x8;
	v7 =	vtrunc.f32 v7  }
.Ltmp15:
0x1e3: {  	v7 =	vcvt.f32.s32 v7;
	(pc) =	sbr.rel @!p5 .LBB2_36-.Ltmp15, $4  }
0x1e4: {  	_ = 	snop  }
0x1e5: {  	v8 =	vadd.f32 $-1.500000000e+00, v8;
	vm15 =	vgt.s32 v7, $0x0  }
0x1e6: {  	s9 =	sadd.s32 $0xFFFFFFC0, s11;
	v7 =	vnsel vm15, $0x0, v7  }
0x1e7: {  	s10 =	simm.s32 $0x87A0;
	p1 =	por $0x1, $0x1;
	v12 =	vmov s9;
	v11 =	vmul.f32 $2.000000000e+02, v8;
	v13 =	vmin.u32 v7, $0x1FF  }
0x1e8: {  	v7 =	vld [tilespmem:s10+$0xFFFFFFE0];
	_ =	sdelay $0x1  }
0x1e9: {  	vm0 =	vgt.s32 v12, v0;
	vm1 =	veq.s32 v13, v6  }
0x1ea: {  	v8 =	vtrunc.f32 v11;
	vm0 =	vmand vm0, vm1  }
0x1eb: {  	v8 =	vcvt.f32.s32 v8;
	v9 =	vmpcnt.ones.xlane vm0  }
0x1ec: {  	s29 =	simm.s32 $0x8206;
	v7 =	vadd.f32 $-1.500000000e+00, v7  }
0x1ed: {  	vm12 =	vgt.s32 v8, $0x0;
	[tilespmem:s29+$0xFFFFFFFE] =	vst.msk $0x1, v9  }
0x1ee: {  	s0 =	sadd.s32 $0xFFFFFFF0, s11;
	v8 =	vnsel vm12, $0x0, v8;
	v9 =	vld [tilespmem:s28+$0xFFFFFFF0];
	v7 =	vmul.f32 $2.000000000e+02, v7  }
0x1ef: {  	v10 =	vmov s0;
	v8 =	vmin.u32 v8, $0x1FF  }
0x1f0: {  	p5 =	sgt.s32 s19, $0xC;
	vm13 =	vgt.s32 v10, v0;
	vm14 =	veq.s32 v8, v6;
	v7 =	vtrunc.f32 v7  }
.Ltmp16:
0x1f1: {  	vm0 =	vmand vm13, vm14;
	v7 =	vcvt.f32.s32 v7;
	(pc) =	sbr.rel @!p5 .LBB2_38-.Ltmp16, $4  }
0x1f2: {  	v8 =	vmpcnt.ones.xlane vm0  }
0x1f3: {  	v10 =	vadd.f32 $-1.500000000e+00, v9;
	vm15 =	vgt.s32 v7, $0x0  }
0x1f4: {  	s7 =	sadd.s32 $0xFFFFFFC0, s9;
	[tilespmem:s25+$0xFFFFFFFF] =	vst.msk $0x1, v8;
	v7 =	vnsel vm15, $0x0, v7  }
0x1f5: {  	p2 =	por $0x1, $0x1;
	v12 =	vmov s7;
	s0 =	simm.s32 $0x87E0;
	v9 =	vld [tilespmem:s5+$0x0];
	v11 =	vmul.f32 $2.000000000e+02, v10;
	v13 =	vmin.u32 v7, $0x1FF  }
0x1f6: {  	_ =	sdelay $0x3  }
0x1f7: {  	v7 =	vadd.f32 $-1.500000000e+00, v9  }
0x1f8: {  	v8 =	vld [tilespmem:s0+$0xFFFFFFE0]  }
0x1f9: {  	v9 =	vtrunc.f32 v11;
	v7 =	vmul.f32 $2.000000000e+02, v7  }
0x1fa: {  	vm0 =	vgt.s32 v12, v0;
	vm1 =	veq.s32 v13, v6;
	v9 =	vcvt.f32.s32 v9  }
0x1fb: {  	vm0 =	vmand vm0, vm1;
	v7 =	vtrunc.f32 v7  }
0x1fc: {  	s1 =	sadd.s32 $0xFFFFFFF0, s9;
	v10 =	vmpcnt.ones.xlane vm0;
	vm9 =	vgt.s32 v9, $0x0;
	v7 =	vcvt.f32.s32 v7  }
0x1fd: {  	s8 =	simm.s32 $0x820A;
	s30 =	sadd.s32 $0xFFFFFFE0, s11;
	v11 =	vmov s1;
	v8 =	vadd.f32 $-1.500000000e+00, v8;
	v9 =	vnsel vm9, $0x0, v9  }
0x1fe: {  	[tilespmem:s8+$0xFFFFFFFE] =	vst.msk $0x1, v10;
	v10 =	vmov s30;
	v9 =	vmin.u32 v9, $0x1FF;
	vm11 =	vgt.s32 v7, $0x0  }
0x1ff: {  	v8 =	vmul.f32 $2.000000000e+02, v8;
	vm2 =	veq.s32 v9, v6;
	v9 =	vld [tilespmem:s10+$0xFFFFFFF0];
	v7 =	vnsel vm11, $0x0, v7  }
0x200: {  	vm10 =	vgt.s32 v11, v0;
	vm12 =	vgt.s32 v10, v0;
	v7 =	vmin.u32 v7, $0x1FF  }
0x201: {  	p5 =	sgt.s32 s19, $0x10;
	v8 =	vtrunc.f32 v8;
	vm0 =	vmand vm10, vm2;
	vm13 =	veq.s32 v7, v6  }
.Ltmp17:
0x202: {  	v10 =	vcvt.f32.s32 v8;
	v7 =	vmpcnt.ones.xlane vm0;
	vm14 =	vmand vm12, vm13;
	(pc) =	sbr.rel @!p5 .LBB2_40-.Ltmp17, $4  }
0x203: {  	v11 =	vmpcnt.ones.xlane vm14  }
0x204: {  	s15 =	smov.u32 s22;
	s22 =	smov.u32 s21;
	vm15 =	vgt.s32 v10, $0x0;
	[tilespmem:s29+$0xFFFFFFFF] =	vst.msk $0x1, v7;
	v7 =	vadd.f32 $-1.500000000e+00, v9  }
0x205: {  	s21 =	smov.u32 s20;
	s20 =	smov.u32 s26;
	s26 =	sadd.s32 $0xFFFFFFC0, s7;
	v9 =	vnsel vm15, $0x0, v10;
	v8 =	vld [tilespmem:s28+$0x0];
	[tilespmem:s25+$0x0] =	vst.msk $0x1, v11  }
0x206: {  	s31 =	simm.s32 $0x8820;
	p3 =	por $0x1, $0x1;
	v12 =	vmov s26;
	v13 =	vmin.u32 v9, $0x1FF;
	v11 =	vmul.f32 $2.000000000e+02, v7;
	v7 =	vld [tilespmem:s5+$0x10]  }
0x207: {  	_ =	sdelay $0x2  }
0x208: {  	v9 =	vld [tilespmem:s31+$0xFFFFFFE0];
	v10 =	vtrunc.f32 v11;
	v11 =	vadd.f32 $-1.500000000e+00, v8  }
0x209: {  	vm0 =	vgt.s32 v12, v0;
	vm1 =	veq.s32 v13, v6;
	v10 =	vcvt.f32.s32 v10  }
0x20a: {  	s2 =	sadd.s32 $0xFFFFFFF0, s7;
	vm0 =	vmand vm0, vm1;
	v11 =	vmul.f32 $2.000000000e+02, v11  }
0x20b: {  	v14 =	vmov s2;
	v13 =	vmpcnt.ones.xlane vm0;
	vm0 =	vgt.s32 v10, $0x0  }
0x20c: {  	v15 =	vadd.f32 $-1.500000000e+00, v7;
	v10 =	vnsel vm0, $0x0, v10;
	v11 =	vtrunc.f32 v11  }
0x20d: {  	v9 =	vadd.f32 $-1.500000000e+00, v9;
	v10 =	vmin.u32 v10, $0x1FF;
	v11 =	vcvt.f32.s32 v11  }
0x20e: {  	vm0 =	vgt.s32 v14, v0;
	vm1 =	veq.s32 v10, v6;
	v10 =	vmul.f32 $2.000000000e+02, v15  }
0x20f: {  	s5 =	simm.s32 $0x820E;
	vm0 =	vmand vm0, vm1;
	vm1 =	vgt.s32 v11, $0x0  }
0x210: {  	s23 =	sadd.s32 $0xFFFFFFE0, s9;
	[tilespmem:s5+$0xFFFFFFFE] =	vst.msk $0x1, v13;
	v9 =	vmul.f32 $2.000000000e+02, v9;
	v10 =	vtrunc.f32 v10;
	v11 =	vnsel vm1, $0x0, v11  }
0x211: {  	v13 =	vld [tilespmem:s0+$0xFFFFFFF0];
	v15 =	vmov s23;
	v10 =	vcvt.f32.s32 v10;
	v11 =	vmin.u32 v11, $0x1FF  }
0x212: {  	v14 =	vmpcnt.ones.xlane vm0;
	vm0 =	vgt.s32 v15, v0;
	vm1 =	veq.s32 v11, v6  }
0x213: {  	v9 =	vtrunc.f32 v9;
	vm0 =	vmand vm0, vm1;
	vm1 =	vgt.s32 v10, $0x0  }
0x214: {  	p5 =	sgt.s32 s19, $0x14;
	[tilespmem:s8+$0xFFFFFFFF] =	vst.msk $0x1, v14;
	v11 =	vcvt.f32.s32 v9;
	v9 =	vnsel vm1, $0x0, v10  }
.Ltmp18:
0x215: {  	s1 =	sadd.s32 $0xFFFFFFD0, s11;
	v10 =	vmin.u32 v9, $0x1FF;
	v9 =	vld [tilespmem:s10+$0x0];
	(pc) =	sbr.rel @!p5 .LBB2_42-.Ltmp18, $4  }
0x216: {  	v12 =	vmov s1;
	v13 =	vadd.f32 $-1.500000000e+00, v13;
	v15 =	vmpcnt.ones.xlane vm0  }
0x217: {  	s12 =	simm.s32 $0x14;
	vm0 =	vgt.s32 v11, $0x0;
	vm1 =	vgt.s32 v12, v0  }
0x218: {  	s17 =	sadd.s32 $0xFFFFFFC0, s26;
	s14 =	simm.s32 $0x8860;
	p4 =	por $0x1, $0x1;
	v14 =	vnsel vm0, $0x0, v11;
	v11 =	vmul.f32 $2.000000000e+02, v13;
	[tilespmem:s29+$0x0] =	vst.msk $0x1, v15;
	vm0 =	veq.s32 v10, v6  }
0x219: {  	s30 =	smov.u32 s9;
	s1 =	simm.s32 $0x8202;
	s2 =	simm.s32 $0x8206;
	v12 =	vmov s17;
	v13 =	vmin.u32 v14, $0x1FF;
	v10 =	vld [tilespmem:s28+$0x10];
	vm0 =	vmand vm1, vm0  }
.LBB2_43:
0x21a: {  	v14 =	vld [tilespmem:s14+$0xFFFFFFE0];
	v11 =	vtrunc.f32 v11;
	v9 =	vadd.f32 $-1.500000000e+00, v9;
	v15 =	vmpcnt.ones.xlane vm0;
	s16 =	smov.u32 s31;
	s31 =	smov.u32 s14  }
0x21b: {  	vm0 =	vgt.s32 v12, v0;
	vm1 =	veq.s32 v13, v6;
	s23 =	sadd.s32 $0xFFFFFFD0, s30;
	s30 =	smov.u32 s7;
	s7 =	smov.u32 s26;
	v11 =	vcvt.f32.s32 v11  }
0x21c: {  	vm0 =	vmand vm0, vm1;
	s26 =	sadd.s32 $0xFFFFFFF0, s7;
	v12 =	vmov s23;
	v9 =	vmul.f32 $2.000000000e+02, v9;
	[tilespmem:s1+$0x1] =	vst.msk $0x1, v15;
	s1 =	smov.u32 s2;
	s2 =	smov.u32 s8  }
0x21d: {  	s12 =	sadd.s32 $0x4, s12;
	v13 =	vmpcnt.ones.xlane vm0;
	v15 =	vmov s26;
	s8 =	smov.u32 s5;
	s26 =	smov.u32 s17;
	vm0 =	vgt.s32 v11, $0x0  }
0x21e: {  	p5 =	slt.s32 s12, s19;
	v11 =	vnsel vm0, $0x0, v11;
	v9 =	vtrunc.f32 v9;
	v10 =	vadd.f32 $-1.500000000e+00, v10  }
0x21f: {  	s5 =	sadd.s32 $0x4, s5;
	v14 =	vadd.f32 $-1.500000000e+00, v14;
	v11 =	vmin.u32 v11, $0x1FF;
	v9 =	vcvt.f32.s32 v9  }
0x220: {  	vm0 =	vgt.s32 v15, v0;
	[tilespmem:s5+$0xFFFFFFFE] =	vst.msk $0x1, v13;
	vm1 =	veq.s32 v11, v6;
	v10 =	vmul.f32 $2.000000000e+02, v10  }
0x221: {  	v11 =	vmul.f32 $2.000000000e+02, v14;
	v13 =	vld [tilespmem:s16+$0xFFFFFFF0];
	vm0 =	vmand vm0, vm1;
	vm1 =	vgt.s32 v9, $0x0  }
0x222: {  	s23 =	sadd.s32 $0xFFFFFFE0, s30;
	v14 =	vmpcnt.ones.xlane vm0;
	v9 =	vnsel vm1, $0x0, v9;
	v10 =	vtrunc.f32 v10  }
0x223: {  	v15 =	vmov s23;
	v9 =	vmin.u32 v9, $0x1FF;
	v10 =	vcvt.f32.s32 v10  }
0x224: {  	vm0 =	vgt.s32 v15, v0;
	v11 =	vtrunc.f32 v11;
	[tilespmem:s8+$0xFFFFFFFF] =	vst.msk $0x1, v14;
	vm1 =	veq.s32 v9, v6  }
.Ltmp19:
0x225: {  	v11 =	vcvt.f32.s32 v11;
	v9 =	vld [tilespmem:s0+$0x0];
	vm0 =	vmand vm0, vm1;
	vm1 =	vgt.s32 v10, $0x0;
	(pc) =	sbr.rel @p5 .LBB2_43-.Ltmp19, $4  }
0x226: {  	v13 =	vadd.f32 $-1.500000000e+00, v13;
	v14 =	vmpcnt.ones.xlane vm0;
	v10 =	vnsel vm1, $0x0, v10  }
0x227: {  	vm0 =	vgt.s32 v11, $0x0;
	vm1 =	vgt.s32 v12, v0;
	v10 =	vmin.u32 v10, $0x1FF  }
0x228: {  	s17 =	sadd.s32 $0xFFFFFFC0, s17;
	v15 =	vnsel vm0, $0x0, v11;
	v11 =	vmul.f32 $2.000000000e+02, v13;
	[tilespmem:s2+$0x0] =	vst.msk $0x1, v14;
	vm0 =	veq.s32 v10, v6  }
0x229: {  	s14 =	sadd.s32 $0x40, s14;
	v12 =	vmov s17;
	v13 =	vmin.u32 v15, $0x1FF;
	v10 =	vld [tilespmem:s10+$0x10];
	vm0 =	vmand vm1, vm0;
	s10 =	smov.u32 s0;
	s0 =	smov.u32 s16  }
0x22a: {  	s12 =	smov.u32 s7;
	s14 =	smov.u32 s8  }
0x22b: {  	s16 =	smov.u32 s26;
	s8 =	smov.u32 s5;
	s7 =	smov.u32 s17  }
0x22c: {  	s5 =	smov.u32 s10;
	s26 =	smov.u32 s20;
	s20 =	smov.u32 s21  }
0x22d: {  	s21 =	smov.u32 s22;
	s22 =	smov.u32 s15;
	s15 =	simm.s32 $0x80000000  }
.LBB2_45:
0x22e: {  	vm1 =	vgt.s32 v12, v0;
	vm2 =	veq.s32 v13, v6  }
0x22f: {  	vm1 =	vmand vm1, vm2  }
0x230: {  	s17 =	sadd.s32 @p1 $0x4, s8;
	s10 =	smov.u32 s25;
	v57 =	vmpcnt.ones.xlane vm1  }
0x231: {  	s10 =	smov.u32 @p1 s17  }
0x232: {  	[tilespmem:s10+$0xFFFFFFFE] =	vst.msk $0x1, v57  }
0x233: {  	v12 =	vld [tilespmem:s31+$0xFFFFFFF0];
	_ =	sdelay $0x4  }
0x234: {  	v11 =	vtrunc.f32 @p1 v11;
	v12 =	vadd.f32 $-1.500000000e+00, v12  }
0x235: {  	v11 =	vcvt.f32.s32 @p1 v11  }
0x236: {  	v12 =	vmul.f32 $2.000000000e+02, v12  }
0x237: {  	vm1 =	vgt.s32 @p1 v11, $0x0  }
0x238: {  	s17 =	sadd.s32 @p1 $0xFFFFFFF0, s16;
	v11 =	vnsel @p1 vm1, $0x0, v11;
	v12 =	vtrunc.f32 v12  }
0x239: {  	v13 =	vmov @p1 s17;
	v11 =	vmin.u32 @p1 v11, $0x1FF;
	v12 =	vcvt.f32.s32 v12  }
0x23a: {  	vm1 =	vgt.s32 @p1 v13, v0;
	vm2 =	veq.s32 @p1 v11, v6  }
0x23b: {  	vm1 =	vmand @p1 vm1, vm2;
	vm7 =	vgt.s32 v12, $0x0  }
0x23c: {  	s17 =	sadd.s32 $0xFFFFFFF0, s7;
	v11 =	vmpcnt.ones.xlane @p1 vm1;
	v12 =	vnsel vm7, $0x0, v12  }
0x23d: {  	s23 =	smov.u32 @p1 s8;
	v58 =	vmov s17;
	v12 =	vmin.u32 v12, $0x1FF  }
0x23e: {  	vm8 =	vgt.s32 v58, v0;
	[tilespmem:s23+$0xFFFFFFFF] =	vst.msk @p1 $0x1, v11;
	vm9 =	veq.s32 v12, v6  }
0x23f: {  	v9 =	vadd.f32 @p2 $-1.500000000e+00, v9;
	v11 =	vld @p1 [tilespmem:s0+$0x0];
	vm1 =	vmand vm8, vm9  }
0x240: {  	v59 =	vmpcnt.ones.xlane vm1  }
0x241: {  	v9 =	vmul.f32 @p2 $2.000000000e+02, v9  }
0x242: {  	[tilespmem:s10+$0xFFFFFFFF] =	vst.msk $0x1, v59  }
0x243: {  	v9 =	vtrunc.f32 @p2 v9;
	v12 =	vld [tilespmem:s31+$0x0]  }
0x244: {  	v9 =	vcvt.f32.s32 @p2 v9;
	v8 =	vpsel p1, v11, v8  }
0x245: {  	v8 =	vadd.f32 @p1 $-1.500000000e+00, v8  }
0x246: {  	vm1 =	vgt.s32 @p2 v9, $0x0  }
0x247: {  	s8 =	sadd.s32 @p2 $0xFFFFFFE0, s12;
	v8 =	vmul.f32 @p1 $2.000000000e+02, v8;
	v9 =	vnsel @p2 vm1, $0x0, v9  }
0x248: {  	v11 =	vmov @p2 s8;
	v9 =	vmin.u32 @p2 v9, $0x1FF;
	v12 =	vadd.f32 $-1.500000000e+00, v12  }
0x249: {  	v8 =	vtrunc.f32 @p1 v8;
	vm1 =	vgt.s32 @p2 v11, v0;
	vm2 =	veq.s32 @p2 v9, v6  }
0x24a: {  	v8 =	vcvt.f32.s32 @p1 v8;
	vm1 =	vmand @p2 vm1, vm2;
	v60 =	vmul.f32 $2.000000000e+02, v12  }
0x24b: {  	v11 =	vmpcnt.ones.xlane @p2 vm1  }
0x24c: {  	s9 =	smov.u32 @p1 s16;
	s8 =	smov.u32 @p2 s14;
	vm1 =	vgt.s32 @p1 v8, $0x0;
	v9 =	vtrunc.f32 v60  }
0x24d: {  	s14 =	sadd.s32 @p1 $0xFFFFFFE0, s9;
	v8 =	vnsel @p1 vm1, $0x0, v8;
	[tilespmem:s8+$0x0] =	vst.msk @p2 $0x1, v11;
	v9 =	vcvt.f32.s32 v9  }
0x24e: {  	v11 =	vmov @p1 s14;
	v8 =	vmin.u32 @p1 v8, $0x1FF;
	v12 =	vld @p2 [tilespmem:s5+$0x10]  }
0x24f: {  	s17 =	sadd.s32 $0xFFFFFFE0, s7;
	vm1 =	vgt.s32 @p1 v11, v0;
	vm2 =	veq.s32 @p1 v8, v6;
	vm3 =	vgt.s32 v9, $0x0  }
0x250: {  	v61 =	vmov s17;
	vm1 =	vmand @p1 vm1, vm2;
	v9 =	vnsel vm3, $0x0, v9  }
0x251: {  	s29 =	smov.u32 @p1 s23;
	v8 =	vadd.f32 @p3 $-1.500000000e+00, v10;
	v10 =	vmpcnt.ones.xlane @p1 vm1;
	v9 =	vmin.u32 v9, $0x1FF  }
0x252: {  	vm10 =	vgt.s32 v61, v0;
	s5 =	smov.u32 @p1 s0;
	s0 =	smov.u32 @p1 s29;
	vm11 =	veq.s32 v9, v6  }
0x253: {  	v8 =	vmul.f32 @p3 $2.000000000e+02, v8;
	s28 =	smov.u32 @p1 s5;
	[tilespmem:s0+$0x0] =	vst.msk @p1 $0x1, v10;
	v7 =	vpsel p2, v12, v7;
	vm1 =	vmand vm10, vm11  }
0x254: {  	v7 =	vadd.f32 @p2 $-1.500000000e+00, v7;
	v9 =	vld @p1 [tilespmem:s28+$0x10];
	v62 =	vmpcnt.ones.xlane vm1  }
0x255: {  	v8 =	vtrunc.f32 @p3 v8  }
0x256: {  	v8 =	vcvt.f32.s32 @p3 v8;
	v7 =	vmul.f32 @p2 $2.000000000e+02, v7;
	[tilespmem:s10+$0x0] =	vst.msk $0x1, v62  }
0x257: {  	s5 =	sadd.s32 @p3 $0xFFFFFFD0, s30;
	v10 =	vld [tilespmem:s31+$0x10]  }
0x258: {  	v11 =	vmov @p3 s5;
	vm1 =	vgt.s32 @p3 v8, $0x0;
	v7 =	vtrunc.f32 @p2 v7  }
0x259: {  	v8 =	vnsel @p3 vm1, $0x0, v8;
	v7 =	vcvt.f32.s32 @p2 v7;
	v9 =	vpsel p1, v9, v0  }
0x25a: {  	v12 =	vmpcnt.ones.xlane @p4 vm0;
	v8 =	vmin.u32 @p3 v8, $0x1FF;
	v9 =	vadd.f32 @p1 $-1.500000000e+00, v9  }
0x25b: {  	s5 =	smov.u32 s11;
	vm0 =	vgt.s32 @p3 v11, v0;
	vm1 =	veq.s32 @p3 v8, v6;
	vm2 =	vgt.s32 @p2 v7, $0x0  }
0x25c: {  	s5 =	smov.u32 @p2 s12;
	v7 =	vnsel @p2 vm2, $0x0, v7;
	v8 =	vmul.f32 @p1 $2.000000000e+02, v9;
	v63 =	vadd.f32 $-1.500000000e+00, v10  }
0x25d: {  	s5 =	sadd.s32 @p2 $0xFFFFFFD0, s5;
	vm0 =	vmand @p3 vm0, vm1;
	v7 =	vmin.u32 @p2 v7, $0x1FF  }
0x25e: {  	v10 =	vmov @p2 s5;
	v8 =	vtrunc.f32 @p1 v8;
	v9 =	vmul.f32 $2.000000000e+02, v63  }
0x25f: {  	vm2 =	veq.s32 @p2 v7, v6;
	s5 =	smov.u32 @p1 s9;
	vm1 =	vgt.s32 @p2 v10, v0;
	v7 =	vcvt.f32.s32 @p1 v8  }
0x260: {  	vm0 =	vmmov @p3 vm0;
	s5 =	sadd.s32 @p1 $0xFFFFFFD0, s5;
	vm1 =	vmand @p2 vm1, vm2;
	v8 =	vtrunc.f32 v9  }
0x261: {  	v11 =	vmov @p1 s5;
	vm2 =	vgt.s32 @p1 v7, $0x0;
	v8 =	vcvt.f32.s32 v8  }
0x262: {  	vm1 =	vmmov @p2 vm1;
	v9 =	vmpcnt.ones.xlane @p3 vm0;
	v7 =	vnsel @p1 vm2, $0x0, v7  }
0x263: {  	v10 =	vmpcnt.ones.xlane @p2 vm1;
	v7 =	vmin.u32 @p1 v7, $0x1FF;
	vm12 =	vgt.s32 v8, $0x0  }
0x264: {  	s31 =	sadd.s32 $0xFFFFFFD0, s7;
	vm1 =	vgt.s32 @p1 v11, v0;
	vm2 =	veq.s32 @p1 v7, v6;
	v7 =	vnsel vm12, $0x0, v8  }
0x265: {  	s25 =	smov.u32 @p2 s8;
	vm0 =	vmand @p1 vm1, vm2;
	v8 =	vmov s31;
	v7 =	vmin.u32 v7, $0x1FF  }
0x266: {  	[tilespmem:s1+$0x1] =	vst.msk @p4 $0x1, v12;
	s1 =	smov.u32 @p3 s2;
	s2 =	smov.u32 @p2 s25;
	vm0 =	vmmov @p1 vm0;
	vm13 =	vgt.s32 v8, v0;
	vm14 =	veq.s32 v7, v6  }
0x267: {  	s0 =	smov.u32 @p1 s0;
	[tilespmem:s1+$0x1] =	vst.msk @p3 $0x1, v9;
	s1 =	smov.u32 @p2 s2;
	v7 =	vmpcnt.ones.xlane @p1 vm0;
	vm15 =	vmand vm13, vm14  }
0x268: {  	s0 =	smov.u32 @p1 s0;
	[tilespmem:s1+$0x1] =	vst.msk @p2 $0x1, v10;
	v8 =	vmpcnt.ones.xlane vm15  }
0x269: {  	[tilespmem:s0+$0x1] =	vst.msk @p1 $0x1, v7  }
0x26a: {  	[tilespmem:s10+$0x1] =	vst.msk $0x1, v8  }
.LBB2_27:
0x26b: {  	p1 =	slt.s32 s24, $0x1  }
.Ltmp20:
0x26c: {  	_ = 	snop;
	(pc) =	sbr.rel @p1 .LBB2_30-.Ltmp20, $3  }
0x26d: {  	_ =	sdelay $0x1  }
0x26e: {  	s0 =	sshll.u32 s18, $0x2;
	s1 =	sshll.u32 s24, $0x2  }
0x26f: {  	s25 =	ssub.s32 s0, s1  }
0x270: {  	s0 =	sshra.s32 s25, $0x2;
	s1 =	sshra.s32 s20, $0x2  }
0x271: {  	s2 =	sadd.s32 s21, s11;
	s5 =	sshll.u32 s18, $0x4;
	s0 =	sadd.s32 $0x8200, s0  }
0x272: {  	s1 =	sadd.s32 $0x8700, s1;
	s2 =	ssub.s32 s2, s5;
	s5 =	smov.u32 s19  }
.LBB2_29:
0x273: {  	v7 =	vld [tilespmem:s1+$0x0];
	_ =	sdelay $0x4  }
0x274: {  	v7 =	vadd.f32 $-1.500000000e+00, v7;
	_ =	sdelay $0x1  }
0x275: {  	v7 =	vmul.f32 $2.000000000e+02, v7;
	_ =	sdelay $0x1  }
0x276: {  	v7 =	vtrunc.f32 v7  }
0x277: {  	v7 =	vcvt.f32.s32 v7;
	_ =	sdelay $0x1  }
0x278: {  	vm0 =	vgt.s32 v7, $0x0  }
0x279: {  	s5 =	sadd.s32 $0x1, s5;
	v7 =	vnsel vm0, $0x0, v7  }
0x27a: {  	v8 =	vmov s2;
	p2 =	slt.s32 s5, s18;
	v7 =	vmin.u32 v7, $0x1FF  }
.Ltmp21:
0x27b: {  	vm15 =	vgt.s32 v8, v0;
	vm1 =	veq.s32 v7, v6;
	(pc) =	sbr.rel @p2 .LBB2_29-.Ltmp21, $3  }
0x27c: {  	vm0 =	vmand vm15, vm1  }
0x27d: {  	v7 =	vmpcnt.ones.xlane vm0;
	_ =	sdelay $0x1  }
0x27e: {  	s1 =	sadd.s32 $0x10, s1;
	s2 =	sadd.s32 $0xFFFFFFF0, s2;
	[tilespmem:s0+$0x0] =	vst.msk $0x1, v7;
	s0 =	sadd.s32 $0x1, s0  }
.LBB2_30:
0x27f: {  	s0 =	sadd.s32 $0xF, s18  }
0x280: {  	s2 =	sshra.s32 s0, $0x4  }
0x281: {  	p2 =	slt.s32 s2, $0x1  }
.Ltmp22:
0x282: {  	_ = 	snop;
	(pc) =	sbr.rel @p2 .LBB2_31-.Ltmp22, $1  }
0x283: {  	_ =	sdelay $0x3  }
0x284: {  	p3 =	seq.s32 s2, $0x1  }
.Ltmp23:
0x285: {  	_ = 	snop;
	(pc) =	sbr.rel @p3 .LBB2_47-.Ltmp23, $3  }
0x286: {  	_ =	sdelay $0x1  }
0x287: {  	s5 =	simm.s32 $0x8200;
	s1 =	simm.s32 $0x8480  }
0x288: {  	v7 =	vmov s18;
	s0 =	simm.s32 $0x0;
	s2 =	sadd.s32 $0xFFFFFFFF, s2;
	p2 =	por $0x0, $0x0;
	v8 =	vld [tilespmem:s5+$0x0]  }
0x289: {  	_ =	sdelay $0x1  }
0x28a: {  	v9 =	vor.u32 s0, v0  }
0x28b: {  	vm0 =	vlt.s32 v9, v7  }
0x28c: {  	v8 =	vnsel vm0, $0x0, v8  }
0x28d: {  	(xrf0) =	vadd.scan.msk.s32 $0xffff, v8;
	_ =	sdelay $0x5  }
0x28e: {  	p3 =	seq.s32 s2, $0x1;
	v9, _, _ =	vpop (xrf0)  }
.Ltmp24:
0x28f: {  	(v2sf) =	vpush v9, $0xF;
	(pc) =	sbr.rel @p3 .LBB2_49-.Ltmp24, $4  }
0x290: {  	v8 =	vsub.s32 s0, v8  }
0x291: {  	v8 =	vadd.s32 v9, v8  }
0x292: {  	s8 =	simm.s32 $0x8210;
	s9 =	sadd.s32 $0xFFFFFFFF, s2;
	p2 =	por $0x1, $0x1;
	[tilespmem:s1+$0x0] =	vst v8  }
0x293: {  	s7 =	simm.s32 $0x0;
	s2 =	simm.s32 $0x0;
	s5 =	simm.s32 $0x8480;
	v8 =	vld [tilespmem:s8+$0x0]  }
.LBB2_50:
0x294: {  	p3 =	seq.s32 s9, $0x1  }
0x295: {  	s7 =	sadd.s32 $0x10, s7  }
0x296: {  	v9 =	vor.u32 s7, v0  }
0x297: {  	vm0 =	vlt.s32 v9, v7  }
0x298: {  	v8 =	vnsel vm0, $0x0, v8  }
0x299: {  	(xrf0) =	vadd.scan.msk.s32 $0xffff, v8;
	_ =	sdelay $0x4  }
0x29a: {  	s10 =	spop (v2sf)  }
0x29b: {  	v9, _, _ =	vpop (xrf0);
	s2 =	sadd.s32 s2, s10  }
.Ltmp25:
0x29c: {  	v8 =	vsub.s32 s2, v8;
	(v2sf) =	vpush v9, $0xF;
	(pc) =	sbr.rel @!p3 .LBB2_50-.Ltmp25, $4  }
0x29d: {  	s5 =	sadd.s32 $0x10, s5;
	v8 =	vadd.s32 v9, v8  }
0x29e: {  	[tilespmem:s5+$0x0] =	vst v8  }
0x29f: {  	s8 =	sadd.s32 $0x10, s8  }
0x2a0: {  	s9 =	sadd.s32 $0xFFFFFFFF, s9;
	v8 =	vld [tilespmem:s8+$0x0]  }
.LBB2_51:
0x2a1: {  	s7 =	sadd.s32 @p2 $0x10, s7;
	s8 =	simm.s32 $0x0  }
0x2a2: {  	s8 =	smov.u32 @p2 s7  }
0x2a3: {  	v9 =	vor.u32 s8, v0  }
0x2a4: {  	vm0 =	vlt.s32 v9, v7  }
0x2a5: {  	v7 =	vnsel vm0, $0x0, v8  }
0x2a6: {  	(xrf0) =	vadd.scan.msk.s32 $0xffff, v7;
	_ =	sdelay $0x5  }
0x2a7: {  	v8, _, _ =	vpop (xrf0)  }
0x2a8: {  	(v2sf) =	vpush v8, $0xF;
	_ =	sdelay $0xa  }
0x2a9: {  	s7 =	spop @p2 (v2sf)  }
.Ltmp26:
0x2aa: {  	s2 =	sadd.s32 @p2 s2, s7;
	(pc) =	sbr.rel .LBB2_32-.Ltmp26, $4  }
0x2ab: {  	s0 =	smov.u32 @p2 s2  }
0x2ac: {  	s2 =	sadd.s32 @p2 $0x10, s5;
	v7 =	vsub.s32 s0, v7  }
0x2ad: {  	s1 =	smov.u32 @p2 s2;
	v7 =	vadd.s32 v8, v7;
	s31 =	spop (v2sf)  }
0x2ae: {  	[tilespmem:s1+$0x0] =	vst v7;
	s24 =	sadd.s32 s0, s31  }
.LBB2_31:
0x2af: {  	s24 =	simm.s32 $0x0  }
.LBB2_32:
.Ltmp27:
0x2b0: {  	(pc) =	sbr.rel @p0 .LBB2_52-.Ltmp27, $1  }
0x2b1: {  	_ =	sdelay $0x3  }
0x2b2: {  	s0 =	simm.s32 $0x8482  }
0x2b3: {  	s1 =	simm.s32 $0x8720;
	v8 =	vld [tilespmem:s0+$0x1]  }
0x2b4: {  	v13 =	vld [tilespmem:s1+$0x10]  }
0x2b5: {  	v11 =	vld [tilespmem:s1+$0xFFFFFFE0]  }
0x2b6: {  	v9 =	vld [tilespmem:s1+$0xFFFFFFF0]  }
0x2b7: {  	v7 =	vld [tilespmem:s1+$0x0]  }
0x2b8: {  	v10 =	vld [tilespmem:s0+$0xFFFFFFFF]  }
0x2b9: {  	v12 =	vld [tilespmem:s0+$0x0];
	v14 =	vadd.f32 $-1.500000000e+00, v13  }
0x2ba: {  	p2 =	sgt.s32 s19, $0x4;
	v17 =	vld [tilespmem:s0+$0xFFFFFFFE];
	v15 =	vadd.f32 $-1.500000000e+00, v11  }
.Ltmp28:
0x2bb: {  	v16 =	vadd.f32 $-1.500000000e+00, v9;
	v14 =	vmul.f32 $2.000000000e+02, v14;
	(pc) =	sbr.rel @!p2 .LBB2_34-.Ltmp28, $4  }
0x2bc: {  	(v2sf) =	vpush v8, $0x0;
	v8 =	vmul.f32 $2.000000000e+02, v15;
	v15 =	vadd.f32 $-1.500000000e+00, v7  }
0x2bd: {  	(v2sf) =	vpush v10, $0x0;
	v10 =	vmul.f32 $2.000000000e+02, v16;
	v14 =	vtrunc.f32 v14  }
0x2be: {  	(v2sf) =	vpush v12, $0x0;
	v16 =	vmul.f32 $2.000000000e+02, v15;
	v19 =	vtrunc.f32 v8  }
0x2bf: {  	p0 =	por $0x0, $0x0;
	s0 =	simm.s32 $0x8486;
	(v2sf) =	vpush v17, $0x0;
	v17 =	vtrunc.f32 v10;
	v15 =	vcvt.f32.s32 v14  }
0x2c0: {  	_ =	sdelay $0x4  }
0x2c1: {  	v10 =	vld [tilespmem:s0+$0x1]  }
0x2c2: {  	v8 =	vcvt.f32.s32 v19;
	v12 =	vtrunc.f32 v16;
	v14 =	vld [tilespmem:s0+$0xFFFFFFFF];
	vm0 =	vgt.s32 v15, $0x0  }
0x2c3: {  	v16 =	vcvt.f32.s32 v17;
	s1 =	sadd.s32 $0xFFFFFFD0, s11;
	v19 =	vld [tilespmem:s0+$0xFFFFFFFE];
	s7 =	sadd.s32 $0xFFFFFFE0, s11;
	v17 =	vcvt.f32.s32 v12;
	v12 =	vnsel vm0, $0x0, v15  }
0x2c4: {  	v18 =	vmov s1;
	v20 =	vmov s7;
	v15 =	vld [tilespmem:s0+$0x0];
	s0 =	simm.s32 $0x8760;
	v12 =	vmin.u32 v12, $0x1FF  }
0x2c5: {  	vm0 =	vgt.s32 v8, $0x0;
	vm1 =	vgt.s32 v16, $0x0;
	vm3 =	veq.s32 v12, v6;
	v12 =	vld [tilespmem:s0+$0x10]  }
0x2c6: {  	vm2 =	vgt.s32 v18, v0;
	vm5 =	vgt.s32 v20, v0;
	v18 =	vnsel vm0, $0x0, v8  }
0x2c7: {  	vm4 =	vgt.s32 v17, $0x0;
	v8 =	vld [tilespmem:s0+$0xFFFFFFE0];
	v16 =	vnsel vm1, $0x0, v16;
	s2 =	spop (v2sf);
	(v2sf) =	vpush v10, $0x0  }
0x2c8: {  	v17 =	vnsel vm4, $0x0, v17;
	v18 =	vmin.u32 v18, $0x1FF;
	v10 =	vld [tilespmem:s0+$0xFFFFFFF0];
	s8 =	spop (v2sf);
	(v2sf) =	vpush v14, $0x0  }
0x2c9: {  	v16 =	vmin.u32 v16, $0x1FF;
	v17 =	vmin.u32 v17, $0x1FF;
	v14 =	vld [tilespmem:s0+$0x0];
	s1 =	spop (v2sf);
	(v2sf) =	vpush v15, $0x0  }
0x2ca: {  	vm1 =	veq.s32 v18, v6;
	v18 =	vadd.f32 $-1.500000000e+00, v12;
	s31 =	spop (v2sf);
	(v2sf) =	vpush v19, $0x0  }
0x2cb: {  	s5 =	sadd.s32 $0xFFFFFFF0, s11;
	vm0 =	vmand vm2, vm3;
	vm2 =	veq.s32 v16, v6;
	vm15 =	veq.s32 v17, v6  }
0x2cc: {  	p2 =	sgt.s32 s19, $0x8;
	v16 =	vadd.f32 $-1.500000000e+00, v8;
	v17 =	vmul.f32 $2.000000000e+02, v18;
	v15 =	vmov s5  }
.Ltmp29:
0x2cd: {  	v19 =	vmov s11;
	vm3 =	vgt.s32 v15, v0;
	v15 =	vadd.f32 $-1.500000000e+00, v10;
	(pc) =	sbr.rel @!p2 .LBB2_58-.Ltmp29, $4  }
0x2ce: {  	v18 =	vmul.f32 $2.000000000e+02, v16;
	vm6 =	vgt.s32 v19, v0;
	v16 =	vadd.f32 $-1.500000000e+00, v14  }
0x2cf: {  	[tilespmem:s2+$0xA780] =	vst.msk vm0, v13;
	vm0 =	vmand vm6, vm1;
	v13 =	vmul.f32 $2.000000000e+02, v15;
	v15 =	vtrunc.f32 v17  }
0x2d0: {  	p0 =	por $0x1, $0x1;
	[tilespmem:s31+$0xA780] =	vst.msk vm0, v11;
	vm0 =	vmand vm3, vm2;
	v16 =	vmul.f32 $2.000000000e+02, v16;
	v15 =	vcvt.f32.s32 v15  }
0x2d1: {  	s7 =	simm.s32 $0x848A;
	s2 =	smov.u32 s11;
	s5 =	simm.s32 $0x8;
	v19 =	vtrunc.f32 v18;
	[tilespmem:s8+$0xA780] =	vst.msk vm0, v9;
	vm0 =	vmand vm5, vm15;
	v17 =	vtrunc.f32 v13  }
.LBB2_59:
0x2d2: {  	v9 =	vld [tilespmem:s7+$0x1];
	s5 =	sadd.s32 $0x4, s5;
	v11 =	vcvt.f32.s32 v19;
	v13 =	vtrunc.f32 v16;
	vm1 =	vgt.s32 v15, $0x0;
	[tilespmem:s1+$0xA780] =	vst.msk vm0, v7;
	s2 =	sadd.s32 $0xFFFFFFC0, s2;
	v7 =	vmovc v14  }
0x2d3: {  	v16 =	vcvt.f32.s32 v17;
	v14 =	vld [tilespmem:s7+$0xFFFFFFFF];
	p2 =	slt.s32 s5, s19;
	s8 =	sadd.s32 $0xFFFFFFF0, s2;
	v13 =	vcvt.f32.s32 v13;
	s1 =	sadd.s32 $0xFFFFFFD0, s2;
	v15 =	vnsel vm1, $0x0, v15  }
0x2d4: {  	s9 =	sadd.s32 $0xFFFFFFE0, s2;
	v17 =	vld [tilespmem:s7+$0x0];
	vm0 =	vgt.s32 v11, $0x0;
	v18 =	vmov s1;
	v15 =	vmin.u32 v15, $0x1FF  }
0x2d5: {  	s0 =	sadd.s32 $0x40, s0;
	vm1 =	vgt.s32 v16, $0x0;
	v19 =	vld [tilespmem:s7+$0xFFFFFFFE];
	vm2 =	vgt.s32 v18, v0;
	vm3 =	veq.s32 v15, v6  }
0x2d6: {  	v11 =	vnsel vm0, $0x0, v11;
	vm0 =	vgt.s32 v13, $0x0;
	v15 =	vld [tilespmem:s0+$0x10];
	vm2 =	vmand vm2, vm3;
	s1 =	spop (v2sf)  }
0x2d7: {  	v13 =	vnsel vm0, $0x0, v13;
	v18 =	vld [tilespmem:s0+$0xFFFFFFE0];
	(v2sf) =	vpush v9, $0x0;
	v9 =	vnsel vm1, $0x0, v16;
	[tilespmem:s1+$0xA780] =	vst.msk vm2, v12;
	s10 =	spop (v2sf)  }
0x2d8: {  	v11 =	vmin.u32 v11, $0x1FF;
	v20 =	vld [tilespmem:s0+$0xFFFFFFF0];
	(v2sf) =	vpush v14, $0x0;
	v9 =	vmin.u32 v9, $0x1FF;
	s1 =	spop (v2sf)  }
0x2d9: {  	v16 =	vmov s8;
	v13 =	vmin.u32 v13, $0x1FF;
	v14 =	vld [tilespmem:s0+$0x0];
	(v2sf) =	vpush v17, $0x0;
	s8 =	spop (v2sf)  }
0x2da: {  	v17 =	vmov s2;
	(v2sf) =	vpush v19, $0x0;
	v19 =	vmov s9  }
0x2db: {  	vm0 =	veq.s32 v11, v6;
	vm1 =	veq.s32 v9, v6;
	v21 =	vadd.f32 $-1.500000000e+00, v15;
	v12 =	vmovc v15  }
0x2dc: {  	vm2 =	vgt.s32 v16, v0;
	vm3 =	veq.s32 v13, v6;
	v9 =	vadd.f32 $-1.500000000e+00, v18  }
.Ltmp30:
0x2dd: {  	vm4 =	vgt.s32 v19, v0;
	v11 =	vadd.f32 $-1.500000000e+00, v20;
	v13 =	vmul.f32 $2.000000000e+02, v21;
	(pc) =	sbr.rel @p2 .LBB2_59-.Ltmp30, $4  }
0x2de: {  	vm5 =	vgt.s32 v17, v0;
	v9 =	vmul.f32 $2.000000000e+02, v9;
	v15 =	vadd.f32 $-1.500000000e+00, v14  }
0x2df: {  	vm0 =	vmand vm5, vm0;
	v11 =	vmul.f32 $2.000000000e+02, v11;
	v13 =	vtrunc.f32 v13  }
0x2e0: {  	v16 =	vmul.f32 $2.000000000e+02, v15;
	v15 =	vcvt.f32.s32 v13;
	[tilespmem:s8+$0xA780] =	vst.msk vm0, v8;
	vm0 =	vmand vm2, vm1;
	v8 =	vmovc v18  }
0x2e1: {  	s7 =	sadd.s32 $0x4, s7;
	v19 =	vtrunc.f32 v9;
	v17 =	vtrunc.f32 v11;
	[tilespmem:s10+$0xA780] =	vst.msk vm0, v10;
	vm0 =	vmand vm4, vm3;
	v10 =	vmovc v20  }
0x2e2: {  	v18 =	vmovc v7;
	v7 =	vmovc v14;
	v13 =	vmov v12;
	v11 =	vmov v8;
	v9 =	vmov v10  }
.LBB2_61:
0x2e3: {  	v8 =	vcvt.f32.s32 v19  }
0x2e4: {  	s0 =	sadd.s32 @p0 $0xFFFFFFC0, s2;
	s2 =	smov.u32 s11;
	v10 =	vtrunc.f32 v16;
	vm1 =	vgt.s32 v15, $0x0;
	v12 =	vcvt.f32.s32 v17  }
0x2e5: {  	s2 =	smov.u32 @p0 s0;
	v10 =	vcvt.f32.s32 v10;
	v14 =	vnsel vm1, $0x0, v15;
	vm6 =	vgt.s32 v8, $0x0  }
0x2e6: {  	s0 =	sadd.s32 $0xFFFFFFD0, s2;
	v14 =	vmin.u32 v14, $0x1FF;
	vm7 =	vgt.s32 v12, $0x0;
	v63 =	vmov s2  }
0x2e7: {  	s28 =	sadd.s32 $0xFFFFFFF0, s2;
	v61 =	vmov s0;
	v8 =	vnsel vm6, $0x0, v8;
	vm3 =	veq.s32 v14, v6  }
0x2e8: {  	vm8 =	vgt.s32 v10, $0x0;
	v12 =	vnsel vm7, $0x0, v12;
	v62 =	vmov s28  }
0x2e9: {  	s5 =	spop (v2sf);
	vm10 =	vgt.s32 v63, v0;
	vm2 =	vgt.s32 v61, v0;
	v10 =	vnsel vm8, $0x0, v10  }
0x2ea: {  	v8 =	vmin.u32 v8, $0x1FF;
	s7 =	spop (v2sf);
	v12 =	vmin.u32 v12, $0x1FF;
	vm12 =	vgt.s32 v62, v0  }
0x2eb: {  	[tilespmem:s1+$0xA780] =	vst.msk @p0 vm0, v18;
	s29 =	sadd.s32 $0xFFFFFFE0, s2;
	vm2 =	vmand vm2, vm3;
	v10 =	vmin.u32 v10, $0x1FF;
	s30 =	spop (v2sf);
	vm9 =	veq.s32 v8, v6  }
0x2ec: {  	v8 =	vmov s29;
	vm11 =	veq.s32 v12, v6;
	[tilespmem:s5+$0xA780] =	vst.msk vm2, v13;
	s31 =	spop (v2sf);
	vm0 =	vmand vm10, vm9  }
0x2ed: {  	vm13 =	veq.s32 v10, v6;
	vm4 =	vgt.s32 v8, v0;
	vm14 =	vmand vm12, vm11;
	[tilespmem:s31+$0xA780] =	vst.msk vm0, v11  }
0x2ee: {  	[tilespmem:s7+$0xA780] =	vst.msk vm14, v9;
	vm15 =	vmand vm4, vm13  }
0x2ef: {  	[tilespmem:s30+$0xA780] =	vst.msk vm15, v7  }
.LBB2_52:
.Ltmp31:
0x2f0: {  	(pc) =	sbr.rel @p1 .LBB2_55-.Ltmp31, $1  }
0x2f1: {  	_ =	sdelay $0x3  }
0x2f2: {  	s0 =	sshra.s32 s20, $0x2  }
0x2f3: {  	s1 =	sadd.s32 s21, s11;
	s2 =	sshll.u32 s18, $0x4;
	s5 =	sshra.s32 s25, $0x2  }
0x2f4: {  	s0 =	sadd.s32 $0x8700, s0;
	s1 =	ssub.s32 s1, s2;
	s2 =	sadd.s32 $0x8480, s5  }
.LBB2_54:
0x2f5: {  	v7 =	vld [tilespmem:s2+$0x0];
	_ =	sdelay $0x3  }
0x2f6: {  	v8 =	vld [tilespmem:s0+$0x0]  }
0x2f7: {  	(v2sf) =	vpush v7, $0x0;
	_ =	sdelay $0x3  }
0x2f8: {  	v7 =	vadd.f32 $-1.500000000e+00, v8;
	_ =	sdelay $0x1  }
0x2f9: {  	v7 =	vmul.f32 $2.000000000e+02, v7;
	_ =	sdelay $0x1  }
0x2fa: {  	v7 =	vtrunc.f32 v7  }
0x2fb: {  	v7 =	vcvt.f32.s32 v7  }
0x2fc: {  	s19 =	sadd.s32 $0x1, s19  }
0x2fd: {  	p0 =	slt.s32 s19, s18;
	vm0 =	vgt.s32 v7, $0x0  }
.Ltmp32:
0x2fe: {  	v7 =	vnsel vm0, $0x0, v7;
	(pc) =	sbr.rel @p0 .LBB2_54-.Ltmp32, $4  }
0x2ff: {  	v9 =	vmov s1;
	v7 =	vmin.u32 v7, $0x1FF  }
0x300: {  	vm15 =	vgt.s32 v9, v0;
	vm1 =	veq.s32 v7, v6  }
0x301: {  	vm0 =	vmand vm15, vm1;
	s5 =	spop (v2sf)  }
0x302: {  	s0 =	sadd.s32 $0x10, s0;
	s1 =	sadd.s32 $0xFFFFFFF0, s1;
	s2 =	sadd.s32 $0x1, s2;
	[tilespmem:s5+$0xA780] =	vst.msk vm0, v8  }
.LBB2_55:
0x303: {  	p0 =	sgt.s32 s24, $0x10  }
.Ltmp33:
0x304: {  	_ = 	snop;
	(pc) =	sbr.rel @p0 .LBB2_62-.Ltmp33, $3  }
0x305: {  	_ =	sdelay $0x1  }
0x306: {  	s7 =	sadd.s32 s22, s26;
	s1 =	sadd.s32 $0xF, s24;
	s5 =	simm.s32 $0x0  }
0x307: {  	s2 =	simm.s32 $0x0;
	s0 =	ssub.s32 $0xA4, s7;
	s1 =	sshra.s32 s1, $0x4  }
0x308: {  	v6 =	vld [tilespmem:$0xA780];
	_ =	sdelay $0x4  }
0x309: {  	v7 =	vshra.s32 v6, $0x1F  }
0x30a: {  	v8 =	vmov s24;
	v7 =	vor.u32 $0x80000000, v7  }
0x30b: {  	vm0 =	vgt.s32 v8, v0;
	v6 =	vxor.u32 v6, v7  }
0x30c: {  	v6 =	vnsel vm0, $0x0, v6  }
0x30d: {  	(xrf1) =	vsort.ascd.msk.u32 $0xffff, v6, v6;
	_ =	sdelay $0xd  }
0x30e: {  	v6, _, _ =	vpop (xrf1)  }
0x30f: {  	[tilespmem:$0x8480] =	vst v6  }
0x310: {  	v6 =	vld [tilespmem:s7+$0x83EC];
	_ =	sdelay $0x4  }
0x311: {  	(v2sf) =	vpush v6, $0x0;
	_ =	sdelay $0xe  }
0x312: {  	s7 =	spop (v2sf)  }
.LBB2_68:
0x313: {  	p0 =	slt.s32 s1, $0x1  }
.Ltmp34:
0x314: {  	_ = 	snop;
	(pc) =	sbr.rel @p0 .LBB2_69-.Ltmp34, $4  }
0x315: {  	s2 =	sxor.u32 $0x80000000, s7  }
0x316: {  	v6 =	vmov s2  }
0x317: {  	vm0 =	vlt.s32 v6, $0x0;
	v6 =	vxor.u32 $0x7FFFFFFF, v6  }
0x318: {  	v7 =	vimm.s32 $0x0;
	v6 =	vnsel vm0, s2, v6;
	s2 =	simm.s32 $0xA780  }
0x319: {  	v8 =	vld [tilespmem:s2+$0x0];
	p0 =	sne.s32 s1, $0x1  }
.Ltmp35:
0x31a: {  	_ = 	snop;
	(pc) =	sbr.rel @!p0 .LBB2_72-.Ltmp35, $4  }
0x31b: {  	_ = 	snop  }
0x31c: {  	v9 =	vmov s24  }
0x31d: {  	vm0 =	vgt.s32 v9, v0  }
0x31e: {  	s1 =	sadd.s32 $0xFFFFFFFF, s1;
	s2 =	sadd.s32 $0x10, s2;
	vm1 =	vgt.f32 v8, v6;
	vm2 =	veq.f32 v8, v6;
	v8 =	vimm.s32 $0x0  }
.LBB2_71:
0x31f: {  	v9 =	vld [tilespmem:s2+$0x0];
	p0 =	sne.s32 s1, $0x1;
	s1 =	sadd.s32 $0xFFFFFFFF, s1;
	vm1 =	vmand vm0, vm1;
	vm0 =	vmand vm0, vm2  }
.Ltmp36:
0x320: {  	v10 =	vsel vm1, $0x1, v2;
	v11 =	vsel vm0, $0x1, v2;
	(pc) =	sbr.rel @p0 .LBB2_71-.Ltmp36, $4  }
0x321: {  	v7 =	vadd.s32 v10, v7;
	v8 =	vadd.s32 v11, v8  }
0x322: {  	s24 =	sadd.s32 $0xFFFFFFF0, s24  }
0x323: {  	v10 =	vmov s24  }
0x324: {  	s2 =	sadd.s32 $0x10, s2;
	vm0 =	vgt.s32 v10, v0;
	vm1 =	vgt.f32 v9, v6;
	vm2 =	veq.f32 v9, v6  }
.LBB2_72:
.Ltmp37:
0x325: {  	(pc) =	sbr.rel .LBB2_73-.Ltmp37, $4  }
0x326: {  	_ = 	snop  }
0x327: {  	vm1 =	vmand vm0, vm1;
	vm15 =	vmand vm0, vm2  }
0x328: {  	v9 =	vsel vm1, $0x1, v2;
	v10 =	vsel vm15, $0x1, v2  }
0x329: {  	v7 =	vadd.s32 v9, v7;
	v8 =	vadd.s32 v10, v8  }
.LBB2_63:
0x32a: {  	v6 =	vimm.s32 $0x0  }
.LBB2_67:
0x32b: {  	(xrf0) =	vadd.scan.msk.s32 $0xffff, v6;
	_ =	sdelay $0x5  }
0x32c: {  	v6, _, _ =	vpop (xrf0)  }
0x32d: {  	(v2sf) =	vpush v6, $0xF;
	_ =	sdelay $0xe  }
0x32e: {  	s8 =	spop (v2sf)  }
0x32f: {  	s2 =	sadd.s32 $0x1, s2;
	p0 =	slt.s32 s8, s0  }
0x330: {  	s7 =	smov.u32 @p0 s5;
	p0 =	sne.s32 s2, $0x20  }
.Ltmp38:
0x331: {  	_ = 	snop;
	(pc) =	sbr.rel @!p0 .LBB2_68-.Ltmp38, $2  }
0x332: {  	_ =	sdelay $0x2  }
0x333: {  	s5 =	smov.u32 s7  }
.LBB2_62:
0x334: {  	p0 =	slt.s32 s1, $0x1  }
.Ltmp39:
0x335: {  	_ = 	snop;
	(pc) =	sbr.rel @p0 .LBB2_63-.Ltmp39, $3  }
0x336: {  	_ =	sdelay $0x1  }
0x337: {  	s7 =	sshrl.u32 s15, s2  }
0x338: {  	s7 =	sor.u32 s7, s5  }
0x339: {  	s8 =	simm.s32 $0xA780  }
0x33a: {  	p0 =	sne.s32 s1, $0x1;
	v8 =	vld [tilespmem:s8+$0x0]  }
.Ltmp40:
0x33b: {  	_ = 	snop;
	(pc) =	sbr.rel @!p0 .LBB2_66-.Ltmp40, $3  }
0x33c: {  	_ =	sdelay $0x1  }
0x33d: {  	s31 =	sxor.u32 $0x80000000, s7;
	v6 =	vimm.s32 $0x0  }
0x33e: {  	s10 =	simm.s32 $0xA790;
	s9 =	smov.u32 s24;
	v7 =	vmov s31;
	s8 =	sadd.s32 $0xFFFFFFFF, s1;
	vm0 =	vlt.s32 v8, $0x0;
	v9 =	vxor.u32 $0x7FFFFFFF, v8  }
.LBB2_65:
0x33f: {  	p0 =	sne.s32 s8, $0x1;
	s8 =	sadd.s32 $0xFFFFFFFF, s8;
	v9 =	vsel vm0, v9, v8;
	v8 =	vld [tilespmem:s10+$0x0];
	v10 =	vmov s9  }
.Ltmp41:
0x340: {  	vm0 =	vgt.s32 v10, v0;
	vm1 =	vge.s32 v9, v7;
	(pc) =	sbr.rel @p0 .LBB2_65-.Ltmp41, $4  }
0x341: {  	vm0 =	vmand vm0, vm1  }
0x342: {  	v9 =	vsel vm0, $0x1, v2  }
0x343: {  	v6 =	vadd.s32 v9, v6  }
0x344: {  	s10 =	sadd.s32 $0x10, s10;
	s9 =	sadd.s32 $0xFFFFFFF0, s9;
	vm0 =	vlt.s32 v8, $0x0;
	v9 =	vxor.u32 $0x7FFFFFFF, v8  }
.LBB2_66:
.Ltmp42:
0x345: {  	v8 =	vsel vm0, v9, v8;
	v63 =	vmov s9;
	(pc) =	sbr.rel .LBB2_67-.Ltmp42, $4  }
0x346: {  	vm15 =	vgt.s32 v63, v0;
	vm1 =	vge.s32 v8, v7  }
0x347: {  	vm0 =	vmand vm15, vm1  }
0x348: {  	v7 =	vsel vm0, $0x1, v2  }
0x349: {  	v6 =	vadd.s32 v7, v6  }
.LBB2_69:
0x34a: {  	v8 =	vimm.s32 $0x0  }
.LBB2_73:
0x34b: {  	(xrf0) =	vadd.scan.msk.s32 $0xffff, v7  }
0x34c: {  	(xrf0) =	vadd.scan.msk.s32 $0xffff, v8;
	_ =	sdelay $0x4  }
0x34d: {  	v7, _, _ =	vpop (xrf0)  }
0x34e: {  	(v2sf) =	vpush v7, $0xF;
	v7, _, _ =	vpop (xrf0)  }
0x34f: {  	(v2sf) =	vpush v7, $0xF;
	_ =	sdelay $0xd  }
0x350: {  	s1 =	spop (v2sf)  }
0x351: {  	s2 =	spop (v2sf)  }
0x352: {  	s2 =	sadd.s32 s1, s2  }
0x353: {  	p0 =	seq.s32 s2, s0  }
.Ltmp43:
0x354: {  	_ = 	snop;
	(pc) =	sbr.rel @!p0 .LBB2_77-.Ltmp43, $1  }
0x355: {  	_ =	sdelay $0x3  }
0x356: {  	s0 =	simm.s32 $0x0  }
0x357: {  	s8 =	sand.u32 $0x40, s0;
	s2 =	sand.u32 $0x1F80, s0  }
0x358: {  	s1 =	simm.s32 $0x6000;
	s2 =	sor.u32 $0x6000, s2;
	s5 =	sor.u32 $0x30, s8  }
0x359: {  	v7 =	vld [tilespmem:s1+$0x0];
	s29 =	sand.u32 $0x3F00, s0;
	s30 =	sor.u32 s5, s2  }
0x35a: {  	s9 =	sor.u32 $0x10, s8;
	s5 =	sor.u32 s5, s29;
	v8 =	vld [tilespmem:s30+$0x0]  }
0x35b: {  	s10 =	sor.u32 $0x20, s8;
	s31 =	sor.u32 s9, s2;
	v10 =	vld [tilespmem:s5+$0x0]  }
0x35c: {  	s7 =	simm.s32 $0x0;
	s11 =	sor.u32 s10, s2;
	v9 =	vld [tilespmem:s31+$0x0]  }
0x35d: {  	s1 =	sor.u32 s8, s29;
	s8 =	simm.s32 $0x80;
	s2 =	sor.u32 s9, s29;
	v12 =	vld [tilespmem:s11+$0x0]  }
0x35e: {  	s0 =	sor.u32 s10, s29;
	s9 =	simm.s32 $0x40;
	s10 =	simm.s32 $0x6040;
	v11 =	vld [tilespmem:s2+$0x0]  }
.LBB2_75:
0x35f: {  	s11 =	sand.u32 $0x40, s9  }
0x360: {  	s12 =	sand.u32 $0x1F80, s9;
	s7 =	sadd.s32 $0x4, s7;
	v13 =	vld [tilespmem:s0+$0x0];
	vm0 =	vge.f32 v8, v6;
	s16 =	sand.u32 $0x3F00, s8  }
0x361: {  	s12 =	sor.u32 $0x6000, s12;
	s14 =	sor.u32 $0x30, s11;
	p0 =	slt.u32 s7, $0x1FC;
	v14 =	vld [tilespmem:s1+$0x0];
	v8 =	vnsel vm0, $0x0, v10  }
0x362: {  	s17 =	sor.u32 $0x10, s11;
	s20 =	sor.u32 $0x20, s11;
	v15 =	vld [tilespmem:s10+$0x0];
	s18 =	sor.u32 s14, s12;
	vm0 =	vge.f32 v9, v6;
	[tilespmem:s5+$0x0] =	vst v8  }
.Ltmp44:
0x363: {  	s19 =	sor.u32 s17, s12;
	s5 =	sor.u32 s14, s16;
	v8 =	vld [tilespmem:s18+$0x0];
	vm1 =	vge.f32 v12, v6;
	(pc) =	sbr.rel @p0 .LBB2_75-.Ltmp44, $4  }
0x364: {  	s14 =	sor.u32 s17, s16;
	s12 =	sor.u32 s20, s12;
	s17 =	sor.u32 s20, s16;
	v10 =	vld [tilespmem:s5+$0x0];
	v11 =	vnsel vm0, $0x0, v11  }
0x365: {  	vm0 =	vge.f32 v7, v6;
	v9 =	vld [tilespmem:s19+$0x0];
	[tilespmem:s2+$0x0] =	vst v11;
	v16 =	vnsel vm1, $0x0, v13;
	s2 =	smov.u32 s14;
	s14 =	smov.u32 s1;
	s1 =	sor.u32 s11, s16  }
0x366: {  	v12 =	vld [tilespmem:s12+$0x0];
	v13 =	vnsel vm0, $0x0, v14;
	[tilespmem:s0+$0x0] =	vst v16;
	s0 =	smov.u32 s17  }
0x367: {  	s8 =	sadd.s32 $0x80, s8;
	s9 =	sadd.s32 $0x40, s9;
	s10 =	sadd.s32 $0x40, s10;
	v11 =	vld [tilespmem:s2+$0x0];
	[tilespmem:s14+$0x0] =	vst v13;
	v7 =	vmov v15  }
0x368: {  	v13 =	vld [tilespmem:s0+$0x0]  }
0x369: {  	v14 =	vld [tilespmem:s1+$0x0]  }
0x36a: {  	vm0 =	vge.f32 v8, v6  }
.Ltmp45:
0x36b: {  	v8 =	vnsel vm0, $0x0, v10;
	vm14 =	vge.f32 v9, v6;
	(pc) =	sbr.rel .LBB2_80-.Ltmp45, $4  }
0x36c: {  	[tilespmem:s5+$0x0] =	vst v8;
	vm1 =	vge.f32 v12, v6;
	v63 =	vnsel vm14, $0x0, v11  }
0x36d: {  	vm15 =	vge.f32 v7, v6;
	[tilespmem:s2+$0x0] =	vst v63;
	v6 =	vnsel vm1, $0x0, v13  }
0x36e: {  	v7 =	vnsel vm15, $0x0, v14;
	[tilespmem:s0+$0x0] =	vst v6  }
0x36f: {  	[tilespmem:s1+$0x0] =	vst v7  }
.LBB2_77:
0x370: {  	s30 =	simm.s32 $0x6000  }
0x371: {  	v8 =	vld [tilespmem:s30+$0x0];
	_ =	sdelay $0x4  }
0x372: {  	vm0 =	veq.f32 v8, v6  }
0x373: {  	v9 =	vsel vm0, $0x1, v2  }
0x374: {  	(xrf0) =	vadd.scan.msk.s32 $0xffff, v9;
	_ =	sdelay $0x1  }
0x375: {  	s0 =	ssub.s32 s0, s1  }
0x376: {  	v7 =	vmov s0;
	s0 =	simm.s32 $0x0  }
0x377: {  	s31 =	sand.u32 $0x70, s0;
	s2 =	sand.u32 $0x3F00, s0  }
0x378: {  	s1 =	sor.u32 s31, s2;
	v10 =	vsel vm0, $0xFFFFFFFF, v2  }
0x379: {  	v11 =	vld [tilespmem:s1+$0x0];
	v10 =	vadd.s32 s0, v10;
	v9, _, _ =	vpop (xrf0)  }
0x37a: {  	(v2sf) =	vpush v9, $0xF;
	v9 =	vadd.s32 v9, v10  }
0x37b: {  	vm1 =	vlt.s32 v9, v7  }
0x37c: {  	vm0 =	vmand vm0, vm1;
	vm1 =	vgt.f32 v8, v6  }
0x37d: {  	vm0 =	vmor vm1, vm0  }
0x37e: {  	v8 =	vnsel vm0, $0x0, v11  }
0x37f: {  	s2 =	simm.s32 $0x6010;
	[tilespmem:s1+$0x0] =	vst v8  }
0x380: {  	v8 =	vld [tilespmem:s2+$0x0];
	_ =	sdelay $0x4  }
0x381: {  	vm0 =	veq.f32 v8, v6  }
0x382: {  	v9 =	vsel vm0, $0x1, v2  }
0x383: {  	(xrf0) =	vadd.scan.msk.s32 $0xffff, v9  }
0x384: {  	s5 =	simm.s32 $0x10;
	s7 =	simm.s32 $0x30  }
0x385: {  	s8 =	simm.s32 $0x0;
	s1 =	simm.s32 $0x20;
	s9 =	spop (v2sf)  }
.LBB2_78:
0x386: {  	p0 =	sne.s32 s7, $0x1FF0;
	s0 =	sadd.s32 s0, s9;
	s8 =	sadd.s32 $0x20, s8  }
0x387: {  	s9 =	sand.u32 $0x70, s5;
	s5 =	smov.u32 s1;
	s10 =	sand.u32 $0x3F00, s8  }
0x388: {  	v9 =	vsel vm0, $0xFFFFFFFF, v2;
	s1 =	smov.u32 s7;
	s9 =	sor.u32 s9, s10  }
0x389: {  	v9 =	vadd.s32 s0, v9;
	v10 =	vld [tilespmem:s9+$0x0];
	v11, _, _ =	vpop (xrf0)  }
0x38a: {  	v9 =	vadd.s32 v11, v9;
	(v2sf) =	vpush v11, $0xF  }
0x38b: {  	vm1 =	vlt.s32 v9, v7  }
0x38c: {  	vm0 =	vmand vm0, vm1;
	vm1 =	vgt.f32 v8, v6  }
0x38d: {  	vm0 =	vmor vm1, vm0  }
0x38e: {  	v8 =	vnsel vm0, $0x0, v10  }
0x38f: {  	s2 =	sadd.s32 $0x10, s2;
	[tilespmem:s9+$0x0] =	vst v8  }
0x390: {  	v8 =	vld [tilespmem:s2+$0x0];
	_ =	sdelay $0x4  }
.Ltmp46:
0x391: {  	vm0 =	veq.f32 v8, v6;
	(pc) =	sbr.rel @p0 .LBB2_78-.Ltmp46, $3  }
0x392: {  	v9 =	vsel vm0, $0x1, v2  }
0x393: {  	(xrf0) =	vadd.scan.msk.s32 $0xffff, v9;
	_ =	sdelay $0x1  }
0x394: {  	s7 =	sadd.s32 $0x10, s7;
	s9 =	spop (v2sf)  }
0x395: {  	s7 =	sadd.s32 $0x20, s8  }
0x396: {  	s5 =	sand.u32 $0x70, s5;
	s8 =	sand.u32 $0x3F00, s7  }
0x397: {  	s0 =	sadd.s32 s0, s9;
	v9 =	vsel vm0, $0xFFFFFFFF, v2;
	s5 =	sor.u32 s5, s8  }
0x398: {  	v9 =	vadd.s32 s0, v9;
	v10 =	vld [tilespmem:s5+$0x0];
	v11, _, _ =	vpop (xrf0)  }
0x399: {  	v9 =	vadd.s32 v11, v9  }
0x39a: {  	vm1 =	vlt.s32 v9, v7  }
0x39b: {  	vm12 =	vgt.f32 v8, v6;
	vm11 =	vmand vm0, vm1  }
0x39c: {  	vm0 =	vmor vm12, vm11  }
0x39d: {  	v60 =	vnsel vm0, $0x0, v10  }
0x39e: {  	s2 =	sadd.s32 $0x10, s2;
	[tilespmem:s5+$0x0] =	vst v60  }
0x39f: {  	v8 =	vld [tilespmem:s2+$0x0];
	_ =	sdelay $0x4  }
0x3a0: {  	vm13 =	veq.f32 v8, v6  }
0x3a1: {  	(v2sf) =	vpush v11, $0xF;
	v61 =	vsel vm13, $0x1, v2  }
0x3a2: {  	(xrf0) =	vadd.scan.msk.s32 $0xffff, v61;
	_ =	sdelay $0x5  }
0x3a3: {  	v9, _, _ =	vpop (xrf0)  }
0x3a4: {  	(v2sf) =	vpush v9, $0xF;
	_ =	sdelay $0x5  }
0x3a5: {  	s29 =	sadd.s32 $0x20, s7  }
0x3a6: {  	s1 =	sand.u32 $0x70, s1;
	s2 =	sand.u32 $0x3F00, s29;
	s30 =	spop (v2sf)  }
0x3a7: {  	s1 =	sor.u32 s1, s2;
	v62 =	vsel vm13, $0xFFFFFFFF, v2;
	s0 =	sadd.s32 s0, s30  }
0x3a8: {  	v63 =	vld [tilespmem:s1+$0x0];
	v10 =	vadd.s32 s0, v62  }
0x3a9: {  	v9 =	vadd.s32 v9, v10  }
0x3aa: {  	vm14 =	vlt.s32 v9, v7  }
0x3ab: {  	vm15 =	vgt.f32 v8, v6;
	vm0 =	vmand vm13, vm14  }
0x3ac: {  	vm0 =	vmor vm15, vm0  }
0x3ad: {  	v6 =	vnsel vm0, $0x0, v63  }
0x3ae: {  	[tilespmem:s1+$0x0] =	vst v6;
	s31 =	spop (v2sf)  }
.LBB2_80:
0x3af: {  	s0 =	simm.s32 $0x0;
	s1 =	simm.s32 $0x0;
	s2 =	simm.s32 $0x0  }
.LBB2_81:
0x3b0: {  	p0 =	sne.s32 s2, $0x1F80  }
.Ltmp47:
0x3b1: {  	_ = 	snop;
	(pc) =	sbr.rel @p0 .LBB2_81-.Ltmp47, $4  }
0x3b2: {  	_ = 	snop  }
0x3b3: {  	s5 =	sadd.s32 s2, s4  }
0x3b4: {  	[hbm4b:s5+s0] =	stream.linear.scatter [tilespmem:s1], [sflag:$0x2], $0x80, $0x38;
	[tilespmem:$0xC800] =	vst v63  }
0x3b5: {  	s2 =	sadd.s32 $0x80, s2;
	s1 =	sadd.s32 $0x100, s1  }
0x3b6: {  	s1 =	simm.s32 $0x0  }
0x3b7: {  	s7 =	simm.s32 $0x4020;
	s0 =	sand.u32 $0x40, s0;
	s12 =	sand.u32 $0x3F00, s1  }
0x3b8: {  	v6 =	vld [tilespmem:s7+$0xFFFFFFE0];
	s0 =	sor.u32 s0, s12  }
0x3b9: {  	v7 =	vld [tilespmem:s0+$0x80];
	_ =	sdelay $0x4  }
0x3ba: {  	v6 =	vmul.f32 v6, v7  }
0x3bb: {  	s9 =	simm.s32 $0x40  }
0x3bc: {  	s14 =	simm.s32 $0x80;
	s2 =	simm.s32 $0x4060;
	s8 =	simm.s32 $0x10;
	vm0 =	vge.f32 v6, $1.700000050e+00  }
0x3bd: {  	s1 =	simm.s32 $0x6020;
	s5 =	sand.u32 $0x40, s9;
	s19 =	sand.u32 $0x3F00, s14;
	v7 =	vmpcnt.ones.xlane vm0  }
0x3be: {  	s8 =	sand.u32 $0x50, s8;
	s5 =	sor.u32 s5, s19;
	s0 =	simm.s32 $0x8202;
	[tilespmem:s1+$0xFFFFFFE0] =	vst v6;
	v6 =	vld [tilespmem:s2+$0xFFFFFFE0]  }
0x3bf: {  	s16 =	sor.u32 s8, s12;
	[tilespmem:s0+$0xFFFFFFFE] =	vst.msk $0x1, v7;
	v7 =	vld [tilespmem:s5+$0x80]  }
0x3c0: {  	v8 =	vld [tilespmem:s16+$0x80]  }
0x3c1: {  	v9 =	vld [tilespmem:s7+$0xFFFFFFF0];
	_ =	sdelay $0x2  }
0x3c2: {  	v6 =	vmul.f32 v6, v7  }
0x3c3: {  	s18 =	simm.s32 $0x80;
	s17 =	simm.s32 $0x100  }
0x3c4: {  	s10 =	simm.s32 $0x40A0;
	s11 =	sand.u32 $0x40, s18;
	s17 =	sand.u32 $0x3F00, s17;
	v7 =	vmul.f32 v9, v8;
	vm10 =	vge.f32 v6, $1.700000050e+00  }
0x3c5: {  	s14 =	simm.s32 $0x50;
	s8 =	simm.s32 $0x6060;
	s11 =	sor.u32 s11, s17;
	v9 =	vld [tilespmem:s10+$0xFFFFFFE0];
	v8 =	vmpcnt.ones.xlane vm10  }
0x3c6: {  	s14 =	sand.u32 $0x50, s14;
	s5 =	simm.s32 $0x8206;
	[tilespmem:s8+$0xFFFFFFE0] =	vst v6;
	v6 =	vld [tilespmem:s11+$0x80];
	vm11 =	vge.f32 v7, $1.700000050e+00  }
0x3c7: {  	s21 =	simm.s32 $0x20;
	s20 =	sor.u32 s14, s19;
	[tilespmem:s5+$0xFFFFFFFE] =	vst.msk $0x1, v8;
	v8 =	vmpcnt.ones.xlane vm11  }
0x3c8: {  	s22 =	sand.u32 $0x60, s21;
	[tilespmem:s1+$0xFFFFFFF0] =	vst v7;
	v7 =	vld [tilespmem:s20+$0x80]  }
0x3c9: {  	s11 =	sor.u32 s22, s12;
	[tilespmem:s0+$0xFFFFFFFF] =	vst.msk $0x1, v8;
	v8 =	vld [tilespmem:s2+$0xFFFFFFF0]  }
0x3ca: {  	v10 =	vld [tilespmem:s11+$0x80]  }
0x3cb: {  	v6 =	vmul.f32 v9, v6;
	v11 =	vld [tilespmem:s7+$0x0]  }
0x3cc: {  	s23 =	simm.s32 $0x180;
	s21 =	simm.s32 $0xC0  }
0x3cd: {  	s25 =	simm.s32 $0x40E0;
	s24 =	sand.u32 $0x40, s21;
	s22 =	sand.u32 $0x3F00, s23;
	vm12 =	vge.f32 v6, $1.700000050e+00  }
0x3ce: {  	s16 =	simm.s32 $0x90;
	s14 =	sor.u32 s24, s22;
	s20 =	simm.s32 $0x60A0;
	v9 =	vld [tilespmem:s25+$0xFFFFFFE0];
	v7 =	vmul.f32 v8, v7;
	v8 =	vmpcnt.ones.xlane vm12  }
0x3cf: {  	s16 =	sand.u32 $0x50, s16;
	s11 =	simm.s32 $0x820A;
	[tilespmem:s20+$0xFFFFFFE0] =	vst v6;
	v6 =	vld [tilespmem:s14+$0x80]  }
0x3d0: {  	s26 =	sor.u32 s16, s17;
	v10 =	vmul.f32 v11, v10;
	vm13 =	vge.f32 v7, $1.700000050e+00;
	[tilespmem:s11+$0xFFFFFFFE] =	vst.msk $0x1, v8  }
0x3d1: {  	s28 =	simm.s32 $0x60;
	v8 =	vmpcnt.ones.xlane vm13;
	v12 =	vld [tilespmem:s26+$0x80]  }
0x3d2: {  	s29 =	sand.u32 $0x60, s28;
	[tilespmem:s8+$0xFFFFFFF0] =	vst v7;
	vm14 =	vge.f32 v10, $1.700000050e+00;
	v13 =	vld [tilespmem:s10+$0xFFFFFFF0]  }
0x3d3: {  	s30 =	simm.s32 $0x30;
	s14 =	sor.u32 s29, s19;
	v7 =	vmpcnt.ones.xlane vm14;
	[tilespmem:s5+$0xFFFFFFFF] =	vst.msk $0x1, v8  }
0x3d4: {  	s31 =	sand.u32 $0x70, s30;
	v11 =	vmul.f32 v9, v6;
	[tilespmem:s1+$0x0] =	vst v10;
	v8 =	vld [tilespmem:s14+$0x80]  }
0x3d5: {  	s12 =	sor.u32 s31, s12;
	s23 =	simm.s32 $0x820A;
	[tilespmem:s0+$0x0] =	vst.msk $0x1, v7;
	v9 =	vld [tilespmem:s2+$0x0]  }
0x3d6: {  	s24 =	simm.s32 $0x40E0;
	s26 =	simm.s32 $0x800;
	vm15 =	vge.f32 v11, $1.700000050e+00;
	v6 =	vld [tilespmem:s12+$0x80]  }
0x3d7: {  	s14 =	simm.s32 $0x100;
	s12 =	simm.s32 $0xC;
	v7 =	vld [tilespmem:s7+$0x10];
	s7 =	simm.s32 $0x60E0;
	v10 =	vmul.f32 v13, v12;
	v12 =	vmpcnt.ones.xlane vm15  }
.LBB2_83:
0x3d8: {  	s28 =	sshrl.u32 s26, $0x2  }
0x3d9: {  	s25 =	sadd.s32 $0x40, s25;
	s11 =	sadd.s32 $0x4, s11;
	s16 =	smov.u32 s17  }
0x3da: {  	[tilespmem:s7+$0xFFFFFFE0] =	vst v11;
	vm0 =	vge.f32 v10, $1.700000050e+00;
	v8 =	vmul.f32 v9, v8;
	s17 =	smov.u32 s22;
	s29 =	smov.u32 s1;
	s1 =	sand.u32 $0x40, s14  }
0x3db: {  	s12 =	sadd.s32 $0x4, s12;
	s22 =	sand.u32 $0x3F00, s28;
	[tilespmem:s11+$0xFFFFFFFE] =	vst.msk $0x1, v12;
	s28 =	sadd.s32 $0x10, s21;
	v9 =	vmpcnt.ones.xlane vm0  }
0x3dc: {  	s30 =	sor.u32 s1, s22;
	v11 =	vld [tilespmem:s25+$0xFFFFFFE0];
	s28 =	sand.u32 $0x50, s28;
	[tilespmem:s20+$0xFFFFFFF0] =	vst v10;
	vm0 =	vge.f32 v8, $1.700000050e+00;
	v6 =	vmul.f32 v7, v6;
	s1 =	smov.u32 s8  }
0x3dd: {  	s8 =	smov.u32 s20;
	v7 =	vld [tilespmem:s30+$0x80];
	s28 =	sor.u32 s28, s17;
	[tilespmem:s23+$0xFFFFFFFF] =	vst.msk $0x1, v9;
	s30 =	sadd.s32 $0x20, s18;
	v9 =	vmpcnt.ones.xlane vm0  }
0x3de: {  	p0 =	slt.u32 s12, $0x1FC;
	s20 =	smov.u32 s7;
	v10 =	vld [tilespmem:s28+$0x80];
	s28 =	sand.u32 $0x60, s30;
	[tilespmem:s1+$0x0] =	vst v8;
	vm0 =	vge.f32 v6, $1.700000050e+00  }
0x3df: {  	s30 =	sadd.s32 $0x30, s9;
	s9 =	smov.u32 s18;
	v12 =	vld [tilespmem:s24+$0xFFFFFFF0];
	s28 =	sor.u32 s28, s16;
	[tilespmem:s5+$0x0] =	vst.msk $0x1, v9;
	v13 =	vmpcnt.ones.xlane vm0  }
0x3e0: {  	s18 =	smov.u32 s21;
	s21 =	smov.u32 s14;
	v8 =	vld [tilespmem:s28+$0x80];
	s28 =	sand.u32 $0x70, s30;
	[tilespmem:s29+$0x10] =	vst v6  }
.Ltmp48:
0x3e1: {  	v9 =	vld [tilespmem:s10+$0x0];
	s19 =	sor.u32 s28, s19;
	[tilespmem:s0+$0x1] =	vst.msk $0x1, v13;
	(pc) =	sbr.rel @p0 .LBB2_83-.Ltmp48, $4  }
0x3e2: {  	s0 =	smov.u32 s5;
	s5 =	smov.u32 s23;
	s23 =	smov.u32 s11;
	v11 =	vmul.f32 v11, v7;
	v6 =	vld [tilespmem:s19+$0x80]  }
0x3e3: {  	v7 =	vld [tilespmem:s2+$0x10];
	s2 =	smov.u32 s10;
	s10 =	smov.u32 s24  }
0x3e4: {  	s19 =	smov.u32 s16;
	s24 =	smov.u32 s25;
	vm0 =	vge.f32 v11, $1.700000050e+00;
	v10 =	vmul.f32 v12, v10  }
0x3e5: {  	s26 =	sadd.s32 $0x200, s26;
	s7 =	sadd.s32 $0x40, s7;
	s14 =	sadd.s32 $0x40, s14;
	v12 =	vmpcnt.ones.xlane vm0  }
0x3e6: {  	s12 =	sadd.s32 $0x10, s21;
	[tilespmem:s7+$0xFFFFFFE0] =	vst v11;
	s11 =	sadd.s32 $0x4, s11  }
0x3e7: {  	s12 =	sand.u32 $0x50, s12;
	[tilespmem:s11+$0xFFFFFFFE] =	vst.msk $0x1, v12  }
0x3e8: {  	s12 =	sor.u32 s12, s22;
	v12 =	vld [tilespmem:s24+$0xFFFFFFF0]  }
0x3e9: {  	v11 =	vld [tilespmem:s12+$0x80];
	_ =	sdelay $0x4  }
0x3ea: {  	vm0 =	vge.f32 v10, $1.700000050e+00;
	v11 =	vmul.f32 v12, v11  }
0x3eb: {  	s16 =	sadd.s32 $0x20, s18;
	v62 =	vmpcnt.ones.xlane vm0  }
0x3ec: {  	[tilespmem:s20+$0xFFFFFFF0] =	vst v10;
	s12 =	sand.u32 $0x60, s16;
	vm8 =	vge.f32 v11, $1.700000050e+00  }
0x3ed: {  	s14 =	sadd.s32 $0x20, s21;
	[tilespmem:s23+$0xFFFFFFFF] =	vst.msk $0x1, v62;
	s12 =	sor.u32 s12, s17;
	v10 =	vmpcnt.ones.xlane vm8  }
0x3ee: {  	s25 =	sand.u32 $0x60, s14;
	v12 =	vld [tilespmem:s12+$0x80];
	[tilespmem:s7+$0xFFFFFFF0] =	vst v11  }
0x3ef: {  	s12 =	sor.u32 s25, s22;
	v11 =	vld [tilespmem:s10+$0x0];
	[tilespmem:s11+$0xFFFFFFFF] =	vst.msk $0x1, v10  }
0x3f0: {  	v10 =	vld [tilespmem:s12+$0x80]  }
0x3f1: {  	v13 =	vld [tilespmem:s24+$0x0]  }
0x3f2: {  	v8 =	vmul.f32 v9, v8;
	_ =	sdelay $0x1  }
0x3f3: {  	vm9 =	vge.f32 v8, $1.700000050e+00;
	v9 =	vmul.f32 v11, v12  }
0x3f4: {  	s9 =	sadd.s32 $0x30, s9;
	v11 =	vmpcnt.ones.xlane vm9  }
0x3f5: {  	s9 =	sand.u32 $0x70, s9;
	[tilespmem:s8+$0x0] =	vst v8;
	vm10 =	vge.f32 v9, $1.700000050e+00;
	v8 =	vmul.f32 v13, v10  }
0x3f6: {  	s26 =	sadd.s32 $0x30, s18;
	s9 =	sor.u32 s9, s19;
	[tilespmem:s5+$0x0] =	vst.msk $0x1, v11;
	v10 =	vmpcnt.ones.xlane vm10  }
0x3f7: {  	s28 =	sand.u32 $0x70, s26;
	[tilespmem:s20+$0x0] =	vst v9;
	v11 =	vld [tilespmem:s9+$0x80];
	vm11 =	vge.f32 v8, $1.700000050e+00  }
0x3f8: {  	s30 =	sadd.s32 $0x30, s21;
	s29 =	sor.u32 s28, s17;
	v9 =	vld [tilespmem:s2+$0x10];
	[tilespmem:s23+$0x0] =	vst.msk $0x1, v10;
	v10 =	vmpcnt.ones.xlane vm11  }
0x3f9: {  	s31 =	sand.u32 $0x70, s30;
	[tilespmem:s7+$0x0] =	vst v8;
	v63 =	vld [tilespmem:s29+$0x80]  }
0x3fa: {  	s2 =	sor.u32 s31, s22;
	v8 =	vld [tilespmem:s10+$0x10];
	[tilespmem:s11+$0x0] =	vst.msk $0x1, v10  }
0x3fb: {  	v6 =	vmul.f32 v7, v6;
	v7 =	vld [tilespmem:s2+$0x80]  }
0x3fc: {  	v10 =	vld [tilespmem:s24+$0x10]  }
0x3fd: {  	vm12 =	vge.f32 v6, $1.700000050e+00;
	v9 =	vmul.f32 v9, v11  }
0x3fe: {  	v11 =	vmpcnt.ones.xlane vm12  }
0x3ff: {  	[tilespmem:s1+$0x10] =	vst v6;
	vm13 =	vge.f32 v9, $1.700000050e+00;
	v6 =	vmul.f32 v8, v63  }
0x400: {  	[tilespmem:s0+$0x1] =	vst.msk $0x1, v11;
	v8 =	vmpcnt.ones.xlane vm13  }
0x401: {  	[tilespmem:s8+$0x10] =	vst v9;
	vm14 =	vge.f32 v6, $1.700000050e+00;
	v7 =	vmul.f32 v10, v7  }
0x402: {  	[tilespmem:s5+$0x1] =	vst.msk $0x1, v8;
	v8 =	vmpcnt.ones.xlane vm14  }
0x403: {  	[tilespmem:s20+$0x10] =	vst v6;
	vm15 =	vge.f32 v7, $1.700000050e+00  }
0x404: {  	[tilespmem:s23+$0x1] =	vst.msk $0x1, v8;
	v6 =	vmpcnt.ones.xlane vm15  }
0x405: {  	[tilespmem:s7+$0x10] =	vst v7  }
0x406: {  	s5 =	simm.s32 $0x0;
	[tilespmem:s11+$0x1] =	vst.msk $0x1, v6  }
0x407: {  	s0 =	simm.s32 $0x10;
	v7 =	vld [tilespmem:s5+$0x8200]  }
0x408: {  	v6 =	vld [tilespmem:s0+$0x8200];
	_ =	sdelay $0x3  }
0x409: {  	(xrf0) =	vadd.scan.msk.s32 $0xffff, v7  }
0x40a: {  	(xrf0) =	vadd.scan.msk.s32 $0xffff, v6;
	_ =	sdelay $0x4  }
0x40b: {  	s1 =	simm.s32 $0x20;
	v11, _, _ =	vpop (xrf0)  }
0x40c: {  	v9 =	vld [tilespmem:s1+$0x8200];
	(v2sf) =	vpush v11, $0xF;
	v10, _, _ =	vpop (xrf0)  }
0x40d: {  	(v2sf) =	vpush v10, $0xF;
	_ =	sdelay $0x3  }
0x40e: {  	s2 =	simm.s32 $0x30;
	(xrf0) =	vadd.scan.msk.s32 $0xffff, v9  }
0x40f: {  	v8 =	vld [tilespmem:s2+$0x8200];
	_ =	sdelay $0x3  }
0x410: {  	s8 =	simm.s32 $0x100;
	s7 =	simm.s32 $0x0  }
.LBB2_85:
0x411: {  	s9 =	sshra.s32 s8, $0x2;
	p0 =	sne.s32 s8, $0x7C0;
	s8 =	sadd.s32 $0x40, s8;
	(xrf0) =	vadd.scan.msk.s32 $0xffff, v8;
	v12, _, _ =	vpop (xrf0);
	v13 =	vsub.s32 s7, v7;
	v7 =	vmov v6;
	v6 =	vmov v9  }
.Ltmp49:
0x412: {  	v9 =	vmovc v8;
	(v2sf) =	vpush v12, $0xF;
	v13 =	vadd.s32 v11, v13;
	v11 =	vmovc v10;
	v10 =	vmov v12;
	v8 =	vld [tilespmem:s9+$0x8200];
	(pc) =	sbr.rel @p0 .LBB2_85-.Ltmp49, $4  }
0x413: {  	[tilespmem:s5+$0x8480] =	vst v13;
	s5 =	smov.u32 s0;
	s0 =	smov.u32 s1;
	s1 =	smov.u32 s2  }
0x414: {  	s2 =	smov.u32 s9  }
0x415: {  	s9 =	spop (v2sf)  }
0x416: {  	s7 =	sadd.s32 s7, s9  }
0x417: {  	(xrf0) =	vadd.scan.msk.s32 $0xffff, v8;
	_ =	sdelay $0x4  }
0x418: {  	v12, _, _ =	vpop (xrf0)  }
0x419: {  	(v2sf) =	vpush v12, $0xF;
	v13, _, _ =	vpop (xrf0)  }
0x41a: {  	(v2sf) =	vpush v13, $0xF;
	_ =	sdelay $0xb  }
0x41b: {  	s8 =	spop (v2sf)  }
0x41c: {  	s26 =	sadd.s32 s7, s8;
	s28 =	spop (v2sf)  }
0x41d: {  	v7 =	vsub.s32 s7, v7;
	s7 =	sadd.s32 s26, s28;
	s29 =	spop (v2sf)  }
0x41e: {  	s30 =	sadd.s32 s7, s29;
	s31 =	spop (v2sf)  }
0x41f: {  	s17 =	sadd.s32 s30, s31  }
0x420: {  	p0 =	sgt.s32 s17, $0xA3  }
.Ltmp50:
0x421: {  	v7 =	vadd.s32 v11, v7;
	v6 =	vsub.s32 s26, v6;
	(pc) =	sbr.rel @p0 .LBB2_90-.Ltmp50, $4  }
0x422: {  	[tilespmem:s5+$0x8480] =	vst v7;
	v6 =	vadd.s32 v10, v6;
	v7 =	vsub.s32 s7, v9  }
0x423: {  	[tilespmem:s0+$0x8480] =	vst v6;
	v6 =	vadd.s32 v12, v7;
	v7 =	vsub.s32 s30, v8  }
0x424: {  	[tilespmem:s1+$0x8480] =	vst v6;
	v6 =	vadd.s32 v13, v7  }
0x425: {  	s0 =	simm.f32 $1.700000050e+00;
	[tilespmem:s2+$0x8480] =	vst v6  }
0x426: {  	s0 =	simm.s32 $0x0;
	s1 =	simm.s32 $0x8480  }
.LBB2_88:
0x427: {  	p0 =	sne.s32 s0, $0x1F0  }
.Ltmp51:
0x428: {  	_ = 	snop;
	(pc) =	sbr.rel @p0 .LBB2_88-.Ltmp51, $4  }
0x429: {  	v6 =	vmov s0  }
0x42a: {  	v6 =	vshll.u32 v6, $0x4  }
0x42b: {  	v6 =	vor.u32 v1, v6  }
0x42c: {  	s0 =	sadd.s32 $0x10, s0;
	[tilespmem:s1+$0x0] =	vst v6;
	s1 =	sadd.s32 $0x10, s1  }
0x42d: {  	s17 =	simm.s32 $0x2000;
	s0 =	simm.f32 $-3.000000010e+38  }
.LBB2_90:
0x42e: {  	s1 =	simm.s32 $0x8482  }
0x42f: {  	v6 =	vld [tilespmem:s1+$0x1]  }
0x430: {  	v7 =	vld [tilespmem:s1+$0xFFFFFFFF]  }
0x431: {  	v8 =	vld [tilespmem:s1+$0x0];
	_ =	sdelay $0x2  }
0x432: {  	(v2sf) =	vpush v6, $0x0  }
0x433: {  	(v2sf) =	vpush v7, $0x0  }
0x434: {  	(v2sf) =	vpush v8, $0x0;
	_ =	sdelay $0x1  }
0x435: {  	v9 =	vld [tilespmem:s1+$0xFFFFFFFE]  }
0x436: {  	s30 =	simm.s32 $0x8486  }
0x437: {  	v6 =	vld [tilespmem:s30+$0x1]  }
0x438: {  	v7 =	vld [tilespmem:s30+$0xFFFFFFFF]  }
0x439: {  	v8 =	vld [tilespmem:s30+$0x0]  }
0x43a: {  	s31 =	simm.s32 $0x848A;
	(v2sf) =	vpush v9, $0x0;
	v9 =	vld [tilespmem:s30+$0xFFFFFFFE]  }
0x43b: {  	v12 =	vld [tilespmem:s31+$0x1]  }
0x43c: {  	v13 =	vld [tilespmem:s31+$0xFFFFFFFF];
	(v2sf) =	vpush v6, $0x0  }
0x43d: {  	v14 =	vld [tilespmem:s31+$0x0];
	(v2sf) =	vpush v7, $0x0  }
0x43e: {  	s2 =	simm.s32 $0x6020;
	(v2sf) =	vpush v8, $0x0  }
0x43f: {  	v11 =	vld [tilespmem:s2+$0x10];
	(v2sf) =	vpush v9, $0x0  }
0x440: {  	v7 =	vld [tilespmem:s2+$0xFFFFFFE0];
	s7 =	spop (v2sf);
	(v2sf) =	vpush v12, $0x0  }
0x441: {  	v8 =	vld [tilespmem:s2+$0x0];
	s1 =	spop (v2sf);
	(v2sf) =	vpush v13, $0x0  }
0x442: {  	v9 =	vld [tilespmem:s2+$0xFFFFFFF0];
	s2 =	spop (v2sf);
	(v2sf) =	vpush v14, $0x0;
	_ =	sdelay $0x2  }
0x443: {  	v10 =	vld [tilespmem:s31+$0xFFFFFFFE];
	_ =	sdelay $0x1  }
0x444: {  	v6 =	vmov s0  }
0x445: {  	s0 =	simm.s32 $0x6060;
	vm0 =	vge.f32 v11, v6  }
0x446: {  	s5 =	simm.s32 $0x8;
	[tilespmem:s7+$0x8700] =	vst.msk vm0, v11;
	s7 =	simm.s32 $0x848E;
	v11 =	vld [tilespmem:s0+$0x10];
	s8 =	spop (v2sf)  }
.LBB2_91:
0x447: {  	v12 =	vld [tilespmem:s7+$0x1];
	s5 =	sadd.s32 $0x4, s5;
	(v2sf) =	vpush v10, $0x0  }
0x448: {  	v13 =	vld [tilespmem:s7+$0xFFFFFFFF];
	p0 =	slt.u32 s5, $0x1FC;
	vm0 =	vge.f32 v7, v6  }
0x449: {  	v14 =	vld [tilespmem:s7+$0x0];
	[tilespmem:s8+$0x8700] =	vst.msk vm0, v7;
	vm0 =	vge.f32 v9, v6  }
.Ltmp52:
0x44a: {  	v10 =	vld [tilespmem:s7+$0xFFFFFFFE];
	[tilespmem:s1+$0x8700] =	vst.msk vm0, v9;
	vm0 =	vge.f32 v8, v6;
	(pc) =	sbr.rel @p0 .LBB2_91-.Ltmp52, $4  }
0x44b: {  	v7 =	vld [tilespmem:s0+$0xFFFFFFE0];
	vm1 =	vge.f32 v11, v6;
	s1 =	spop (v2sf);
	[tilespmem:s2+$0x8700] =	vst.msk vm0, v8  }
0x44c: {  	(v2sf) =	vpush v12, $0x0;
	v9 =	vld [tilespmem:s0+$0xFFFFFFF0];
	[tilespmem:s1+$0x8700] =	vst.msk vm1, v11;
	s1 =	spop (v2sf)  }
0x44d: {  	(v2sf) =	vpush v13, $0x0;
	v8 =	vld [tilespmem:s0+$0x0];
	s0 =	sadd.s32 $0x40, s0;
	s2 =	spop (v2sf)  }
0x44e: {  	s7 =	sadd.s32 $0x4, s7;
	(v2sf) =	vpush v14, $0x0;
	v11 =	vld [tilespmem:s0+$0x10];
	s8 =	spop (v2sf)  }
0x44f: {  	(v2sf) =	vpush v10, $0x0;
	_ =	sdelay $0x3  }
0x450: {  	v12 =	vld [tilespmem:s0+$0xFFFFFFF0]  }
0x451: {  	v59 =	vld [tilespmem:s0+$0xFFFFFFE0];
	vm0 =	vge.f32 v7, v6  }
0x452: {  	s22 =	sadd.s32 $0x40, s0;
	[tilespmem:s8+$0x8700] =	vst.msk vm0, v7;
	vm6 =	vge.f32 v9, v6;
	v7 =	vld [tilespmem:s0+$0x0]  }
0x453: {  	s5 =	spop (v2sf);
	v60 =	vld [tilespmem:s22+$0x10];
	[tilespmem:s1+$0x8700] =	vst.msk vm6, v9;
	vm7 =	vge.f32 v8, v6  }
0x454: {  	s23 =	spop (v2sf);
	v62 =	vld [tilespmem:s22+$0xFFFFFFF0];
	[tilespmem:s2+$0x8700] =	vst.msk vm7, v8;
	vm8 =	vge.f32 v11, v6  }
0x455: {  	v63 =	vld [tilespmem:s22+$0x0];
	s24 =	spop (v2sf);
	[tilespmem:s5+$0x8700] =	vst.msk vm8, v11;
	vm10 =	vge.f32 v12, v6  }
0x456: {  	v61 =	vld [tilespmem:s22+$0xFFFFFFE0];
	vm9 =	vge.f32 v59, v6;
	[tilespmem:s23+$0x8700] =	vst.msk vm10, v12;
	s25 =	spop (v2sf)  }
0x457: {  	vm11 =	vge.f32 v7, v6;
	[tilespmem:s25+$0x8700] =	vst.msk vm9, v59  }
0x458: {  	vm12 =	vge.f32 v60, v6;
	[tilespmem:s24+$0x8700] =	vst.msk vm11, v7;
	s26 =	spop (v2sf)  }
0x459: {  	vm14 =	vge.f32 v62, v6;
	s28 =	spop (v2sf);
	[tilespmem:s26+$0x8700] =	vst.msk vm12, v60  }
0x45a: {  	vm15 =	vge.f32 v63, v6;
	s29 =	spop (v2sf);
	[tilespmem:s28+$0x8700] =	vst.msk vm14, v62  }
0x45b: {  	vm13 =	vge.f32 v61, v6;
	s30 =	spop (v2sf);
	[tilespmem:s29+$0x8700] =	vst.msk vm15, v63  }
0x45c: {  	[tilespmem:s30+$0x8700] =	vst.msk vm13, v61  }
0x45d: {  	[tilespmem:$0x8000] =	vst v2  }
0x45e: {  	[tilespmem:$0x8010] =	vst v2  }
0x45f: {  	[tilespmem:$0x8020] =	vst v2  }
0x460: {  	[tilespmem:$0x8030] =	vst v2  }
0x461: {  	[tilespmem:$0x8040] =	vst v2  }
0x462: {  	[tilespmem:$0x8050] =	vst v2  }
0x463: {  	[tilespmem:$0x8060] =	vst v2  }
0x464: {  	[tilespmem:$0x8070] =	vst v2  }
0x465: {  	[tilespmem:$0x8080] =	vst v2  }
0x466: {  	[tilespmem:$0x8090] =	vst v2  }
0x467: {  	[tilespmem:$0x80A0] =	vst v2  }
0x468: {  	[tilespmem:$0x80B0] =	vst v2  }
0x469: {  	[tilespmem:$0x80C0] =	vst v2  }
0x46a: {  	[tilespmem:$0x80D0] =	vst v2  }
0x46b: {  	[tilespmem:$0x80E0] =	vst v2  }
0x46c: {  	[tilespmem:$0x80F0] =	vst v2  }
0x46d: {  	[tilespmem:$0x8100] =	vst v2  }
0x46e: {  	[tilespmem:$0x8110] =	vst v2  }
0x46f: {  	[tilespmem:$0x8120] =	vst v2  }
0x470: {  	[tilespmem:$0x8130] =	vst v2  }
0x471: {  	[tilespmem:$0x8140] =	vst v2  }
0x472: {  	s31 =	sadd.s32 $0xF, s17;
	[tilespmem:$0x8150] =	vst v2  }
0x473: {  	s18 =	sshra.s32 s31, $0x4;
	[tilespmem:$0x8160] =	vst v2  }
0x474: {  	s0 =	sshrl.u32 s18, $0x1E;
	[tilespmem:$0x8170] =	vst v2  }
0x475: {  	s0 =	sadd.s32 s0, s18;
	[tilespmem:$0x8180] =	vst v2  }
0x476: {  	s19 =	sand.u32 $0xFFFFFFFC, s0;
	[tilespmem:$0x8190] =	vst v2  }
0x477: {  	p0 =	slt.s32 s19, $0x1;
	[tilespmem:$0x81A0] =	vst v2  }
.Ltmp53:
0x478: {  	[tilespmem:$0x81B0] =	vst v2;
	(pc) =	sbr.rel @p0 .LBB2_95-.Ltmp53, $4  }
0x479: {  	[tilespmem:$0x81C0] =	vst v2  }
0x47a: {  	[tilespmem:$0x81D0] =	vst v2  }
0x47b: {  	[tilespmem:$0x81E0] =	vst v2  }
0x47c: {  	[tilespmem:$0x81F0] =	vst v2  }
0x47d: {  	s0 =	simm.s32 $0x8720  }
0x47e: {  	v6 =	vld [tilespmem:s0+$0x10]  }
0x47f: {  	v7 =	vld [tilespmem:s0+$0xFFFFFFF0]  }
0x480: {  	v8 =	vld [tilespmem:s0+$0x0]  }
0x481: {  	v9 =	vld [tilespmem:s0+$0xFFFFFFE0];
	_ =	sdelay $0x3  }
0x482: {  	p2 =	sgt.s32 s19, $0x4;
	v6 =	vadd.f32 $-1.500000000e+00, v6;
	v7 =	vadd.f32 $-1.500000000e+00, v7  }
.Ltmp54:
0x483: {  	v8 =	vadd.f32 $-1.500000000e+00, v8;
	v9 =	vadd.f32 $-1.500000000e+00, v9;
	(pc) =	sbr.rel @!p2 .LBB2_94-.Ltmp54, $4  }
0x484: {  	v6 =	vmul.f32 $2.000000000e+02, v6;
	v7 =	vmul.f32 $2.000000000e+02, v7  }
0x485: {  	v8 =	vmul.f32 $2.000000000e+02, v8;
	v13 =	vmul.f32 $2.000000000e+02, v9  }
0x486: {  	s1 =	sadd.s32 $0xFFFFFFF0, s17;
	v6 =	vtrunc.f32 v6;
	v12 =	vtrunc.f32 v7  }
0x487: {  	s7 =	sadd.s32 $0xFFFFFFD0, s17;
	p1 =	por $0x0, $0x0;
	s0 =	simm.s32 $0x8760;
	v11 =	vtrunc.f32 v8;
	v10 =	vcvt.f32.s32 v6;
	v6 =	vmov s17  }
0x488: {  	v7 =	vld [tilespmem:s0+$0x10];
	v8 =	vtrunc.f32 v13;
	v9 =	vmov s7;
	v12 =	vcvt.f32.s32 v12  }
0x489: {  	v13 =	vld [tilespmem:s0+$0xFFFFFFF0];
	v11 =	vcvt.f32.s32 v11;
	v16 =	vmov s1;
	vm0 =	vgt.s32 v10, $0x0  }
0x48a: {  	s2 =	sadd.s32 $0xFFFFFFE0, s17;
	v8 =	vcvt.f32.s32 v8;
	vm3 =	vgt.s32 v9, v0;
	v9 =	vnsel vm0, $0x0, v10;
	v10 =	vld [tilespmem:s0+$0x0]  }
0x48b: {  	v15 =	vld [tilespmem:s0+$0xFFFFFFE0];
	vm2 =	vgt.s32 v6, v0;
	v17 =	vmov s2;
	vm1 =	vgt.s32 v11, $0x0  }
0x48c: {  	v14 =	vmin.u32 v9, $0x1FF;
	vm0 =	vgt.s32 v8, $0x0;
	v11 =	vnsel vm1, $0x0, v11  }
0x48d: {  	v8 =	vnsel vm0, $0x0, v8;
	vm0 =	vgt.s32 v12, $0x0;
	v18 =	vadd.f32 $-1.500000000e+00, v7  }
0x48e: {  	p2 =	sgt.s32 s19, $0x8;
	vm1 =	vgt.s32 v17, v0;
	v7 =	vnsel vm0, $0x0, v12;
	v12 =	vadd.f32 $-1.500000000e+00, v13  }
.Ltmp55:
0x48f: {  	v9 =	vmin.u32 v8, $0x1FF;
	v10 =	vadd.f32 $-1.500000000e+00, v10;
	v13 =	vmul.f32 $2.000000000e+02, v18;
	(pc) =	sbr.rel @!p2 .LBB2_103-.Ltmp55, $4  }
0x490: {  	s0 =	sadd.s32 $0xFFFFFFC0, s17;
	v8 =	vmin.u32 v11, $0x1FF;
	v11 =	vadd.f32 $-1.500000000e+00, v15;
	v12 =	vmul.f32 $2.000000000e+02, v12  }
0x491: {  	v6 =	vmov s0;
	v15 =	vmul.f32 $2.000000000e+02, v10;
	v10 =	vtrunc.f32 v13  }
0x492: {  	s5 =	simm.s32 $0x87A0;
	p1 =	por $0x1, $0x1;
	vm0 =	vgt.s32 v16, v0;
	v13 =	vmul.f32 $2.000000000e+02, v11;
	v10 =	vcvt.f32.s32 v10  }
0x493: {  	s2 =	simm.s32 $0x8;
	s1 =	sadd.s32 $0xFFFFFFF0, s0;
	s7 =	sadd.s32 $0xFFFFFFD0, s0;
	v7 =	vmin.u32 v7, $0x1FF;
	[tilespmem:v14+s13+$0x0] =	vst.idx.add.s32.msk vm3, v3;
	v12 =	vtrunc.f32 v12;
	v11 =	vtrunc.f32 v15  }
.LBB2_102:
0x494: {  	v14 =	vld [tilespmem:s5+$0x10];
	s2 =	sadd.s32 $0x4, s2;
	v13 =	vtrunc.f32 v13;
	s8 =	sadd.s32 $0xFFFFFFE0, s0;
	v15 =	vmov s7;
	vm3 =	vgt.s32 v10, $0x0  }
0x495: {  	v16 =	vld [tilespmem:s5+$0xFFFFFFF0];
	p2 =	slt.s32 s2, s19;
	v13 =	vcvt.f32.s32 v13;
	vm4 =	vgt.s32 v15, v0;
	v10 =	vnsel vm3, $0x0, v10  }
0x496: {  	v12 =	vcvt.f32.s32 v12;
	v11 =	vcvt.f32.s32 v11;
	v15 =	vld [tilespmem:s5+$0x0];
	v10 =	vmin.u32 v10, $0x1FF  }
0x497: {  	v18 =	vmov s1;
	v19 =	vmov s8;
	v17 =	vld [tilespmem:s5+$0xFFFFFFE0];
	vm3 =	vgt.s32 v13, $0x0  }
0x498: {  	vm5 =	vgt.s32 v11, $0x0;
	v13 =	vnsel vm3, $0x0, v13;
	vm3 =	vgt.s32 v12, $0x0;
	[tilespmem:v9+s13+$0x0] =	vst.idx.add.s32.msk vm2, v3  }
0x499: {  	v11 =	vnsel vm5, $0x0, v11;
	v14 =	vadd.f32 $-1.500000000e+00, v14;
	v12 =	vnsel vm3, $0x0, v12;
	[tilespmem:v7+s13+$0x0] =	vst.idx.add.s32.msk vm0, v3  }
0x49a: {  	v9 =	vmin.u32 v13, $0x1FF;
	v16 =	vadd.f32 $-1.500000000e+00, v16;
	v7 =	vmin.u32 v12, $0x1FF;
	[tilespmem:v8+s13+$0x0] =	vst.idx.add.s32.msk vm1, v3  }
.Ltmp56:
0x49b: {  	v8 =	vmin.u32 v11, $0x1FF;
	v12 =	vadd.f32 $-1.500000000e+00, v15;
	v13 =	vmul.f32 $2.000000000e+02, v14;
	[tilespmem:v10+s13+$0x0] =	vst.idx.add.s32.msk vm4, v3;
	(pc) =	sbr.rel @p2 .LBB2_102-.Ltmp56, $4  }
0x49c: {  	vm0 =	vgt.s32 v18, v0;
	v10 =	vadd.f32 $-1.500000000e+00, v17;
	v11 =	vmul.f32 $2.000000000e+02, v16  }
0x49d: {  	vm1 =	vgt.s32 v19, v0;
	v14 =	vmul.f32 $2.000000000e+02, v12;
	v12 =	vtrunc.f32 v13  }
0x49e: {  	s0 =	sadd.s32 $0xFFFFFFC0, s0;
	vm2 =	vgt.s32 v6, v0;
	v13 =	vmul.f32 $2.000000000e+02, v10;
	v10 =	vcvt.f32.s32 v12  }
0x49f: {  	s1 =	sadd.s32 $0xFFFFFFF0, s0;
	s7 =	sadd.s32 $0xFFFFFFD0, s0;
	s5 =	sadd.s32 $0x40, s5;
	v6 =	vmov s0;
	v12 =	vtrunc.f32 v11;
	v11 =	vtrunc.f32 v14  }
.LBB2_103:
0x4a0: {  	v13 =	vtrunc.f32 v13;
	v14 =	vmov s7  }
0x4a1: {  	vm3 =	vgt.s32 v10, $0x0;
	v12 =	vcvt.f32.s32 v12;
	v11 =	vcvt.f32.s32 v11  }
0x4a2: {  	s0 =	sadd.s32 $0xFFFFFFE0, s0;
	v61 =	vmov s1;
	vm6 =	vgt.s32 v6, v0;
	v13 =	vcvt.f32.s32 v13  }
0x4a3: {  	vm4 =	vgt.s32 v14, v0;
	v10 =	vnsel vm3, $0x0, v10;
	v15 =	vmov s0  }
0x4a4: {  	vm14 =	vgt.s32 v61, v0;
	v10 =	vmin.u32 v10, $0x1FF;
	vm13 =	vgt.s32 v12, $0x0  }
0x4a5: {  	vm5 =	vgt.s32 v11, $0x0;
	vm15 =	vgt.s32 v15, v0;
	v6 =	vnsel vm13, $0x0, v12  }
0x4a6: {  	vm12 =	vgt.s32 v13, $0x0;
	v63 =	vnsel vm5, $0x0, v11;
	v6 =	vmin.u32 v6, $0x1FF  }
0x4a7: {  	[tilespmem:v7+s13+$0x0] =	vst.idx.add.s32.msk @p1 vm0, v3;
	v13 =	vnsel vm12, $0x0, v13;
	v7 =	vmin.u32 v63, $0x1FF  }
0x4a8: {  	[tilespmem:v9+s13+$0x0] =	vst.idx.add.s32.msk @p1 vm2, v3;
	v62 =	vmin.u32 v13, $0x1FF  }
0x4a9: {  	[tilespmem:v8+s13+$0x0] =	vst.idx.add.s32.msk @p1 vm1, v3  }
0x4aa: {  	[tilespmem:v10+s13+$0x0] =	vst.idx.add.s32.msk vm4, v3  }
0x4ab: {  	[tilespmem:v6+s13+$0x0] =	vst.idx.add.s32.msk vm14, v3  }
0x4ac: {  	[tilespmem:v7+s13+$0x0] =	vst.idx.add.s32.msk vm15, v3  }
0x4ad: {  	[tilespmem:v62+s13+$0x0] =	vst.idx.add.s32.msk vm6, v3  }
.LBB2_95:
0x4ae: {  	s24 =	ssub.s32 s18, s19  }
0x4af: {  	p1 =	sgt.s32 s24, $0x0  }
.Ltmp57:
0x4b0: {  	_ = 	snop;
	(pc) =	sbr.rel @!p1 .LBB2_96-.Ltmp57, $3  }
0x4b1: {  	_ =	sdelay $0x1  }
0x4b2: {  	s0 =	sshll.u32 s18, $0x6;
	s1 =	sshll.u32 s24, $0x6  }
0x4b3: {  	s21 =	sshll.u32 s24, $0x4;
	s20 =	ssub.s32 s0, s1  }
0x4b4: {  	s0 =	sshra.s32 s20, $0x2;
	s1 =	sadd.s32 s21, s17;
	s2 =	sshll.u32 s18, $0x4  }
0x4b5: {  	s0 =	sadd.s32 $0x8700, s0;
	s1 =	ssub.s32 s1, s2;
	s2 =	smov.u32 s19  }
.LBB2_105:
0x4b6: {  	v6 =	vld [tilespmem:s0+$0x0];
	_ =	sdelay $0x4  }
0x4b7: {  	v6 =	vadd.f32 $-1.500000000e+00, v6;
	_ =	sdelay $0x1  }
0x4b8: {  	v6 =	vmul.f32 $2.000000000e+02, v6;
	_ =	sdelay $0x1  }
0x4b9: {  	v6 =	vtrunc.f32 v6  }
0x4ba: {  	v6 =	vcvt.f32.s32 v6;
	_ =	sdelay $0x1  }
0x4bb: {  	v7 =	vmov s1;
	vm0 =	vgt.s32 v6, $0x0  }
0x4bc: {  	s2 =	sadd.s32 $0x1, s2;
	vm1 =	vgt.s32 v7, v0;
	v6 =	vnsel vm0, $0x0, v6  }
0x4bd: {  	p1 =	slt.s32 s2, s18;
	v6 =	vmin.u32 v6, $0x1FF  }
.Ltmp58:
0x4be: {  	_ = 	snop;
	(pc) =	sbr.rel @p1 .LBB2_105-.Ltmp58, $2  }
0x4bf: {  	_ =	sdelay $0x2  }
0x4c0: {  	s0 =	sadd.s32 $0x10, s0;
	s1 =	sadd.s32 $0xFFFFFFF0, s1;
	[tilespmem:v6+s13+$0x0] =	vst.idx.add.s32.msk vm1, v3  }
.LBB2_96:
0x4c1: {  	s11 =	simm.s32 $0x8020  }
0x4c2: {  	v6 =	vld [tilespmem:s11+$0xFFFFFFE0];
	_ =	sdelay $0x4  }
0x4c3: {  	(xrf0) =	vadd.scan.msk.s32 $0xffff, v6  }
0x4c4: {  	s12 =	simm.s32 $0x8060  }
0x4c5: {  	v6 =	vld [tilespmem:s12+$0xFFFFFFE0];
	_ =	sdelay $0x3  }
0x4c6: {  	v7, _, _ =	vpop (xrf0)  }
0x4c7: {  	(xrf0) =	vadd.scan.msk.s32 $0xffff, v6;
	v6 =	vbroadcast v7, $0xF  }
0x4c8: {  	s0 =	simm.s32 $0x8202  }
0x4c9: {  	[tilespmem:s0+$0xFFFFFFFE] =	vst.msk $0x1, v6  }
0x4ca: {  	s22 =	simm.s32 $0x80A0;
	v6 =	vld [tilespmem:s11+$0xFFFFFFF0]  }
0x4cb: {  	v7 =	vld [tilespmem:s22+$0xFFFFFFE0];
	_ =	sdelay $0x1  }
0x4cc: {  	v8, _, _ =	vpop (xrf0)  }
0x4cd: {  	v8 =	vbroadcast v8, $0xF  }
0x4ce: {  	s1 =	simm.s32 $0x8206;
	(xrf0) =	vadd.scan.msk.s32 $0xffff, v6  }
0x4cf: {  	[tilespmem:s1+$0xFFFFFFFE] =	vst.msk $0x1, v8;
	(xrf0) =	vadd.scan.msk.s32 $0xffff, v7  }
0x4d0: {  	s7 =	simm.s32 $0x80E0;
	v6 =	vld [tilespmem:s12+$0xFFFFFFF0]  }
0x4d1: {  	v7 =	vld [tilespmem:s7+$0xFFFFFFE0];
	_ =	sdelay $0x2  }
0x4d2: {  	v8, _, _ =	vpop (xrf0)  }
0x4d3: {  	(xrf0) =	vadd.scan.msk.s32 $0xffff, v6;
	v6, _, _ =	vpop (xrf0);
	v8 =	vbroadcast v8, $0xF  }
0x4d4: {  	(xrf0) =	vadd.scan.msk.s32 $0xffff, v7;
	v6 =	vbroadcast v6, $0xF  }
0x4d5: {  	s2 =	simm.s32 $0x820A;
	[tilespmem:s0+$0xFFFFFFFF] =	vst.msk $0x1, v8  }
0x4d6: {  	[tilespmem:s2+$0xFFFFFFFE] =	vst.msk $0x1, v6;
	v6 =	vld [tilespmem:s11+$0x0]  }
0x4d7: {  	s10 =	simm.s32 $0x8120;
	v7 =	vld [tilespmem:s22+$0xFFFFFFF0]  }
0x4d8: {  	v8 =	vld [tilespmem:s10+$0xFFFFFFE0]  }
0x4d9: {  	v9, _, _ =	vpop (xrf0)  }
0x4da: {  	v10, _, _ =	vpop (xrf0);
	v9 =	vbroadcast v9, $0xF  }
0x4db: {  	v10 =	vbroadcast v10, $0xF;
	(xrf0) =	vadd.scan.msk.s32 $0xffff, v6  }
0x4dc: {  	s5 =	simm.s32 $0x820E;
	[tilespmem:s1+$0xFFFFFFFF] =	vst.msk $0x1, v9;
	(xrf0) =	vadd.scan.msk.s32 $0xffff, v7  }
0x4dd: {  	[tilespmem:s5+$0xFFFFFFFE] =	vst.msk $0x1, v10;
	v6 =	vld [tilespmem:s12+$0x0];
	(xrf0) =	vadd.scan.msk.s32 $0xffff, v8  }
0x4de: {  	v7 =	vld [tilespmem:s7+$0xFFFFFFF0]  }
0x4df: {  	s9 =	simm.s32 $0x8160  }
0x4e0: {  	v8 =	vld [tilespmem:s9+$0xFFFFFFE0]  }
0x4e1: {  	v9, _, _ =	vpop (xrf0)  }
0x4e2: {  	(xrf0) =	vadd.scan.msk.s32 $0xffff, v6;
	v6, _, _ =	vpop (xrf0);
	v9 =	vbroadcast v9, $0xF  }
0x4e3: {  	(xrf0) =	vadd.scan.msk.s32 $0xffff, v7;
	v7, _, _ =	vpop (xrf0);
	v6 =	vbroadcast v6, $0xF  }
0x4e4: {  	v7 =	vbroadcast v7, $0xF;
	[tilespmem:s0+$0x0] =	vst.msk $0x1, v9  }
0x4e5: {  	s8 =	simm.s32 $0x8212;
	(xrf0) =	vadd.scan.msk.s32 $0xffff, v8;
	[tilespmem:s2+$0xFFFFFFFF] =	vst.msk $0x1, v6;
	v6 =	vld [tilespmem:s11+$0x10]  }
0x4e6: {  	[tilespmem:s8+$0xFFFFFFFE] =	vst.msk $0x1, v7;
	v7 =	vld [tilespmem:s22+$0x0]  }
0x4e7: {  	s11 =	simm.s32 $0x81A0;
	v8 =	vld [tilespmem:s10+$0xFFFFFFF0]  }
0x4e8: {  	v10 =	vld [tilespmem:s11+$0xFFFFFFE0]  }
0x4e9: {  	v9, _, _ =	vpop (xrf0)  }
0x4ea: {  	v11, _, _ =	vpop (xrf0);
	v9 =	vbroadcast v9, $0xF;
	(xrf0) =	vadd.scan.msk.s32 $0xffff, v6  }
0x4eb: {  	v12, _, _ =	vpop (xrf0);
	v11 =	vbroadcast v11, $0xF;
	(xrf0) =	vadd.scan.msk.s32 $0xffff, v7  }
0x4ec: {  	v12 =	vbroadcast v12, $0xF;
	[tilespmem:s1+$0x0] =	vst.msk $0x1, v9;
	(xrf0) =	vadd.scan.msk.s32 $0xffff, v8  }
0x4ed: {  	s23 =	simm.s32 $0x8216;
	[tilespmem:s5+$0xFFFFFFFF] =	vst.msk $0x1, v11;
	v6 =	vld [tilespmem:s12+$0x10];
	(xrf0) =	vadd.scan.msk.s32 $0xffff, v10  }
0x4ee: {  	[tilespmem:s23+$0xFFFFFFFE] =	vst.msk $0x1, v12;
	v7 =	vld [tilespmem:s7+$0x0]  }
0x4ef: {  	s14 =	simm.s32 $0x81E0;
	s12 =	simm.s32 $0x18;
	v8 =	vld [tilespmem:s9+$0xFFFFFFF0]  }
.LBB2_97:
0x4f0: {  	v9 =	vld [tilespmem:s14+$0xFFFFFFE0];
	s12 =	sadd.s32 $0x4, s12;
	v10, _, _ =	vpop (xrf0)  }
0x4f1: {  	p1 =	slt.u32 s12, $0x1C;
	v11, _, _ =	vpop (xrf0);
	v10 =	vbroadcast v10, $0xF  }
0x4f2: {  	v12, _, _ =	vpop (xrf0);
	v11 =	vbroadcast v11, $0xF;
	(xrf0) =	vadd.scan.msk.s32 $0xffff, v6  }
.Ltmp59:
0x4f3: {  	v6, _, _ =	vpop (xrf0);
	v12 =	vbroadcast v12, $0xF;
	(xrf0) =	vadd.scan.msk.s32 $0xffff, v7;
	[tilespmem:s0+$0x1] =	vst.msk $0x1, v10;
	s0 =	smov.u32 s1;
	s1 =	smov.u32 s2;
	(pc) =	sbr.rel @p1 .LBB2_97-.Ltmp59, $4  }
0x4f4: {  	s2 =	smov.u32 s5;
	s5 =	smov.u32 s8;
	s8 =	smov.u32 s23;
	v7 =	vbroadcast v6, $0xF;
	(xrf0) =	vadd.scan.msk.s32 $0xffff, v8;
	[tilespmem:s1+$0x0] =	vst.msk $0x1, v11  }
0x4f5: {  	s23 =	sadd.s32 $0x4, s23;
	(xrf0) =	vadd.scan.msk.s32 $0xffff, v9;
	[tilespmem:s5+$0xFFFFFFFF] =	vst.msk $0x1, v12;
	v6 =	vld [tilespmem:s22+$0x10];
	s22 =	smov.u32 s7;
	s7 =	smov.u32 s10  }
0x4f6: {  	s10 =	smov.u32 s9;
	s9 =	smov.u32 s11;
	s11 =	smov.u32 s14;
	[tilespmem:s23+$0xFFFFFFFE] =	vst.msk $0x1, v7;
	v7 =	vld [tilespmem:s7+$0x0]  }
0x4f7: {  	s14 =	sadd.s32 $0x40, s14;
	v8 =	vld [tilespmem:s9+$0xFFFFFFF0]  }
0x4f8: {  	v9, _, _ =	vpop (xrf0)  }
0x4f9: {  	v10, _, _ =	vpop (xrf0)  }
0x4fa: {  	v11, _, _ =	vpop (xrf0);
	v10 =	vbroadcast v10, $0xF  }
0x4fb: {  	v12, _, _ =	vpop (xrf0);
	v11 =	vbroadcast v11, $0xF  }
0x4fc: {  	v12 =	vbroadcast v12, $0xF;
	[tilespmem:s2+$0x0] =	vst.msk $0x1, v10  }
0x4fd: {  	s12 =	sadd.s32 $0x4, s23;
	v10 =	vld [tilespmem:s22+$0x10];
	[tilespmem:s8+$0xFFFFFFFF] =	vst.msk $0x1, v11  }
0x4fe: {  	(xrf0) =	vadd.scan.msk.s32 $0xffff, v6;
	[tilespmem:s12+$0xFFFFFFFE] =	vst.msk $0x1, v12;
	v11 =	vld [tilespmem:s10+$0x0]  }
0x4ff: {  	(xrf0) =	vadd.scan.msk.s32 $0xffff, v7;
	v6 =	vld [tilespmem:s11+$0xFFFFFFF0];
	_ =	sdelay $0x1  }
0x500: {  	(xrf0) =	vadd.scan.msk.s32 $0xffff, v8  }
0x501: {  	(xrf0) =	vadd.scan.msk.s32 $0xffff, v10  }
0x502: {  	(xrf0) =	vadd.scan.msk.s32 $0xffff, v11  }
0x503: {  	(xrf0) =	vadd.scan.msk.s32 $0xffff, v6;
	v6, _, _ =	vpop (xrf0)  }
0x504: {  	v7, _, _ =	vpop (xrf0)  }
0x505: {  	v7 =	vbroadcast v7, $0xF  }
0x506: {  	v8, _, _ =	vpop (xrf0)  }
0x507: {  	v10, _, _ =	vpop (xrf0)  }
0x508: {  	v8 =	vbroadcast v8, $0xF;
	v11, _, _ =	vpop (xrf0)  }
0x509: {  	[tilespmem:s5+$0x0] =	vst.msk $0x1, v7;
	v7, _, _ =	vpop (xrf0);
	v11 =	vbroadcast v11, $0xF  }
0x50a: {  	[tilespmem:s23+$0xFFFFFFFF] =	vst.msk $0x1, v8;
	v8 =	vld [tilespmem:s7+$0x10];
	v7 =	vbroadcast v7, $0xF  }
0x50b: {  	v58 =	vld [tilespmem:s9+$0x0];
	[tilespmem:s8+$0x0] =	vst.msk $0x1, v11  }
0x50c: {  	[tilespmem:s12+$0xFFFFFFFF] =	vst.msk $0x1, v7;
	v7 =	vld [tilespmem:s10+$0x10]  }
0x50d: {  	v59 =	vld [tilespmem:s11+$0x0];
	_ =	sdelay $0x1  }
0x50e: {  	(xrf0) =	vadd.scan.msk.s32 $0xffff, v8  }
0x50f: {  	(xrf0) =	vadd.scan.msk.s32 $0xffff, v58  }
0x510: {  	(xrf0) =	vadd.scan.msk.s32 $0xffff, v7  }
0x511: {  	(xrf0) =	vadd.scan.msk.s32 $0xffff, v59;
	_ =	sdelay $0x2  }
0x512: {  	v7, _, _ =	vpop (xrf0)  }
0x513: {  	v8, _, _ =	vpop (xrf0)  }
0x514: {  	v60, _, _ =	vpop (xrf0)  }
0x515: {  	v8 =	vbroadcast v8, $0xF;
	v61, _, _ =	vpop (xrf0)  }
0x516: {  	v12 =	vbroadcast v61, $0xF  }
0x517: {  	[tilespmem:s23+$0x0] =	vst.msk $0x1, v8  }
0x518: {  	v8 =	vld [tilespmem:s9+$0x10];
	[tilespmem:s12+$0x0] =	vst.msk $0x1, v12  }
0x519: {  	v12 =	vld [tilespmem:s11+$0x10];
	_ =	sdelay $0x3  }
0x51a: {  	(xrf0) =	vadd.scan.msk.s32 $0xffff, v8;
	v8 =	vbroadcast v9, $0xF  }
0x51b: {  	(xrf0) =	vadd.scan.msk.s32 $0xffff, v12  }
0x51c: {  	[tilespmem:s0+$0x1] =	vst.msk $0x1, v8;
	v8 =	vbroadcast v10, $0xF  }
0x51d: {  	v6 =	vbroadcast v6, $0xF;
	_ =	sdelay $0x1  }
0x51e: {  	[tilespmem:s1+$0x1] =	vst.msk $0x1, v6;
	v6 =	vbroadcast v7, $0xF  }
0x51f: {  	v7 =	vbroadcast v60, $0xF;
	[tilespmem:s2+$0x1] =	vst.msk $0x1, v8;
	v8, _, _ =	vpop (xrf0)  }
0x520: {  	[tilespmem:s5+$0x1] =	vst.msk $0x1, v6;
	v6 =	vbroadcast v8, $0xF;
	v8, _, _ =	vpop (xrf0)  }
0x521: {  	[tilespmem:s8+$0x1] =	vst.msk $0x1, v7;
	v7 =	vbroadcast v8, $0xF  }
0x522: {  	[tilespmem:s23+$0x1] =	vst.msk $0x1, v6  }
0x523: {  	[tilespmem:s12+$0x1] =	vst.msk $0x1, v7  }
0x524: {  	v6 =	vld [tilespmem:$0x8210];
	_ =	sdelay $0x1  }
0x525: {  	v7 =	vld [tilespmem:$0x8200];
	_ =	sdelay $0x2  }
0x526: {  	v8 =	vperm.xlane v6, v4;
	_ =	sdelay $0x1  }
0x527: {  	(xrf0) =	vadd.scan.msk.s32 $0xffff, v8;
	v8 =	vperm.xlane v7, v4;
	_ =	sdelay $0x1  }
0x528: {  	(xrf0) =	vadd.scan.msk.s32 $0xffff, v8;
	_ =	sdelay $0x3  }
0x529: {  	v8, _, _ =	vpop (xrf0)  }
0x52a: {  	v8 =	vperm.xlane v8, v4  }
0x52b: {  	v62, _, _ =	vpop (xrf0)  }
0x52c: {  	v9 =	vperm.xlane v62, v4;
	v63 =	vbroadcast v8, $0x0;
	_ =	sdelay $0x1  }
0x52d: {  	vm0 =	vgt.s32 v8, $0xA3;
	v9 =	vadd.s32 v63, v9  }
0x52e: {  	v8 =	vmpcnt.ones.xlane vm0;
	vm11 =	vgt.s32 v9, $0xA3  }
0x52f: {  	v9 =	vmpcnt.ones.xlane vm11  }
0x530: {  	(v2sf) =	vpush v8, $0x0  }
0x531: {  	(v2sf) =	vpush v9, $0x0;
	_ =	sdelay $0xd  }
0x532: {  	s26 =	spop (v2sf)  }
0x533: {  	s28 =	spop (v2sf)  }
0x534: {  	s0 =	sadd.s32 s28, s26  }
0x535: {  	s0 =	sadd.s32 $0xFFFFFFFF, s0  }
0x536: {  	v8 =	vmov s0  }
0x537: {  	vm12 =	vlt.s32 v8, v0  }
0x538: {  	vm13 =	vlt.s32 v8, v5;
	v7 =	vnsel vm12, $0x0, v7  }
0x539: {  	v6 =	vnsel vm13, $0x0, v6;
	(xrf0) =	vadd.scan.msk.s32 $0xffff, v7  }
0x53a: {  	(xrf0) =	vadd.scan.msk.s32 $0xffff, v6;
	_ =	sdelay $0x4  }
0x53b: {  	v6, _, _ =	vpop (xrf0)  }
0x53c: {  	(v2sf) =	vpush v6, $0xF;
	v6, _, _ =	vpop (xrf0)  }
0x53d: {  	s0 =	sshll.u32 s0, $0x4;
	(v2sf) =	vpush v6, $0xF  }
0x53e: {  	v6 =	vld [tilespmem:s0+$0x8000];
	_ =	sdelay $0x4  }
0x53f: {  	v7 =	vperm.xlane v6, v4;
	_ =	sdelay $0x1  }
0x540: {  	(xrf0) =	vadd.scan.msk.s32 $0xffff, v7;
	_ =	sdelay $0x5  }
0x541: {  	v7, _, _ =	vpop (xrf0);
	s29 =	spop (v2sf)  }
0x542: {  	v7 =	vperm.xlane v7, v4;
	s30 =	spop (v2sf)  }
0x543: {  	s22 =	sadd.s32 s30, s29  }
0x544: {  	v7 =	vadd.s32 s22, v7  }
0x545: {  	vm14 =	vgt.s32 v7, $0xA3  }
0x546: {  	v7 =	vmpcnt.ones.xlane vm14;
	_ =	sdelay $0x1  }
0x547: {  	(v2sf) =	vpush v7, $0x0;
	_ =	sdelay $0xe  }
0x548: {  	s31 =	spop (v2sf)  }
0x549: {  	s1 =	sadd.s32 $0xFFFFFFFF, s31  }
0x54a: {  	v7 =	vmov s1  }
0x54b: {  	vm15 =	vlt.s32 v7, v0  }
0x54c: {  	v6 =	vnsel vm15, $0x0, v6  }
0x54d: {  	(xrf0) =	vadd.scan.msk.s32 $0xffff, v6;
	_ =	sdelay $0x5  }
0x54e: {  	v6, _, _ =	vpop (xrf0)  }
0x54f: {  	(v2sf) =	vpush v6, $0xF;
	_ =	sdelay $0xa  }
.Ltmp60:
0x550: {  	_ = 	snop;
	(pc) =	sbr.rel @p0 .LBB2_106-.Ltmp60, $3  }
0x551: {  	_ =	sdelay $0x1  }
0x552: {  	s0 =	sadd.s32 s0, s1  }
0x553: {  	v6 =	vmov s0;
	s23 =	spop (v2sf)  }
0x554: {  	s5 =	simm.s32 $0x8720  }
0x555: {  	v7 =	vld [tilespmem:s5+$0xFFFFFFE0];
	_ =	sdelay $0x4  }
0x556: {  	v7 =	vadd.f32 $-1.500000000e+00, v7;
	_ =	sdelay $0x1  }
0x557: {  	v7 =	vmul.f32 $2.000000000e+02, v7;
	_ =	sdelay $0x1  }
0x558: {  	p5 =	sgt.s32 s19, $0x4;
	v7 =	vtrunc.f32 v7  }
.Ltmp61:
0x559: {  	v7 =	vcvt.f32.s32 v7;
	(pc) =	sbr.rel @!p5 .LBB2_100-.Ltmp61, $4  }
0x55a: {  	_ = 	snop  }
0x55b: {  	vm0 =	vgt.s32 v7, $0x0  }
0x55c: {  	s25 =	simm.s32 $0x8202;
	s28 =	simm.s32 $0x8760;
	p1 =	por $0x0, $0x0;
	v7 =	vnsel vm0, $0x0, v7  }
0x55d: {  	v12 =	vmov s17;
	p2 =	por $0x0, $0x0;
	p3 =	por $0x0, $0x0;
	p4 =	por $0x0, $0x0;
	v13 =	vmin.u32 v7, $0x1FF  }
0x55e: {  	v7 =	vld [tilespmem:s28+$0xFFFFFFE0];
	_ =	sdelay $0x1  }
0x55f: {  	vm0 =	vgt.s32 v12, v0;
	vm1 =	veq.s32 v13, v6  }
0x560: {  	vm0 =	vmand vm0, vm1  }
0x561: {  	v8 =	vmpcnt.ones.xlane vm0  }
0x562: {  	v7 =	vadd.f32 $-1.500000000e+00, v7  }
0x563: {  	[tilespmem:s25+$0xFFFFFFFE] =	vst.msk $0x1, v8  }
0x564: {  	v8 =	vld [tilespmem:s5+$0xFFFFFFF0];
	v7 =	vmul.f32 $2.000000000e+02, v7;
	_ =	sdelay $0x1  }
0x565: {  	p5 =	sgt.s32 s19, $0x8;
	v7 =	vtrunc.f32 v7  }
.Ltmp62:
0x566: {  	v7 =	vcvt.f32.s32 v7;
	(pc) =	sbr.rel @!p5 .LBB2_115-.Ltmp62, $4  }
0x567: {  	_ = 	snop  }
0x568: {  	v8 =	vadd.f32 $-1.500000000e+00, v8;
	vm15 =	vgt.s32 v7, $0x0  }
0x569: {  	s30 =	sadd.s32 $0xFFFFFFC0, s17;
	v7 =	vnsel vm15, $0x0, v7  }
0x56a: {  	s10 =	simm.s32 $0x87A0;
	p1 =	por $0x1, $0x1;
	v12 =	vmov s30;
	v11 =	vmul.f32 $2.000000000e+02, v8;
	v13 =	vmin.u32 v7, $0x1FF  }
0x56b: {  	v7 =	vld [tilespmem:s10+$0xFFFFFFE0];
	_ =	sdelay $0x1  }
0x56c: {  	vm0 =	vgt.s32 v12, v0;
	vm1 =	veq.s32 v13, v6  }
0x56d: {  	v8 =	vtrunc.f32 v11;
	vm0 =	vmand vm0, vm1  }
0x56e: {  	v8 =	vcvt.f32.s32 v8;
	v9 =	vmpcnt.ones.xlane vm0  }
0x56f: {  	s29 =	simm.s32 $0x8206;
	v7 =	vadd.f32 $-1.500000000e+00, v7  }
0x570: {  	vm12 =	vgt.s32 v8, $0x0;
	[tilespmem:s29+$0xFFFFFFFE] =	vst.msk $0x1, v9  }
0x571: {  	s0 =	sadd.s32 $0xFFFFFFF0, s17;
	v8 =	vnsel vm12, $0x0, v8;
	v9 =	vld [tilespmem:s28+$0xFFFFFFF0];
	v7 =	vmul.f32 $2.000000000e+02, v7  }
0x572: {  	v10 =	vmov s0;
	v8 =	vmin.u32 v8, $0x1FF  }
0x573: {  	p5 =	sgt.s32 s19, $0xC;
	vm13 =	vgt.s32 v10, v0;
	vm14 =	veq.s32 v8, v6;
	v7 =	vtrunc.f32 v7  }
.Ltmp63:
0x574: {  	vm0 =	vmand vm13, vm14;
	v7 =	vcvt.f32.s32 v7;
	(pc) =	sbr.rel @!p5 .LBB2_117-.Ltmp63, $4  }
0x575: {  	v8 =	vmpcnt.ones.xlane vm0  }
0x576: {  	v10 =	vadd.f32 $-1.500000000e+00, v9;
	vm15 =	vgt.s32 v7, $0x0  }
0x577: {  	s26 =	sadd.s32 $0xFFFFFFC0, s30;
	[tilespmem:s25+$0xFFFFFFFF] =	vst.msk $0x1, v8;
	v7 =	vnsel vm15, $0x0, v7  }
0x578: {  	p2 =	por $0x1, $0x1;
	v12 =	vmov s26;
	s0 =	simm.s32 $0x87E0;
	v9 =	vld [tilespmem:s5+$0x0];
	v11 =	vmul.f32 $2.000000000e+02, v10;
	v13 =	vmin.u32 v7, $0x1FF  }
0x579: {  	_ =	sdelay $0x3  }
0x57a: {  	v7 =	vadd.f32 $-1.500000000e+00, v9  }
0x57b: {  	v8 =	vld [tilespmem:s0+$0xFFFFFFE0]  }
0x57c: {  	v9 =	vtrunc.f32 v11;
	v7 =	vmul.f32 $2.000000000e+02, v7  }
0x57d: {  	vm0 =	vgt.s32 v12, v0;
	vm1 =	veq.s32 v13, v6;
	v9 =	vcvt.f32.s32 v9  }
0x57e: {  	vm0 =	vmand vm0, vm1;
	v7 =	vtrunc.f32 v7  }
0x57f: {  	s1 =	sadd.s32 $0xFFFFFFF0, s30;
	v10 =	vmpcnt.ones.xlane vm0;
	vm9 =	vgt.s32 v9, $0x0;
	v7 =	vcvt.f32.s32 v7  }
0x580: {  	s8 =	simm.s32 $0x820A;
	s16 =	sadd.s32 $0xFFFFFFE0, s17;
	v11 =	vmov s1;
	v8 =	vadd.f32 $-1.500000000e+00, v8;
	v9 =	vnsel vm9, $0x0, v9  }
0x581: {  	[tilespmem:s8+$0xFFFFFFFE] =	vst.msk $0x1, v10;
	v10 =	vmov s16;
	v9 =	vmin.u32 v9, $0x1FF;
	vm11 =	vgt.s32 v7, $0x0  }
0x582: {  	v8 =	vmul.f32 $2.000000000e+02, v8;
	vm2 =	veq.s32 v9, v6;
	v9 =	vld [tilespmem:s10+$0xFFFFFFF0];
	v7 =	vnsel vm11, $0x0, v7  }
0x583: {  	vm10 =	vgt.s32 v11, v0;
	vm12 =	vgt.s32 v10, v0;
	v7 =	vmin.u32 v7, $0x1FF  }
0x584: {  	p5 =	sgt.s32 s19, $0x10;
	v8 =	vtrunc.f32 v8;
	vm0 =	vmand vm10, vm2;
	vm13 =	veq.s32 v7, v6  }
.Ltmp64:
0x585: {  	v10 =	vcvt.f32.s32 v8;
	v7 =	vmpcnt.ones.xlane vm0;
	vm14 =	vmand vm12, vm13;
	(pc) =	sbr.rel @!p5 .LBB2_119-.Ltmp64, $4  }
0x586: {  	v11 =	vmpcnt.ones.xlane vm14  }
0x587: {  	vm15 =	vgt.s32 v10, $0x0;
	[tilespmem:s29+$0xFFFFFFFF] =	vst.msk $0x1, v7;
	v7 =	vadd.f32 $-1.500000000e+00, v9  }
0x588: {  	s7 =	sadd.s32 $0xFFFFFFC0, s26;
	v9 =	vnsel vm15, $0x0, v10;
	v8 =	vld [tilespmem:s28+$0x0];
	[tilespmem:s25+$0x0] =	vst.msk $0x1, v11  }
0x589: {  	s31 =	simm.s32 $0x8820;
	p3 =	por $0x1, $0x1;
	v12 =	vmov s7;
	v13 =	vmin.u32 v9, $0x1FF;
	v11 =	vmul.f32 $2.000000000e+02, v7;
	v7 =	vld [tilespmem:s5+$0x10]  }
0x58a: {  	_ =	sdelay $0x2  }
0x58b: {  	v10 =	vtrunc.f32 v11;
	v11 =	vadd.f32 $-1.500000000e+00, v8  }
0x58c: {  	[dreg:$0x7] =	wrdreg s22;
	vm0 =	vgt.s32 v12, v0;
	vm1 =	veq.s32 v13, v6;
	v10 =	vcvt.f32.s32 v10  }
0x58d: {  	v9 =	vld [tilespmem:s31+$0xFFFFFFE0];
	vm0 =	vmand vm0, vm1;
	v11 =	vmul.f32 $2.000000000e+02, v11  }
0x58e: {  	v13 =	vmpcnt.ones.xlane vm0;
	vm0 =	vgt.s32 v10, $0x0  }
0x58f: {  	s2 =	sadd.s32 $0xFFFFFFF0, s26;
	v15 =	vadd.f32 $-1.500000000e+00, v7;
	v10 =	vnsel vm0, $0x0, v10;
	v11 =	vtrunc.f32 v11  }
0x590: {  	v14 =	vmov s2;
	v10 =	vmin.u32 v10, $0x1FF;
	v11 =	vcvt.f32.s32 v11  }
0x591: {  	s22 =	smov.u32 s21;
	s21 =	smov.u32 s20;
	vm0 =	vgt.s32 v14, v0;
	vm1 =	veq.s32 v10, v6;
	v10 =	vmul.f32 $2.000000000e+02, v15  }
0x592: {  	s20 =	smov.u32 s23;
	s5 =	simm.s32 $0x820E;
	s23 =	sadd.s32 $0xFFFFFFE0, s30;
	v9 =	vadd.f32 $-1.500000000e+00, v9;
	vm0 =	vmand vm0, vm1;
	vm1 =	vgt.s32 v11, $0x0  }
0x593: {  	[tilespmem:s5+$0xFFFFFFFE] =	vst.msk $0x1, v13;
	v15 =	vmov s23;
	v10 =	vtrunc.f32 v10;
	v11 =	vnsel vm1, $0x0, v11  }
0x594: {  	v13 =	vld [tilespmem:s0+$0xFFFFFFF0];
	v9 =	vmul.f32 $2.000000000e+02, v9;
	v10 =	vcvt.f32.s32 v10;
	v11 =	vmin.u32 v11, $0x1FF  }
0x595: {  	v14 =	vmpcnt.ones.xlane vm0;
	vm0 =	vgt.s32 v15, v0;
	vm1 =	veq.s32 v11, v6  }
0x596: {  	v9 =	vtrunc.f32 v9;
	vm0 =	vmand vm0, vm1;
	vm1 =	vgt.s32 v10, $0x0  }
0x597: {  	p5 =	sgt.s32 s19, $0x14;
	[tilespmem:s8+$0xFFFFFFFF] =	vst.msk $0x1, v14;
	v11 =	vcvt.f32.s32 v9;
	v9 =	vnsel vm1, $0x0, v10  }
.Ltmp65:
0x598: {  	s1 =	sadd.s32 $0xFFFFFFD0, s17;
	v10 =	vmin.u32 v9, $0x1FF;
	v9 =	vld [tilespmem:s10+$0x0];
	(pc) =	sbr.rel @!p5 .LBB2_121-.Ltmp65, $4  }
0x599: {  	v12 =	vmov s1;
	v13 =	vadd.f32 $-1.500000000e+00, v13;
	v15 =	vmpcnt.ones.xlane vm0  }
0x59a: {  	s12 =	simm.s32 $0x14;
	vm0 =	vgt.s32 v11, $0x0;
	vm1 =	vgt.s32 v12, v0  }
0x59b: {  	s11 =	sadd.s32 $0xFFFFFFC0, s7;
	s14 =	simm.s32 $0x8860;
	p4 =	por $0x1, $0x1;
	v14 =	vnsel vm0, $0x0, v11;
	v11 =	vmul.f32 $2.000000000e+02, v13;
	[tilespmem:s29+$0x0] =	vst.msk $0x1, v15;
	vm0 =	veq.s32 v10, v6  }
0x59c: {  	s9 =	smov.u32 s30;
	s1 =	simm.s32 $0x8202;
	s2 =	simm.s32 $0x8206;
	v12 =	vmov s11;
	v13 =	vmin.u32 v14, $0x1FF;
	v10 =	vld [tilespmem:s28+$0x10];
	vm0 =	vmand vm1, vm0  }
.LBB2_122:
0x59d: {  	v14 =	vld [tilespmem:s14+$0xFFFFFFE0];
	v11 =	vtrunc.f32 v11;
	v9 =	vadd.f32 $-1.500000000e+00, v9;
	v15 =	vmpcnt.ones.xlane vm0;
	s16 =	smov.u32 s31;
	s31 =	smov.u32 s14  }
0x59e: {  	vm0 =	vgt.s32 v12, v0;
	vm1 =	veq.s32 v13, v6;
	s23 =	sadd.s32 $0xFFFFFFD0, s9;
	s9 =	smov.u32 s26;
	s26 =	smov.u32 s7;
	v11 =	vcvt.f32.s32 v11  }
0x59f: {  	vm0 =	vmand vm0, vm1;
	s7 =	sadd.s32 $0xFFFFFFF0, s26;
	v12 =	vmov s23;
	v9 =	vmul.f32 $2.000000000e+02, v9;
	[tilespmem:s1+$0x1] =	vst.msk $0x1, v15;
	s1 =	smov.u32 s2;
	s2 =	smov.u32 s8  }
0x5a0: {  	s12 =	sadd.s32 $0x4, s12;
	v13 =	vmpcnt.ones.xlane vm0;
	v15 =	vmov s7;
	s8 =	smov.u32 s5;
	s7 =	smov.u32 s11;
	vm0 =	vgt.s32 v11, $0x0  }
0x5a1: {  	p5 =	slt.s32 s12, s19;
	v11 =	vnsel vm0, $0x0, v11;
	v9 =	vtrunc.f32 v9;
	v10 =	vadd.f32 $-1.500000000e+00, v10  }
0x5a2: {  	s5 =	sadd.s32 $0x4, s5;
	v14 =	vadd.f32 $-1.500000000e+00, v14;
	v11 =	vmin.u32 v11, $0x1FF;
	v9 =	vcvt.f32.s32 v9  }
0x5a3: {  	vm0 =	vgt.s32 v15, v0;
	[tilespmem:s5+$0xFFFFFFFE] =	vst.msk $0x1, v13;
	vm1 =	veq.s32 v11, v6;
	v10 =	vmul.f32 $2.000000000e+02, v10  }
0x5a4: {  	v11 =	vmul.f32 $2.000000000e+02, v14;
	v13 =	vld [tilespmem:s16+$0xFFFFFFF0];
	vm0 =	vmand vm0, vm1;
	vm1 =	vgt.s32 v9, $0x0  }
0x5a5: {  	s23 =	sadd.s32 $0xFFFFFFE0, s9;
	v14 =	vmpcnt.ones.xlane vm0;
	v9 =	vnsel vm1, $0x0, v9;
	v10 =	vtrunc.f32 v10  }
0x5a6: {  	v15 =	vmov s23;
	v9 =	vmin.u32 v9, $0x1FF;
	v10 =	vcvt.f32.s32 v10  }
0x5a7: {  	vm0 =	vgt.s32 v15, v0;
	v11 =	vtrunc.f32 v11;
	[tilespmem:s8+$0xFFFFFFFF] =	vst.msk $0x1, v14;
	vm1 =	veq.s32 v9, v6  }
.Ltmp66:
0x5a8: {  	v11 =	vcvt.f32.s32 v11;
	v9 =	vld [tilespmem:s0+$0x0];
	vm0 =	vmand vm0, vm1;
	vm1 =	vgt.s32 v10, $0x0;
	(pc) =	sbr.rel @p5 .LBB2_122-.Ltmp66, $4  }
0x5a9: {  	v13 =	vadd.f32 $-1.500000000e+00, v13;
	v14 =	vmpcnt.ones.xlane vm0;
	v10 =	vnsel vm1, $0x0, v10  }
0x5aa: {  	vm0 =	vgt.s32 v11, $0x0;
	vm1 =	vgt.s32 v12, v0;
	v10 =	vmin.u32 v10, $0x1FF  }
0x5ab: {  	s11 =	sadd.s32 $0xFFFFFFC0, s11;
	v15 =	vnsel vm0, $0x0, v11;
	v11 =	vmul.f32 $2.000000000e+02, v13;
	[tilespmem:s2+$0x0] =	vst.msk $0x1, v14;
	vm0 =	veq.s32 v10, v6  }
0x5ac: {  	s14 =	sadd.s32 $0x40, s14;
	v12 =	vmov s11;
	v13 =	vmin.u32 v15, $0x1FF;
	v10 =	vld [tilespmem:s10+$0x10];
	vm0 =	vmand vm1, vm0;
	s10 =	smov.u32 s0;
	s0 =	smov.u32 s16  }
0x5ad: {  	s12 =	smov.u32 s26  }
0x5ae: {  	s14 =	smov.u32 s8;
	s16 =	smov.u32 s7;
	s8 =	smov.u32 s5  }
0x5af: {  	s26 =	smov.u32 s11;
	s5 =	smov.u32 s10;
	s23 =	smov.u32 s20  }
0x5b0: {  	s20 =	smov.u32 s21;
	s21 =	smov.u32 s22;
	s22 =	rddreg [dreg:$0x7]  }
.LBB2_124:
0x5b1: {  	vm1 =	vgt.s32 v12, v0;
	vm2 =	veq.s32 v13, v6  }
0x5b2: {  	vm1 =	vmand vm1, vm2  }
0x5b3: {  	s10 =	sadd.s32 @p1 $0x4, s8;
	s7 =	smov.u32 s25;
	v57 =	vmpcnt.ones.xlane vm1  }
0x5b4: {  	s7 =	smov.u32 @p1 s10  }
0x5b5: {  	[tilespmem:s7+$0xFFFFFFFE] =	vst.msk $0x1, v57  }
0x5b6: {  	v12 =	vld [tilespmem:s31+$0xFFFFFFF0];
	_ =	sdelay $0x4  }
0x5b7: {  	v11 =	vtrunc.f32 @p1 v11;
	v12 =	vadd.f32 $-1.500000000e+00, v12  }
0x5b8: {  	v11 =	vcvt.f32.s32 @p1 v11  }
0x5b9: {  	v12 =	vmul.f32 $2.000000000e+02, v12  }
0x5ba: {  	s10 =	smov.u32 @p1 s16;
	vm1 =	vgt.s32 @p1 v11, $0x0  }
0x5bb: {  	s11 =	sadd.s32 @p1 $0xFFFFFFF0, s10;
	v11 =	vnsel @p1 vm1, $0x0, v11;
	v12 =	vtrunc.f32 v12  }
0x5bc: {  	v13 =	vmov @p1 s11;
	v11 =	vmin.u32 @p1 v11, $0x1FF;
	v12 =	vcvt.f32.s32 v12  }
0x5bd: {  	vm1 =	vgt.s32 @p1 v13, v0;
	vm2 =	veq.s32 @p1 v11, v6  }
0x5be: {  	vm1 =	vmand @p1 vm1, vm2;
	vm7 =	vgt.s32 v12, $0x0  }
0x5bf: {  	s11 =	sadd.s32 $0xFFFFFFF0, s26;
	v11 =	vmpcnt.ones.xlane @p1 vm1;
	v12 =	vnsel vm7, $0x0, v12  }
0x5c0: {  	s16 =	smov.u32 @p1 s8;
	v58 =	vmov s11;
	v12 =	vmin.u32 v12, $0x1FF  }
0x5c1: {  	vm8 =	vgt.s32 v58, v0;
	[tilespmem:s16+$0xFFFFFFFF] =	vst.msk @p1 $0x1, v11;
	vm9 =	veq.s32 v12, v6  }
0x5c2: {  	v9 =	vadd.f32 @p2 $-1.500000000e+00, v9;
	v11 =	vld @p1 [tilespmem:s0+$0x0];
	vm1 =	vmand vm8, vm9  }
0x5c3: {  	v59 =	vmpcnt.ones.xlane vm1  }
0x5c4: {  	v9 =	vmul.f32 @p2 $2.000000000e+02, v9  }
0x5c5: {  	[tilespmem:s7+$0xFFFFFFFF] =	vst.msk $0x1, v59  }
0x5c6: {  	v9 =	vtrunc.f32 @p2 v9;
	v12 =	vld [tilespmem:s31+$0x0]  }
0x5c7: {  	v9 =	vcvt.f32.s32 @p2 v9;
	v8 =	vpsel p1, v11, v8  }
0x5c8: {  	v8 =	vadd.f32 @p1 $-1.500000000e+00, v8  }
0x5c9: {  	s11 =	smov.u32 @p2 s12;
	vm1 =	vgt.s32 @p2 v9, $0x0  }
0x5ca: {  	s8 =	sadd.s32 @p2 $0xFFFFFFE0, s11;
	v8 =	vmul.f32 @p1 $2.000000000e+02, v8;
	v9 =	vnsel @p2 vm1, $0x0, v9  }
0x5cb: {  	v11 =	vmov @p2 s8;
	v9 =	vmin.u32 @p2 v9, $0x1FF;
	v12 =	vadd.f32 $-1.500000000e+00, v12  }
0x5cc: {  	v8 =	vtrunc.f32 @p1 v8;
	vm1 =	vgt.s32 @p2 v11, v0;
	vm2 =	veq.s32 @p2 v9, v6  }
0x5cd: {  	v8 =	vcvt.f32.s32 @p1 v8;
	vm1 =	vmand @p2 vm1, vm2;
	v60 =	vmul.f32 $2.000000000e+02, v12  }
0x5ce: {  	s30 =	smov.u32 @p1 s10;
	v11 =	vmpcnt.ones.xlane @p2 vm1  }
0x5cf: {  	s10 =	smov.u32 @p1 s30;
	s8 =	smov.u32 @p2 s14;
	vm1 =	vgt.s32 @p1 v8, $0x0;
	v9 =	vtrunc.f32 v60  }
0x5d0: {  	s12 =	sadd.s32 @p1 $0xFFFFFFE0, s10;
	v8 =	vnsel @p1 vm1, $0x0, v8;
	[tilespmem:s8+$0x0] =	vst.msk @p2 $0x1, v11;
	v9 =	vcvt.f32.s32 v9  }
0x5d1: {  	v11 =	vmov @p1 s12;
	v8 =	vmin.u32 @p1 v8, $0x1FF;
	v12 =	vld @p2 [tilespmem:s5+$0x10]  }
0x5d2: {  	s30 =	sadd.s32 $0xFFFFFFE0, s26;
	vm1 =	vgt.s32 @p1 v11, v0;
	vm2 =	veq.s32 @p1 v8, v6;
	vm3 =	vgt.s32 v9, $0x0  }
0x5d3: {  	v61 =	vmov s30;
	vm1 =	vmand @p1 vm1, vm2;
	v9 =	vnsel vm3, $0x0, v9  }
0x5d4: {  	s29 =	smov.u32 @p1 s16;
	v8 =	vadd.f32 @p3 $-1.500000000e+00, v10;
	v10 =	vmpcnt.ones.xlane @p1 vm1;
	v9 =	vmin.u32 v9, $0x1FF  }
0x5d5: {  	vm10 =	vgt.s32 v61, v0;
	s5 =	smov.u32 @p1 s0;
	s0 =	smov.u32 @p1 s29;
	vm11 =	veq.s32 v9, v6  }
0x5d6: {  	v8 =	vmul.f32 @p3 $2.000000000e+02, v8;
	s28 =	smov.u32 @p1 s5;
	[tilespmem:s0+$0x0] =	vst.msk @p1 $0x1, v10;
	v7 =	vpsel p2, v12, v7;
	vm1 =	vmand vm10, vm11  }
0x5d7: {  	v7 =	vadd.f32 @p2 $-1.500000000e+00, v7;
	v9 =	vld @p1 [tilespmem:s28+$0x10];
	v62 =	vmpcnt.ones.xlane vm1  }
0x5d8: {  	v8 =	vtrunc.f32 @p3 v8  }
0x5d9: {  	v8 =	vcvt.f32.s32 @p3 v8;
	v7 =	vmul.f32 @p2 $2.000000000e+02, v7;
	[tilespmem:s7+$0x0] =	vst.msk $0x1, v62  }
0x5da: {  	s5 =	sadd.s32 @p3 $0xFFFFFFD0, s9;
	v10 =	vld [tilespmem:s31+$0x10]  }
0x5db: {  	v11 =	vmov @p3 s5;
	vm1 =	vgt.s32 @p3 v8, $0x0;
	v7 =	vtrunc.f32 @p2 v7  }
0x5dc: {  	v8 =	vnsel @p3 vm1, $0x0, v8;
	v7 =	vcvt.f32.s32 @p2 v7;
	v9 =	vpsel p1, v9, v0  }
0x5dd: {  	v12 =	vmpcnt.ones.xlane @p4 vm0;
	v8 =	vmin.u32 @p3 v8, $0x1FF;
	v9 =	vadd.f32 @p1 $-1.500000000e+00, v9  }
0x5de: {  	s5 =	smov.u32 s17;
	vm0 =	vgt.s32 @p3 v11, v0;
	vm1 =	veq.s32 @p3 v8, v6;
	vm2 =	vgt.s32 @p2 v7, $0x0  }
0x5df: {  	s5 =	smov.u32 @p2 s11;
	v7 =	vnsel @p2 vm2, $0x0, v7;
	v8 =	vmul.f32 @p1 $2.000000000e+02, v9;
	v63 =	vadd.f32 $-1.500000000e+00, v10  }
0x5e0: {  	s5 =	sadd.s32 @p2 $0xFFFFFFD0, s5;
	vm0 =	vmand @p3 vm0, vm1;
	v7 =	vmin.u32 @p2 v7, $0x1FF  }
0x5e1: {  	v10 =	vmov @p2 s5;
	v8 =	vtrunc.f32 @p1 v8;
	v9 =	vmul.f32 $2.000000000e+02, v63  }
0x5e2: {  	vm2 =	veq.s32 @p2 v7, v6;
	s5 =	smov.u32 @p1 s10;
	vm1 =	vgt.s32 @p2 v10, v0;
	v7 =	vcvt.f32.s32 @p1 v8  }
0x5e3: {  	vm0 =	vmmov @p3 vm0;
	s5 =	sadd.s32 @p1 $0xFFFFFFD0, s5;
	vm1 =	vmand @p2 vm1, vm2;
	v8 =	vtrunc.f32 v9  }
0x5e4: {  	v11 =	vmov @p1 s5;
	vm2 =	vgt.s32 @p1 v7, $0x0;
	v8 =	vcvt.f32.s32 v8  }
0x5e5: {  	vm1 =	vmmov @p2 vm1;
	v9 =	vmpcnt.ones.xlane @p3 vm0;
	v7 =	vnsel @p1 vm2, $0x0, v7  }
0x5e6: {  	v10 =	vmpcnt.ones.xlane @p2 vm1;
	v7 =	vmin.u32 @p1 v7, $0x1FF;
	vm12 =	vgt.s32 v8, $0x0  }
0x5e7: {  	s31 =	sadd.s32 $0xFFFFFFD0, s26;
	vm1 =	vgt.s32 @p1 v11, v0;
	vm2 =	veq.s32 @p1 v7, v6;
	v7 =	vnsel vm12, $0x0, v8  }
0x5e8: {  	s25 =	smov.u32 @p2 s8;
	vm0 =	vmand @p1 vm1, vm2;
	v8 =	vmov s31;
	v7 =	vmin.u32 v7, $0x1FF  }
0x5e9: {  	[tilespmem:s1+$0x1] =	vst.msk @p4 $0x1, v12;
	s1 =	smov.u32 @p3 s2;
	s2 =	smov.u32 @p2 s25;
	vm0 =	vmmov @p1 vm0;
	vm13 =	vgt.s32 v8, v0;
	vm14 =	veq.s32 v7, v6  }
0x5ea: {  	s0 =	smov.u32 @p1 s0;
	[tilespmem:s1+$0x1] =	vst.msk @p3 $0x1, v9;
	s1 =	smov.u32 @p2 s2;
	v7 =	vmpcnt.ones.xlane @p1 vm0;
	vm15 =	vmand vm13, vm14  }
0x5eb: {  	s0 =	smov.u32 @p1 s0;
	[tilespmem:s1+$0x1] =	vst.msk @p2 $0x1, v10;
	v8 =	vmpcnt.ones.xlane vm15  }
0x5ec: {  	[tilespmem:s0+$0x1] =	vst.msk @p1 $0x1, v7  }
0x5ed: {  	[tilespmem:s7+$0x1] =	vst.msk $0x1, v8  }
.LBB2_106:
0x5ee: {  	p1 =	slt.s32 s24, $0x1  }
.Ltmp67:
0x5ef: {  	_ = 	snop;
	(pc) =	sbr.rel @p1 .LBB2_109-.Ltmp67, $3  }
0x5f0: {  	_ =	sdelay $0x1  }
0x5f1: {  	s0 =	sshll.u32 s18, $0x2;
	s1 =	sshll.u32 s24, $0x2  }
0x5f2: {  	s25 =	ssub.s32 s0, s1  }
0x5f3: {  	s0 =	sshra.s32 s25, $0x2;
	s1 =	sshra.s32 s20, $0x2  }
0x5f4: {  	s2 =	sadd.s32 s21, s17;
	s5 =	sshll.u32 s18, $0x4;
	s0 =	sadd.s32 $0x8200, s0  }
0x5f5: {  	s1 =	sadd.s32 $0x8700, s1;
	s2 =	ssub.s32 s2, s5;
	s5 =	smov.u32 s19  }
.LBB2_108:
0x5f6: {  	v7 =	vld [tilespmem:s1+$0x0];
	_ =	sdelay $0x4  }
0x5f7: {  	v7 =	vadd.f32 $-1.500000000e+00, v7;
	_ =	sdelay $0x1  }
0x5f8: {  	v7 =	vmul.f32 $2.000000000e+02, v7;
	_ =	sdelay $0x1  }
0x5f9: {  	v7 =	vtrunc.f32 v7  }
0x5fa: {  	v7 =	vcvt.f32.s32 v7;
	_ =	sdelay $0x1  }
0x5fb: {  	vm0 =	vgt.s32 v7, $0x0  }
0x5fc: {  	s5 =	sadd.s32 $0x1, s5;
	v7 =	vnsel vm0, $0x0, v7  }
0x5fd: {  	v8 =	vmov s2;
	p2 =	slt.s32 s5, s18;
	v7 =	vmin.u32 v7, $0x1FF  }
.Ltmp68:
0x5fe: {  	vm15 =	vgt.s32 v8, v0;
	vm1 =	veq.s32 v7, v6;
	(pc) =	sbr.rel @p2 .LBB2_108-.Ltmp68, $3  }
0x5ff: {  	vm0 =	vmand vm15, vm1  }
0x600: {  	v7 =	vmpcnt.ones.xlane vm0;
	_ =	sdelay $0x1  }
0x601: {  	s1 =	sadd.s32 $0x10, s1;
	s2 =	sadd.s32 $0xFFFFFFF0, s2;
	[tilespmem:s0+$0x0] =	vst.msk $0x1, v7;
	s0 =	sadd.s32 $0x1, s0  }
.LBB2_109:
0x602: {  	s0 =	sadd.s32 $0xF, s18  }
0x603: {  	s2 =	sshra.s32 s0, $0x4  }
0x604: {  	p2 =	slt.s32 s2, $0x1  }
.Ltmp69:
0x605: {  	_ = 	snop;
	(pc) =	sbr.rel @p2 .LBB2_110-.Ltmp69, $1  }
0x606: {  	_ =	sdelay $0x3  }
0x607: {  	p3 =	seq.s32 s2, $0x1  }
.Ltmp70:
0x608: {  	_ = 	snop;
	(pc) =	sbr.rel @p3 .LBB2_126-.Ltmp70, $3  }
0x609: {  	_ =	sdelay $0x1  }
0x60a: {  	s5 =	simm.s32 $0x8200;
	s1 =	simm.s32 $0x8480  }
0x60b: {  	v7 =	vmov s18;
	s0 =	simm.s32 $0x0;
	s2 =	sadd.s32 $0xFFFFFFFF, s2;
	p2 =	por $0x0, $0x0;
	v8 =	vld [tilespmem:s5+$0x0]  }
0x60c: {  	_ =	sdelay $0x1  }
0x60d: {  	v9 =	vor.u32 s0, v0  }
0x60e: {  	vm0 =	vlt.s32 v9, v7  }
0x60f: {  	v8 =	vnsel vm0, $0x0, v8  }
0x610: {  	(xrf0) =	vadd.scan.msk.s32 $0xffff, v8;
	_ =	sdelay $0x5  }
0x611: {  	p3 =	seq.s32 s2, $0x1;
	v9, _, _ =	vpop (xrf0)  }
.Ltmp71:
0x612: {  	(v2sf) =	vpush v9, $0xF;
	(pc) =	sbr.rel @p3 .LBB2_128-.Ltmp71, $4  }
0x613: {  	v8 =	vsub.s32 s0, v8  }
0x614: {  	v8 =	vadd.s32 v9, v8  }
0x615: {  	s8 =	simm.s32 $0x8210;
	s9 =	sadd.s32 $0xFFFFFFFF, s2;
	p2 =	por $0x1, $0x1;
	[tilespmem:s1+$0x0] =	vst v8  }
0x616: {  	s7 =	simm.s32 $0x0;
	s2 =	simm.s32 $0x0;
	s5 =	simm.s32 $0x8480;
	v8 =	vld [tilespmem:s8+$0x0]  }
.LBB2_129:
0x617: {  	p3 =	seq.s32 s9, $0x1  }
0x618: {  	s7 =	sadd.s32 $0x10, s7  }
0x619: {  	v9 =	vor.u32 s7, v0  }
0x61a: {  	vm0 =	vlt.s32 v9, v7  }
0x61b: {  	v8 =	vnsel vm0, $0x0, v8  }
0x61c: {  	(xrf0) =	vadd.scan.msk.s32 $0xffff, v8;
	_ =	sdelay $0x4  }
0x61d: {  	s10 =	spop (v2sf)  }
0x61e: {  	v9, _, _ =	vpop (xrf0);
	s2 =	sadd.s32 s2, s10  }
.Ltmp72:
0x61f: {  	v8 =	vsub.s32 s2, v8;
	(v2sf) =	vpush v9, $0xF;
	(pc) =	sbr.rel @!p3 .LBB2_129-.Ltmp72, $4  }
0x620: {  	s5 =	sadd.s32 $0x10, s5;
	v8 =	vadd.s32 v9, v8  }
0x621: {  	[tilespmem:s5+$0x0] =	vst v8  }
0x622: {  	s8 =	sadd.s32 $0x10, s8  }
0x623: {  	s9 =	sadd.s32 $0xFFFFFFFF, s9;
	v8 =	vld [tilespmem:s8+$0x0]  }
.LBB2_130:
0x624: {  	s7 =	sadd.s32 @p2 $0x10, s7;
	s8 =	simm.s32 $0x0  }
0x625: {  	s8 =	smov.u32 @p2 s7  }
0x626: {  	v9 =	vor.u32 s8, v0  }
0x627: {  	vm0 =	vlt.s32 v9, v7  }
0x628: {  	v7 =	vnsel vm0, $0x0, v8  }
0x629: {  	(xrf0) =	vadd.scan.msk.s32 $0xffff, v7;
	_ =	sdelay $0x5  }
0x62a: {  	v8, _, _ =	vpop (xrf0)  }
0x62b: {  	(v2sf) =	vpush v8, $0xF;
	_ =	sdelay $0xa  }
0x62c: {  	s7 =	spop @p2 (v2sf)  }
.Ltmp73:
0x62d: {  	s2 =	sadd.s32 @p2 s2, s7;
	(pc) =	sbr.rel .LBB2_111-.Ltmp73, $4  }
0x62e: {  	s0 =	smov.u32 @p2 s2  }
0x62f: {  	s2 =	sadd.s32 @p2 $0x10, s5;
	v7 =	vsub.s32 s0, v7  }
0x630: {  	s1 =	smov.u32 @p2 s2;
	v7 =	vadd.s32 v8, v7;
	s31 =	spop (v2sf)  }
0x631: {  	[tilespmem:s1+$0x0] =	vst v7;
	s24 =	sadd.s32 s0, s31  }
.LBB2_110:
0x632: {  	s24 =	simm.s32 $0x0  }
.LBB2_111:
.Ltmp74:
0x633: {  	(pc) =	sbr.rel @p0 .LBB2_131-.Ltmp74, $1  }
0x634: {  	_ =	sdelay $0x3  }
0x635: {  	s0 =	simm.s32 $0x8482  }
0x636: {  	s1 =	simm.s32 $0x8720;
	v8 =	vld [tilespmem:s0+$0x1]  }
0x637: {  	v13 =	vld [tilespmem:s1+$0x10]  }
0x638: {  	v11 =	vld [tilespmem:s1+$0xFFFFFFE0]  }
0x639: {  	v9 =	vld [tilespmem:s1+$0xFFFFFFF0]  }
0x63a: {  	v7 =	vld [tilespmem:s1+$0x0]  }
0x63b: {  	v10 =	vld [tilespmem:s0+$0xFFFFFFFF]  }
0x63c: {  	v12 =	vld [tilespmem:s0+$0x0];
	v14 =	vadd.f32 $-1.500000000e+00, v13  }
0x63d: {  	p2 =	sgt.s32 s19, $0x4;
	v17 =	vld [tilespmem:s0+$0xFFFFFFFE];
	v15 =	vadd.f32 $-1.500000000e+00, v11  }
.Ltmp75:
0x63e: {  	v16 =	vadd.f32 $-1.500000000e+00, v9;
	v14 =	vmul.f32 $2.000000000e+02, v14;
	(pc) =	sbr.rel @!p2 .LBB2_113-.Ltmp75, $4  }
0x63f: {  	(v2sf) =	vpush v8, $0x0;
	v8 =	vmul.f32 $2.000000000e+02, v15;
	v15 =	vadd.f32 $-1.500000000e+00, v7  }
0x640: {  	(v2sf) =	vpush v10, $0x0;
	v10 =	vmul.f32 $2.000000000e+02, v16;
	v14 =	vtrunc.f32 v14  }
0x641: {  	(v2sf) =	vpush v12, $0x0;
	v16 =	vmul.f32 $2.000000000e+02, v15;
	v19 =	vtrunc.f32 v8  }
0x642: {  	p0 =	por $0x0, $0x0;
	s0 =	simm.s32 $0x8486;
	(v2sf) =	vpush v17, $0x0;
	v17 =	vtrunc.f32 v10;
	v15 =	vcvt.f32.s32 v14  }
0x643: {  	_ =	sdelay $0x4  }
0x644: {  	v10 =	vld [tilespmem:s0+$0x1]  }
0x645: {  	v8 =	vcvt.f32.s32 v19;
	v12 =	vtrunc.f32 v16;
	v14 =	vld [tilespmem:s0+$0xFFFFFFFF];
	vm0 =	vgt.s32 v15, $0x0  }
0x646: {  	v16 =	vcvt.f32.s32 v17;
	s1 =	sadd.s32 $0xFFFFFFD0, s17;
	v19 =	vld [tilespmem:s0+$0xFFFFFFFE];
	s7 =	sadd.s32 $0xFFFFFFE0, s17;
	v17 =	vcvt.f32.s32 v12;
	v12 =	vnsel vm0, $0x0, v15  }
0x647: {  	v18 =	vmov s1;
	v20 =	vmov s7;
	v15 =	vld [tilespmem:s0+$0x0];
	s0 =	simm.s32 $0x8760;
	v12 =	vmin.u32 v12, $0x1FF  }
0x648: {  	vm0 =	vgt.s32 v8, $0x0;
	vm1 =	vgt.s32 v16, $0x0;
	vm3 =	veq.s32 v12, v6;
	v12 =	vld [tilespmem:s0+$0x10]  }
0x649: {  	vm2 =	vgt.s32 v18, v0;
	vm5 =	vgt.s32 v20, v0;
	v18 =	vnsel vm0, $0x0, v8  }
0x64a: {  	vm4 =	vgt.s32 v17, $0x0;
	v8 =	vld [tilespmem:s0+$0xFFFFFFE0];
	v16 =	vnsel vm1, $0x0, v16;
	s2 =	spop (v2sf);
	(v2sf) =	vpush v10, $0x0  }
0x64b: {  	v17 =	vnsel vm4, $0x0, v17;
	v18 =	vmin.u32 v18, $0x1FF;
	v10 =	vld [tilespmem:s0+$0xFFFFFFF0];
	s8 =	spop (v2sf);
	(v2sf) =	vpush v14, $0x0  }
0x64c: {  	v16 =	vmin.u32 v16, $0x1FF;
	v17 =	vmin.u32 v17, $0x1FF;
	v14 =	vld [tilespmem:s0+$0x0];
	s1 =	spop (v2sf);
	(v2sf) =	vpush v15, $0x0  }
0x64d: {  	vm1 =	veq.s32 v18, v6;
	v18 =	vadd.f32 $-1.500000000e+00, v12;
	s31 =	spop (v2sf);
	(v2sf) =	vpush v19, $0x0  }
0x64e: {  	s5 =	sadd.s32 $0xFFFFFFF0, s17;
	vm0 =	vmand vm2, vm3;
	vm2 =	veq.s32 v16, v6;
	vm15 =	veq.s32 v17, v6  }
0x64f: {  	p2 =	sgt.s32 s19, $0x8;
	v16 =	vadd.f32 $-1.500000000e+00, v8;
	v17 =	vmul.f32 $2.000000000e+02, v18;
	v15 =	vmov s5  }
.Ltmp76:
0x650: {  	v19 =	vmov s17;
	vm3 =	vgt.s32 v15, v0;
	v15 =	vadd.f32 $-1.500000000e+00, v10;
	(pc) =	sbr.rel @!p2 .LBB2_137-.Ltmp76, $4  }
0x651: {  	v18 =	vmul.f32 $2.000000000e+02, v16;
	vm6 =	vgt.s32 v19, v0;
	v16 =	vadd.f32 $-1.500000000e+00, v14  }
0x652: {  	[tilespmem:s2+$0xA780] =	vst.msk vm0, v13;
	vm0 =	vmand vm6, vm1;
	v13 =	vmul.f32 $2.000000000e+02, v15;
	v15 =	vtrunc.f32 v17  }
0x653: {  	p0 =	por $0x1, $0x1;
	[tilespmem:s31+$0xA780] =	vst.msk vm0, v11;
	vm0 =	vmand vm3, vm2;
	v16 =	vmul.f32 $2.000000000e+02, v16;
	v15 =	vcvt.f32.s32 v15  }
0x654: {  	s7 =	simm.s32 $0x848A;
	s2 =	smov.u32 s17;
	s5 =	simm.s32 $0x8;
	v19 =	vtrunc.f32 v18;
	[tilespmem:s8+$0xA780] =	vst.msk vm0, v9;
	vm0 =	vmand vm5, vm15;
	v17 =	vtrunc.f32 v13  }
.LBB2_138:
0x655: {  	v9 =	vld [tilespmem:s7+$0x1];
	s5 =	sadd.s32 $0x4, s5;
	v11 =	vcvt.f32.s32 v19;
	v13 =	vtrunc.f32 v16;
	vm1 =	vgt.s32 v15, $0x0;
	[tilespmem:s1+$0xA780] =	vst.msk vm0, v7;
	s2 =	sadd.s32 $0xFFFFFFC0, s2;
	v7 =	vmovc v14  }
0x656: {  	v16 =	vcvt.f32.s32 v17;
	v14 =	vld [tilespmem:s7+$0xFFFFFFFF];
	p2 =	slt.s32 s5, s19;
	s8 =	sadd.s32 $0xFFFFFFF0, s2;
	v13 =	vcvt.f32.s32 v13;
	s1 =	sadd.s32 $0xFFFFFFD0, s2;
	v15 =	vnsel vm1, $0x0, v15  }
0x657: {  	s9 =	sadd.s32 $0xFFFFFFE0, s2;
	v17 =	vld [tilespmem:s7+$0x0];
	vm0 =	vgt.s32 v11, $0x0;
	v18 =	vmov s1;
	v15 =	vmin.u32 v15, $0x1FF  }
0x658: {  	s0 =	sadd.s32 $0x40, s0;
	vm1 =	vgt.s32 v16, $0x0;
	v19 =	vld [tilespmem:s7+$0xFFFFFFFE];
	vm2 =	vgt.s32 v18, v0;
	vm3 =	veq.s32 v15, v6  }
0x659: {  	v11 =	vnsel vm0, $0x0, v11;
	vm0 =	vgt.s32 v13, $0x0;
	v15 =	vld [tilespmem:s0+$0x10];
	vm2 =	vmand vm2, vm3;
	s1 =	spop (v2sf)  }
0x65a: {  	v13 =	vnsel vm0, $0x0, v13;
	v18 =	vld [tilespmem:s0+$0xFFFFFFE0];
	(v2sf) =	vpush v9, $0x0;
	v9 =	vnsel vm1, $0x0, v16;
	[tilespmem:s1+$0xA780] =	vst.msk vm2, v12;
	s10 =	spop (v2sf)  }
0x65b: {  	v11 =	vmin.u32 v11, $0x1FF;
	v20 =	vld [tilespmem:s0+$0xFFFFFFF0];
	(v2sf) =	vpush v14, $0x0;
	v9 =	vmin.u32 v9, $0x1FF;
	s1 =	spop (v2sf)  }
0x65c: {  	v16 =	vmov s8;
	v13 =	vmin.u32 v13, $0x1FF;
	v14 =	vld [tilespmem:s0+$0x0];
	(v2sf) =	vpush v17, $0x0;
	s8 =	spop (v2sf)  }
0x65d: {  	v17 =	vmov s2;
	(v2sf) =	vpush v19, $0x0;
	v19 =	vmov s9  }
0x65e: {  	vm0 =	veq.s32 v11, v6;
	vm1 =	veq.s32 v9, v6;
	v21 =	vadd.f32 $-1.500000000e+00, v15;
	v12 =	vmovc v15  }
0x65f: {  	vm2 =	vgt.s32 v16, v0;
	vm3 =	veq.s32 v13, v6;
	v9 =	vadd.f32 $-1.500000000e+00, v18  }
.Ltmp77:
0x660: {  	vm4 =	vgt.s32 v19, v0;
	v11 =	vadd.f32 $-1.500000000e+00, v20;
	v13 =	vmul.f32 $2.000000000e+02, v21;
	(pc) =	sbr.rel @p2 .LBB2_138-.Ltmp77, $4  }
0x661: {  	vm5 =	vgt.s32 v17, v0;
	v9 =	vmul.f32 $2.000000000e+02, v9;
	v15 =	vadd.f32 $-1.500000000e+00, v14  }
0x662: {  	vm0 =	vmand vm5, vm0;
	v11 =	vmul.f32 $2.000000000e+02, v11;
	v13 =	vtrunc.f32 v13  }
0x663: {  	v16 =	vmul.f32 $2.000000000e+02, v15;
	v15 =	vcvt.f32.s32 v13;
	[tilespmem:s8+$0xA780] =	vst.msk vm0, v8;
	vm0 =	vmand vm2, vm1;
	v8 =	vmovc v18  }
0x664: {  	s7 =	sadd.s32 $0x4, s7;
	v19 =	vtrunc.f32 v9;
	v17 =	vtrunc.f32 v11;
	[tilespmem:s10+$0xA780] =	vst.msk vm0, v10;
	vm0 =	vmand vm4, vm3;
	v10 =	vmovc v20  }
0x665: {  	v18 =	vmovc v7;
	v7 =	vmovc v14;
	v13 =	vmov v12;
	v11 =	vmov v8;
	v9 =	vmov v10  }
.LBB2_140:
0x666: {  	v8 =	vcvt.f32.s32 v19  }
0x667: {  	s0 =	sadd.s32 @p0 $0xFFFFFFC0, s2;
	s2 =	smov.u32 s17;
	v10 =	vtrunc.f32 v16;
	vm1 =	vgt.s32 v15, $0x0;
	v12 =	vcvt.f32.s32 v17  }
0x668: {  	s2 =	smov.u32 @p0 s0;
	v10 =	vcvt.f32.s32 v10;
	v14 =	vnsel vm1, $0x0, v15;
	vm6 =	vgt.s32 v8, $0x0  }
0x669: {  	s0 =	sadd.s32 $0xFFFFFFD0, s2;
	v14 =	vmin.u32 v14, $0x1FF;
	vm7 =	vgt.s32 v12, $0x0;
	v63 =	vmov s2  }
0x66a: {  	s28 =	sadd.s32 $0xFFFFFFF0, s2;
	v61 =	vmov s0;
	v8 =	vnsel vm6, $0x0, v8;
	vm3 =	veq.s32 v14, v6  }
0x66b: {  	vm8 =	vgt.s32 v10, $0x0;
	v12 =	vnsel vm7, $0x0, v12;
	v62 =	vmov s28  }
0x66c: {  	s5 =	spop (v2sf);
	vm10 =	vgt.s32 v63, v0;
	vm2 =	vgt.s32 v61, v0;
	v10 =	vnsel vm8, $0x0, v10  }
0x66d: {  	v8 =	vmin.u32 v8, $0x1FF;
	s7 =	spop (v2sf);
	v12 =	vmin.u32 v12, $0x1FF;
	vm12 =	vgt.s32 v62, v0  }
0x66e: {  	[tilespmem:s1+$0xA780] =	vst.msk @p0 vm0, v18;
	s29 =	sadd.s32 $0xFFFFFFE0, s2;
	vm2 =	vmand vm2, vm3;
	v10 =	vmin.u32 v10, $0x1FF;
	s30 =	spop (v2sf);
	vm9 =	veq.s32 v8, v6  }
0x66f: {  	v8 =	vmov s29;
	vm11 =	veq.s32 v12, v6;
	[tilespmem:s5+$0xA780] =	vst.msk vm2, v13;
	s31 =	spop (v2sf);
	vm0 =	vmand vm10, vm9  }
0x670: {  	vm13 =	veq.s32 v10, v6;
	vm4 =	vgt.s32 v8, v0;
	vm14 =	vmand vm12, vm11;
	[tilespmem:s31+$0xA780] =	vst.msk vm0, v11  }
0x671: {  	[tilespmem:s7+$0xA780] =	vst.msk vm14, v9;
	vm15 =	vmand vm4, vm13  }
0x672: {  	[tilespmem:s30+$0xA780] =	vst.msk vm15, v7  }
.LBB2_131:
.Ltmp78:
0x673: {  	(pc) =	sbr.rel @p1 .LBB2_134-.Ltmp78, $1  }
0x674: {  	_ =	sdelay $0x3  }
0x675: {  	s0 =	sshra.s32 s20, $0x2  }
0x676: {  	s1 =	sadd.s32 s21, s17;
	s2 =	sshll.u32 s18, $0x4;
	s5 =	sshra.s32 s25, $0x2  }
0x677: {  	s0 =	sadd.s32 $0x8700, s0;
	s1 =	ssub.s32 s1, s2;
	s2 =	sadd.s32 $0x8480, s5  }
.LBB2_133:
0x678: {  	v7 =	vld [tilespmem:s2+$0x0];
	_ =	sdelay $0x3  }
0x679: {  	v8 =	vld [tilespmem:s0+$0x0]  }
0x67a: {  	(v2sf) =	vpush v7, $0x0;
	_ =	sdelay $0x3  }
0x67b: {  	v7 =	vadd.f32 $-1.500000000e+00, v8;
	_ =	sdelay $0x1  }
0x67c: {  	v7 =	vmul.f32 $2.000000000e+02, v7;
	_ =	sdelay $0x1  }
0x67d: {  	v7 =	vtrunc.f32 v7  }
0x67e: {  	v7 =	vcvt.f32.s32 v7  }
0x67f: {  	s19 =	sadd.s32 $0x1, s19  }
0x680: {  	p0 =	slt.s32 s19, s18;
	vm0 =	vgt.s32 v7, $0x0  }
.Ltmp79:
0x681: {  	v7 =	vnsel vm0, $0x0, v7;
	(pc) =	sbr.rel @p0 .LBB2_133-.Ltmp79, $4  }
0x682: {  	v9 =	vmov s1;
	v7 =	vmin.u32 v7, $0x1FF  }
0x683: {  	vm15 =	vgt.s32 v9, v0;
	vm1 =	veq.s32 v7, v6  }
0x684: {  	vm0 =	vmand vm15, vm1;
	s5 =	spop (v2sf)  }
0x685: {  	s0 =	sadd.s32 $0x10, s0;
	s1 =	sadd.s32 $0xFFFFFFF0, s1;
	s2 =	sadd.s32 $0x1, s2;
	[tilespmem:s5+$0xA780] =	vst.msk vm0, v8  }
.LBB2_134:
0x686: {  	p0 =	sgt.s32 s24, $0x10  }
.Ltmp80:
0x687: {  	_ = 	snop;
	(pc) =	sbr.rel @p0 .LBB2_141-.Ltmp80, $3  }
0x688: {  	_ =	sdelay $0x1  }
0x689: {  	s7 =	sadd.s32 s22, s23;
	s1 =	sadd.s32 $0xF, s24;
	s5 =	simm.s32 $0x0  }
0x68a: {  	s2 =	simm.s32 $0x0;
	s0 =	ssub.s32 $0xA4, s7;
	s1 =	sshra.s32 s1, $0x4  }
0x68b: {  	v6 =	vld [tilespmem:$0xA780];
	_ =	sdelay $0x4  }
0x68c: {  	v7 =	vshra.s32 v6, $0x1F  }
0x68d: {  	v8 =	vmov s24;
	v7 =	vor.u32 $0x80000000, v7  }
0x68e: {  	vm0 =	vgt.s32 v8, v0;
	v6 =	vxor.u32 v6, v7  }
0x68f: {  	v6 =	vnsel vm0, $0x0, v6  }
0x690: {  	(xrf1) =	vsort.ascd.msk.u32 $0xffff, v6, v6;
	_ =	sdelay $0xd  }
0x691: {  	v6, _, _ =	vpop (xrf1)  }
0x692: {  	[tilespmem:$0x8480] =	vst v6  }
0x693: {  	v6 =	vld [tilespmem:s7+$0x83EC];
	_ =	sdelay $0x4  }
0x694: {  	(v2sf) =	vpush v6, $0x0;
	_ =	sdelay $0xe  }
0x695: {  	s7 =	spop (v2sf)  }
.LBB2_147:
0x696: {  	p0 =	slt.s32 s1, $0x1  }
.Ltmp81:
0x697: {  	_ = 	snop;
	(pc) =	sbr.rel @p0 .LBB2_148-.Ltmp81, $4  }
0x698: {  	s2 =	sxor.u32 $0x80000000, s7  }
0x699: {  	v6 =	vmov s2  }
0x69a: {  	vm0 =	vlt.s32 v6, $0x0;
	v6 =	vxor.u32 $0x7FFFFFFF, v6  }
0x69b: {  	v7 =	vimm.s32 $0x0;
	v6 =	vnsel vm0, s2, v6;
	s2 =	simm.s32 $0xA780  }
0x69c: {  	v8 =	vld [tilespmem:s2+$0x0];
	p0 =	sne.s32 s1, $0x1  }
.Ltmp82:
0x69d: {  	_ = 	snop;
	(pc) =	sbr.rel @!p0 .LBB2_151-.Ltmp82, $4  }
0x69e: {  	_ = 	snop  }
0x69f: {  	v9 =	vmov s24  }
0x6a0: {  	vm0 =	vgt.s32 v9, v0  }
0x6a1: {  	s1 =	sadd.s32 $0xFFFFFFFF, s1;
	s2 =	sadd.s32 $0x10, s2;
	vm1 =	vgt.f32 v8, v6;
	vm2 =	veq.f32 v8, v6;
	v8 =	vimm.s32 $0x0  }
.LBB2_150:
0x6a2: {  	v9 =	vld [tilespmem:s2+$0x0];
	p0 =	sne.s32 s1, $0x1;
	s1 =	sadd.s32 $0xFFFFFFFF, s1;
	vm1 =	vmand vm0, vm1;
	vm0 =	vmand vm0, vm2  }
.Ltmp83:
0x6a3: {  	v10 =	vsel vm1, $0x1, v2;
	v11 =	vsel vm0, $0x1, v2;
	(pc) =	sbr.rel @p0 .LBB2_150-.Ltmp83, $4  }
0x6a4: {  	v7 =	vadd.s32 v10, v7;
	v8 =	vadd.s32 v11, v8  }
0x6a5: {  	s24 =	sadd.s32 $0xFFFFFFF0, s24  }
0x6a6: {  	v10 =	vmov s24  }
0x6a7: {  	s2 =	sadd.s32 $0x10, s2;
	vm0 =	vgt.s32 v10, v0;
	vm1 =	vgt.f32 v9, v6;
	vm2 =	veq.f32 v9, v6  }
.LBB2_151:
.Ltmp84:
0x6a8: {  	(pc) =	sbr.rel .LBB2_152-.Ltmp84, $4  }
0x6a9: {  	_ = 	snop  }
0x6aa: {  	vm1 =	vmand vm0, vm1;
	vm15 =	vmand vm0, vm2  }
0x6ab: {  	v9 =	vsel vm1, $0x1, v2;
	v10 =	vsel vm15, $0x1, v2  }
0x6ac: {  	v7 =	vadd.s32 v9, v7;
	v8 =	vadd.s32 v10, v8  }
.LBB2_142:
0x6ad: {  	v6 =	vimm.s32 $0x0  }
.LBB2_146:
0x6ae: {  	(xrf0) =	vadd.scan.msk.s32 $0xffff, v6;
	_ =	sdelay $0x5  }
0x6af: {  	v6, _, _ =	vpop (xrf0)  }
0x6b0: {  	(v2sf) =	vpush v6, $0xF;
	_ =	sdelay $0xe  }
0x6b1: {  	s8 =	spop (v2sf)  }
0x6b2: {  	s2 =	sadd.s32 $0x1, s2;
	p0 =	slt.s32 s8, s0  }
0x6b3: {  	s7 =	smov.u32 @p0 s5;
	p0 =	sne.s32 s2, $0x20  }
.Ltmp85:
0x6b4: {  	_ = 	snop;
	(pc) =	sbr.rel @!p0 .LBB2_147-.Ltmp85, $2  }
0x6b5: {  	_ =	sdelay $0x2  }
0x6b6: {  	s5 =	smov.u32 s7  }
.LBB2_141:
0x6b7: {  	p0 =	slt.s32 s1, $0x1  }
.Ltmp86:
0x6b8: {  	_ = 	snop;
	(pc) =	sbr.rel @p0 .LBB2_142-.Ltmp86, $3  }
0x6b9: {  	_ =	sdelay $0x1  }
0x6ba: {  	s7 =	sshrl.u32 s15, s2  }
0x6bb: {  	s7 =	sor.u32 s7, s5  }
0x6bc: {  	s8 =	simm.s32 $0xA780  }
0x6bd: {  	p0 =	sne.s32 s1, $0x1;
	v8 =	vld [tilespmem:s8+$0x0]  }
.Ltmp87:
0x6be: {  	_ = 	snop;
	(pc) =	sbr.rel @!p0 .LBB2_145-.Ltmp87, $3  }
0x6bf: {  	_ =	sdelay $0x1  }
0x6c0: {  	s31 =	sxor.u32 $0x80000000, s7;
	v6 =	vimm.s32 $0x0  }
0x6c1: {  	s10 =	simm.s32 $0xA790;
	s9 =	smov.u32 s24;
	v7 =	vmov s31;
	s8 =	sadd.s32 $0xFFFFFFFF, s1;
	vm0 =	vlt.s32 v8, $0x0;
	v9 =	vxor.u32 $0x7FFFFFFF, v8  }
.LBB2_144:
0x6c2: {  	p0 =	sne.s32 s8, $0x1;
	s8 =	sadd.s32 $0xFFFFFFFF, s8;
	v9 =	vsel vm0, v9, v8;
	v8 =	vld [tilespmem:s10+$0x0];
	v10 =	vmov s9  }
.Ltmp88:
0x6c3: {  	vm0 =	vgt.s32 v10, v0;
	vm1 =	vge.s32 v9, v7;
	(pc) =	sbr.rel @p0 .LBB2_144-.Ltmp88, $4  }
0x6c4: {  	vm0 =	vmand vm0, vm1  }
0x6c5: {  	v9 =	vsel vm0, $0x1, v2  }
0x6c6: {  	v6 =	vadd.s32 v9, v6  }
0x6c7: {  	s10 =	sadd.s32 $0x10, s10;
	s9 =	sadd.s32 $0xFFFFFFF0, s9;
	vm0 =	vlt.s32 v8, $0x0;
	v9 =	vxor.u32 $0x7FFFFFFF, v8  }
.LBB2_145:
.Ltmp89:
0x6c8: {  	v8 =	vsel vm0, v9, v8;
	v63 =	vmov s9;
	(pc) =	sbr.rel .LBB2_146-.Ltmp89, $4  }
0x6c9: {  	vm15 =	vgt.s32 v63, v0;
	vm1 =	vge.s32 v8, v7  }
0x6ca: {  	vm0 =	vmand vm15, vm1  }
0x6cb: {  	v7 =	vsel vm0, $0x1, v2  }
0x6cc: {  	v6 =	vadd.s32 v7, v6  }
.LBB2_148:
0x6cd: {  	v8 =	vimm.s32 $0x0  }
.LBB2_152:
0x6ce: {  	(xrf0) =	vadd.scan.msk.s32 $0xffff, v7  }
0x6cf: {  	(xrf0) =	vadd.scan.msk.s32 $0xffff, v8;
	_ =	sdelay $0x4  }
0x6d0: {  	v7, _, _ =	vpop (xrf0)  }
0x6d1: {  	(v2sf) =	vpush v7, $0xF;
	v7, _, _ =	vpop (xrf0)  }
0x6d2: {  	(v2sf) =	vpush v7, $0xF;
	_ =	sdelay $0xd  }
0x6d3: {  	s1 =	spop (v2sf)  }
0x6d4: {  	s2 =	spop (v2sf)  }
0x6d5: {  	s2 =	sadd.s32 s1, s2  }
0x6d6: {  	p0 =	seq.s32 s2, s0  }
.Ltmp90:
0x6d7: {  	_ = 	snop;
	(pc) =	sbr.rel @!p0 .LBB2_156-.Ltmp90, $1  }
0x6d8: {  	_ =	sdelay $0x3  }
0x6d9: {  	p0 =	por $0x0, $0x0;
	s2 =	simm.s32 $0x1  }
0x6da: {  	s0 =	simm.s32 $0x0;
	s1 =	simm.s32 $0x6000;
	s2 =	simm.s32 @!p0 $0x0  }
0x6db: {  	v11 =	vld [tilespmem:s1+$0x0];
	s0 =	sand.u32 $0x1FC0, s0;
	s2 =	sshll.u32 s2, $0x6  }
0x6dc: {  	v7 =	vld [tilespmem:s0+$0x6030];
	s2 =	sadd.s32 $0x0, s2  }
0x6dd: {  	v9 =	vld [tilespmem:s0+$0x6010];
	s25 =	sadd.s32 $0x30, s2  }
0x6de: {  	v10 =	vld [tilespmem:s0+$0x6020];
	s26 =	sadd.s32 $0x10, s2;
	s7 =	sor.u32 $0x80, s25  }
0x6df: {  	s28 =	sadd.s32 $0x20, s2;
	s8 =	sor.u32 $0x80, s26;
	v8 =	vld [tilespmem:s7+$0x0]  }
0x6e0: {  	s5 =	simm.s32 $0x1;
	p0 =	por !p0, !p0;
	s12 =	sor.u32 $0x80, s28;
	v12 =	vld [tilespmem:s8+$0x0]  }
0x6e1: {  	s1 =	simm.s32 $0x40;
	s5 =	simm.s32 @!p0 $0x0;
	s0 =	sor.u32 $0x80, s2;
	v13 =	vld [tilespmem:s12+$0x0]  }
0x6e2: {  	s14 =	sand.u32 $0x1FC0, s1;
	s29 =	sshll.u32 s5, $0x6;
	v14 =	vld [tilespmem:s0+$0x0]  }
0x6e3: {  	s11 =	sadd.s32 $0x80, s29;
	s2 =	simm.s32 $0x6040;
	vm15 =	vge.f32 v11, v6;
	v11 =	vld [tilespmem:s14+$0x6020];
	vm0 =	vge.f32 v7, v6  }
0x6e4: {  	s30 =	sadd.s32 $0x30, s11;
	v7 =	vld [tilespmem:s2+$0x0];
	vm14 =	vge.f32 v9, v6;
	v15 =	vnsel vm0, $0x0, v8  }
0x6e5: {  	s9 =	simm.s32 $0x4;
	s10 =	simm.s32 $0x80;
	s5 =	sor.u32 $0x80, s30;
	vm1 =	vge.f32 v10, v6;
	v8 =	vld [tilespmem:s14+$0x6030];
	v12 =	vnsel vm14, $0x0, v12;
	[tilespmem:s7+$0x0] =	vst v15  }
0x6e6: {  	p0 =	por !p0, !p0;
	s16 =	sadd.s32 $0x10, s11;
	s31 =	sadd.s32 $0x20, s11;
	v10 =	vld [tilespmem:s5+$0x0];
	v13 =	vnsel vm1, $0x0, v13;
	[tilespmem:s8+$0x0] =	vst v12  }
0x6e7: {  	s11 =	sor.u32 $0x80, s11;
	v9 =	vld [tilespmem:s14+$0x6010];
	s7 =	sor.u32 $0x80, s16;
	s8 =	sor.u32 $0x80, s31;
	v12 =	vnsel vm15, $0x0, v14;
	[tilespmem:s12+$0x0] =	vst v13  }
.LBB2_154:
0x6e8: {  	s12 =	simm.s32 $0x1;
	s9 =	sadd.s32 $0x4, s9  }
0x6e9: {  	v13 =	vld [tilespmem:s7+$0x0];
	[tilespmem:s0+$0x0] =	vst v12;
	v12 =	vmov v7;
	s0 =	smov.u32 s11;
	s10 =	sadd.s32 $0x80, s10;
	s12 =	simm.s32 @!p0 $0x0  }
0x6ea: {  	s1 =	sadd.s32 $0x40, s1;
	p1 =	slt.u32 s9, $0x1FC;
	vm0 =	vge.f32 v8, v6;
	s11 =	sshll.u32 s12, $0x6;
	v14 =	vld [tilespmem:s8+$0x0]  }
0x6eb: {  	s2 =	sadd.s32 $0x40, s2;
	v8 =	vnsel vm0, $0x0, v10;
	s12 =	sand.u32 $0x1FC0, s1;
	s11 =	sadd.s32 s11, s10;
	v15 =	vld [tilespmem:s0+$0x0]  }
.Ltmp91:
0x6ec: {  	vm0 =	vge.f32 v9, v6;
	v7 =	vld [tilespmem:s2+$0x0];
	s14 =	sadd.s32 $0x10, s11;
	s16 =	sadd.s32 $0x30, s11;
	[tilespmem:s5+$0x0] =	vst v8;
	(pc) =	sbr.rel @p1 .LBB2_154-.Ltmp91, $4  }
0x6ed: {  	s17 =	sadd.s32 $0x20, s11;
	vm1 =	vge.f32 v11, v6;
	s14 =	sor.u32 $0x80, s14;
	v8 =	vld [tilespmem:s12+$0x6030];
	s5 =	sor.u32 $0x80, s16  }
0x6ee: {  	s11 =	sor.u32 $0x80, s11;
	s16 =	sor.u32 $0x80, s17;
	v11 =	vnsel vm0, $0x0, v13;
	v10 =	vld [tilespmem:s5+$0x0]  }
0x6ef: {  	vm0 =	vge.f32 v12, v6;
	v9 =	vld [tilespmem:s12+$0x6010];
	[tilespmem:s7+$0x0] =	vst v11;
	v13 =	vnsel vm1, $0x0, v14;
	s7 =	smov.u32 s14  }
0x6f0: {  	p0 =	por !p0, !p0;
	v11 =	vld [tilespmem:s12+$0x6020];
	v12 =	vnsel vm0, $0x0, v15;
	[tilespmem:s8+$0x0] =	vst v13;
	s8 =	smov.u32 s16  }
0x6f1: {  	v13 =	vld [tilespmem:s7+$0x0]  }
0x6f2: {  	v14 =	vld [tilespmem:s8+$0x0]  }
0x6f3: {  	v15 =	vld [tilespmem:s11+$0x0]  }
0x6f4: {  	vm0 =	vge.f32 v8, v6  }
.Ltmp92:
0x6f5: {  	[tilespmem:s0+$0x0] =	vst v12;
	v8 =	vnsel vm0, $0x0, v10;
	vm14 =	vge.f32 v9, v6;
	(pc) =	sbr.rel .LBB2_159-.Ltmp92, $4  }
0x6f6: {  	[tilespmem:s5+$0x0] =	vst v8;
	vm1 =	vge.f32 v11, v6;
	v63 =	vnsel vm14, $0x0, v13  }
0x6f7: {  	vm15 =	vge.f32 v7, v6;
	v6 =	vnsel vm1, $0x0, v14;
	[tilespmem:s7+$0x0] =	vst v63  }
0x6f8: {  	v7 =	vnsel vm15, $0x0, v15;
	[tilespmem:s8+$0x0] =	vst v6  }
0x6f9: {  	[tilespmem:s11+$0x0] =	vst v7  }
.LBB2_156:
0x6fa: {  	s30 =	simm.s32 $0x6000  }
0x6fb: {  	v8 =	vld [tilespmem:s30+$0x0];
	_ =	sdelay $0x4  }
0x6fc: {  	vm0 =	veq.f32 v8, v6  }
0x6fd: {  	v9 =	vsel vm0, $0x1, v2  }
0x6fe: {  	(xrf0) =	vadd.scan.msk.s32 $0xffff, v9;
	_ =	sdelay $0x1  }
0x6ff: {  	s0 =	ssub.s32 s0, s1  }
0x700: {  	v7 =	vmov s0;
	s0 =	simm.s32 $0x0  }
0x701: {  	s31 =	sand.u32 $0x70, s0;
	s2 =	sand.u32 $0x3F00, s0  }
0x702: {  	s1 =	sor.u32 s31, s2;
	v10 =	vsel vm0, $0xFFFFFFFF, v2  }
0x703: {  	v11 =	vld [tilespmem:s1+$0x80];
	v10 =	vadd.s32 s0, v10;
	v9, _, _ =	vpop (xrf0)  }
0x704: {  	(v2sf) =	vpush v9, $0xF;
	v9 =	vadd.s32 v9, v10  }
0x705: {  	vm1 =	vlt.s32 v9, v7  }
0x706: {  	vm0 =	vmand vm0, vm1;
	vm1 =	vgt.f32 v8, v6  }
0x707: {  	vm0 =	vmor vm1, vm0  }
0x708: {  	v8 =	vnsel vm0, $0x0, v11  }
0x709: {  	s2 =	simm.s32 $0x6010;
	[tilespmem:s1+$0x80] =	vst v8  }
0x70a: {  	v8 =	vld [tilespmem:s2+$0x0];
	_ =	sdelay $0x4  }
0x70b: {  	vm0 =	veq.f32 v8, v6  }
0x70c: {  	v9 =	vsel vm0, $0x1, v2  }
0x70d: {  	(xrf0) =	vadd.scan.msk.s32 $0xffff, v9  }
0x70e: {  	s5 =	simm.s32 $0x10;
	s7 =	simm.s32 $0x30  }
0x70f: {  	s8 =	simm.s32 $0x0;
	s1 =	simm.s32 $0x20;
	s9 =	spop (v2sf)  }
.LBB2_157:
0x710: {  	p0 =	sne.s32 s7, $0x1FF0;
	s0 =	sadd.s32 s0, s9;
	s8 =	sadd.s32 $0x20, s8  }
0x711: {  	s9 =	sand.u32 $0x70, s5;
	s5 =	smov.u32 s1;
	s10 =	sand.u32 $0x3F00, s8  }
0x712: {  	v9 =	vsel vm0, $0xFFFFFFFF, v2;
	s1 =	smov.u32 s7;
	s9 =	sor.u32 s9, s10  }
0x713: {  	v9 =	vadd.s32 s0, v9;
	v10 =	vld [tilespmem:s9+$0x80];
	v11, _, _ =	vpop (xrf0)  }
0x714: {  	v9 =	vadd.s32 v11, v9;
	(v2sf) =	vpush v11, $0xF  }
0x715: {  	vm1 =	vlt.s32 v9, v7  }
0x716: {  	vm0 =	vmand vm0, vm1;
	vm1 =	vgt.f32 v8, v6  }
0x717: {  	vm0 =	vmor vm1, vm0  }
0x718: {  	v8 =	vnsel vm0, $0x0, v10  }
0x719: {  	s2 =	sadd.s32 $0x10, s2;
	[tilespmem:s9+$0x80] =	vst v8  }
0x71a: {  	v8 =	vld [tilespmem:s2+$0x0];
	_ =	sdelay $0x4  }
.Ltmp93:
0x71b: {  	vm0 =	veq.f32 v8, v6;
	(pc) =	sbr.rel @p0 .LBB2_157-.Ltmp93, $3  }
0x71c: {  	v9 =	vsel vm0, $0x1, v2  }
0x71d: {  	(xrf0) =	vadd.scan.msk.s32 $0xffff, v9;
	_ =	sdelay $0x1  }
0x71e: {  	s7 =	sadd.s32 $0x10, s7;
	s9 =	spop (v2sf)  }
0x71f: {  	s7 =	sadd.s32 $0x20, s8  }
0x720: {  	s5 =	sand.u32 $0x70, s5;
	s8 =	sand.u32 $0x3F00, s7  }
0x721: {  	s0 =	sadd.s32 s0, s9;
	v9 =	vsel vm0, $0xFFFFFFFF, v2;
	s5 =	sor.u32 s5, s8  }
0x722: {  	v9 =	vadd.s32 s0, v9;
	v10 =	vld [tilespmem:s5+$0x80];
	v11, _, _ =	vpop (xrf0)  }
0x723: {  	v9 =	vadd.s32 v11, v9  }
0x724: {  	vm1 =	vlt.s32 v9, v7  }
0x725: {  	vm12 =	vgt.f32 v8, v6;
	vm11 =	vmand vm0, vm1  }
0x726: {  	vm0 =	vmor vm12, vm11  }
0x727: {  	v60 =	vnsel vm0, $0x0, v10  }
0x728: {  	s2 =	sadd.s32 $0x10, s2;
	[tilespmem:s5+$0x80] =	vst v60  }
0x729: {  	v8 =	vld [tilespmem:s2+$0x0];
	_ =	sdelay $0x4  }
0x72a: {  	vm13 =	veq.f32 v8, v6  }
0x72b: {  	(v2sf) =	vpush v11, $0xF;
	v61 =	vsel vm13, $0x1, v2  }
0x72c: {  	(xrf0) =	vadd.scan.msk.s32 $0xffff, v61;
	_ =	sdelay $0x5  }
0x72d: {  	v9, _, _ =	vpop (xrf0)  }
0x72e: {  	(v2sf) =	vpush v9, $0xF;
	_ =	sdelay $0x5  }
0x72f: {  	s29 =	sadd.s32 $0x20, s7  }
0x730: {  	s1 =	sand.u32 $0x70, s1;
	s2 =	sand.u32 $0x3F00, s29;
	s30 =	spop (v2sf)  }
0x731: {  	s1 =	sor.u32 s1, s2;
	v62 =	vsel vm13, $0xFFFFFFFF, v2;
	s0 =	sadd.s32 s0, s30  }
0x732: {  	v63 =	vld [tilespmem:s1+$0x80];
	v10 =	vadd.s32 s0, v62  }
0x733: {  	v9 =	vadd.s32 v9, v10  }
0x734: {  	vm14 =	vlt.s32 v9, v7  }
0x735: {  	vm15 =	vgt.f32 v8, v6;
	vm0 =	vmand vm13, vm14  }
0x736: {  	vm0 =	vmor vm15, vm0  }
0x737: {  	v6 =	vnsel vm0, $0x0, v63  }
0x738: {  	[tilespmem:s1+$0x80] =	vst v6;
	s31 =	spop (v2sf)  }
.LBB2_159:
0x739: {  	s0 =	simm.s32 $0x80  }
0x73a: {  	s1 =	simm.s32 $0x80;
	s5 =	sadd.s32 $0x0, s6;
	s2 =	simm.s32 $0x180  }
.LBB2_160:
0x73b: {  	[hbm4b:s5+s3] =	stream.linear.scatter [tilespmem:s0], [sflag:$0x2], $0x80, $0x38;
	[tilespmem:$0xC800] =	vst v63  }
0x73c: {  	s5 =	smov.u32 s1;
	s0 =	smov.u32 s2;
	p0 =	sne.s32 s1, $0x1F80  }
.Ltmp94:
0x73d: {  	s1 =	sadd.s32 $0x80, s1;
	(pc) =	sbr.rel @p0 .LBB2_160-.Ltmp94, $2  }
0x73e: {  	_ =	sdelay $0x2  }
0x73f: {  	s2 =	sadd.s32 $0x100, s2;
	s5 =	sadd.s32 s5, s6  }
0x740: {  	[hbm4b:s5+s3] =	stream.linear.scatter [tilespmem:s0], [sflag:$0x2], $0x80, $0x38;
	[tilespmem:$0xC800] =	vst v63  }
0x741: {  	s1 =	simm.s32 $0x2  }
0x742: {  	_ =	swait.ge [sflag:s1], $0x2000  }
0x743: {  	[sflag:s1] =	ssyncset.done $0x0  }
0x744: {  	[sflag:s1] =	ssyncadd.s32 $0xFFFFE000  }
0x745: {  	_ =	swait.ge [sflag:s1], $0x2000  }
0x746: {  	s2 =	rddreg [dreg:$0x6]  }
0x747: {  	s31 =	rddreg [dreg:$0x5];
	s2 =	sadd.s32 $0x1, s2  }
0x748: {  	p0 =	sne.s32 s2, s31  }
.Ltmp95:
0x749: {  	_ = 	snop;
	(pc) =	sbr.rel @p0 .LBB2_1-.Ltmp95, $4  }
.Ltmp96:
0x74a: {  	_ = 	snop;
	(pc) =	sbr.rel @!p0 .LBB2_162-.Ltmp96, $4  }
0x74b: {  	_ = 	snop  }
0x74c: {  	[sflag:s1] =	ssyncset.done $0x0  }
0x74d: {  	[sflag:s1] =	ssyncadd.s32 $0xFFFFE000  }
0x74e: {  	_ = 	snop  }
.LBB2_15:
.Ltmp97:
0x74f: {  	(pc) =	sbr.rel .LBB2_24-.Ltmp97, $2  }
0x750: {  	_ =	sdelay $0x2  }
0x751: {  	s0 =	smov.u32 s11  }
.LBB2_21:
.Ltmp98:
0x752: {  	(pc) =	sbr.rel .LBB2_45-.Ltmp98, $2  }
0x753: {  	_ =	sdelay $0x2  }
0x754: {  	s31 =	simm.s32 $0x8720;
	s8 =	simm.s32 $0x8202;
	s7 =	smov.u32 s11  }
.LBB2_47:
.Ltmp99:
0x755: {  	(pc) =	sbr.rel .LBB2_51-.Ltmp99, $2  }
0x756: {  	_ =	sdelay $0x2  }
0x757: {  	s7 =	simm.s32 $0x0;
	s2 =	simm.s32 $0x0;
	s5 =	simm.s32 $0x8480  }
.LBB2_34:
.Ltmp100:
0x758: {  	(pc) =	sbr.rel .LBB2_61-.Ltmp100, $2  }
0x759: {  	_ =	sdelay $0x2  }
0x75a: {  	s2 =	smov.u32 s11  }
.LBB2_94:
.Ltmp101:
0x75b: {  	(pc) =	sbr.rel .LBB2_103-.Ltmp101, $2  }
0x75c: {  	_ =	sdelay $0x2  }
0x75d: {  	s0 =	smov.u32 s17  }
.LBB2_100:
.Ltmp102:
0x75e: {  	(pc) =	sbr.rel .LBB2_124-.Ltmp102, $2  }
0x75f: {  	_ =	sdelay $0x2  }
0x760: {  	s31 =	simm.s32 $0x8720;
	s8 =	simm.s32 $0x8202;
	s26 =	smov.u32 s17  }
.LBB2_126:
.Ltmp103:
0x761: {  	(pc) =	sbr.rel .LBB2_130-.Ltmp103, $2  }
0x762: {  	_ =	sdelay $0x2  }
0x763: {  	s7 =	simm.s32 $0x0;
	s2 =	simm.s32 $0x0;
	s5 =	simm.s32 $0x8480  }
.LBB2_113:
.Ltmp104:
0x764: {  	(pc) =	sbr.rel .LBB2_140-.Ltmp104, $2  }
0x765: {  	_ =	sdelay $0x2  }
0x766: {  	s2 =	smov.u32 s17  }
.LBB2_36:
.Ltmp105:
0x767: {  	(pc) =	sbr.rel .LBB2_45-.Ltmp105, $3  }
0x768: {  	_ =	sdelay $0x1  }
0x769: {  	s7 =	smov.u32 s9;
	s31 =	simm.s32 $0x8760  }
0x76a: {  	s16 =	smov.u32 s11;
	s8 =	simm.s32 $0x8202;
	s0 =	simm.s32 $0x8720  }
.LBB2_49:
.Ltmp106:
0x76b: {  	(pc) =	sbr.rel .LBB2_51-.Ltmp106, $2  }
0x76c: {  	_ =	sdelay $0x2  }
0x76d: {  	s7 =	simm.s32 $0x0;
	s2 =	simm.s32 $0x0;
	s5 =	simm.s32 $0x8480  }
.LBB2_58:
.Ltmp107:
0x76e: {  	(pc) =	sbr.rel .LBB2_61-.Ltmp107, $2  }
0x76f: {  	_ =	sdelay $0x2  }
0x770: {  	v18 =	vmovc v7;
	s2 =	smov.u32 s11;
	v7 =	vmovc v14;
	v13 =	vmov v12;
	v11 =	vmov v8;
	v9 =	vmov v10  }
.LBB2_115:
.Ltmp108:
0x771: {  	(pc) =	sbr.rel .LBB2_124-.Ltmp108, $3  }
0x772: {  	_ =	sdelay $0x1  }
0x773: {  	s26 =	smov.u32 s30;
	s31 =	simm.s32 $0x8760  }
0x774: {  	s16 =	smov.u32 s17;
	s8 =	simm.s32 $0x8202;
	s0 =	simm.s32 $0x8720  }
.LBB2_128:
.Ltmp109:
0x775: {  	(pc) =	sbr.rel .LBB2_130-.Ltmp109, $2  }
0x776: {  	_ =	sdelay $0x2  }
0x777: {  	s7 =	simm.s32 $0x0;
	s2 =	simm.s32 $0x0;
	s5 =	simm.s32 $0x8480  }
.LBB2_137:
.Ltmp110:
0x778: {  	(pc) =	sbr.rel .LBB2_140-.Ltmp110, $2  }
0x779: {  	_ =	sdelay $0x2  }
0x77a: {  	v18 =	vmovc v7;
	s2 =	smov.u32 s17;
	v7 =	vmovc v14;
	v13 =	vmov v12;
	v11 =	vmov v8;
	v9 =	vmov v10  }
.LBB2_38:
.Ltmp111:
0x77b: {  	(pc) =	sbr.rel .LBB2_45-.Ltmp111, $3  }
0x77c: {  	_ =	sdelay $0x1  }
0x77d: {  	s31 =	simm.s32 $0x87A0;
	s16 =	smov.u32 s9;
	s12 =	smov.u32 s11  }
0x77e: {  	s14 =	simm.s32 $0x8202;
	s8 =	simm.s32 $0x8206;
	s0 =	simm.s32 $0x8760  }
.LBB2_117:
.Ltmp112:
0x77f: {  	(pc) =	sbr.rel .LBB2_124-.Ltmp112, $3  }
0x780: {  	_ =	sdelay $0x1  }
0x781: {  	s31 =	simm.s32 $0x87A0;
	s16 =	smov.u32 s30;
	s12 =	smov.u32 s17  }
0x782: {  	s14 =	simm.s32 $0x8202;
	s8 =	simm.s32 $0x8206;
	s0 =	simm.s32 $0x8760  }
.LBB2_40:
.Ltmp113:
0x783: {  	s31 =	simm.s32 $0x87E0;
	s16 =	smov.u32 s7;
	(pc) =	sbr.rel .LBB2_45-.Ltmp113, $4  }
0x784: {  	s2 =	simm.s32 $0x8202;
	s30 =	smov.u32 s11;
	s12 =	smov.u32 s9  }
0x785: {  	s14 =	simm.s32 $0x8206;
	s7 =	smov.u32 s26;
	s0 =	simm.s32 $0x87A0  }
0x786: {  	s5 =	simm.s32 $0x8760;
	s26 =	smov.u32 s20;
	s20 =	smov.u32 s21  }
0x787: {  	s21 =	smov.u32 s22;
	s22 =	smov.u32 s15;
	s15 =	simm.s32 $0x80000000;
	v9 =	vmov v8;
	v10 =	vmov v7  }
.LBB2_119:
.Ltmp114:
0x788: {  	_ = 	snop;
	(pc) =	sbr.rel .LBB2_124-.Ltmp114, $4  }
0x789: {  	_ = 	snop  }
0x78a: {  	s31 =	simm.s32 $0x87E0;
	s16 =	smov.u32 s26;
	s2 =	simm.s32 $0x8202  }
0x78b: {  	s9 =	smov.u32 s17;
	s12 =	smov.u32 s30;
	s14 =	simm.s32 $0x8206  }
0x78c: {  	s26 =	smov.u32 s7;
	s0 =	simm.s32 $0x87A0;
	s5 =	simm.s32 $0x8760;
	v9 =	vmov v8;
	v10 =	vmov v7  }
.LBB2_42:
.Ltmp115:
0x78d: {  	s12 =	smov.u32 s7;
	s1 =	simm.s32 $0x8202;
	(pc) =	sbr.rel .LBB2_45-.Ltmp115, $4  }
0x78e: {  	s2 =	simm.s32 $0x8206;
	s30 =	smov.u32 s9;
	s16 =	smov.u32 s26  }
0x78f: {  	s14 =	simm.s32 $0x820A;
	s8 =	simm.s32 $0x820E;
	s7 =	smov.u32 s17  }
0x790: {  	s5 =	simm.s32 $0x87A0;
	s26 =	smov.u32 s20;
	s20 =	smov.u32 s21  }
0x791: {  	s21 =	smov.u32 s22;
	s22 =	smov.u32 s15;
	s15 =	simm.s32 $0x80000000  }
.LBB2_121:
.Ltmp116:
0x792: {  	s12 =	smov.u32 s26;
	(pc) =	sbr.rel .LBB2_124-.Ltmp116, $4  }
0x793: {  	s1 =	simm.s32 $0x8202;
	s2 =	simm.s32 $0x8206;
	s9 =	smov.u32 s30  }
0x794: {  	s16 =	smov.u32 s7;
	s14 =	simm.s32 $0x820A;
	s8 =	simm.s32 $0x820E  }
0x795: {  	s26 =	smov.u32 s11;
	s5 =	simm.s32 $0x87A0;
	s23 =	smov.u32 s20  }
0x796: {  	s20 =	smov.u32 s21;
	s21 =	smov.u32 s22;
	s22 =	rddreg [dreg:$0x7]  }
.LBB2_162:
0x797: {  	_ =	sfence.sel $0x180000  }
0x798: {  	[bflag:$0x0] =	sbarrier.arrive $0xFFFF  }
0x799: {  	_ =	strace $0x90000047  }
0x79a: {  	s0 =	stileid.u32;
	[bflag:$0x2] =	sbarrier.arrive $0xFFFF  }
0x79b: {  	p0 =	sne.s32 s0, $0x0;
	s0 =	rddreg [dreg:$0x3]  }
0x79c: {  	s0 =	sadd.s32 @!p0 $0x100000, s0  }
0x79d: {  	[sflag:s0] =	ssyncadd.tile.s32 @!p0 $0x1;
	_ =	shalt  }
.Lfunc_end2:
_tile_overlayer_lowered:
.L_overlay_start_2:
0x79e: {  	(tag) =	ssettag $0x2  }
0x79f: {  	s0 =	rddreg [dreg:$0x0];
	s2 =	stileid.u32  }
0x7a0: {  	s1 =	rddreg [dreg:$0x1];
	p0 =	sne.s32 s2, $0x0  }
0x7a1: {  	s3 =	rddreg [dreg:$0x2];
	[bflag:$0x3] =	sbarrier.arrive $0xFFFF;
	s2 =	simm.s32 @!p0 $0x1C03  }
0x7a2: {  	[timem:s3], [sflag:s2] =	dma.local @!p0 [hbm:s0], s1  }
0x7a3: {  	s0 =	simm.s32 @!p0 $0x3  }
0x7a4: {  	_ =	swait.ge @!p0 [sflag:s0], s1  }
0x7a5: {  	s1 =	ssub.s32 @!p0 $0x0, s1;
	[sflag:s0] =	ssyncset.done @!p0 $0x0  }
0x7a6: {  	[sflag:s0] =	ssyncadd.s32 @!p0 s1  }
0x7a7: {  	[bflag:$0x3] =	sbarrier.arrive $0xFFFF  }
0x7a8: {  	_ =	shalt  }

</sc_bundles>
